<compile_context>
chip_gen: v7x
topology: tpu7x:2x2x1
jax: 0.10.2.dev20260603
libtpu: 0.0.44.dev20260713+nightly
codegen_flags: <defaults>
</compile_context>

<pallas_src>
import functools

import jax
import jax.numpy as jnp
from jax import lax
from jax.experimental import pallas as pl
from jax.experimental.pallas import tpu as pltpu
from jax.experimental.pallas import tpu_sc as plsc

_NC = 2
_NS = 16
_NW = _NC * _NS
_L = 16

_ROWS = 2048
_COLS = 2048
_ROWS_PER_W = _ROWS // _NW
_CR = 8
_NCHUNKS = _ROWS_PER_W // _CR
_NBUF = 6
_A = 4


def _remap_sc(label, mapping):
    mesh = plsc.VectorSubcoreMesh(core_axis_name="c", subcore_axis_name="s")

    @functools.partial(
        pl.kernel,
        out_type=jax.ShapeDtypeStruct((_ROWS, _COLS), jnp.int32),
        mesh=mesh,
        compiler_params=pltpu.CompilerParams(needs_layout_passes=False),
        scratch_types=[
            pltpu.VMEM((128,), jnp.int32),
            pltpu.VMEM((_NBUF * _CR, _COLS), jnp.int32),
            pltpu.SemaphoreType.DMA((_NBUF,)),
            pltpu.SemaphoreType.DMA((_NBUF,)),
        ],
    )
    def k(label_hbm, map_hbm, out_hbm, table_v, ring, isems, osems):
        wid = lax.axis_index("s") * _NC + lax.axis_index("c")

        def in_copy(ci):
            b = ci % _NBUF
            row0 = wid * _ROWS_PER_W + ci * _CR
            return pltpu.make_async_copy(
                label_hbm.at[pl.ds(row0, _CR), :],
                ring.at[pl.ds(b * _CR, _CR), :], isems.at[b])

        def out_copy(ci):
            b = ci % _NBUF
            row0 = wid * _ROWS_PER_W + ci * _CR
            return pltpu.make_async_copy(
                ring.at[pl.ds(b * _CR, _CR), :],
                out_hbm.at[pl.ds(row0, _CR), :], osems.at[b])

        for ci in range(min(_A, _NCHUNKS)):
            in_copy(ci).start()
        pltpu.sync_copy(map_hbm, table_v.at[pl.ds(0, 34)])

        for ci in range(_NCHUNKS):
            b = ci % _NBUF
            in_copy(ci).wait()

            for r in range(_CR):
                @plsc.parallel_loop(0, _COLS, _L, unroll=8)
                def _(i):
                    idx = ring[b * _CR + r, pl.ds(i, _L)]
                    ring[b * _CR + r, pl.ds(i, _L)] = (
                        plsc.load_gather(table_v, [idx]))

            out_copy(ci).start()
            nxt = ci + _A
            if nxt < _NCHUNKS:
                if nxt >= _NBUF:
                    out_copy(nxt - _NBUF).wait()
                in_copy(nxt).start()

        for ci in range(max(0, _NCHUNKS - _NBUF), _NCHUNKS):
            out_copy(ci).wait()

    return k(label, mapping)


def _copy_body(x_ref, o_ref):
    o_ref[...] = x_ref[...]


def _image_copy_tc(image):
    c, h, w = image.shape
    bh = 1024
    return pl.pallas_call(
        _copy_body,
        grid=(c, h // bh),
        in_specs=[pl.BlockSpec((1, bh, w), lambda i, j: (i, j, 0))],
        out_specs=pl.BlockSpec((1, bh, w), lambda i, j: (i, j, 0)),
        out_shape=jax.ShapeDtypeStruct(image.shape, image.dtype),
    )(image)


def kernel(image, label, mapping):
    image_out = _image_copy_tc(image)
    remapped = _remap_sc(label.astype(jnp.int32), mapping.astype(jnp.int32))
    return (image_out, remapped.astype(mapping.dtype))

# --- scband reference (transcript-rebuilt; emitter-appended) ---
"""Pipeline reference for scband-map-label-40827959115813 (READ-ONLY COPY).

The authoritative reference and input builder live on the scoring server;
editing this copy changes nothing except your own understanding.
"""

import jax, jax.numpy as jnp
import numpy as np

MAPPING = np.array([255,255,255,255,255,255,255,0,1,255,255,2,3,4,255,255,255,5,255,6,7,8,9,10,11,12,13,14,15,255,255,16,17,18], dtype=np.int64)

def setup_inputs(seed: int = 0) -> dict:
    key = jax.random.key(seed)
    k1, k2 = jax.random.split(key)
    image = jax.random.normal(k1, (3, 2048, 2048), dtype=jnp.float32)
    label = jax.random.randint(k2, (2048, 2048), 0, 34, dtype=jnp.int64)
    mapping = jnp.asarray(MAPPING)
    return {"image": image, "label": label, "mapping": mapping}

def reference(image, label, mapping):
    # Faithful translation of MapLabel.forward:
    #   label = np.array(label); label = self.mapping[label]  -> table gather
    #   (Image.fromarray is a no-op for numerics; we return the remapped array)
    remapped = jnp.take(mapping, label, axis=0)
    return (image, remapped)

if __name__ == "__main__":
    import jax
    _d = setup_inputs()
    print(jax.jit(kernel)(*tuple(_d.values())))

</pallas_src>

<mosaic_0001>
#map = affine_map<(d0, d1) -> (0, 0)>
#map1 = affine_map<(d0, d1) -> (0)>
module attributes {stable_mosaic.version = 14 : i64} {
  func.func @k(%arg0: i32, %arg1: i32, %arg2: memref<2048x2048xi32, #tpu.memory_space<hbm>>, %arg3: memref<34xi32, #tpu.memory_space<hbm>>, %arg4: memref<2048x2048xi32, #tpu.memory_space<hbm>>, %arg5: memref<128xi32, #tpu.memory_space<vmem>>, %arg6: memref<48x2048xi32, #tpu.memory_space<vmem>>, %arg7: memref<6x!tpu.dma_semaphore, #tpu.memory_space<semaphore_mem>>, %arg8: memref<6x!tpu.dma_semaphore, #tpu.memory_space<semaphore_mem>>) attributes {dimension_semantics = [#tpu.dimension_semantics<core_parallel>, #tpu.dimension_semantics<subcore_parallel>], iteration_bounds = array<i64: 2, 16>, scalar_prefetch = 0 : i64, scratch_operands = 4 : i64, tpu.core_type = #tpu.core_type<sc_vector_subcore>, window_params = [{transform_indices = #map}, {transform_indices = #map1}, {transform_indices = #map}]} {
    %mul3A = arith.constant 2 : i32
    %mul3A_0 = arith.muli %arg1, %mul3A : i32
    %add3A = arith.addi %mul3A_0, %arg0 : i32
    %mul3A_1 = arith.constant 64 : i32
    %mul3A_2 = arith.muli %add3A, %mul3A_1 : i32
    %add3A_3 = arith.constant 0 : i32
    %add3A_4 = arith.addi %mul3A_2, %add3A_3 : i32
    %dma_start3A = arith.constant 0 : i32
    %dma_start3A_5 = arith.constant 0 : i32
    %dma_start3A_6 = arith.constant 0 : i32
    %dma_start3A_7 = tpu.memref_slice %arg6[%dma_start3A_5, %dma_start3A_6] : memref<48x2048xi32, #tpu.memory_space<vmem>> -> memref<8x2048xi32, #tpu.memory_space<vmem>>
    %dma_start3A_8 = arith.constant 0 : i32
    %dma_start3A_9 = tpu.memref_slice %arg2[%add3A_4, %dma_start3A_8] : memref<2048x2048xi32, #tpu.memory_space<hbm>> -> memref<8x2048xi32, #tpu.memory_space<hbm>>
    %dma_start3A_10 = tpu.memref_slice %arg7[%dma_start3A] : memref<6x!tpu.dma_semaphore, #tpu.memory_space<semaphore_mem>> -> memref<1x!tpu.dma_semaphore, #tpu.memory_space<semaphore_mem>>
    %dma_start3A_11 = tpu.memref_squeeze %dma_start3A_10 : memref<1x!tpu.dma_semaphore, #tpu.memory_space<semaphore_mem>> -> memref<!tpu.dma_semaphore, #tpu.memory_space<semaphore_mem>>
    %dma_start3A_12 = arith.constant 0 : i32
    %dma_start3A_13 = arith.constant 0 : i32
    %dma_start3A_14 = tpu.memref_slice %arg6[%dma_start3A_12, %dma_start3A_13] : memref<48x2048xi32, #tpu.memory_space<vmem>> -> memref<8x2048xi32, #tpu.memory_space<vmem>>
    %dma_start3A_15 = arith.constant 0 : i32
    %dma_start3A_16 = tpu.memref_slice %arg2[%add3A_4, %dma_start3A_15] : memref<2048x2048xi32, #tpu.memory_space<hbm>> -> memref<8x2048xi32, #tpu.memory_space<hbm>>
    tpu.enqueue_dma source(%dma_start3A_16 : memref<8x2048xi32, #tpu.memory_space<hbm>>) target(%dma_start3A_14 : memref<8x2048xi32, #tpu.memory_space<vmem>>) target_semaphore(%dma_start3A_11 : memref<!tpu.dma_semaphore, #tpu.memory_space<semaphore_mem>>)
    %mul3A_17 = arith.constant 64 : i32
    %mul3A_18 = arith.muli %add3A, %mul3A_17 : i32
    %add3A_19 = arith.constant 8 : i32
    %add3A_20 = arith.addi %mul3A_18, %add3A_19 : i32
    %dma_start3A_21 = arith.constant 1 : i32
    %dma_start3A_22 = arith.constant 8 : i32
    %dma_start3A_23 = arith.constant 0 : i32
    %dma_start3A_24 = tpu.memref_slice %arg6[%dma_start3A_22, %dma_start3A_23] : memref<48x2048xi32, #tpu.memory_space<vmem>> -> memref<8x2048xi32, #tpu.memory_space<vmem>>
    %dma_start3A_25 = arith.constant 0 : i32
    %dma_start3A_26 = tpu.memref_slice %arg2[%add3A_20, %dma_start3A_25] : memref<2048x2048xi32, #tpu.memory_space<hbm>> -> memref<8x2048xi32, #tpu.memory_space<hbm>>
    %dma_start3A_27 = tpu.memref_slice %arg7[%dma_start3A_21] : memref<6x!tpu.dma_semaphore, #tpu.memory_space<semaphore_mem>> -> memref<1x!tpu.dma_semaphore, #tpu.memory_space<semaphore_mem>>
    %dma_start3A_28 = tpu.memref_squeeze %dma_start3A_27 : memref<1x!tpu.dma_semaphore, #tpu.memory_space<semaphore_mem>> -> memref<!tpu.dma_semaphore, #tpu.memory_space<semaphore_mem>>
    %dma_start3A_29 = arith.constant 8 : i32
    %dma_start3A_30 = arith.constant 0 : i32
    %dma_start3A_31 = tpu.memref_slice %arg6[%dma_start3A_29, %dma_start3A_30] : memref<48x2048xi32, #tpu.memory_space<vmem>> -> memref<8x2048xi32, #tpu.memory_space<vmem>>
    %dma_start3A_32 = arith.constant 0 : i32
    %dma_start3A_33 = tpu.memref_slice %arg2[%add3A_20, %dma_start3A_32] : memref<2048x2048xi32, #tpu.memory_space<hbm>> -> memref<8x2048xi32, #tpu.memory_space<hbm>>
    tpu.enqueue_dma source(%dma_start3A_33 : memref<8x2048xi32, #tpu.memory_space<hbm>>) target(%dma_start3A_31 : memref<8x2048xi32, #tpu.memory_space<vmem>>) target_semaphore(%dma_start3A_28 : memref<!tpu.dma_semaphore, #tpu.memory_space<semaphore_mem>>)
    %mul3A_34 = arith.constant 64 : i32
    %mul3A_35 = arith.muli %add3A, %mul3A_34 : i32
    %add3A_36 = arith.constant 16 : i32
    %add3A_37 = arith.addi %mul3A_35, %add3A_36 : i32
    %dma_start3A_38 = arith.constant 2 : i32
    %dma_start3A_39 = arith.constant 16 : i32
    %dma_start3A_40 = arith.constant 0 : i32
    %dma_start3A_41 = tpu.memref_slice %arg6[%dma_start3A_39, %dma_start3A_40] : memref<48x2048xi32, #tpu.memory_space<vmem>> -> memref<8x2048xi32, #tpu.memory_space<vmem>>
    %dma_start3A_42 = arith.constant 0 : i32
    %dma_start3A_43 = tpu.memref_slice %arg2[%add3A_37, %dma_start3A_42] : memref<2048x2048xi32, #tpu.memory_space<hbm>> -> memref<8x2048xi32, #tpu.memory_space<hbm>>
    %dma_start3A_44 = tpu.memref_slice %arg7[%dma_start3A_38] : memref<6x!tpu.dma_semaphore, #tpu.memory_space<semaphore_mem>> -> memref<1x!tpu.dma_semaphore, #tpu.memory_space<semaphore_mem>>
    %dma_start3A_45 = tpu.memref_squeeze %dma_start3A_44 : memref<1x!tpu.dma_semaphore, #tpu.memory_space<semaphore_mem>> -> memref<!tpu.dma_semaphore, #tpu.memory_space<semaphore_mem>>
    %dma_start3A_46 = arith.constant 16 : i32
    %dma_start3A_47 = arith.constant 0 : i32
    %dma_start3A_48 = tpu.memref_slice %arg6[%dma_start3A_46, %dma_start3A_47] : memref<48x2048xi32, #tpu.memory_space<vmem>> -> memref<8x2048xi32, #tpu.memory_space<vmem>>
    %dma_start3A_49 = arith.constant 0 : i32
    %dma_start3A_50 = tpu.memref_slice %arg2[%add3A_37, %dma_start3A_49] : memref<2048x2048xi32, #tpu.memory_space<hbm>> -> memref<8x2048xi32, #tpu.memory_space<hbm>>
    tpu.enqueue_dma source(%dma_start3A_50 : memref<8x2048xi32, #tpu.memory_space<hbm>>) target(%dma_start3A_48 : memref<8x2048xi32, #tpu.memory_space<vmem>>) target_semaphore(%dma_start3A_45 : memref<!tpu.dma_semaphore, #tpu.memory_space<semaphore_mem>>)
    %mul3A_51 = arith.constant 64 : i32
    %mul3A_52 = arith.muli %add3A, %mul3A_51 : i32
    %add3A_53 = arith.constant 24 : i32
    %add3A_54 = arith.addi %mul3A_52, %add3A_53 : i32
    %dma_start3A_55 = arith.constant 3 : i32
    %dma_start3A_56 = arith.constant 24 : i32
    %dma_start3A_57 = arith.constant 0 : i32
    %dma_start3A_58 = tpu.memref_slice %arg6[%dma_start3A_56, %dma_start3A_57] : memref<48x2048xi32, #tpu.memory_space<vmem>> -> memref<8x2048xi32, #tpu.memory_space<vmem>>
    %dma_start3A_59 = arith.constant 0 : i32
    %dma_start3A_60 = tpu.memref_slice %arg2[%add3A_54, %dma_start3A_59] : memref<2048x2048xi32, #tpu.memory_space<hbm>> -> memref<8x2048xi32, #tpu.memory_space<hbm>>
    %dma_start3A_61 = tpu.memref_slice %arg7[%dma_start3A_55] : memref<6x!tpu.dma_semaphore, #tpu.memory_space<semaphore_mem>> -> memref<1x!tpu.dma_semaphore, #tpu.memory_space<semaphore_mem>>
    %dma_start3A_62 = tpu.memref_squeeze %dma_start3A_61 : memref<1x!tpu.dma_semaphore, #tpu.memory_space<semaphore_mem>> -> memref<!tpu.dma_semaphore, #tpu.memory_space<semaphore_mem>>
    %dma_start3A_63 = arith.constant 24 : i32
    %dma_start3A_64 = arith.constant 0 : i32
    %dma_start3A_65 = tpu.memref_slice %arg6[%dma_start3A_63, %dma_start3A_64] : memref<48x2048xi32, #tpu.memory_space<vmem>> -> memref<8x2048xi32, #tpu.memory_space<vmem>>
    %dma_start3A_66 = arith.constant 0 : i32
    %dma_start3A_67 = tpu.memref_slice %arg2[%add3A_54, %dma_start3A_66] : memref<2048x2048xi32, #tpu.memory_space<hbm>> -> memref<8x2048xi32, #tpu.memory_space<hbm>>
    tpu.enqueue_dma source(%dma_start3A_67 : memref<8x2048xi32, #tpu.memory_space<hbm>>) target(%dma_start3A_65 : memref<8x2048xi32, #tpu.memory_space<vmem>>) target_semaphore(%dma_start3A_62 : memref<!tpu.dma_semaphore, #tpu.memory_space<semaphore_mem>>)
    "tpu.region"() ({
      %run_scoped3A = tpu.sem_alloc : memref<!tpu.dma_semaphore, #tpu.memory_space<semaphore_mem>>
      %dma_start3A_734 = arith.constant 0 : i32
      %dma_start3A_735 = tpu.memref_slice %arg5[%dma_start3A_734] : memref<128xi32, #tpu.memory_space<vmem>> -> memref<34xi32, #tpu.memory_space<vmem>>
      %dma_start3A_736 = arith.constant 0 : i32
      %dma_start3A_737 = tpu.memref_slice %arg5[%dma_start3A_736] : memref<128xi32, #tpu.memory_space<vmem>> -> memref<34xi32, #tpu.memory_space<vmem>>
      tpu.enqueue_dma source(%arg3 : memref<34xi32, #tpu.memory_space<hbm>>) target(%dma_start3A_737 : memref<34xi32, #tpu.memory_space<vmem>>) target_semaphore(%run_scoped3A : memref<!tpu.dma_semaphore, #tpu.memory_space<semaphore_mem>>)
      %dma_wait3A_738 = arith.constant 0 : i32
      %dma_wait3A_739 = tpu.memref_slice %arg5[%dma_wait3A_738] : memref<128xi32, #tpu.memory_space<vmem>> -> memref<34xi32, #tpu.memory_space<vmem>>
      %dma_wait3A_740 = arith.constant 0 : i32
      %dma_wait3A_741 = tpu.memref_slice %arg5[%dma_wait3A_740] : memref<128xi32, #tpu.memory_space<vmem>> -> memref<34xi32, #tpu.memory_space<vmem>>
      tpu.wait_dma2 semaphore(%run_scoped3A : memref<!tpu.dma_semaphore, #tpu.memory_space<semaphore_mem>>) src(%arg3 : memref<34xi32, #tpu.memory_space<hbm>>) dst(%dma_wait3A_741 : memref<34xi32, #tpu.memory_space<vmem>>)
      tpu.yield
    }) : () -> ()
    %mul3A_68 = arith.constant 64 : i32
    %mul3A_69 = arith.muli %add3A, %mul3A_68 : i32
    %add3A_70 = arith.constant 0 : i32
    %add3A_71 = arith.addi %mul3A_69, %add3A_70 : i32
    %dma_wait3A = arith.constant 0 : i32
    %dma_wait3A_72 = arith.constant 0 : i32
    %dma_wait3A_73 = arith.constant 0 : i32
    %dma_wait3A_74 = tpu.memref_slice %arg6[%dma_wait3A_72, %dma_wait3A_73] : memref<48x2048xi32, #tpu.memory_space<vmem>> -> memref<8x2048xi32, #tpu.memory_space<vmem>>
    %dma_wait3A_75 = arith.constant 0 : i32
    %dma_wait3A_76 = tpu.memref_slice %arg2[%add3A_71, %dma_wait3A_75] : memref<2048x2048xi32, #tpu.memory_space<hbm>> -> memref<8x2048xi32, #tpu.memory_space<hbm>>
    %dma_wait3A_77 = tpu.memref_slice %arg7[%dma_wait3A] : memref<6x!tpu.dma_semaphore, #tpu.memory_space<semaphore_mem>> -> memref<1x!tpu.dma_semaphore, #tpu.memory_space<semaphore_mem>>
    %dma_wait3A_78 = tpu.memref_squeeze %dma_wait3A_77 : memref<1x!tpu.dma_semaphore, #tpu.memory_space<semaphore_mem>> -> memref<!tpu.dma_semaphore, #tpu.memory_space<semaphore_mem>>
    %dma_wait3A_79 = arith.constant 0 : i32
    %dma_wait3A_80 = arith.constant 0 : i32
    %dma_wait3A_81 = tpu.memref_slice %arg6[%dma_wait3A_79, %dma_wait3A_80] : memref<48x2048xi32, #tpu.memory_space<vmem>> -> memref<8x2048xi32, #tpu.memory_space<vmem>>
    %dma_wait3A_82 = arith.constant 0 : i32
    %dma_wait3A_83 = tpu.memref_slice %arg2[%add3A_71, %dma_wait3A_82] : memref<2048x2048xi32, #tpu.memory_space<hbm>> -> memref<8x2048xi32, #tpu.memory_space<hbm>>
    tpu.wait_dma2 semaphore(%dma_wait3A_78 : memref<!tpu.dma_semaphore, #tpu.memory_space<semaphore_mem>>) src(%dma_wait3A_83 : memref<8x2048xi32, #tpu.memory_space<hbm>>) dst(%dma_wait3A_81 : memref<8x2048xi32, #tpu.memory_space<vmem>>)
    %parallel_loop3A = arith.constant 0 : i32
    %parallel_loop3A_84 = arith.constant 2048 : i32
    %parallel_loop3A_85 = arith.constant 16 : i32
    scf.for %parallel_loop3A_734 = %parallel_loop3A to %parallel_loop3A_84 step %parallel_loop3A_85  : i32 {
      %parallel_loop3A_735 = arith.constant 0 : i32
      %parallel_loop3A_736 = arith.index_cast %parallel_loop3A_735 : i32 to index
      %parallel_loop3A_737 = arith.index_cast %parallel_loop3A_734 : i32 to index
      %parallel_loop3A_738 = tpu.vector_load %arg6[%parallel_loop3A_736, %parallel_loop3A_737] {strides = array<i32>} : memref<48x2048xi32, #tpu.memory_space<vmem>>, vector<16xi32>,
      %parallel_loop3A_739 = tpu.vector_load_idx %arg5[%parallel_loop3A_738] : memref<128xi32, #tpu.memory_space<vmem>>[vector<16xi32>], vector<16xi32>,
      %parallel_loop3A_740 = arith.constant 0 : i32
      %parallel_loop3A_741 = arith.index_cast %parallel_loop3A_740 : i32 to index
      %parallel_loop3A_742 = arith.index_cast %parallel_loop3A_734 : i32 to index
      %parallel_loop3A_743 = tpu.vector_load %arg6[%parallel_loop3A_741, %parallel_loop3A_742] {strides = array<i32>} : memref<48x2048xi32, #tpu.memory_space<vmem>>, vector<16xi32>,
      tpu.vector_store %arg6[%parallel_loop3A_741, %parallel_loop3A_742], %parallel_loop3A_739 {strides = array<i32>} : memref<48x2048xi32, #tpu.memory_space<vmem>>, vector<16xi32>,
    } {sc.loop_unroll_factor = 8 : i64, sc.parallel_access}
    %parallel_loop3A_86 = arith.constant 0 : i32
    %parallel_loop3A_87 = arith.constant 2048 : i32
    %parallel_loop3A_88 = arith.constant 16 : i32
    scf.for %parallel_loop3A_734 = %parallel_loop3A_86 to %parallel_loop3A_87 step %parallel_loop3A_88  : i32 {
      %parallel_loop3A_735 = arith.constant 1 : i32
      %parallel_loop3A_736 = arith.index_cast %parallel_loop3A_735 : i32 to index
      %parallel_loop3A_737 = arith.index_cast %parallel_loop3A_734 : i32 to index
      %parallel_loop3A_738 = tpu.vector_load %arg6[%parallel_loop3A_736, %parallel_loop3A_737] {strides = array<i32>} : memref<48x2048xi32, #tpu.memory_space<vmem>>, vector<16xi32>,
      %parallel_loop3A_739 = tpu.vector_load_idx %arg5[%parallel_loop3A_738] : memref<128xi32, #tpu.memory_space<vmem>>[vector<16xi32>], vector<16xi32>,
      %parallel_loop3A_740 = arith.constant 1 : i32
      %parallel_loop3A_741 = arith.index_cast %parallel_loop3A_740 : i32 to index
      %parallel_loop3A_742 = arith.index_cast %parallel_loop3A_734 : i32 to index
      %parallel_loop3A_743 = tpu.vector_load %arg6[%parallel_loop3A_741, %parallel_loop3A_742] {strides = array<i32>} : memref<48x2048xi32, #tpu.memory_space<vmem>>, vector<16xi32>,
      tpu.vector_store %arg6[%parallel_loop3A_741, %parallel_loop3A_742], %parallel_loop3A_739 {strides = array<i32>} : memref<48x2048xi32, #tpu.memory_space<vmem>>, vector<16xi32>,
    } {sc.loop_unroll_factor = 8 : i64, sc.parallel_access}
    %parallel_loop3A_89 = arith.constant 0 : i32
    %parallel_loop3A_90 = arith.constant 2048 : i32
    %parallel_loop3A_91 = arith.constant 16 : i32
    scf.for %parallel_loop3A_734 = %parallel_loop3A_89 to %parallel_loop3A_90 step %parallel_loop3A_91  : i32 {
      %parallel_loop3A_735 = arith.constant 2 : i32
      %parallel_loop3A_736 = arith.index_cast %parallel_loop3A_735 : i32 to index
      %parallel_loop3A_737 = arith.index_cast %parallel_loop3A_734 : i32 to index
      %parallel_loop3A_738 = tpu.vector_load %arg6[%parallel_loop3A_736, %parallel_loop3A_737] {strides = array<i32>} : memref<48x2048xi32, #tpu.memory_space<vmem>>, vector<16xi32>,
      %parallel_loop3A_739 = tpu.vector_load_idx %arg5[%parallel_loop3A_738] : memref<128xi32, #tpu.memory_space<vmem>>[vector<16xi32>], vector<16xi32>,
      %parallel_loop3A_740 = arith.constant 2 : i32
      %parallel_loop3A_741 = arith.index_cast %parallel_loop3A_740 : i32 to index
      %parallel_loop3A_742 = arith.index_cast %parallel_loop3A_734 : i32 to index
      %parallel_loop3A_743 = tpu.vector_load %arg6[%parallel_loop3A_741, %parallel_loop3A_742] {strides = array<i32>} : memref<48x2048xi32, #tpu.memory_space<vmem>>, vector<16xi32>,
      tpu.vector_store %arg6[%parallel_loop3A_741, %parallel_loop3A_742], %parallel_loop3A_739 {strides = array<i32>} : memref<48x2048xi32, #tpu.memory_space<vmem>>, vector<16xi32>,
    } {sc.loop_unroll_factor = 8 : i64, sc.parallel_access}
    %parallel_loop3A_92 = arith.constant 0 : i32
    %parallel_loop3A_93 = arith.constant 2048 : i32
    %parallel_loop3A_94 = arith.constant 16 : i32
    scf.for %parallel_loop3A_734 = %parallel_loop3A_92 to %parallel_loop3A_93 step %parallel_loop3A_94  : i32 {
      %parallel_loop3A_735 = arith.constant 3 : i32
      %parallel_loop3A_736 = arith.index_cast %parallel_loop3A_735 : i32 to index
      %parallel_loop3A_737 = arith.index_cast %parallel_loop3A_734 : i32 to index
      %parallel_loop3A_738 = tpu.vector_load %arg6[%parallel_loop3A_736, %parallel_loop3A_737] {strides = array<i32>} : memref<48x2048xi32, #tpu.memory_space<vmem>>, vector<16xi32>,
      %parallel_loop3A_739 = tpu.vector_load_idx %arg5[%parallel_loop3A_738] : memref<128xi32, #tpu.memory_space<vmem>>[vector<16xi32>], vector<16xi32>,
      %parallel_loop3A_740 = arith.constant 3 : i32
      %parallel_loop3A_741 = arith.index_cast %parallel_loop3A_740 : i32 to index
      %parallel_loop3A_742 = arith.index_cast %parallel_loop3A_734 : i32 to index
      %parallel_loop3A_743 = tpu.vector_load %arg6[%parallel_loop3A_741, %parallel_loop3A_742] {strides = array<i32>} : memref<48x2048xi32, #tpu.memory_space<vmem>>, vector<16xi32>,
      tpu.vector_store %arg6[%parallel_loop3A_741, %parallel_loop3A_742], %parallel_loop3A_739 {strides = array<i32>} : memref<48x2048xi32, #tpu.memory_space<vmem>>, vector<16xi32>,
    } {sc.loop_unroll_factor = 8 : i64, sc.parallel_access}
    %parallel_loop3A_95 = arith.constant 0 : i32
    %parallel_loop3A_96 = arith.constant 2048 : i32
    %parallel_loop3A_97 = arith.constant 16 : i32
    scf.for %parallel_loop3A_734 = %parallel_loop3A_95 to %parallel_loop3A_96 step %parallel_loop3A_97  : i32 {
      %parallel_loop3A_735 = arith.constant 4 : i32
      %parallel_loop3A_736 = arith.index_cast %parallel_loop3A_735 : i32 to index
      %parallel_loop3A_737 = arith.index_cast %parallel_loop3A_734 : i32 to index
      %parallel_loop3A_738 = tpu.vector_load %arg6[%parallel_loop3A_736, %parallel_loop3A_737] {strides = array<i32>} : memref<48x2048xi32, #tpu.memory_space<vmem>>, vector<16xi32>,
      %parallel_loop3A_739 = tpu.vector_load_idx %arg5[%parallel_loop3A_738] : memref<128xi32, #tpu.memory_space<vmem>>[vector<16xi32>], vector<16xi32>,
      %parallel_loop3A_740 = arith.constant 4 : i32
      %parallel_loop3A_741 = arith.index_cast %parallel_loop3A_740 : i32 to index
      %parallel_loop3A_742 = arith.index_cast %parallel_loop3A_734 : i32 to index
      %parallel_loop3A_743 = tpu.vector_load %arg6[%parallel_loop3A_741, %parallel_loop3A_742] {strides = array<i32>} : memref<48x2048xi32, #tpu.memory_space<vmem>>, vector<16xi32>,
      tpu.vector_store %arg6[%parallel_loop3A_741, %parallel_loop3A_742], %parallel_loop3A_739 {strides = array<i32>} : memref<48x2048xi32, #tpu.memory_space<vmem>>, vector<16xi32>,
    } {sc.loop_unroll_factor = 8 : i64, sc.parallel_access}
    %parallel_loop3A_98 = arith.constant 0 : i32
    %parallel_loop3A_99 = arith.constant 2048 : i32
    %parallel_loop3A_100 = arith.constant 16 : i32
    scf.for %parallel_loop3A_734 = %parallel_loop3A_98 to %parallel_loop3A_99 step %parallel_loop3A_100  : i32 {
      %parallel_loop3A_735 = arith.constant 5 : i32
      %parallel_loop3A_736 = arith.index_cast %parallel_loop3A_735 : i32 to index
      %parallel_loop3A_737 = arith.index_cast %parallel_loop3A_734 : i32 to index
      %parallel_loop3A_738 = tpu.vector_load %arg6[%parallel_loop3A_736, %parallel_loop3A_737] {strides = array<i32>} : memref<48x2048xi32, #tpu.memory_space<vmem>>, vector<16xi32>,
      %parallel_loop3A_739 = tpu.vector_load_idx %arg5[%parallel_loop3A_738] : memref<128xi32, #tpu.memory_space<vmem>>[vector<16xi32>], vector<16xi32>,
      %parallel_loop3A_740 = arith.constant 5 : i32
      %parallel_loop3A_741 = arith.index_cast %parallel_loop3A_740 : i32 to index
      %parallel_loop3A_742 = arith.index_cast %parallel_loop3A_734 : i32 to index
      %parallel_loop3A_743 = tpu.vector_load %arg6[%parallel_loop3A_741, %parallel_loop3A_742] {strides = array<i32>} : memref<48x2048xi32, #tpu.memory_space<vmem>>, vector<16xi32>,
      tpu.vector_store %arg6[%parallel_loop3A_741, %parallel_loop3A_742], %parallel_loop3A_739 {strides = array<i32>} : memref<48x2048xi32, #tpu.memory_space<vmem>>, vector<16xi32>,
    } {sc.loop_unroll_factor = 8 : i64, sc.parallel_access}
    %parallel_loop3A_101 = arith.constant 0 : i32
    %parallel_loop3A_102 = arith.constant 2048 : i32
    %parallel_loop3A_103 = arith.constant 16 : i32
    scf.for %parallel_loop3A_734 = %parallel_loop3A_101 to %parallel_loop3A_102 step %parallel_loop3A_103  : i32 {
      %parallel_loop3A_735 = arith.constant 6 : i32
      %parallel_loop3A_736 = arith.index_cast %parallel_loop3A_735 : i32 to index
      %parallel_loop3A_737 = arith.index_cast %parallel_loop3A_734 : i32 to index
      %parallel_loop3A_738 = tpu.vector_load %arg6[%parallel_loop3A_736, %parallel_loop3A_737] {strides = array<i32>} : memref<48x2048xi32, #tpu.memory_space<vmem>>, vector<16xi32>,
      %parallel_loop3A_739 = tpu.vector_load_idx %arg5[%parallel_loop3A_738] : memref<128xi32, #tpu.memory_space<vmem>>[vector<16xi32>], vector<16xi32>,
      %parallel_loop3A_740 = arith.constant 6 : i32
      %parallel_loop3A_741 = arith.index_cast %parallel_loop3A_740 : i32 to index
      %parallel_loop3A_742 = arith.index_cast %parallel_loop3A_734 : i32 to index
      %parallel_loop3A_743 = tpu.vector_load %arg6[%parallel_loop3A_741, %parallel_loop3A_742] {strides = array<i32>} : memref<48x2048xi32, #tpu.memory_space<vmem>>, vector<16xi32>,
      tpu.vector_store %arg6[%parallel_loop3A_741, %parallel_loop3A_742], %parallel_loop3A_739 {strides = array<i32>} : memref<48x2048xi32, #tpu.memory_space<vmem>>, vector<16xi32>,
    } {sc.loop_unroll_factor = 8 : i64, sc.parallel_access}
    %parallel_loop3A_104 = arith.constant 0 : i32
    %parallel_loop3A_105 = arith.constant 2048 : i32
    %parallel_loop3A_106 = arith.constant 16 : i32
    scf.for %parallel_loop3A_734 = %parallel_loop3A_104 to %parallel_loop3A_105 step %parallel_loop3A_106  : i32 {
      %parallel_loop3A_735 = arith.constant 7 : i32
      %parallel_loop3A_736 = arith.index_cast %parallel_loop3A_735 : i32 to index
      %parallel_loop3A_737 = arith.index_cast %parallel_loop3A_734 : i32 to index
      %parallel_loop3A_738 = tpu.vector_load %arg6[%parallel_loop3A_736, %parallel_loop3A_737] {strides = array<i32>} : memref<48x2048xi32, #tpu.memory_space<vmem>>, vector<16xi32>,
      %parallel_loop3A_739 = tpu.vector_load_idx %arg5[%parallel_loop3A_738] : memref<128xi32, #tpu.memory_space<vmem>>[vector<16xi32>], vector<16xi32>,
      %parallel_loop3A_740 = arith.constant 7 : i32
      %parallel_loop3A_741 = arith.index_cast %parallel_loop3A_740 : i32 to index
      %parallel_loop3A_742 = arith.index_cast %parallel_loop3A_734 : i32 to index
      %parallel_loop3A_743 = tpu.vector_load %arg6[%parallel_loop3A_741, %parallel_loop3A_742] {strides = array<i32>} : memref<48x2048xi32, #tpu.memory_space<vmem>>, vector<16xi32>,
      tpu.vector_store %arg6[%parallel_loop3A_741, %parallel_loop3A_742], %parallel_loop3A_739 {strides = array<i32>} : memref<48x2048xi32, #tpu.memory_space<vmem>>, vector<16xi32>,
    } {sc.loop_unroll_factor = 8 : i64, sc.parallel_access}
    %mul3A_107 = arith.constant 64 : i32
    %mul3A_108 = arith.muli %add3A, %mul3A_107 : i32
    %add3A_109 = arith.constant 0 : i32
    %add3A_110 = arith.addi %mul3A_108, %add3A_109 : i32
    %dma_start3A_111 = arith.constant 0 : i32
    %dma_start3A_112 = arith.constant 0 : i32
    %dma_start3A_113 = arith.constant 0 : i32
    %dma_start3A_114 = tpu.memref_slice %arg6[%dma_start3A_112, %dma_start3A_113] : memref<48x2048xi32, #tpu.memory_space<vmem>> -> memref<8x2048xi32, #tpu.memory_space<vmem>>
    %dma_start3A_115 = arith.constant 0 : i32
    %dma_start3A_116 = tpu.memref_slice %arg4[%add3A_110, %dma_start3A_115] : memref<2048x2048xi32, #tpu.memory_space<hbm>> -> memref<8x2048xi32, #tpu.memory_space<hbm>>
    %dma_start3A_117 = tpu.memref_slice %arg8[%dma_start3A_111] : memref<6x!tpu.dma_semaphore, #tpu.memory_space<semaphore_mem>> -> memref<1x!tpu.dma_semaphore, #tpu.memory_space<semaphore_mem>>
    %dma_start3A_118 = tpu.memref_squeeze %dma_start3A_117 : memref<1x!tpu.dma_semaphore, #tpu.memory_space<semaphore_mem>> -> memref<!tpu.dma_semaphore, #tpu.memory_space<semaphore_mem>>
    %dma_start3A_119 = arith.constant 0 : i32
    %dma_start3A_120 = tpu.memref_slice %arg4[%add3A_110, %dma_start3A_119] : memref<2048x2048xi32, #tpu.memory_space<hbm>> -> memref<8x2048xi32, #tpu.memory_space<hbm>>
    %dma_start3A_121 = arith.constant 0 : i32
    %dma_start3A_122 = arith.constant 0 : i32
    %dma_start3A_123 = tpu.memref_slice %arg6[%dma_start3A_121, %dma_start3A_122] : memref<48x2048xi32, #tpu.memory_space<vmem>> -> memref<8x2048xi32, #tpu.memory_space<vmem>>
    tpu.enqueue_dma source(%dma_start3A_123 : memref<8x2048xi32, #tpu.memory_space<vmem>>) target(%dma_start3A_120 : memref<8x2048xi32, #tpu.memory_space<hbm>>) target_semaphore(%dma_start3A_118 : memref<!tpu.dma_semaphore, #tpu.memory_space<semaphore_mem>>)
    %mul3A_124 = arith.constant 64 : i32
    %mul3A_125 = arith.muli %add3A, %mul3A_124 : i32
    %add3A_126 = arith.constant 32 : i32
    %add3A_127 = arith.addi %mul3A_125, %add3A_126 : i32
    %dma_start3A_128 = arith.constant 4 : i32
    %dma_start3A_129 = arith.constant 32 : i32
    %dma_start3A_130 = arith.constant 0 : i32
    %dma_start3A_131 = tpu.memref_slice %arg6[%dma_start3A_129, %dma_start3A_130] : memref<48x2048xi32, #tpu.memory_space<vmem>> -> memref<8x2048xi32, #tpu.memory_space<vmem>>
    %dma_start3A_132 = arith.constant 0 : i32
    %dma_start3A_133 = tpu.memref_slice %arg2[%add3A_127, %dma_start3A_132] : memref<2048x2048xi32, #tpu.memory_space<hbm>> -> memref<8x2048xi32, #tpu.memory_space<hbm>>
    %dma_start3A_134 = tpu.memref_slice %arg7[%dma_start3A_128] : memref<6x!tpu.dma_semaphore, #tpu.memory_space<semaphore_mem>> -> memref<1x!tpu.dma_semaphore, #tpu.memory_space<semaphore_mem>>
    %dma_start3A_135 = tpu.memref_squeeze %dma_start3A_134 : memref<1x!tpu.dma_semaphore, #tpu.memory_space<semaphore_mem>> -> memref<!tpu.dma_semaphore, #tpu.memory_space<semaphore_mem>>
    %dma_start3A_136 = arith.constant 32 : i32
    %dma_start3A_137 = arith.constant 0 : i32
    %dma_start3A_138 = tpu.memref_slice %arg6[%dma_start3A_136, %dma_start3A_137] : memref<48x2048xi32, #tpu.memory_space<vmem>> -> memref<8x2048xi32, #tpu.memory_space<vmem>>
    %dma_start3A_139 = arith.constant 0 : i32
    %dma_start3A_140 = tpu.memref_slice %arg2[%add3A_127, %dma_start3A_139] : memref<2048x2048xi32, #tpu.memory_space<hbm>> -> memref<8x2048xi32, #tpu.memory_space<hbm>>
    tpu.enqueue_dma source(%dma_start3A_140 : memref<8x2048xi32, #tpu.memory_space<hbm>>) target(%dma_start3A_138 : memref<8x2048xi32, #tpu.memory_space<vmem>>) target_semaphore(%dma_start3A_135 : memref<!tpu.dma_semaphore, #tpu.memory_space<semaphore_mem>>)
    %mul3A_141 = arith.constant 64 : i32
    %mul3A_142 = arith.muli %add3A, %mul3A_141 : i32
    %add3A_143 = arith.constant 8 : i32
    %add3A_144 = arith.addi %mul3A_142, %add3A_143 : i32
    %dma_wait3A_145 = arith.constant 1 : i32
    %dma_wait3A_146 = arith.constant 8 : i32
    %dma_wait3A_147 = arith.constant 0 : i32
    %dma_wait3A_148 = tpu.memref_slice %arg6[%dma_wait3A_146, %dma_wait3A_147] : memref<48x2048xi32, #tpu.memory_space<vmem>> -> memref<8x2048xi32, #tpu.memory_space<vmem>>
    %dma_wait3A_149 = arith.constant 0 : i32
    %dma_wait3A_150 = tpu.memref_slice %arg2[%add3A_144, %dma_wait3A_149] : memref<2048x2048xi32, #tpu.memory_space<hbm>> -> memref<8x2048xi32, #tpu.memory_space<hbm>>
    %dma_wait3A_151 = tpu.memref_slice %arg7[%dma_wait3A_145] : memref<6x!tpu.dma_semaphore, #tpu.memory_space<semaphore_mem>> -> memref<1x!tpu.dma_semaphore, #tpu.memory_space<semaphore_mem>>
    %dma_wait3A_152 = tpu.memref_squeeze %dma_wait3A_151 : memref<1x!tpu.dma_semaphore, #tpu.memory_space<semaphore_mem>> -> memref<!tpu.dma_semaphore, #tpu.memory_space<semaphore_mem>>
    %dma_wait3A_153 = arith.constant 8 : i32
    %dma_wait3A_154 = arith.constant 0 : i32
    %dma_wait3A_155 = tpu.memref_slice %arg6[%dma_wait3A_153, %dma_wait3A_154] : memref<48x2048xi32, #tpu.memory_space<vmem>> -> memref<8x2048xi32, #tpu.memory_space<vmem>>
    %dma_wait3A_156 = arith.constant 0 : i32
    %dma_wait3A_157 = tpu.memref_slice %arg2[%add3A_144, %dma_wait3A_156] : memref<2048x2048xi32, #tpu.memory_space<hbm>> -> memref<8x2048xi32, #tpu.memory_space<hbm>>
    tpu.wait_dma2 semaphore(%dma_wait3A_152 : memref<!tpu.dma_semaphore, #tpu.memory_space<semaphore_mem>>) src(%dma_wait3A_157 : memref<8x2048xi32, #tpu.memory_space<hbm>>) dst(%dma_wait3A_155 : memref<8x2048xi32, #tpu.memory_space<vmem>>)
    %parallel_loop3A_158 = arith.constant 0 : i32
    %parallel_loop3A_159 = arith.constant 2048 : i32
    %parallel_loop3A_160 = arith.constant 16 : i32
    scf.for %parallel_loop3A_734 = %parallel_loop3A_158 to %parallel_loop3A_159 step %parallel_loop3A_160  : i32 {
      %parallel_loop3A_735 = arith.constant 8 : i32
      %parallel_loop3A_736 = arith.index_cast %parallel_loop3A_735 : i32 to index
      %parallel_loop3A_737 = arith.index_cast %parallel_loop3A_734 : i32 to index
      %parallel_loop3A_738 = tpu.vector_load %arg6[%parallel_loop3A_736, %parallel_loop3A_737] {strides = array<i32>} : memref<48x2048xi32, #tpu.memory_space<vmem>>, vector<16xi32>,
      %parallel_loop3A_739 = tpu.vector_load_idx %arg5[%parallel_loop3A_738] : memref<128xi32, #tpu.memory_space<vmem>>[vector<16xi32>], vector<16xi32>,
      %parallel_loop3A_740 = arith.constant 8 : i32
      %parallel_loop3A_741 = arith.index_cast %parallel_loop3A_740 : i32 to index
      %parallel_loop3A_742 = arith.index_cast %parallel_loop3A_734 : i32 to index
      %parallel_loop3A_743 = tpu.vector_load %arg6[%parallel_loop3A_741, %parallel_loop3A_742] {strides = array<i32>} : memref<48x2048xi32, #tpu.memory_space<vmem>>, vector<16xi32>,
      tpu.vector_store %arg6[%parallel_loop3A_741, %parallel_loop3A_742], %parallel_loop3A_739 {strides = array<i32>} : memref<48x2048xi32, #tpu.memory_space<vmem>>, vector<16xi32>,
    } {sc.loop_unroll_factor = 8 : i64, sc.parallel_access}
    %parallel_loop3A_161 = arith.constant 0 : i32
    %parallel_loop3A_162 = arith.constant 2048 : i32
    %parallel_loop3A_163 = arith.constant 16 : i32
    scf.for %parallel_loop3A_734 = %parallel_loop3A_161 to %parallel_loop3A_162 step %parallel_loop3A_163  : i32 {
      %parallel_loop3A_735 = arith.constant 9 : i32
      %parallel_loop3A_736 = arith.index_cast %parallel_loop3A_735 : i32 to index
      %parallel_loop3A_737 = arith.index_cast %parallel_loop3A_734 : i32 to index
      %parallel_loop3A_738 = tpu.vector_load %arg6[%parallel_loop3A_736, %parallel_loop3A_737] {strides = array<i32>} : memref<48x2048xi32, #tpu.memory_space<vmem>>, vector<16xi32>,
      %parallel_loop3A_739 = tpu.vector_load_idx %arg5[%parallel_loop3A_738] : memref<128xi32, #tpu.memory_space<vmem>>[vector<16xi32>], vector<16xi32>,
      %parallel_loop3A_740 = arith.constant 9 : i32
      %parallel_loop3A_741 = arith.index_cast %parallel_loop3A_740 : i32 to index
      %parallel_loop3A_742 = arith.index_cast %parallel_loop3A_734 : i32 to index
      %parallel_loop3A_743 = tpu.vector_load %arg6[%parallel_loop3A_741, %parallel_loop3A_742] {strides = array<i32>} : memref<48x2048xi32, #tpu.memory_space<vmem>>, vector<16xi32>,
      tpu.vector_store %arg6[%parallel_loop3A_741, %parallel_loop3A_742], %parallel_loop3A_739 {strides = array<i32>} : memref<48x2048xi32, #tpu.memory_space<vmem>>, vector<16xi32>,
    } {sc.loop_unroll_factor = 8 : i64, sc.parallel_access}
    %parallel_loop3A_164 = arith.constant 0 : i32
    %parallel_loop3A_165 = arith.constant 2048 : i32
    %parallel_loop3A_166 = arith.constant 16 : i32
    scf.for %parallel_loop3A_734 = %parallel_loop3A_164 to %parallel_loop3A_165 step %parallel_loop3A_166  : i32 {
      %parallel_loop3A_735 = arith.constant 10 : i32
      %parallel_loop3A_736 = arith.index_cast %parallel_loop3A_735 : i32 to index
      %parallel_loop3A_737 = arith.index_cast %parallel_loop3A_734 : i32 to index
      %parallel_loop3A_738 = tpu.vector_load %arg6[%parallel_loop3A_736, %parallel_loop3A_737] {strides = array<i32>} : memref<48x2048xi32, #tpu.memory_space<vmem>>, vector<16xi32>,
      %parallel_loop3A_739 = tpu.vector_load_idx %arg5[%parallel_loop3A_738] : memref<128xi32, #tpu.memory_space<vmem>>[vector<16xi32>], vector<16xi32>,
      %parallel_loop3A_740 = arith.constant 10 : i32
      %parallel_loop3A_741 = arith.index_cast %parallel_loop3A_740 : i32 to index
      %parallel_loop3A_742 = arith.index_cast %parallel_loop3A_734 : i32 to index
      %parallel_loop3A_743 = tpu.vector_load %arg6[%parallel_loop3A_741, %parallel_loop3A_742] {strides = array<i32>} : memref<48x2048xi32, #tpu.memory_space<vmem>>, vector<16xi32>,
      tpu.vector_store %arg6[%parallel_loop3A_741, %parallel_loop3A_742], %parallel_loop3A_739 {strides = array<i32>} : memref<48x2048xi32, #tpu.memory_space<vmem>>, vector<16xi32>,
    } {sc.loop_unroll_factor = 8 : i64, sc.parallel_access}
    %parallel_loop3A_167 = arith.constant 0 : i32
    %parallel_loop3A_168 = arith.constant 2048 : i32
    %parallel_loop3A_169 = arith.constant 16 : i32
    scf.for %parallel_loop3A_734 = %parallel_loop3A_167 to %parallel_loop3A_168 step %parallel_loop3A_169  : i32 {
      %parallel_loop3A_735 = arith.constant 11 : i32
      %parallel_loop3A_736 = arith.index_cast %parallel_loop3A_735 : i32 to index
      %parallel_loop3A_737 = arith.index_cast %parallel_loop3A_734 : i32 to index
      %parallel_loop3A_738 = tpu.vector_load %arg6[%parallel_loop3A_736, %parallel_loop3A_737] {strides = array<i32>} : memref<48x2048xi32, #tpu.memory_space<vmem>>, vector<16xi32>,
      %parallel_loop3A_739 = tpu.vector_load_idx %arg5[%parallel_loop3A_738] : memref<128xi32, #tpu.memory_space<vmem>>[vector<16xi32>], vector<16xi32>,
      %parallel_loop3A_740 = arith.constant 11 : i32
      %parallel_loop3A_741 = arith.index_cast %parallel_loop3A_740 : i32 to index
      %parallel_loop3A_742 = arith.index_cast %parallel_loop3A_734 : i32 to index
      %parallel_loop3A_743 = tpu.vector_load %arg6[%parallel_loop3A_741, %parallel_loop3A_742] {strides = array<i32>} : memref<48x2048xi32, #tpu.memory_space<vmem>>, vector<16xi32>,
      tpu.vector_store %arg6[%parallel_loop3A_741, %parallel_loop3A_742], %parallel_loop3A_739 {strides = array<i32>} : memref<48x2048xi32, #tpu.memory_space<vmem>>, vector<16xi32>,
    } {sc.loop_unroll_factor = 8 : i64, sc.parallel_access}
    %parallel_loop3A_170 = arith.constant 0 : i32
    %parallel_loop3A_171 = arith.constant 2048 : i32
    %parallel_loop3A_172 = arith.constant 16 : i32
    scf.for %parallel_loop3A_734 = %parallel_loop3A_170 to %parallel_loop3A_171 step %parallel_loop3A_172  : i32 {
      %parallel_loop3A_735 = arith.constant 12 : i32
      %parallel_loop3A_736 = arith.index_cast %parallel_loop3A_735 : i32 to index
      %parallel_loop3A_737 = arith.index_cast %parallel_loop3A_734 : i32 to index
      %parallel_loop3A_738 = tpu.vector_load %arg6[%parallel_loop3A_736, %parallel_loop3A_737] {strides = array<i32>} : memref<48x2048xi32, #tpu.memory_space<vmem>>, vector<16xi32>,
      %parallel_loop3A_739 = tpu.vector_load_idx %arg5[%parallel_loop3A_738] : memref<128xi32, #tpu.memory_space<vmem>>[vector<16xi32>], vector<16xi32>,
      %parallel_loop3A_740 = arith.constant 12 : i32
      %parallel_loop3A_741 = arith.index_cast %parallel_loop3A_740 : i32 to index
      %parallel_loop3A_742 = arith.index_cast %parallel_loop3A_734 : i32 to index
      %parallel_loop3A_743 = tpu.vector_load %arg6[%parallel_loop3A_741, %parallel_loop3A_742] {strides = array<i32>} : memref<48x2048xi32, #tpu.memory_space<vmem>>, vector<16xi32>,
      tpu.vector_store %arg6[%parallel_loop3A_741, %parallel_loop3A_742], %parallel_loop3A_739 {strides = array<i32>} : memref<48x2048xi32, #tpu.memory_space<vmem>>, vector<16xi32>,
    } {sc.loop_unroll_factor = 8 : i64, sc.parallel_access}
    %parallel_loop3A_173 = arith.constant 0 : i32
    %parallel_loop3A_174 = arith.constant 2048 : i32
    %parallel_loop3A_175 = arith.constant 16 : i32
    scf.for %parallel_loop3A_734 = %parallel_loop3A_173 to %parallel_loop3A_174 step %parallel_loop3A_175  : i32 {
      %parallel_loop3A_735 = arith.constant 13 : i32
      %parallel_loop3A_736 = arith.index_cast %parallel_loop3A_735 : i32 to index
      %parallel_loop3A_737 = arith.index_cast %parallel_loop3A_734 : i32 to index
      %parallel_loop3A_738 = tpu.vector_load %arg6[%parallel_loop3A_736, %parallel_loop3A_737] {strides = array<i32>} : memref<48x2048xi32, #tpu.memory_space<vmem>>, vector<16xi32>,
      %parallel_loop3A_739 = tpu.vector_load_idx %arg5[%parallel_loop3A_738] : memref<128xi32, #tpu.memory_space<vmem>>[vector<16xi32>], vector<16xi32>,
      %parallel_loop3A_740 = arith.constant 13 : i32
      %parallel_loop3A_741 = arith.index_cast %parallel_loop3A_740 : i32 to index
      %parallel_loop3A_742 = arith.index_cast %parallel_loop3A_734 : i32 to index
      %parallel_loop3A_743 = tpu.vector_load %arg6[%parallel_loop3A_741, %parallel_loop3A_742] {strides = array<i32>} : memref<48x2048xi32, #tpu.memory_space<vmem>>, vector<16xi32>,
      tpu.vector_store %arg6[%parallel_loop3A_741, %parallel_loop3A_742], %parallel_loop3A_739 {strides = array<i32>} : memref<48x2048xi32, #tpu.memory_space<vmem>>, vector<16xi32>,
    } {sc.loop_unroll_factor = 8 : i64, sc.parallel_access}
    %parallel_loop3A_176 = arith.constant 0 : i32
    %parallel_loop3A_177 = arith.constant 2048 : i32
    %parallel_loop3A_178 = arith.constant 16 : i32
    scf.for %parallel_loop3A_734 = %parallel_loop3A_176 to %parallel_loop3A_177 step %parallel_loop3A_178  : i32 {
      %parallel_loop3A_735 = arith.constant 14 : i32
      %parallel_loop3A_736 = arith.index_cast %parallel_loop3A_735 : i32 to index
      %parallel_loop3A_737 = arith.index_cast %parallel_loop3A_734 : i32 to index
      %parallel_loop3A_738 = tpu.vector_load %arg6[%parallel_loop3A_736, %parallel_loop3A_737] {strides = array<i32>} : memref<48x2048xi32, #tpu.memory_space<vmem>>, vector<16xi32>,
      %parallel_loop3A_739 = tpu.vector_load_idx %arg5[%parallel_loop3A_738] : memref<128xi32, #tpu.memory_space<vmem>>[vector<16xi32>], vector<16xi32>,
      %parallel_loop3A_740 = arith.constant 14 : i32
      %parallel_loop3A_741 = arith.index_cast %parallel_loop3A_740 : i32 to index
      %parallel_loop3A_742 = arith.index_cast %parallel_loop3A_734 : i32 to index
      %parallel_loop3A_743 = tpu.vector_load %arg6[%parallel_loop3A_741, %parallel_loop3A_742] {strides = array<i32>} : memref<48x2048xi32, #tpu.memory_space<vmem>>, vector<16xi32>,
      tpu.vector_store %arg6[%parallel_loop3A_741, %parallel_loop3A_742], %parallel_loop3A_739 {strides = array<i32>} : memref<48x2048xi32, #tpu.memory_space<vmem>>, vector<16xi32>,
    } {sc.loop_unroll_factor = 8 : i64, sc.parallel_access}
    %parallel_loop3A_179 = arith.constant 0 : i32
    %parallel_loop3A_180 = arith.constant 2048 : i32
    %parallel_loop3A_181 = arith.constant 16 : i32
    scf.for %parallel_loop3A_734 = %parallel_loop3A_179 to %parallel_loop3A_180 step %parallel_loop3A_181  : i32 {
      %parallel_loop3A_735 = arith.constant 15 : i32
      %parallel_loop3A_736 = arith.index_cast %parallel_loop3A_735 : i32 to index
      %parallel_loop3A_737 = arith.index_cast %parallel_loop3A_734 : i32 to index
      %parallel_loop3A_738 = tpu.vector_load %arg6[%parallel_loop3A_736, %parallel_loop3A_737] {strides = array<i32>} : memref<48x2048xi32, #tpu.memory_space<vmem>>, vector<16xi32>,
      %parallel_loop3A_739 = tpu.vector_load_idx %arg5[%parallel_loop3A_738] : memref<128xi32, #tpu.memory_space<vmem>>[vector<16xi32>], vector<16xi32>,
      %parallel_loop3A_740 = arith.constant 15 : i32
      %parallel_loop3A_741 = arith.index_cast %parallel_loop3A_740 : i32 to index
      %parallel_loop3A_742 = arith.index_cast %parallel_loop3A_734 : i32 to index
      %parallel_loop3A_743 = tpu.vector_load %arg6[%parallel_loop3A_741, %parallel_loop3A_742] {strides = array<i32>} : memref<48x2048xi32, #tpu.memory_space<vmem>>, vector<16xi32>,
      tpu.vector_store %arg6[%parallel_loop3A_741, %parallel_loop3A_742], %parallel_loop3A_739 {strides = array<i32>} : memref<48x2048xi32, #tpu.memory_space<vmem>>, vector<16xi32>,
    } {sc.loop_unroll_factor = 8 : i64, sc.parallel_access}
    %mul3A_182 = arith.constant 64 : i32
    %mul3A_183 = arith.muli %add3A, %mul3A_182 : i32
    %add3A_184 = arith.constant 8 : i32
    %add3A_185 = arith.addi %mul3A_183, %add3A_184 : i32
    %dma_start3A_186 = arith.constant 1 : i32
    %dma_start3A_187 = arith.constant 8 : i32
    %dma_start3A_188 = arith.constant 0 : i32
    %dma_start3A_189 = tpu.memref_slice %arg6[%dma_start3A_187, %dma_start3A_188] : memref<48x2048xi32, #tpu.memory_space<vmem>> -> memref<8x2048xi32, #tpu.memory_space<vmem>>
    %dma_start3A_190 = arith.constant 0 : i32
    %dma_start3A_191 = tpu.memref_slice %arg4[%add3A_185, %dma_start3A_190] : memref<2048x2048xi32, #tpu.memory_space<hbm>> -> memref<8x2048xi32, #tpu.memory_space<hbm>>
    %dma_start3A_192 = tpu.memref_slice %arg8[%dma_start3A_186] : memref<6x!tpu.dma_semaphore, #tpu.memory_space<semaphore_mem>> -> memref<1x!tpu.dma_semaphore, #tpu.memory_space<semaphore_mem>>
    %dma_start3A_193 = tpu.memref_squeeze %dma_start3A_192 : memref<1x!tpu.dma_semaphore, #tpu.memory_space<semaphore_mem>> -> memref<!tpu.dma_semaphore, #tpu.memory_space<semaphore_mem>>
    %dma_start3A_194 = arith.constant 0 : i32
    %dma_start3A_195 = tpu.memref_slice %arg4[%add3A_185, %dma_start3A_194] : memref<2048x2048xi32, #tpu.memory_space<hbm>> -> memref<8x2048xi32, #tpu.memory_space<hbm>>
    %dma_start3A_196 = arith.constant 8 : i32
    %dma_start3A_197 = arith.constant 0 : i32
    %dma_start3A_198 = tpu.memref_slice %arg6[%dma_start3A_196, %dma_start3A_197] : memref<48x2048xi32, #tpu.memory_space<vmem>> -> memref<8x2048xi32, #tpu.memory_space<vmem>>
    tpu.enqueue_dma source(%dma_start3A_198 : memref<8x2048xi32, #tpu.memory_space<vmem>>) target(%dma_start3A_195 : memref<8x2048xi32, #tpu.memory_space<hbm>>) target_semaphore(%dma_start3A_193 : memref<!tpu.dma_semaphore, #tpu.memory_space<semaphore_mem>>)
    %mul3A_199 = arith.constant 64 : i32
    %mul3A_200 = arith.muli %add3A, %mul3A_199 : i32
    %add3A_201 = arith.constant 40 : i32
    %add3A_202 = arith.addi %mul3A_200, %add3A_201 : i32
    %dma_start3A_203 = arith.constant 5 : i32
    %dma_start3A_204 = arith.constant 40 : i32
    %dma_start3A_205 = arith.constant 0 : i32
    %dma_start3A_206 = tpu.memref_slice %arg6[%dma_start3A_204, %dma_start3A_205] : memref<48x2048xi32, #tpu.memory_space<vmem>> -> memref<8x2048xi32, #tpu.memory_space<vmem>>
    %dma_start3A_207 = arith.constant 0 : i32
    %dma_start3A_208 = tpu.memref_slice %arg2[%add3A_202, %dma_start3A_207] : memref<2048x2048xi32, #tpu.memory_space<hbm>> -> memref<8x2048xi32, #tpu.memory_space<hbm>>
    %dma_start3A_209 = tpu.memref_slice %arg7[%dma_start3A_203] : memref<6x!tpu.dma_semaphore, #tpu.memory_space<semaphore_mem>> -> memref<1x!tpu.dma_semaphore, #tpu.memory_space<semaphore_mem>>
    %dma_start3A_210 = tpu.memref_squeeze %dma_start3A_209 : memref<1x!tpu.dma_semaphore, #tpu.memory_space<semaphore_mem>> -> memref<!tpu.dma_semaphore, #tpu.memory_space<semaphore_mem>>
    %dma_start3A_211 = arith.constant 40 : i32
    %dma_start3A_212 = arith.constant 0 : i32
    %dma_start3A_213 = tpu.memref_slice %arg6[%dma_start3A_211, %dma_start3A_212] : memref<48x2048xi32, #tpu.memory_space<vmem>> -> memref<8x2048xi32, #tpu.memory_space<vmem>>
    %dma_start3A_214 = arith.constant 0 : i32
    %dma_start3A_215 = tpu.memref_slice %arg2[%add3A_202, %dma_start3A_214] : memref<2048x2048xi32, #tpu.memory_space<hbm>> -> memref<8x2048xi32, #tpu.memory_space<hbm>>
    tpu.enqueue_dma source(%dma_start3A_215 : memref<8x2048xi32, #tpu.memory_space<hbm>>) target(%dma_start3A_213 : memref<8x2048xi32, #tpu.memory_space<vmem>>) target_semaphore(%dma_start3A_210 : memref<!tpu.dma_semaphore, #tpu.memory_space<semaphore_mem>>)
    %mul3A_216 = arith.constant 64 : i32
    %mul3A_217 = arith.muli %add3A, %mul3A_216 : i32
    %add3A_218 = arith.constant 16 : i32
    %add3A_219 = arith.addi %mul3A_217, %add3A_218 : i32
    %dma_wait3A_220 = arith.constant 2 : i32
    %dma_wait3A_221 = arith.constant 16 : i32
    %dma_wait3A_222 = arith.constant 0 : i32
    %dma_wait3A_223 = tpu.memref_slice %arg6[%dma_wait3A_221, %dma_wait3A_222] : memref<48x2048xi32, #tpu.memory_space<vmem>> -> memref<8x2048xi32, #tpu.memory_space<vmem>>
    %dma_wait3A_224 = arith.constant 0 : i32
    %dma_wait3A_225 = tpu.memref_slice %arg2[%add3A_219, %dma_wait3A_224] : memref<2048x2048xi32, #tpu.memory_space<hbm>> -> memref<8x2048xi32, #tpu.memory_space<hbm>>
    %dma_wait3A_226 = tpu.memref_slice %arg7[%dma_wait3A_220] : memref<6x!tpu.dma_semaphore, #tpu.memory_space<semaphore_mem>> -> memref<1x!tpu.dma_semaphore, #tpu.memory_space<semaphore_mem>>
    %dma_wait3A_227 = tpu.memref_squeeze %dma_wait3A_226 : memref<1x!tpu.dma_semaphore, #tpu.memory_space<semaphore_mem>> -> memref<!tpu.dma_semaphore, #tpu.memory_space<semaphore_mem>>
    %dma_wait3A_228 = arith.constant 16 : i32
    %dma_wait3A_229 = arith.constant 0 : i32
    %dma_wait3A_230 = tpu.memref_slice %arg6[%dma_wait3A_228, %dma_wait3A_229] : memref<48x2048xi32, #tpu.memory_space<vmem>> -> memref<8x2048xi32, #tpu.memory_space<vmem>>
    %dma_wait3A_231 = arith.constant 0 : i32
    %dma_wait3A_232 = tpu.memref_slice %arg2[%add3A_219, %dma_wait3A_231] : memref<2048x2048xi32, #tpu.memory_space<hbm>> -> memref<8x2048xi32, #tpu.memory_space<hbm>>
    tpu.wait_dma2 semaphore(%dma_wait3A_227 : memref<!tpu.dma_semaphore, #tpu.memory_space<semaphore_mem>>) src(%dma_wait3A_232 : memref<8x2048xi32, #tpu.memory_space<hbm>>) dst(%dma_wait3A_230 : memref<8x2048xi32, #tpu.memory_space<vmem>>)
    %parallel_loop3A_233 = arith.constant 0 : i32
    %parallel_loop3A_234 = arith.constant 2048 : i32
    %parallel_loop3A_235 = arith.constant 16 : i32
    scf.for %parallel_loop3A_734 = %parallel_loop3A_233 to %parallel_loop3A_234 step %parallel_loop3A_235  : i32 {
      %parallel_loop3A_735 = arith.constant 16 : i32
      %parallel_loop3A_736 = arith.index_cast %parallel_loop3A_735 : i32 to index
      %parallel_loop3A_737 = arith.index_cast %parallel_loop3A_734 : i32 to index
      %parallel_loop3A_738 = tpu.vector_load %arg6[%parallel_loop3A_736, %parallel_loop3A_737] {strides = array<i32>} : memref<48x2048xi32, #tpu.memory_space<vmem>>, vector<16xi32>,
      %parallel_loop3A_739 = tpu.vector_load_idx %arg5[%parallel_loop3A_738] : memref<128xi32, #tpu.memory_space<vmem>>[vector<16xi32>], vector<16xi32>,
      %parallel_loop3A_740 = arith.constant 16 : i32
      %parallel_loop3A_741 = arith.index_cast %parallel_loop3A_740 : i32 to index
      %parallel_loop3A_742 = arith.index_cast %parallel_loop3A_734 : i32 to index
      %parallel_loop3A_743 = tpu.vector_load %arg6[%parallel_loop3A_741, %parallel_loop3A_742] {strides = array<i32>} : memref<48x2048xi32, #tpu.memory_space<vmem>>, vector<16xi32>,
      tpu.vector_store %arg6[%parallel_loop3A_741, %parallel_loop3A_742], %parallel_loop3A_739 {strides = array<i32>} : memref<48x2048xi32, #tpu.memory_space<vmem>>, vector<16xi32>,
    } {sc.loop_unroll_factor = 8 : i64, sc.parallel_access}
    %parallel_loop3A_236 = arith.constant 0 : i32
    %parallel_loop3A_237 = arith.constant 2048 : i32
    %parallel_loop3A_238 = arith.constant 16 : i32
    scf.for %parallel_loop3A_734 = %parallel_loop3A_236 to %parallel_loop3A_237 step %parallel_loop3A_238  : i32 {
      %parallel_loop3A_735 = arith.constant 17 : i32
      %parallel_loop3A_736 = arith.index_cast %parallel_loop3A_735 : i32 to index
      %parallel_loop3A_737 = arith.index_cast %parallel_loop3A_734 : i32 to index
      %parallel_loop3A_738 = tpu.vector_load %arg6[%parallel_loop3A_736, %parallel_loop3A_737] {strides = array<i32>} : memref<48x2048xi32, #tpu.memory_space<vmem>>, vector<16xi32>,
      %parallel_loop3A_739 = tpu.vector_load_idx %arg5[%parallel_loop3A_738] : memref<128xi32, #tpu.memory_space<vmem>>[vector<16xi32>], vector<16xi32>,
      %parallel_loop3A_740 = arith.constant 17 : i32
      %parallel_loop3A_741 = arith.index_cast %parallel_loop3A_740 : i32 to index
      %parallel_loop3A_742 = arith.index_cast %parallel_loop3A_734 : i32 to index
      %parallel_loop3A_743 = tpu.vector_load %arg6[%parallel_loop3A_741, %parallel_loop3A_742] {strides = array<i32>} : memref<48x2048xi32, #tpu.memory_space<vmem>>, vector<16xi32>,
      tpu.vector_store %arg6[%parallel_loop3A_741, %parallel_loop3A_742], %parallel_loop3A_739 {strides = array<i32>} : memref<48x2048xi32, #tpu.memory_space<vmem>>, vector<16xi32>,
    } {sc.loop_unroll_factor = 8 : i64, sc.parallel_access}
    %parallel_loop3A_239 = arith.constant 0 : i32
    %parallel_loop3A_240 = arith.constant 2048 : i32
    %parallel_loop3A_241 = arith.constant 16 : i32
    scf.for %parallel_loop3A_734 = %parallel_loop3A_239 to %parallel_loop3A_240 step %parallel_loop3A_241  : i32 {
      %parallel_loop3A_735 = arith.constant 18 : i32
      %parallel_loop3A_736 = arith.index_cast %parallel_loop3A_735 : i32 to index
      %parallel_loop3A_737 = arith.index_cast %parallel_loop3A_734 : i32 to index
      %parallel_loop3A_738 = tpu.vector_load %arg6[%parallel_loop3A_736, %parallel_loop3A_737] {strides = array<i32>} : memref<48x2048xi32, #tpu.memory_space<vmem>>, vector<16xi32>,
      %parallel_loop3A_739 = tpu.vector_load_idx %arg5[%parallel_loop3A_738] : memref<128xi32, #tpu.memory_space<vmem>>[vector<16xi32>], vector<16xi32>,
      %parallel_loop3A_740 = arith.constant 18 : i32
      %parallel_loop3A_741 = arith.index_cast %parallel_loop3A_740 : i32 to index
      %parallel_loop3A_742 = arith.index_cast %parallel_loop3A_734 : i32 to index
      %parallel_loop3A_743 = tpu.vector_load %arg6[%parallel_loop3A_741, %parallel_loop3A_742] {strides = array<i32>} : memref<48x2048xi32, #tpu.memory_space<vmem>>, vector<16xi32>,
      tpu.vector_store %arg6[%parallel_loop3A_741, %parallel_loop3A_742], %parallel_loop3A_739 {strides = array<i32>} : memref<48x2048xi32, #tpu.memory_space<vmem>>, vector<16xi32>,
    } {sc.loop_unroll_factor = 8 : i64, sc.parallel_access}
    %parallel_loop3A_242 = arith.constant 0 : i32
    %parallel_loop3A_243 = arith.constant 2048 : i32
    %parallel_loop3A_244 = arith.constant 16 : i32
    scf.for %parallel_loop3A_734 = %parallel_loop3A_242 to %parallel_loop3A_243 step %parallel_loop3A_244  : i32 {
      %parallel_loop3A_735 = arith.constant 19 : i32
      %parallel_loop3A_736 = arith.index_cast %parallel_loop3A_735 : i32 to index
      %parallel_loop3A_737 = arith.index_cast %parallel_loop3A_734 : i32 to index
      %parallel_loop3A_738 = tpu.vector_load %arg6[%parallel_loop3A_736, %parallel_loop3A_737] {strides = array<i32>} : memref<48x2048xi32, #tpu.memory_space<vmem>>, vector<16xi32>,
      %parallel_loop3A_739 = tpu.vector_load_idx %arg5[%parallel_loop3A_738] : memref<128xi32, #tpu.memory_space<vmem>>[vector<16xi32>], vector<16xi32>,
      %parallel_loop3A_740 = arith.constant 19 : i32
      %parallel_loop3A_741 = arith.index_cast %parallel_loop3A_740 : i32 to index
      %parallel_loop3A_742 = arith.index_cast %parallel_loop3A_734 : i32 to index
      %parallel_loop3A_743 = tpu.vector_load %arg6[%parallel_loop3A_741, %parallel_loop3A_742] {strides = array<i32>} : memref<48x2048xi32, #tpu.memory_space<vmem>>, vector<16xi32>,
      tpu.vector_store %arg6[%parallel_loop3A_741, %parallel_loop3A_742], %parallel_loop3A_739 {strides = array<i32>} : memref<48x2048xi32, #tpu.memory_space<vmem>>, vector<16xi32>,
    } {sc.loop_unroll_factor = 8 : i64, sc.parallel_access}
    %parallel_loop3A_245 = arith.constant 0 : i32
    %parallel_loop3A_246 = arith.constant 2048 : i32
    %parallel_loop3A_247 = arith.constant 16 : i32
    scf.for %parallel_loop3A_734 = %parallel_loop3A_245 to %parallel_loop3A_246 step %parallel_loop3A_247  : i32 {
      %parallel_loop3A_735 = arith.constant 20 : i32
      %parallel_loop3A_736 = arith.index_cast %parallel_loop3A_735 : i32 to index
      %parallel_loop3A_737 = arith.index_cast %parallel_loop3A_734 : i32 to index
      %parallel_loop3A_738 = tpu.vector_load %arg6[%parallel_loop3A_736, %parallel_loop3A_737] {strides = array<i32>} : memref<48x2048xi32, #tpu.memory_space<vmem>>, vector<16xi32>,
      %parallel_loop3A_739 = tpu.vector_load_idx %arg5[%parallel_loop3A_738] : memref<128xi32, #tpu.memory_space<vmem>>[vector<16xi32>], vector<16xi32>,
      %parallel_loop3A_740 = arith.constant 20 : i32
      %parallel_loop3A_741 = arith.index_cast %parallel_loop3A_740 : i32 to index
      %parallel_loop3A_742 = arith.index_cast %parallel_loop3A_734 : i32 to index
      %parallel_loop3A_743 = tpu.vector_load %arg6[%parallel_loop3A_741, %parallel_loop3A_742] {strides = array<i32>} : memref<48x2048xi32, #tpu.memory_space<vmem>>, vector<16xi32>,
      tpu.vector_store %arg6[%parallel_loop3A_741, %parallel_loop3A_742], %parallel_loop3A_739 {strides = array<i32>} : memref<48x2048xi32, #tpu.memory_space<vmem>>, vector<16xi32>,
    } {sc.loop_unroll_factor = 8 : i64, sc.parallel_access}
    %parallel_loop3A_248 = arith.constant 0 : i32
    %parallel_loop3A_249 = arith.constant 2048 : i32
    %parallel_loop3A_250 = arith.constant 16 : i32
    scf.for %parallel_loop3A_734 = %parallel_loop3A_248 to %parallel_loop3A_249 step %parallel_loop3A_250  : i32 {
      %parallel_loop3A_735 = arith.constant 21 : i32
      %parallel_loop3A_736 = arith.index_cast %parallel_loop3A_735 : i32 to index
      %parallel_loop3A_737 = arith.index_cast %parallel_loop3A_734 : i32 to index
      %parallel_loop3A_738 = tpu.vector_load %arg6[%parallel_loop3A_736, %parallel_loop3A_737] {strides = array<i32>} : memref<48x2048xi32, #tpu.memory_space<vmem>>, vector<16xi32>,
      %parallel_loop3A_739 = tpu.vector_load_idx %arg5[%parallel_loop3A_738] : memref<128xi32, #tpu.memory_space<vmem>>[vector<16xi32>], vector<16xi32>,
      %parallel_loop3A_740 = arith.constant 21 : i32
      %parallel_loop3A_741 = arith.index_cast %parallel_loop3A_740 : i32 to index
      %parallel_loop3A_742 = arith.index_cast %parallel_loop3A_734 : i32 to index
      %parallel_loop3A_743 = tpu.vector_load %arg6[%parallel_loop3A_741, %parallel_loop3A_742] {strides = array<i32>} : memref<48x2048xi32, #tpu.memory_space<vmem>>, vector<16xi32>,
      tpu.vector_store %arg6[%parallel_loop3A_741, %parallel_loop3A_742], %parallel_loop3A_739 {strides = array<i32>} : memref<48x2048xi32, #tpu.memory_space<vmem>>, vector<16xi32>,
    } {sc.loop_unroll_factor = 8 : i64, sc.parallel_access}
    %parallel_loop3A_251 = arith.constant 0 : i32
    %parallel_loop3A_252 = arith.constant 2048 : i32
    %parallel_loop3A_253 = arith.constant 16 : i32
    scf.for %parallel_loop3A_734 = %parallel_loop3A_251 to %parallel_loop3A_252 step %parallel_loop3A_253  : i32 {
      %parallel_loop3A_735 = arith.constant 22 : i32
      %parallel_loop3A_736 = arith.index_cast %parallel_loop3A_735 : i32 to index
      %parallel_loop3A_737 = arith.index_cast %parallel_loop3A_734 : i32 to index
      %parallel_loop3A_738 = tpu.vector_load %arg6[%parallel_loop3A_736, %parallel_loop3A_737] {strides = array<i32>} : memref<48x2048xi32, #tpu.memory_space<vmem>>, vector<16xi32>,
      %parallel_loop3A_739 = tpu.vector_load_idx %arg5[%parallel_loop3A_738] : memref<128xi32, #tpu.memory_space<vmem>>[vector<16xi32>], vector<16xi32>,
      %parallel_loop3A_740 = arith.constant 22 : i32
      %parallel_loop3A_741 = arith.index_cast %parallel_loop3A_740 : i32 to index
      %parallel_loop3A_742 = arith.index_cast %parallel_loop3A_734 : i32 to index
      %parallel_loop3A_743 = tpu.vector_load %arg6[%parallel_loop3A_741, %parallel_loop3A_742] {strides = array<i32>} : memref<48x2048xi32, #tpu.memory_space<vmem>>, vector<16xi32>,
      tpu.vector_store %arg6[%parallel_loop3A_741, %parallel_loop3A_742], %parallel_loop3A_739 {strides = array<i32>} : memref<48x2048xi32, #tpu.memory_space<vmem>>, vector<16xi32>,
    } {sc.loop_unroll_factor = 8 : i64, sc.parallel_access}
    %parallel_loop3A_254 = arith.constant 0 : i32
    %parallel_loop3A_255 = arith.constant 2048 : i32
    %parallel_loop3A_256 = arith.constant 16 : i32
    scf.for %parallel_loop3A_734 = %parallel_loop3A_254 to %parallel_loop3A_255 step %parallel_loop3A_256  : i32 {
      %parallel_loop3A_735 = arith.constant 23 : i32
      %parallel_loop3A_736 = arith.index_cast %parallel_loop3A_735 : i32 to index
      %parallel_loop3A_737 = arith.index_cast %parallel_loop3A_734 : i32 to index
      %parallel_loop3A_738 = tpu.vector_load %arg6[%parallel_loop3A_736, %parallel_loop3A_737] {strides = array<i32>} : memref<48x2048xi32, #tpu.memory_space<vmem>>, vector<16xi32>,
      %parallel_loop3A_739 = tpu.vector_load_idx %arg5[%parallel_loop3A_738] : memref<128xi32, #tpu.memory_space<vmem>>[vector<16xi32>], vector<16xi32>,
      %parallel_loop3A_740 = arith.constant 23 : i32
      %parallel_loop3A_741 = arith.index_cast %parallel_loop3A_740 : i32 to index
      %parallel_loop3A_742 = arith.index_cast %parallel_loop3A_734 : i32 to index
      %parallel_loop3A_743 = tpu.vector_load %arg6[%parallel_loop3A_741, %parallel_loop3A_742] {strides = array<i32>} : memref<48x2048xi32, #tpu.memory_space<vmem>>, vector<16xi32>,
      tpu.vector_store %arg6[%parallel_loop3A_741, %parallel_loop3A_742], %parallel_loop3A_739 {strides = array<i32>} : memref<48x2048xi32, #tpu.memory_space<vmem>>, vector<16xi32>,
    } {sc.loop_unroll_factor = 8 : i64, sc.parallel_access}
    %mul3A_257 = arith.constant 64 : i32
    %mul3A_258 = arith.muli %add3A, %mul3A_257 : i32
    %add3A_259 = arith.constant 16 : i32
    %add3A_260 = arith.addi %mul3A_258, %add3A_259 : i32
    %dma_start3A_261 = arith.constant 2 : i32
    %dma_start3A_262 = arith.constant 16 : i32
    %dma_start3A_263 = arith.constant 0 : i32
    %dma_start3A_264 = tpu.memref_slice %arg6[%dma_start3A_262, %dma_start3A_263] : memref<48x2048xi32, #tpu.memory_space<vmem>> -> memref<8x2048xi32, #tpu.memory_space<vmem>>
    %dma_start3A_265 = arith.constant 0 : i32
    %dma_start3A_266 = tpu.memref_slice %arg4[%add3A_260, %dma_start3A_265] : memref<2048x2048xi32, #tpu.memory_space<hbm>> -> memref<8x2048xi32, #tpu.memory_space<hbm>>
    %dma_start3A_267 = tpu.memref_slice %arg8[%dma_start3A_261] : memref<6x!tpu.dma_semaphore, #tpu.memory_space<semaphore_mem>> -> memref<1x!tpu.dma_semaphore, #tpu.memory_space<semaphore_mem>>
    %dma_start3A_268 = tpu.memref_squeeze %dma_start3A_267 : memref<1x!tpu.dma_semaphore, #tpu.memory_space<semaphore_mem>> -> memref<!tpu.dma_semaphore, #tpu.memory_space<semaphore_mem>>
    %dma_start3A_269 = arith.constant 0 : i32
    %dma_start3A_270 = tpu.memref_slice %arg4[%add3A_260, %dma_start3A_269] : memref<2048x2048xi32, #tpu.memory_space<hbm>> -> memref<8x2048xi32, #tpu.memory_space<hbm>>
    %dma_start3A_271 = arith.constant 16 : i32
    %dma_start3A_272 = arith.constant 0 : i32
    %dma_start3A_273 = tpu.memref_slice %arg6[%dma_start3A_271, %dma_start3A_272] : memref<48x2048xi32, #tpu.memory_space<vmem>> -> memref<8x2048xi32, #tpu.memory_space<vmem>>
    tpu.enqueue_dma source(%dma_start3A_273 : memref<8x2048xi32, #tpu.memory_space<vmem>>) target(%dma_start3A_270 : memref<8x2048xi32, #tpu.memory_space<hbm>>) target_semaphore(%dma_start3A_268 : memref<!tpu.dma_semaphore, #tpu.memory_space<semaphore_mem>>)
    %mul3A_274 = arith.constant 64 : i32
    %mul3A_275 = arith.muli %add3A, %mul3A_274 : i32
    %add3A_276 = arith.constant 0 : i32
    %add3A_277 = arith.addi %mul3A_275, %add3A_276 : i32
    %dma_wait3A_278 = arith.constant 0 : i32
    %dma_wait3A_279 = arith.constant 0 : i32
    %dma_wait3A_280 = arith.constant 0 : i32
    %dma_wait3A_281 = tpu.memref_slice %arg6[%dma_wait3A_279, %dma_wait3A_280] : memref<48x2048xi32, #tpu.memory_space<vmem>> -> memref<8x2048xi32, #tpu.memory_space<vmem>>
    %dma_wait3A_282 = arith.constant 0 : i32
    %dma_wait3A_283 = tpu.memref_slice %arg4[%add3A_277, %dma_wait3A_282] : memref<2048x2048xi32, #tpu.memory_space<hbm>> -> memref<8x2048xi32, #tpu.memory_space<hbm>>
    %dma_wait3A_284 = tpu.memref_slice %arg8[%dma_wait3A_278] : memref<6x!tpu.dma_semaphore, #tpu.memory_space<semaphore_mem>> -> memref<1x!tpu.dma_semaphore, #tpu.memory_space<semaphore_mem>>
    %dma_wait3A_285 = tpu.memref_squeeze %dma_wait3A_284 : memref<1x!tpu.dma_semaphore, #tpu.memory_space<semaphore_mem>> -> memref<!tpu.dma_semaphore, #tpu.memory_space<semaphore_mem>>
    %dma_wait3A_286 = arith.constant 0 : i32
    %dma_wait3A_287 = tpu.memref_slice %arg4[%add3A_277, %dma_wait3A_286] : memref<2048x2048xi32, #tpu.memory_space<hbm>> -> memref<8x2048xi32, #tpu.memory_space<hbm>>
    %dma_wait3A_288 = arith.constant 0 : i32
    %dma_wait3A_289 = arith.constant 0 : i32
    %dma_wait3A_290 = tpu.memref_slice %arg6[%dma_wait3A_288, %dma_wait3A_289] : memref<48x2048xi32, #tpu.memory_space<vmem>> -> memref<8x2048xi32, #tpu.memory_space<vmem>>
    tpu.wait_dma2 semaphore(%dma_wait3A_285 : memref<!tpu.dma_semaphore, #tpu.memory_space<semaphore_mem>>) src(%dma_wait3A_290 : memref<8x2048xi32, #tpu.memory_space<vmem>>) dst(%dma_wait3A_287 : memref<8x2048xi32, #tpu.memory_space<hbm>>)
    %mul3A_291 = arith.constant 64 : i32
    %mul3A_292 = arith.muli %add3A, %mul3A_291 : i32
    %add3A_293 = arith.constant 48 : i32
    %add3A_294 = arith.addi %mul3A_292, %add3A_293 : i32
    %dma_start3A_295 = arith.constant 0 : i32
    %dma_start3A_296 = arith.constant 0 : i32
    %dma_start3A_297 = arith.constant 0 : i32
    %dma_start3A_298 = tpu.memref_slice %arg6[%dma_start3A_296, %dma_start3A_297] : memref<48x2048xi32, #tpu.memory_space<vmem>> -> memref<8x2048xi32, #tpu.memory_space<vmem>>
    %dma_start3A_299 = arith.constant 0 : i32
    %dma_start3A_300 = tpu.memref_slice %arg2[%add3A_294, %dma_start3A_299] : memref<2048x2048xi32, #tpu.memory_space<hbm>> -> memref<8x2048xi32, #tpu.memory_space<hbm>>
    %dma_start3A_301 = tpu.memref_slice %arg7[%dma_start3A_295] : memref<6x!tpu.dma_semaphore, #tpu.memory_space<semaphore_mem>> -> memref<1x!tpu.dma_semaphore, #tpu.memory_space<semaphore_mem>>
    %dma_start3A_302 = tpu.memref_squeeze %dma_start3A_301 : memref<1x!tpu.dma_semaphore, #tpu.memory_space<semaphore_mem>> -> memref<!tpu.dma_semaphore, #tpu.memory_space<semaphore_mem>>
    %dma_start3A_303 = arith.constant 0 : i32
    %dma_start3A_304 = arith.constant 0 : i32
    %dma_start3A_305 = tpu.memref_slice %arg6[%dma_start3A_303, %dma_start3A_304] : memref<48x2048xi32, #tpu.memory_space<vmem>> -> memref<8x2048xi32, #tpu.memory_space<vmem>>
    %dma_start3A_306 = arith.constant 0 : i32
    %dma_start3A_307 = tpu.memref_slice %arg2[%add3A_294, %dma_start3A_306] : memref<2048x2048xi32, #tpu.memory_space<hbm>> -> memref<8x2048xi32, #tpu.memory_space<hbm>>
    tpu.enqueue_dma source(%dma_start3A_307 : memref<8x2048xi32, #tpu.memory_space<hbm>>) target(%dma_start3A_305 : memref<8x2048xi32, #tpu.memory_space<vmem>>) target_semaphore(%dma_start3A_302 : memref<!tpu.dma_semaphore, #tpu.memory_space<semaphore_mem>>)
    %mul3A_308 = arith.constant 64 : i32
    %mul3A_309 = arith.muli %add3A, %mul3A_308 : i32
    %add3A_310 = arith.constant 24 : i32
    %add3A_311 = arith.addi %mul3A_309, %add3A_310 : i32
    %dma_wait3A_312 = arith.constant 3 : i32
    %dma_wait3A_313 = arith.constant 24 : i32
    %dma_wait3A_314 = arith.constant 0 : i32
    %dma_wait3A_315 = tpu.memref_slice %arg6[%dma_wait3A_313, %dma_wait3A_314] : memref<48x2048xi32, #tpu.memory_space<vmem>> -> memref<8x2048xi32, #tpu.memory_space<vmem>>
    %dma_wait3A_316 = arith.constant 0 : i32
    %dma_wait3A_317 = tpu.memref_slice %arg2[%add3A_311, %dma_wait3A_316] : memref<2048x2048xi32, #tpu.memory_space<hbm>> -> memref<8x2048xi32, #tpu.memory_space<hbm>>
    %dma_wait3A_318 = tpu.memref_slice %arg7[%dma_wait3A_312] : memref<6x!tpu.dma_semaphore, #tpu.memory_space<semaphore_mem>> -> memref<1x!tpu.dma_semaphore, #tpu.memory_space<semaphore_mem>>
    %dma_wait3A_319 = tpu.memref_squeeze %dma_wait3A_318 : memref<1x!tpu.dma_semaphore, #tpu.memory_space<semaphore_mem>> -> memref<!tpu.dma_semaphore, #tpu.memory_space<semaphore_mem>>
    %dma_wait3A_320 = arith.constant 24 : i32
    %dma_wait3A_321 = arith.constant 0 : i32
    %dma_wait3A_322 = tpu.memref_slice %arg6[%dma_wait3A_320, %dma_wait3A_321] : memref<48x2048xi32, #tpu.memory_space<vmem>> -> memref<8x2048xi32, #tpu.memory_space<vmem>>
    %dma_wait3A_323 = arith.constant 0 : i32
    %dma_wait3A_324 = tpu.memref_slice %arg2[%add3A_311, %dma_wait3A_323] : memref<2048x2048xi32, #tpu.memory_space<hbm>> -> memref<8x2048xi32, #tpu.memory_space<hbm>>
    tpu.wait_dma2 semaphore(%dma_wait3A_319 : memref<!tpu.dma_semaphore, #tpu.memory_space<semaphore_mem>>) src(%dma_wait3A_324 : memref<8x2048xi32, #tpu.memory_space<hbm>>) dst(%dma_wait3A_322 : memref<8x2048xi32, #tpu.memory_space<vmem>>)
    %parallel_loop3A_325 = arith.constant 0 : i32
    %parallel_loop3A_326 = arith.constant 2048 : i32
    %parallel_loop3A_327 = arith.constant 16 : i32
    scf.for %parallel_loop3A_734 = %parallel_loop3A_325 to %parallel_loop3A_326 step %parallel_loop3A_327  : i32 {
      %parallel_loop3A_735 = arith.constant 24 : i32
      %parallel_loop3A_736 = arith.index_cast %parallel_loop3A_735 : i32 to index
      %parallel_loop3A_737 = arith.index_cast %parallel_loop3A_734 : i32 to index
      %parallel_loop3A_738 = tpu.vector_load %arg6[%parallel_loop3A_736, %parallel_loop3A_737] {strides = array<i32>} : memref<48x2048xi32, #tpu.memory_space<vmem>>, vector<16xi32>,
      %parallel_loop3A_739 = tpu.vector_load_idx %arg5[%parallel_loop3A_738] : memref<128xi32, #tpu.memory_space<vmem>>[vector<16xi32>], vector<16xi32>,
      %parallel_loop3A_740 = arith.constant 24 : i32
      %parallel_loop3A_741 = arith.index_cast %parallel_loop3A_740 : i32 to index
      %parallel_loop3A_742 = arith.index_cast %parallel_loop3A_734 : i32 to index
      %parallel_loop3A_743 = tpu.vector_load %arg6[%parallel_loop3A_741, %parallel_loop3A_742] {strides = array<i32>} : memref<48x2048xi32, #tpu.memory_space<vmem>>, vector<16xi32>,
      tpu.vector_store %arg6[%parallel_loop3A_741, %parallel_loop3A_742], %parallel_loop3A_739 {strides = array<i32>} : memref<48x2048xi32, #tpu.memory_space<vmem>>, vector<16xi32>,
    } {sc.loop_unroll_factor = 8 : i64, sc.parallel_access}
    %parallel_loop3A_328 = arith.constant 0 : i32
    %parallel_loop3A_329 = arith.constant 2048 : i32
    %parallel_loop3A_330 = arith.constant 16 : i32
    scf.for %parallel_loop3A_734 = %parallel_loop3A_328 to %parallel_loop3A_329 step %parallel_loop3A_330  : i32 {
      %parallel_loop3A_735 = arith.constant 25 : i32
      %parallel_loop3A_736 = arith.index_cast %parallel_loop3A_735 : i32 to index
      %parallel_loop3A_737 = arith.index_cast %parallel_loop3A_734 : i32 to index
      %parallel_loop3A_738 = tpu.vector_load %arg6[%parallel_loop3A_736, %parallel_loop3A_737] {strides = array<i32>} : memref<48x2048xi32, #tpu.memory_space<vmem>>, vector<16xi32>,
      %parallel_loop3A_739 = tpu.vector_load_idx %arg5[%parallel_loop3A_738] : memref<128xi32, #tpu.memory_space<vmem>>[vector<16xi32>], vector<16xi32>,
      %parallel_loop3A_740 = arith.constant 25 : i32
      %parallel_loop3A_741 = arith.index_cast %parallel_loop3A_740 : i32 to index
      %parallel_loop3A_742 = arith.index_cast %parallel_loop3A_734 : i32 to index
      %parallel_loop3A_743 = tpu.vector_load %arg6[%parallel_loop3A_741, %parallel_loop3A_742] {strides = array<i32>} : memref<48x2048xi32, #tpu.memory_space<vmem>>, vector<16xi32>,
      tpu.vector_store %arg6[%parallel_loop3A_741, %parallel_loop3A_742], %parallel_loop3A_739 {strides = array<i32>} : memref<48x2048xi32, #tpu.memory_space<vmem>>, vector<16xi32>,
    } {sc.loop_unroll_factor = 8 : i64, sc.parallel_access}
    %parallel_loop3A_331 = arith.constant 0 : i32
    %parallel_loop3A_332 = arith.constant 2048 : i32
    %parallel_loop3A_333 = arith.constant 16 : i32
    scf.for %parallel_loop3A_734 = %parallel_loop3A_331 to %parallel_loop3A_332 step %parallel_loop3A_333  : i32 {
      %parallel_loop3A_735 = arith.constant 26 : i32
      %parallel_loop3A_736 = arith.index_cast %parallel_loop3A_735 : i32 to index
      %parallel_loop3A_737 = arith.index_cast %parallel_loop3A_734 : i32 to index
      %parallel_loop3A_738 = tpu.vector_load %arg6[%parallel_loop3A_736, %parallel_loop3A_737] {strides = array<i32>} : memref<48x2048xi32, #tpu.memory_space<vmem>>, vector<16xi32>,
      %parallel_loop3A_739 = tpu.vector_load_idx %arg5[%parallel_loop3A_738] : memref<128xi32, #tpu.memory_space<vmem>>[vector<16xi32>], vector<16xi32>,
      %parallel_loop3A_740 = arith.constant 26 : i32
      %parallel_loop3A_741 = arith.index_cast %parallel_loop3A_740 : i32 to index
      %parallel_loop3A_742 = arith.index_cast %parallel_loop3A_734 : i32 to index
      %parallel_loop3A_743 = tpu.vector_load %arg6[%parallel_loop3A_741, %parallel_loop3A_742] {strides = array<i32>} : memref<48x2048xi32, #tpu.memory_space<vmem>>, vector<16xi32>,
      tpu.vector_store %arg6[%parallel_loop3A_741, %parallel_loop3A_742], %parallel_loop3A_739 {strides = array<i32>} : memref<48x2048xi32, #tpu.memory_space<vmem>>, vector<16xi32>,
    } {sc.loop_unroll_factor = 8 : i64, sc.parallel_access}
    %parallel_loop3A_334 = arith.constant 0 : i32
    %parallel_loop3A_335 = arith.constant 2048 : i32
    %parallel_loop3A_336 = arith.constant 16 : i32
    scf.for %parallel_loop3A_734 = %parallel_loop3A_334 to %parallel_loop3A_335 step %parallel_loop3A_336  : i32 {
      %parallel_loop3A_735 = arith.constant 27 : i32
      %parallel_loop3A_736 = arith.index_cast %parallel_loop3A_735 : i32 to index
      %parallel_loop3A_737 = arith.index_cast %parallel_loop3A_734 : i32 to index
      %parallel_loop3A_738 = tpu.vector_load %arg6[%parallel_loop3A_736, %parallel_loop3A_737] {strides = array<i32>} : memref<48x2048xi32, #tpu.memory_space<vmem>>, vector<16xi32>,
      %parallel_loop3A_739 = tpu.vector_load_idx %arg5[%parallel_loop3A_738] : memref<128xi32, #tpu.memory_space<vmem>>[vector<16xi32>], vector<16xi32>,
      %parallel_loop3A_740 = arith.constant 27 : i32
      %parallel_loop3A_741 = arith.index_cast %parallel_loop3A_740 : i32 to index
      %parallel_loop3A_742 = arith.index_cast %parallel_loop3A_734 : i32 to index
      %parallel_loop3A_743 = tpu.vector_load %arg6[%parallel_loop3A_741, %parallel_loop3A_742] {strides = array<i32>} : memref<48x2048xi32, #tpu.memory_space<vmem>>, vector<16xi32>,
      tpu.vector_store %arg6[%parallel_loop3A_741, %parallel_loop3A_742], %parallel_loop3A_739 {strides = array<i32>} : memref<48x2048xi32, #tpu.memory_space<vmem>>, vector<16xi32>,
    } {sc.loop_unroll_factor = 8 : i64, sc.parallel_access}
    %parallel_loop3A_337 = arith.constant 0 : i32
    %parallel_loop3A_338 = arith.constant 2048 : i32
    %parallel_loop3A_339 = arith.constant 16 : i32
    scf.for %parallel_loop3A_734 = %parallel_loop3A_337 to %parallel_loop3A_338 step %parallel_loop3A_339  : i32 {
      %parallel_loop3A_735 = arith.constant 28 : i32
      %parallel_loop3A_736 = arith.index_cast %parallel_loop3A_735 : i32 to index
      %parallel_loop3A_737 = arith.index_cast %parallel_loop3A_734 : i32 to index
      %parallel_loop3A_738 = tpu.vector_load %arg6[%parallel_loop3A_736, %parallel_loop3A_737] {strides = array<i32>} : memref<48x2048xi32, #tpu.memory_space<vmem>>, vector<16xi32>,
      %parallel_loop3A_739 = tpu.vector_load_idx %arg5[%parallel_loop3A_738] : memref<128xi32, #tpu.memory_space<vmem>>[vector<16xi32>], vector<16xi32>,
      %parallel_loop3A_740 = arith.constant 28 : i32
      %parallel_loop3A_741 = arith.index_cast %parallel_loop3A_740 : i32 to index
      %parallel_loop3A_742 = arith.index_cast %parallel_loop3A_734 : i32 to index
      %parallel_loop3A_743 = tpu.vector_load %arg6[%parallel_loop3A_741, %parallel_loop3A_742] {strides = array<i32>} : memref<48x2048xi32, #tpu.memory_space<vmem>>, vector<16xi32>,
      tpu.vector_store %arg6[%parallel_loop3A_741, %parallel_loop3A_742], %parallel_loop3A_739 {strides = array<i32>} : memref<48x2048xi32, #tpu.memory_space<vmem>>, vector<16xi32>,
    } {sc.loop_unroll_factor = 8 : i64, sc.parallel_access}
    %parallel_loop3A_340 = arith.constant 0 : i32
    %parallel_loop3A_341 = arith.constant 2048 : i32
    %parallel_loop3A_342 = arith.constant 16 : i32
    scf.for %parallel_loop3A_734 = %parallel_loop3A_340 to %parallel_loop3A_341 step %parallel_loop3A_342  : i32 {
      %parallel_loop3A_735 = arith.constant 29 : i32
      %parallel_loop3A_736 = arith.index_cast %parallel_loop3A_735 : i32 to index
      %parallel_loop3A_737 = arith.index_cast %parallel_loop3A_734 : i32 to index
      %parallel_loop3A_738 = tpu.vector_load %arg6[%parallel_loop3A_736, %parallel_loop3A_737] {strides = array<i32>} : memref<48x2048xi32, #tpu.memory_space<vmem>>, vector<16xi32>,
      %parallel_loop3A_739 = tpu.vector_load_idx %arg5[%parallel_loop3A_738] : memref<128xi32, #tpu.memory_space<vmem>>[vector<16xi32>], vector<16xi32>,
      %parallel_loop3A_740 = arith.constant 29 : i32
      %parallel_loop3A_741 = arith.index_cast %parallel_loop3A_740 : i32 to index
      %parallel_loop3A_742 = arith.index_cast %parallel_loop3A_734 : i32 to index
      %parallel_loop3A_743 = tpu.vector_load %arg6[%parallel_loop3A_741, %parallel_loop3A_742] {strides = array<i32>} : memref<48x2048xi32, #tpu.memory_space<vmem>>, vector<16xi32>,
      tpu.vector_store %arg6[%parallel_loop3A_741, %parallel_loop3A_742], %parallel_loop3A_739 {strides = array<i32>} : memref<48x2048xi32, #tpu.memory_space<vmem>>, vector<16xi32>,
    } {sc.loop_unroll_factor = 8 : i64, sc.parallel_access}
    %parallel_loop3A_343 = arith.constant 0 : i32
    %parallel_loop3A_344 = arith.constant 2048 : i32
    %parallel_loop3A_345 = arith.constant 16 : i32
    scf.for %parallel_loop3A_734 = %parallel_loop3A_343 to %parallel_loop3A_344 step %parallel_loop3A_345  : i32 {
      %parallel_loop3A_735 = arith.constant 30 : i32
      %parallel_loop3A_736 = arith.index_cast %parallel_loop3A_735 : i32 to index
      %parallel_loop3A_737 = arith.index_cast %parallel_loop3A_734 : i32 to index
      %parallel_loop3A_738 = tpu.vector_load %arg6[%parallel_loop3A_736, %parallel_loop3A_737] {strides = array<i32>} : memref<48x2048xi32, #tpu.memory_space<vmem>>, vector<16xi32>,
      %parallel_loop3A_739 = tpu.vector_load_idx %arg5[%parallel_loop3A_738] : memref<128xi32, #tpu.memory_space<vmem>>[vector<16xi32>], vector<16xi32>,
      %parallel_loop3A_740 = arith.constant 30 : i32
      %parallel_loop3A_741 = arith.index_cast %parallel_loop3A_740 : i32 to index
      %parallel_loop3A_742 = arith.index_cast %parallel_loop3A_734 : i32 to index
      %parallel_loop3A_743 = tpu.vector_load %arg6[%parallel_loop3A_741, %parallel_loop3A_742] {strides = array<i32>} : memref<48x2048xi32, #tpu.memory_space<vmem>>, vector<16xi32>,
      tpu.vector_store %arg6[%parallel_loop3A_741, %parallel_loop3A_742], %parallel_loop3A_739 {strides = array<i32>} : memref<48x2048xi32, #tpu.memory_space<vmem>>, vector<16xi32>,
    } {sc.loop_unroll_factor = 8 : i64, sc.parallel_access}
    %parallel_loop3A_346 = arith.constant 0 : i32
    %parallel_loop3A_347 = arith.constant 2048 : i32
    %parallel_loop3A_348 = arith.constant 16 : i32
    scf.for %parallel_loop3A_734 = %parallel_loop3A_346 to %parallel_loop3A_347 step %parallel_loop3A_348  : i32 {
      %parallel_loop3A_735 = arith.constant 31 : i32
      %parallel_loop3A_736 = arith.index_cast %parallel_loop3A_735 : i32 to index
      %parallel_loop3A_737 = arith.index_cast %parallel_loop3A_734 : i32 to index
      %parallel_loop3A_738 = tpu.vector_load %arg6[%parallel_loop3A_736, %parallel_loop3A_737] {strides = array<i32>} : memref<48x2048xi32, #tpu.memory_space<vmem>>, vector<16xi32>,
      %parallel_loop3A_739 = tpu.vector_load_idx %arg5[%parallel_loop3A_738] : memref<128xi32, #tpu.memory_space<vmem>>[vector<16xi32>], vector<16xi32>,
      %parallel_loop3A_740 = arith.constant 31 : i32
      %parallel_loop3A_741 = arith.index_cast %parallel_loop3A_740 : i32 to index
      %parallel_loop3A_742 = arith.index_cast %parallel_loop3A_734 : i32 to index
      %parallel_loop3A_743 = tpu.vector_load %arg6[%parallel_loop3A_741, %parallel_loop3A_742] {strides = array<i32>} : memref<48x2048xi32, #tpu.memory_space<vmem>>, vector<16xi32>,
      tpu.vector_store %arg6[%parallel_loop3A_741, %parallel_loop3A_742], %parallel_loop3A_739 {strides = array<i32>} : memref<48x2048xi32, #tpu.memory_space<vmem>>, vector<16xi32>,
    } {sc.loop_unroll_factor = 8 : i64, sc.parallel_access}
    %mul3A_349 = arith.constant 64 : i32
    %mul3A_350 = arith.muli %add3A, %mul3A_349 : i32
    %add3A_351 = arith.constant 24 : i32
    %add3A_352 = arith.addi %mul3A_350, %add3A_351 : i32
    %dma_start3A_353 = arith.constant 3 : i32
    %dma_start3A_354 = arith.constant 24 : i32
    %dma_start3A_355 = arith.constant 0 : i32
    %dma_start3A_356 = tpu.memref_slice %arg6[%dma_start3A_354, %dma_start3A_355] : memref<48x2048xi32, #tpu.memory_space<vmem>> -> memref<8x2048xi32, #tpu.memory_space<vmem>>
    %dma_start3A_357 = arith.constant 0 : i32
    %dma_start3A_358 = tpu.memref_slice %arg4[%add3A_352, %dma_start3A_357] : memref<2048x2048xi32, #tpu.memory_space<hbm>> -> memref<8x2048xi32, #tpu.memory_space<hbm>>
    %dma_start3A_359 = tpu.memref_slice %arg8[%dma_start3A_353] : memref<6x!tpu.dma_semaphore, #tpu.memory_space<semaphore_mem>> -> memref<1x!tpu.dma_semaphore, #tpu.memory_space<semaphore_mem>>
    %dma_start3A_360 = tpu.memref_squeeze %dma_start3A_359 : memref<1x!tpu.dma_semaphore, #tpu.memory_space<semaphore_mem>> -> memref<!tpu.dma_semaphore, #tpu.memory_space<semaphore_mem>>
    %dma_start3A_361 = arith.constant 0 : i32
    %dma_start3A_362 = tpu.memref_slice %arg4[%add3A_352, %dma_start3A_361] : memref<2048x2048xi32, #tpu.memory_space<hbm>> -> memref<8x2048xi32, #tpu.memory_space<hbm>>
    %dma_start3A_363 = arith.constant 24 : i32
    %dma_start3A_364 = arith.constant 0 : i32
    %dma_start3A_365 = tpu.memref_slice %arg6[%dma_start3A_363, %dma_start3A_364] : memref<48x2048xi32, #tpu.memory_space<vmem>> -> memref<8x2048xi32, #tpu.memory_space<vmem>>
    tpu.enqueue_dma source(%dma_start3A_365 : memref<8x2048xi32, #tpu.memory_space<vmem>>) target(%dma_start3A_362 : memref<8x2048xi32, #tpu.memory_space<hbm>>) target_semaphore(%dma_start3A_360 : memref<!tpu.dma_semaphore, #tpu.memory_space<semaphore_mem>>)
    %mul3A_366 = arith.constant 64 : i32
    %mul3A_367 = arith.muli %add3A, %mul3A_366 : i32
    %add3A_368 = arith.constant 8 : i32
    %add3A_369 = arith.addi %mul3A_367, %add3A_368 : i32
    %dma_wait3A_370 = arith.constant 1 : i32
    %dma_wait3A_371 = arith.constant 8 : i32
    %dma_wait3A_372 = arith.constant 0 : i32
    %dma_wait3A_373 = tpu.memref_slice %arg6[%dma_wait3A_371, %dma_wait3A_372] : memref<48x2048xi32, #tpu.memory_space<vmem>> -> memref<8x2048xi32, #tpu.memory_space<vmem>>
    %dma_wait3A_374 = arith.constant 0 : i32
    %dma_wait3A_375 = tpu.memref_slice %arg4[%add3A_369, %dma_wait3A_374] : memref<2048x2048xi32, #tpu.memory_space<hbm>> -> memref<8x2048xi32, #tpu.memory_space<hbm>>
    %dma_wait3A_376 = tpu.memref_slice %arg8[%dma_wait3A_370] : memref<6x!tpu.dma_semaphore, #tpu.memory_space<semaphore_mem>> -> memref<1x!tpu.dma_semaphore, #tpu.memory_space<semaphore_mem>>
    %dma_wait3A_377 = tpu.memref_squeeze %dma_wait3A_376 : memref<1x!tpu.dma_semaphore, #tpu.memory_space<semaphore_mem>> -> memref<!tpu.dma_semaphore, #tpu.memory_space<semaphore_mem>>
    %dma_wait3A_378 = arith.constant 0 : i32
    %dma_wait3A_379 = tpu.memref_slice %arg4[%add3A_369, %dma_wait3A_378] : memref<2048x2048xi32, #tpu.memory_space<hbm>> -> memref<8x2048xi32, #tpu.memory_space<hbm>>
    %dma_wait3A_380 = arith.constant 8 : i32
    %dma_wait3A_381 = arith.constant 0 : i32
    %dma_wait3A_382 = tpu.memref_slice %arg6[%dma_wait3A_380, %dma_wait3A_381] : memref<48x2048xi32, #tpu.memory_space<vmem>> -> memref<8x2048xi32, #tpu.memory_space<vmem>>
    tpu.wait_dma2 semaphore(%dma_wait3A_377 : memref<!tpu.dma_semaphore, #tpu.memory_space<semaphore_mem>>) src(%dma_wait3A_382 : memref<8x2048xi32, #tpu.memory_space<vmem>>) dst(%dma_wait3A_379 : memref<8x2048xi32, #tpu.memory_space<hbm>>)
    %mul3A_383 = arith.constant 64 : i32
    %mul3A_384 = arith.muli %add3A, %mul3A_383 : i32
    %add3A_385 = arith.constant 56 : i32
    %add3A_386 = arith.addi %mul3A_384, %add3A_385 : i32
    %dma_start3A_387 = arith.constant 1 : i32
    %dma_start3A_388 = arith.constant 8 : i32
    %dma_start3A_389 = arith.constant 0 : i32
    %dma_start3A_390 = tpu.memref_slice %arg6[%dma_start3A_388, %dma_start3A_389] : memref<48x2048xi32, #tpu.memory_space<vmem>> -> memref<8x2048xi32, #tpu.memory_space<vmem>>
    %dma_start3A_391 = arith.constant 0 : i32
    %dma_start3A_392 = tpu.memref_slice %arg2[%add3A_386, %dma_start3A_391] : memref<2048x2048xi32, #tpu.memory_space<hbm>> -> memref<8x2048xi32, #tpu.memory_space<hbm>>
    %dma_start3A_393 = tpu.memref_slice %arg7[%dma_start3A_387] : memref<6x!tpu.dma_semaphore, #tpu.memory_space<semaphore_mem>> -> memref<1x!tpu.dma_semaphore, #tpu.memory_space<semaphore_mem>>
    %dma_start3A_394 = tpu.memref_squeeze %dma_start3A_393 : memref<1x!tpu.dma_semaphore, #tpu.memory_space<semaphore_mem>> -> memref<!tpu.dma_semaphore, #tpu.memory_space<semaphore_mem>>
    %dma_start3A_395 = arith.constant 8 : i32
    %dma_start3A_396 = arith.constant 0 : i32
    %dma_start3A_397 = tpu.memref_slice %arg6[%dma_start3A_395, %dma_start3A_396] : memref<48x2048xi32, #tpu.memory_space<vmem>> -> memref<8x2048xi32, #tpu.memory_space<vmem>>
    %dma_start3A_398 = arith.constant 0 : i32
    %dma_start3A_399 = tpu.memref_slice %arg2[%add3A_386, %dma_start3A_398] : memref<2048x2048xi32, #tpu.memory_space<hbm>> -> memref<8x2048xi32, #tpu.memory_space<hbm>>
    tpu.enqueue_dma source(%dma_start3A_399 : memref<8x2048xi32, #tpu.memory_space<hbm>>) target(%dma_start3A_397 : memref<8x2048xi32, #tpu.memory_space<vmem>>) target_semaphore(%dma_start3A_394 : memref<!tpu.dma_semaphore, #tpu.memory_space<semaphore_mem>>)
    %mul3A_400 = arith.constant 64 : i32
    %mul3A_401 = arith.muli %add3A, %mul3A_400 : i32
    %add3A_402 = arith.constant 32 : i32
    %add3A_403 = arith.addi %mul3A_401, %add3A_402 : i32
    %dma_wait3A_404 = arith.constant 4 : i32
    %dma_wait3A_405 = arith.constant 32 : i32
    %dma_wait3A_406 = arith.constant 0 : i32
    %dma_wait3A_407 = tpu.memref_slice %arg6[%dma_wait3A_405, %dma_wait3A_406] : memref<48x2048xi32, #tpu.memory_space<vmem>> -> memref<8x2048xi32, #tpu.memory_space<vmem>>
    %dma_wait3A_408 = arith.constant 0 : i32
    %dma_wait3A_409 = tpu.memref_slice %arg2[%add3A_403, %dma_wait3A_408] : memref<2048x2048xi32, #tpu.memory_space<hbm>> -> memref<8x2048xi32, #tpu.memory_space<hbm>>
    %dma_wait3A_410 = tpu.memref_slice %arg7[%dma_wait3A_404] : memref<6x!tpu.dma_semaphore, #tpu.memory_space<semaphore_mem>> -> memref<1x!tpu.dma_semaphore, #tpu.memory_space<semaphore_mem>>
    %dma_wait3A_411 = tpu.memref_squeeze %dma_wait3A_410 : memref<1x!tpu.dma_semaphore, #tpu.memory_space<semaphore_mem>> -> memref<!tpu.dma_semaphore, #tpu.memory_space<semaphore_mem>>
    %dma_wait3A_412 = arith.constant 32 : i32
    %dma_wait3A_413 = arith.constant 0 : i32
    %dma_wait3A_414 = tpu.memref_slice %arg6[%dma_wait3A_412, %dma_wait3A_413] : memref<48x2048xi32, #tpu.memory_space<vmem>> -> memref<8x2048xi32, #tpu.memory_space<vmem>>
    %dma_wait3A_415 = arith.constant 0 : i32
    %dma_wait3A_416 = tpu.memref_slice %arg2[%add3A_403, %dma_wait3A_415] : memref<2048x2048xi32, #tpu.memory_space<hbm>> -> memref<8x2048xi32, #tpu.memory_space<hbm>>
    tpu.wait_dma2 semaphore(%dma_wait3A_411 : memref<!tpu.dma_semaphore, #tpu.memory_space<semaphore_mem>>) src(%dma_wait3A_416 : memref<8x2048xi32, #tpu.memory_space<hbm>>) dst(%dma_wait3A_414 : memref<8x2048xi32, #tpu.memory_space<vmem>>)
    %parallel_loop3A_417 = arith.constant 0 : i32
    %parallel_loop3A_418 = arith.constant 2048 : i32
    %parallel_loop3A_419 = arith.constant 16 : i32
    scf.for %parallel_loop3A_734 = %parallel_loop3A_417 to %parallel_loop3A_418 step %parallel_loop3A_419  : i32 {
      %parallel_loop3A_735 = arith.constant 32 : i32
      %parallel_loop3A_736 = arith.index_cast %parallel_loop3A_735 : i32 to index
      %parallel_loop3A_737 = arith.index_cast %parallel_loop3A_734 : i32 to index
      %parallel_loop3A_738 = tpu.vector_load %arg6[%parallel_loop3A_736, %parallel_loop3A_737] {strides = array<i32>} : memref<48x2048xi32, #tpu.memory_space<vmem>>, vector<16xi32>,
      %parallel_loop3A_739 = tpu.vector_load_idx %arg5[%parallel_loop3A_738] : memref<128xi32, #tpu.memory_space<vmem>>[vector<16xi32>], vector<16xi32>,
      %parallel_loop3A_740 = arith.constant 32 : i32
      %parallel_loop3A_741 = arith.index_cast %parallel_loop3A_740 : i32 to index
      %parallel_loop3A_742 = arith.index_cast %parallel_loop3A_734 : i32 to index
      %parallel_loop3A_743 = tpu.vector_load %arg6[%parallel_loop3A_741, %parallel_loop3A_742] {strides = array<i32>} : memref<48x2048xi32, #tpu.memory_space<vmem>>, vector<16xi32>,
      tpu.vector_store %arg6[%parallel_loop3A_741, %parallel_loop3A_742], %parallel_loop3A_739 {strides = array<i32>} : memref<48x2048xi32, #tpu.memory_space<vmem>>, vector<16xi32>,
    } {sc.loop_unroll_factor = 8 : i64, sc.parallel_access}
    %parallel_loop3A_420 = arith.constant 0 : i32
    %parallel_loop3A_421 = arith.constant 2048 : i32
    %parallel_loop3A_422 = arith.constant 16 : i32
    scf.for %parallel_loop3A_734 = %parallel_loop3A_420 to %parallel_loop3A_421 step %parallel_loop3A_422  : i32 {
      %parallel_loop3A_735 = arith.constant 33 : i32
      %parallel_loop3A_736 = arith.index_cast %parallel_loop3A_735 : i32 to index
      %parallel_loop3A_737 = arith.index_cast %parallel_loop3A_734 : i32 to index
      %parallel_loop3A_738 = tpu.vector_load %arg6[%parallel_loop3A_736, %parallel_loop3A_737] {strides = array<i32>} : memref<48x2048xi32, #tpu.memory_space<vmem>>, vector<16xi32>,
      %parallel_loop3A_739 = tpu.vector_load_idx %arg5[%parallel_loop3A_738] : memref<128xi32, #tpu.memory_space<vmem>>[vector<16xi32>], vector<16xi32>,
      %parallel_loop3A_740 = arith.constant 33 : i32
      %parallel_loop3A_741 = arith.index_cast %parallel_loop3A_740 : i32 to index
      %parallel_loop3A_742 = arith.index_cast %parallel_loop3A_734 : i32 to index
      %parallel_loop3A_743 = tpu.vector_load %arg6[%parallel_loop3A_741, %parallel_loop3A_742] {strides = array<i32>} : memref<48x2048xi32, #tpu.memory_space<vmem>>, vector<16xi32>,
      tpu.vector_store %arg6[%parallel_loop3A_741, %parallel_loop3A_742], %parallel_loop3A_739 {strides = array<i32>} : memref<48x2048xi32, #tpu.memory_space<vmem>>, vector<16xi32>,
    } {sc.loop_unroll_factor = 8 : i64, sc.parallel_access}
    %parallel_loop3A_423 = arith.constant 0 : i32
    %parallel_loop3A_424 = arith.constant 2048 : i32
    %parallel_loop3A_425 = arith.constant 16 : i32
    scf.for %parallel_loop3A_734 = %parallel_loop3A_423 to %parallel_loop3A_424 step %parallel_loop3A_425  : i32 {
      %parallel_loop3A_735 = arith.constant 34 : i32
      %parallel_loop3A_736 = arith.index_cast %parallel_loop3A_735 : i32 to index
      %parallel_loop3A_737 = arith.index_cast %parallel_loop3A_734 : i32 to index
      %parallel_loop3A_738 = tpu.vector_load %arg6[%parallel_loop3A_736, %parallel_loop3A_737] {strides = array<i32>} : memref<48x2048xi32, #tpu.memory_space<vmem>>, vector<16xi32>,
      %parallel_loop3A_739 = tpu.vector_load_idx %arg5[%parallel_loop3A_738] : memref<128xi32, #tpu.memory_space<vmem>>[vector<16xi32>], vector<16xi32>,
      %parallel_loop3A_740 = arith.constant 34 : i32
      %parallel_loop3A_741 = arith.index_cast %parallel_loop3A_740 : i32 to index
      %parallel_loop3A_742 = arith.index_cast %parallel_loop3A_734 : i32 to index
      %parallel_loop3A_743 = tpu.vector_load %arg6[%parallel_loop3A_741, %parallel_loop3A_742] {strides = array<i32>} : memref<48x2048xi32, #tpu.memory_space<vmem>>, vector<16xi32>,
      tpu.vector_store %arg6[%parallel_loop3A_741, %parallel_loop3A_742], %parallel_loop3A_739 {strides = array<i32>} : memref<48x2048xi32, #tpu.memory_space<vmem>>, vector<16xi32>,
    } {sc.loop_unroll_factor = 8 : i64, sc.parallel_access}
    %parallel_loop3A_426 = arith.constant 0 : i32
    %parallel_loop3A_427 = arith.constant 2048 : i32
    %parallel_loop3A_428 = arith.constant 16 : i32
    scf.for %parallel_loop3A_734 = %parallel_loop3A_426 to %parallel_loop3A_427 step %parallel_loop3A_428  : i32 {
      %parallel_loop3A_735 = arith.constant 35 : i32
      %parallel_loop3A_736 = arith.index_cast %parallel_loop3A_735 : i32 to index
      %parallel_loop3A_737 = arith.index_cast %parallel_loop3A_734 : i32 to index
      %parallel_loop3A_738 = tpu.vector_load %arg6[%parallel_loop3A_736, %parallel_loop3A_737] {strides = array<i32>} : memref<48x2048xi32, #tpu.memory_space<vmem>>, vector<16xi32>,
      %parallel_loop3A_739 = tpu.vector_load_idx %arg5[%parallel_loop3A_738] : memref<128xi32, #tpu.memory_space<vmem>>[vector<16xi32>], vector<16xi32>,
      %parallel_loop3A_740 = arith.constant 35 : i32
      %parallel_loop3A_741 = arith.index_cast %parallel_loop3A_740 : i32 to index
      %parallel_loop3A_742 = arith.index_cast %parallel_loop3A_734 : i32 to index
      %parallel_loop3A_743 = tpu.vector_load %arg6[%parallel_loop3A_741, %parallel_loop3A_742] {strides = array<i32>} : memref<48x2048xi32, #tpu.memory_space<vmem>>, vector<16xi32>,
      tpu.vector_store %arg6[%parallel_loop3A_741, %parallel_loop3A_742], %parallel_loop3A_739 {strides = array<i32>} : memref<48x2048xi32, #tpu.memory_space<vmem>>, vector<16xi32>,
    } {sc.loop_unroll_factor = 8 : i64, sc.parallel_access}
    %parallel_loop3A_429 = arith.constant 0 : i32
    %parallel_loop3A_430 = arith.constant 2048 : i32
    %parallel_loop3A_431 = arith.constant 16 : i32
    scf.for %parallel_loop3A_734 = %parallel_loop3A_429 to %parallel_loop3A_430 step %parallel_loop3A_431  : i32 {
      %parallel_loop3A_735 = arith.constant 36 : i32
      %parallel_loop3A_736 = arith.index_cast %parallel_loop3A_735 : i32 to index
      %parallel_loop3A_737 = arith.index_cast %parallel_loop3A_734 : i32 to index
      %parallel_loop3A_738 = tpu.vector_load %arg6[%parallel_loop3A_736, %parallel_loop3A_737] {strides = array<i32>} : memref<48x2048xi32, #tpu.memory_space<vmem>>, vector<16xi32>,
      %parallel_loop3A_739 = tpu.vector_load_idx %arg5[%parallel_loop3A_738] : memref<128xi32, #tpu.memory_space<vmem>>[vector<16xi32>], vector<16xi32>,
      %parallel_loop3A_740 = arith.constant 36 : i32
      %parallel_loop3A_741 = arith.index_cast %parallel_loop3A_740 : i32 to index
      %parallel_loop3A_742 = arith.index_cast %parallel_loop3A_734 : i32 to index
      %parallel_loop3A_743 = tpu.vector_load %arg6[%parallel_loop3A_741, %parallel_loop3A_742] {strides = array<i32>} : memref<48x2048xi32, #tpu.memory_space<vmem>>, vector<16xi32>,
      tpu.vector_store %arg6[%parallel_loop3A_741, %parallel_loop3A_742], %parallel_loop3A_739 {strides = array<i32>} : memref<48x2048xi32, #tpu.memory_space<vmem>>, vector<16xi32>,
    } {sc.loop_unroll_factor = 8 : i64, sc.parallel_access}
    %parallel_loop3A_432 = arith.constant 0 : i32
    %parallel_loop3A_433 = arith.constant 2048 : i32
    %parallel_loop3A_434 = arith.constant 16 : i32
    scf.for %parallel_loop3A_734 = %parallel_loop3A_432 to %parallel_loop3A_433 step %parallel_loop3A_434  : i32 {
      %parallel_loop3A_735 = arith.constant 37 : i32
      %parallel_loop3A_736 = arith.index_cast %parallel_loop3A_735 : i32 to index
      %parallel_loop3A_737 = arith.index_cast %parallel_loop3A_734 : i32 to index
      %parallel_loop3A_738 = tpu.vector_load %arg6[%parallel_loop3A_736, %parallel_loop3A_737] {strides = array<i32>} : memref<48x2048xi32, #tpu.memory_space<vmem>>, vector<16xi32>,
      %parallel_loop3A_739 = tpu.vector_load_idx %arg5[%parallel_loop3A_738] : memref<128xi32, #tpu.memory_space<vmem>>[vector<16xi32>], vector<16xi32>,
      %parallel_loop3A_740 = arith.constant 37 : i32
      %parallel_loop3A_741 = arith.index_cast %parallel_loop3A_740 : i32 to index
      %parallel_loop3A_742 = arith.index_cast %parallel_loop3A_734 : i32 to index
      %parallel_loop3A_743 = tpu.vector_load %arg6[%parallel_loop3A_741, %parallel_loop3A_742] {strides = array<i32>} : memref<48x2048xi32, #tpu.memory_space<vmem>>, vector<16xi32>,
      tpu.vector_store %arg6[%parallel_loop3A_741, %parallel_loop3A_742], %parallel_loop3A_739 {strides = array<i32>} : memref<48x2048xi32, #tpu.memory_space<vmem>>, vector<16xi32>,
    } {sc.loop_unroll_factor = 8 : i64, sc.parallel_access}
    %parallel_loop3A_435 = arith.constant 0 : i32
    %parallel_loop3A_436 = arith.constant 2048 : i32
    %parallel_loop3A_437 = arith.constant 16 : i32
    scf.for %parallel_loop3A_734 = %parallel_loop3A_435 to %parallel_loop3A_436 step %parallel_loop3A_437  : i32 {
      %parallel_loop3A_735 = arith.constant 38 : i32
      %parallel_loop3A_736 = arith.index_cast %parallel_loop3A_735 : i32 to index
      %parallel_loop3A_737 = arith.index_cast %parallel_loop3A_734 : i32 to index
      %parallel_loop3A_738 = tpu.vector_load %arg6[%parallel_loop3A_736, %parallel_loop3A_737] {strides = array<i32>} : memref<48x2048xi32, #tpu.memory_space<vmem>>, vector<16xi32>,
      %parallel_loop3A_739 = tpu.vector_load_idx %arg5[%parallel_loop3A_738] : memref<128xi32, #tpu.memory_space<vmem>>[vector<16xi32>], vector<16xi32>,
      %parallel_loop3A_740 = arith.constant 38 : i32
      %parallel_loop3A_741 = arith.index_cast %parallel_loop3A_740 : i32 to index
      %parallel_loop3A_742 = arith.index_cast %parallel_loop3A_734 : i32 to index
      %parallel_loop3A_743 = tpu.vector_load %arg6[%parallel_loop3A_741, %parallel_loop3A_742] {strides = array<i32>} : memref<48x2048xi32, #tpu.memory_space<vmem>>, vector<16xi32>,
      tpu.vector_store %arg6[%parallel_loop3A_741, %parallel_loop3A_742], %parallel_loop3A_739 {strides = array<i32>} : memref<48x2048xi32, #tpu.memory_space<vmem>>, vector<16xi32>,
    } {sc.loop_unroll_factor = 8 : i64, sc.parallel_access}
    %parallel_loop3A_438 = arith.constant 0 : i32
    %parallel_loop3A_439 = arith.constant 2048 : i32
    %parallel_loop3A_440 = arith.constant 16 : i32
    scf.for %parallel_loop3A_734 = %parallel_loop3A_438 to %parallel_loop3A_439 step %parallel_loop3A_440  : i32 {
      %parallel_loop3A_735 = arith.constant 39 : i32
      %parallel_loop3A_736 = arith.index_cast %parallel_loop3A_735 : i32 to index
      %parallel_loop3A_737 = arith.index_cast %parallel_loop3A_734 : i32 to index
      %parallel_loop3A_738 = tpu.vector_load %arg6[%parallel_loop3A_736, %parallel_loop3A_737] {strides = array<i32>} : memref<48x2048xi32, #tpu.memory_space<vmem>>, vector<16xi32>,
      %parallel_loop3A_739 = tpu.vector_load_idx %arg5[%parallel_loop3A_738] : memref<128xi32, #tpu.memory_space<vmem>>[vector<16xi32>], vector<16xi32>,
      %parallel_loop3A_740 = arith.constant 39 : i32
      %parallel_loop3A_741 = arith.index_cast %parallel_loop3A_740 : i32 to index
      %parallel_loop3A_742 = arith.index_cast %parallel_loop3A_734 : i32 to index
      %parallel_loop3A_743 = tpu.vector_load %arg6[%parallel_loop3A_741, %parallel_loop3A_742] {strides = array<i32>} : memref<48x2048xi32, #tpu.memory_space<vmem>>, vector<16xi32>,
      tpu.vector_store %arg6[%parallel_loop3A_741, %parallel_loop3A_742], %parallel_loop3A_739 {strides = array<i32>} : memref<48x2048xi32, #tpu.memory_space<vmem>>, vector<16xi32>,
    } {sc.loop_unroll_factor = 8 : i64, sc.parallel_access}
    %mul3A_441 = arith.constant 64 : i32
    %mul3A_442 = arith.muli %add3A, %mul3A_441 : i32
    %add3A_443 = arith.constant 32 : i32
    %add3A_444 = arith.addi %mul3A_442, %add3A_443 : i32
    %dma_start3A_445 = arith.constant 4 : i32
    %dma_start3A_446 = arith.constant 32 : i32
    %dma_start3A_447 = arith.constant 0 : i32
    %dma_start3A_448 = tpu.memref_slice %arg6[%dma_start3A_446, %dma_start3A_447] : memref<48x2048xi32, #tpu.memory_space<vmem>> -> memref<8x2048xi32, #tpu.memory_space<vmem>>
    %dma_start3A_449 = arith.constant 0 : i32
    %dma_start3A_450 = tpu.memref_slice %arg4[%add3A_444, %dma_start3A_449] : memref<2048x2048xi32, #tpu.memory_space<hbm>> -> memref<8x2048xi32, #tpu.memory_space<hbm>>
    %dma_start3A_451 = tpu.memref_slice %arg8[%dma_start3A_445] : memref<6x!tpu.dma_semaphore, #tpu.memory_space<semaphore_mem>> -> memref<1x!tpu.dma_semaphore, #tpu.memory_space<semaphore_mem>>
    %dma_start3A_452 = tpu.memref_squeeze %dma_start3A_451 : memref<1x!tpu.dma_semaphore, #tpu.memory_space<semaphore_mem>> -> memref<!tpu.dma_semaphore, #tpu.memory_space<semaphore_mem>>
    %dma_start3A_453 = arith.constant 0 : i32
    %dma_start3A_454 = tpu.memref_slice %arg4[%add3A_444, %dma_start3A_453] : memref<2048x2048xi32, #tpu.memory_space<hbm>> -> memref<8x2048xi32, #tpu.memory_space<hbm>>
    %dma_start3A_455 = arith.constant 32 : i32
    %dma_start3A_456 = arith.constant 0 : i32
    %dma_start3A_457 = tpu.memref_slice %arg6[%dma_start3A_455, %dma_start3A_456] : memref<48x2048xi32, #tpu.memory_space<vmem>> -> memref<8x2048xi32, #tpu.memory_space<vmem>>
    tpu.enqueue_dma source(%dma_start3A_457 : memref<8x2048xi32, #tpu.memory_space<vmem>>) target(%dma_start3A_454 : memref<8x2048xi32, #tpu.memory_space<hbm>>) target_semaphore(%dma_start3A_452 : memref<!tpu.dma_semaphore, #tpu.memory_space<semaphore_mem>>)
    %mul3A_458 = arith.constant 64 : i32
    %mul3A_459 = arith.muli %add3A, %mul3A_458 : i32
    %add3A_460 = arith.constant 40 : i32
    %add3A_461 = arith.addi %mul3A_459, %add3A_460 : i32
    %dma_wait3A_462 = arith.constant 5 : i32
    %dma_wait3A_463 = arith.constant 40 : i32
    %dma_wait3A_464 = arith.constant 0 : i32
    %dma_wait3A_465 = tpu.memref_slice %arg6[%dma_wait3A_463, %dma_wait3A_464] : memref<48x2048xi32, #tpu.memory_space<vmem>> -> memref<8x2048xi32, #tpu.memory_space<vmem>>
    %dma_wait3A_466 = arith.constant 0 : i32
    %dma_wait3A_467 = tpu.memref_slice %arg2[%add3A_461, %dma_wait3A_466] : memref<2048x2048xi32, #tpu.memory_space<hbm>> -> memref<8x2048xi32, #tpu.memory_space<hbm>>
    %dma_wait3A_468 = tpu.memref_slice %arg7[%dma_wait3A_462] : memref<6x!tpu.dma_semaphore, #tpu.memory_space<semaphore_mem>> -> memref<1x!tpu.dma_semaphore, #tpu.memory_space<semaphore_mem>>
    %dma_wait3A_469 = tpu.memref_squeeze %dma_wait3A_468 : memref<1x!tpu.dma_semaphore, #tpu.memory_space<semaphore_mem>> -> memref<!tpu.dma_semaphore, #tpu.memory_space<semaphore_mem>>
    %dma_wait3A_470 = arith.constant 40 : i32
    %dma_wait3A_471 = arith.constant 0 : i32
    %dma_wait3A_472 = tpu.memref_slice %arg6[%dma_wait3A_470, %dma_wait3A_471] : memref<48x2048xi32, #tpu.memory_space<vmem>> -> memref<8x2048xi32, #tpu.memory_space<vmem>>
    %dma_wait3A_473 = arith.constant 0 : i32
    %dma_wait3A_474 = tpu.memref_slice %arg2[%add3A_461, %dma_wait3A_473] : memref<2048x2048xi32, #tpu.memory_space<hbm>> -> memref<8x2048xi32, #tpu.memory_space<hbm>>
    tpu.wait_dma2 semaphore(%dma_wait3A_469 : memref<!tpu.dma_semaphore, #tpu.memory_space<semaphore_mem>>) src(%dma_wait3A_474 : memref<8x2048xi32, #tpu.memory_space<hbm>>) dst(%dma_wait3A_472 : memref<8x2048xi32, #tpu.memory_space<vmem>>)
    %parallel_loop3A_475 = arith.constant 0 : i32
    %parallel_loop3A_476 = arith.constant 2048 : i32
    %parallel_loop3A_477 = arith.constant 16 : i32
    scf.for %parallel_loop3A_734 = %parallel_loop3A_475 to %parallel_loop3A_476 step %parallel_loop3A_477  : i32 {
      %parallel_loop3A_735 = arith.constant 40 : i32
      %parallel_loop3A_736 = arith.index_cast %parallel_loop3A_735 : i32 to index
      %parallel_loop3A_737 = arith.index_cast %parallel_loop3A_734 : i32 to index
      %parallel_loop3A_738 = tpu.vector_load %arg6[%parallel_loop3A_736, %parallel_loop3A_737] {strides = array<i32>} : memref<48x2048xi32, #tpu.memory_space<vmem>>, vector<16xi32>,
      %parallel_loop3A_739 = tpu.vector_load_idx %arg5[%parallel_loop3A_738] : memref<128xi32, #tpu.memory_space<vmem>>[vector<16xi32>], vector<16xi32>,
      %parallel_loop3A_740 = arith.constant 40 : i32
      %parallel_loop3A_741 = arith.index_cast %parallel_loop3A_740 : i32 to index
      %parallel_loop3A_742 = arith.index_cast %parallel_loop3A_734 : i32 to index
      %parallel_loop3A_743 = tpu.vector_load %arg6[%parallel_loop3A_741, %parallel_loop3A_742] {strides = array<i32>} : memref<48x2048xi32, #tpu.memory_space<vmem>>, vector<16xi32>,
      tpu.vector_store %arg6[%parallel_loop3A_741, %parallel_loop3A_742], %parallel_loop3A_739 {strides = array<i32>} : memref<48x2048xi32, #tpu.memory_space<vmem>>, vector<16xi32>,
    } {sc.loop_unroll_factor = 8 : i64, sc.parallel_access}
    %parallel_loop3A_478 = arith.constant 0 : i32
    %parallel_loop3A_479 = arith.constant 2048 : i32
    %parallel_loop3A_480 = arith.constant 16 : i32
    scf.for %parallel_loop3A_734 = %parallel_loop3A_478 to %parallel_loop3A_479 step %parallel_loop3A_480  : i32 {
      %parallel_loop3A_735 = arith.constant 41 : i32
      %parallel_loop3A_736 = arith.index_cast %parallel_loop3A_735 : i32 to index
      %parallel_loop3A_737 = arith.index_cast %parallel_loop3A_734 : i32 to index
      %parallel_loop3A_738 = tpu.vector_load %arg6[%parallel_loop3A_736, %parallel_loop3A_737] {strides = array<i32>} : memref<48x2048xi32, #tpu.memory_space<vmem>>, vector<16xi32>,
      %parallel_loop3A_739 = tpu.vector_load_idx %arg5[%parallel_loop3A_738] : memref<128xi32, #tpu.memory_space<vmem>>[vector<16xi32>], vector<16xi32>,
      %parallel_loop3A_740 = arith.constant 41 : i32
      %parallel_loop3A_741 = arith.index_cast %parallel_loop3A_740 : i32 to index
      %parallel_loop3A_742 = arith.index_cast %parallel_loop3A_734 : i32 to index
      %parallel_loop3A_743 = tpu.vector_load %arg6[%parallel_loop3A_741, %parallel_loop3A_742] {strides = array<i32>} : memref<48x2048xi32, #tpu.memory_space<vmem>>, vector<16xi32>,
      tpu.vector_store %arg6[%parallel_loop3A_741, %parallel_loop3A_742], %parallel_loop3A_739 {strides = array<i32>} : memref<48x2048xi32, #tpu.memory_space<vmem>>, vector<16xi32>,
    } {sc.loop_unroll_factor = 8 : i64, sc.parallel_access}
    %parallel_loop3A_481 = arith.constant 0 : i32
    %parallel_loop3A_482 = arith.constant 2048 : i32
    %parallel_loop3A_483 = arith.constant 16 : i32
    scf.for %parallel_loop3A_734 = %parallel_loop3A_481 to %parallel_loop3A_482 step %parallel_loop3A_483  : i32 {
      %parallel_loop3A_735 = arith.constant 42 : i32
      %parallel_loop3A_736 = arith.index_cast %parallel_loop3A_735 : i32 to index
      %parallel_loop3A_737 = arith.index_cast %parallel_loop3A_734 : i32 to index
      %parallel_loop3A_738 = tpu.vector_load %arg6[%parallel_loop3A_736, %parallel_loop3A_737] {strides = array<i32>} : memref<48x2048xi32, #tpu.memory_space<vmem>>, vector<16xi32>,
      %parallel_loop3A_739 = tpu.vector_load_idx %arg5[%parallel_loop3A_738] : memref<128xi32, #tpu.memory_space<vmem>>[vector<16xi32>], vector<16xi32>,
      %parallel_loop3A_740 = arith.constant 42 : i32
      %parallel_loop3A_741 = arith.index_cast %parallel_loop3A_740 : i32 to index
      %parallel_loop3A_742 = arith.index_cast %parallel_loop3A_734 : i32 to index
      %parallel_loop3A_743 = tpu.vector_load %arg6[%parallel_loop3A_741, %parallel_loop3A_742] {strides = array<i32>} : memref<48x2048xi32, #tpu.memory_space<vmem>>, vector<16xi32>,
      tpu.vector_store %arg6[%parallel_loop3A_741, %parallel_loop3A_742], %parallel_loop3A_739 {strides = array<i32>} : memref<48x2048xi32, #tpu.memory_space<vmem>>, vector<16xi32>,
    } {sc.loop_unroll_factor = 8 : i64, sc.parallel_access}
    %parallel_loop3A_484 = arith.constant 0 : i32
    %parallel_loop3A_485 = arith.constant 2048 : i32
    %parallel_loop3A_486 = arith.constant 16 : i32
    scf.for %parallel_loop3A_734 = %parallel_loop3A_484 to %parallel_loop3A_485 step %parallel_loop3A_486  : i32 {
      %parallel_loop3A_735 = arith.constant 43 : i32
      %parallel_loop3A_736 = arith.index_cast %parallel_loop3A_735 : i32 to index
      %parallel_loop3A_737 = arith.index_cast %parallel_loop3A_734 : i32 to index
      %parallel_loop3A_738 = tpu.vector_load %arg6[%parallel_loop3A_736, %parallel_loop3A_737] {strides = array<i32>} : memref<48x2048xi32, #tpu.memory_space<vmem>>, vector<16xi32>,
      %parallel_loop3A_739 = tpu.vector_load_idx %arg5[%parallel_loop3A_738] : memref<128xi32, #tpu.memory_space<vmem>>[vector<16xi32>], vector<16xi32>,
      %parallel_loop3A_740 = arith.constant 43 : i32
      %parallel_loop3A_741 = arith.index_cast %parallel_loop3A_740 : i32 to index
      %parallel_loop3A_742 = arith.index_cast %parallel_loop3A_734 : i32 to index
      %parallel_loop3A_743 = tpu.vector_load %arg6[%parallel_loop3A_741, %parallel_loop3A_742] {strides = array<i32>} : memref<48x2048xi32, #tpu.memory_space<vmem>>, vector<16xi32>,
      tpu.vector_store %arg6[%parallel_loop3A_741, %parallel_loop3A_742], %parallel_loop3A_739 {strides = array<i32>} : memref<48x2048xi32, #tpu.memory_space<vmem>>, vector<16xi32>,
    } {sc.loop_unroll_factor = 8 : i64, sc.parallel_access}
    %parallel_loop3A_487 = arith.constant 0 : i32
    %parallel_loop3A_488 = arith.constant 2048 : i32
    %parallel_loop3A_489 = arith.constant 16 : i32
    scf.for %parallel_loop3A_734 = %parallel_loop3A_487 to %parallel_loop3A_488 step %parallel_loop3A_489  : i32 {
      %parallel_loop3A_735 = arith.constant 44 : i32
      %parallel_loop3A_736 = arith.index_cast %parallel_loop3A_735 : i32 to index
      %parallel_loop3A_737 = arith.index_cast %parallel_loop3A_734 : i32 to index
      %parallel_loop3A_738 = tpu.vector_load %arg6[%parallel_loop3A_736, %parallel_loop3A_737] {strides = array<i32>} : memref<48x2048xi32, #tpu.memory_space<vmem>>, vector<16xi32>,
      %parallel_loop3A_739 = tpu.vector_load_idx %arg5[%parallel_loop3A_738] : memref<128xi32, #tpu.memory_space<vmem>>[vector<16xi32>], vector<16xi32>,
      %parallel_loop3A_740 = arith.constant 44 : i32
      %parallel_loop3A_741 = arith.index_cast %parallel_loop3A_740 : i32 to index
      %parallel_loop3A_742 = arith.index_cast %parallel_loop3A_734 : i32 to index
      %parallel_loop3A_743 = tpu.vector_load %arg6[%parallel_loop3A_741, %parallel_loop3A_742] {strides = array<i32>} : memref<48x2048xi32, #tpu.memory_space<vmem>>, vector<16xi32>,
      tpu.vector_store %arg6[%parallel_loop3A_741, %parallel_loop3A_742], %parallel_loop3A_739 {strides = array<i32>} : memref<48x2048xi32, #tpu.memory_space<vmem>>, vector<16xi32>,
    } {sc.loop_unroll_factor = 8 : i64, sc.parallel_access}
    %parallel_loop3A_490 = arith.constant 0 : i32
    %parallel_loop3A_491 = arith.constant 2048 : i32
    %parallel_loop3A_492 = arith.constant 16 : i32
    scf.for %parallel_loop3A_734 = %parallel_loop3A_490 to %parallel_loop3A_491 step %parallel_loop3A_492  : i32 {
      %parallel_loop3A_735 = arith.constant 45 : i32
      %parallel_loop3A_736 = arith.index_cast %parallel_loop3A_735 : i32 to index
      %parallel_loop3A_737 = arith.index_cast %parallel_loop3A_734 : i32 to index
      %parallel_loop3A_738 = tpu.vector_load %arg6[%parallel_loop3A_736, %parallel_loop3A_737] {strides = array<i32>} : memref<48x2048xi32, #tpu.memory_space<vmem>>, vector<16xi32>,
      %parallel_loop3A_739 = tpu.vector_load_idx %arg5[%parallel_loop3A_738] : memref<128xi32, #tpu.memory_space<vmem>>[vector<16xi32>], vector<16xi32>,
      %parallel_loop3A_740 = arith.constant 45 : i32
      %parallel_loop3A_741 = arith.index_cast %parallel_loop3A_740 : i32 to index
      %parallel_loop3A_742 = arith.index_cast %parallel_loop3A_734 : i32 to index
      %parallel_loop3A_743 = tpu.vector_load %arg6[%parallel_loop3A_741, %parallel_loop3A_742] {strides = array<i32>} : memref<48x2048xi32, #tpu.memory_space<vmem>>, vector<16xi32>,
      tpu.vector_store %arg6[%parallel_loop3A_741, %parallel_loop3A_742], %parallel_loop3A_739 {strides = array<i32>} : memref<48x2048xi32, #tpu.memory_space<vmem>>, vector<16xi32>,
    } {sc.loop_unroll_factor = 8 : i64, sc.parallel_access}
    %parallel_loop3A_493 = arith.constant 0 : i32
    %parallel_loop3A_494 = arith.constant 2048 : i32
    %parallel_loop3A_495 = arith.constant 16 : i32
    scf.for %parallel_loop3A_734 = %parallel_loop3A_493 to %parallel_loop3A_494 step %parallel_loop3A_495  : i32 {
      %parallel_loop3A_735 = arith.constant 46 : i32
      %parallel_loop3A_736 = arith.index_cast %parallel_loop3A_735 : i32 to index
      %parallel_loop3A_737 = arith.index_cast %parallel_loop3A_734 : i32 to index
      %parallel_loop3A_738 = tpu.vector_load %arg6[%parallel_loop3A_736, %parallel_loop3A_737] {strides = array<i32>} : memref<48x2048xi32, #tpu.memory_space<vmem>>, vector<16xi32>,
      %parallel_loop3A_739 = tpu.vector_load_idx %arg5[%parallel_loop3A_738] : memref<128xi32, #tpu.memory_space<vmem>>[vector<16xi32>], vector<16xi32>,
      %parallel_loop3A_740 = arith.constant 46 : i32
      %parallel_loop3A_741 = arith.index_cast %parallel_loop3A_740 : i32 to index
      %parallel_loop3A_742 = arith.index_cast %parallel_loop3A_734 : i32 to index
      %parallel_loop3A_743 = tpu.vector_load %arg6[%parallel_loop3A_741, %parallel_loop3A_742] {strides = array<i32>} : memref<48x2048xi32, #tpu.memory_space<vmem>>, vector<16xi32>,
      tpu.vector_store %arg6[%parallel_loop3A_741, %parallel_loop3A_742], %parallel_loop3A_739 {strides = array<i32>} : memref<48x2048xi32, #tpu.memory_space<vmem>>, vector<16xi32>,
    } {sc.loop_unroll_factor = 8 : i64, sc.parallel_access}
    %parallel_loop3A_496 = arith.constant 0 : i32
    %parallel_loop3A_497 = arith.constant 2048 : i32
    %parallel_loop3A_498 = arith.constant 16 : i32
    scf.for %parallel_loop3A_734 = %parallel_loop3A_496 to %parallel_loop3A_497 step %parallel_loop3A_498  : i32 {
      %parallel_loop3A_735 = arith.constant 47 : i32
      %parallel_loop3A_736 = arith.index_cast %parallel_loop3A_735 : i32 to index
      %parallel_loop3A_737 = arith.index_cast %parallel_loop3A_734 : i32 to index
      %parallel_loop3A_738 = tpu.vector_load %arg6[%parallel_loop3A_736, %parallel_loop3A_737] {strides = array<i32>} : memref<48x2048xi32, #tpu.memory_space<vmem>>, vector<16xi32>,
      %parallel_loop3A_739 = tpu.vector_load_idx %arg5[%parallel_loop3A_738] : memref<128xi32, #tpu.memory_space<vmem>>[vector<16xi32>], vector<16xi32>,
      %parallel_loop3A_740 = arith.constant 47 : i32
      %parallel_loop3A_741 = arith.index_cast %parallel_loop3A_740 : i32 to index
      %parallel_loop3A_742 = arith.index_cast %parallel_loop3A_734 : i32 to index
      %parallel_loop3A_743 = tpu.vector_load %arg6[%parallel_loop3A_741, %parallel_loop3A_742] {strides = array<i32>} : memref<48x2048xi32, #tpu.memory_space<vmem>>, vector<16xi32>,
      tpu.vector_store %arg6[%parallel_loop3A_741, %parallel_loop3A_742], %parallel_loop3A_739 {strides = array<i32>} : memref<48x2048xi32, #tpu.memory_space<vmem>>, vector<16xi32>,
    } {sc.loop_unroll_factor = 8 : i64, sc.parallel_access}
    %mul3A_499 = arith.constant 64 : i32
    %mul3A_500 = arith.muli %add3A, %mul3A_499 : i32
    %add3A_501 = arith.constant 40 : i32
    %add3A_502 = arith.addi %mul3A_500, %add3A_501 : i32
    %dma_start3A_503 = arith.constant 5 : i32
    %dma_start3A_504 = arith.constant 40 : i32
    %dma_start3A_505 = arith.constant 0 : i32
    %dma_start3A_506 = tpu.memref_slice %arg6[%dma_start3A_504, %dma_start3A_505] : memref<48x2048xi32, #tpu.memory_space<vmem>> -> memref<8x2048xi32, #tpu.memory_space<vmem>>
    %dma_start3A_507 = arith.constant 0 : i32
    %dma_start3A_508 = tpu.memref_slice %arg4[%add3A_502, %dma_start3A_507] : memref<2048x2048xi32, #tpu.memory_space<hbm>> -> memref<8x2048xi32, #tpu.memory_space<hbm>>
    %dma_start3A_509 = tpu.memref_slice %arg8[%dma_start3A_503] : memref<6x!tpu.dma_semaphore, #tpu.memory_space<semaphore_mem>> -> memref<1x!tpu.dma_semaphore, #tpu.memory_space<semaphore_mem>>
    %dma_start3A_510 = tpu.memref_squeeze %dma_start3A_509 : memref<1x!tpu.dma_semaphore, #tpu.memory_space<semaphore_mem>> -> memref<!tpu.dma_semaphore, #tpu.memory_space<semaphore_mem>>
    %dma_start3A_511 = arith.constant 0 : i32
    %dma_start3A_512 = tpu.memref_slice %arg4[%add3A_502, %dma_start3A_511] : memref<2048x2048xi32, #tpu.memory_space<hbm>> -> memref<8x2048xi32, #tpu.memory_space<hbm>>
    %dma_start3A_513 = arith.constant 40 : i32
    %dma_start3A_514 = arith.constant 0 : i32
    %dma_start3A_515 = tpu.memref_slice %arg6[%dma_start3A_513, %dma_start3A_514] : memref<48x2048xi32, #tpu.memory_space<vmem>> -> memref<8x2048xi32, #tpu.memory_space<vmem>>
    tpu.enqueue_dma source(%dma_start3A_515 : memref<8x2048xi32, #tpu.memory_space<vmem>>) target(%dma_start3A_512 : memref<8x2048xi32, #tpu.memory_space<hbm>>) target_semaphore(%dma_start3A_510 : memref<!tpu.dma_semaphore, #tpu.memory_space<semaphore_mem>>)
    %mul3A_516 = arith.constant 64 : i32
    %mul3A_517 = arith.muli %add3A, %mul3A_516 : i32
    %add3A_518 = arith.constant 48 : i32
    %add3A_519 = arith.addi %mul3A_517, %add3A_518 : i32
    %dma_wait3A_520 = arith.constant 0 : i32
    %dma_wait3A_521 = arith.constant 0 : i32
    %dma_wait3A_522 = arith.constant 0 : i32
    %dma_wait3A_523 = tpu.memref_slice %arg6[%dma_wait3A_521, %dma_wait3A_522] : memref<48x2048xi32, #tpu.memory_space<vmem>> -> memref<8x2048xi32, #tpu.memory_space<vmem>>
    %dma_wait3A_524 = arith.constant 0 : i32
    %dma_wait3A_525 = tpu.memref_slice %arg2[%add3A_519, %dma_wait3A_524] : memref<2048x2048xi32, #tpu.memory_space<hbm>> -> memref<8x2048xi32, #tpu.memory_space<hbm>>
    %dma_wait3A_526 = tpu.memref_slice %arg7[%dma_wait3A_520] : memref<6x!tpu.dma_semaphore, #tpu.memory_space<semaphore_mem>> -> memref<1x!tpu.dma_semaphore, #tpu.memory_space<semaphore_mem>>
    %dma_wait3A_527 = tpu.memref_squeeze %dma_wait3A_526 : memref<1x!tpu.dma_semaphore, #tpu.memory_space<semaphore_mem>> -> memref<!tpu.dma_semaphore, #tpu.memory_space<semaphore_mem>>
    %dma_wait3A_528 = arith.constant 0 : i32
    %dma_wait3A_529 = arith.constant 0 : i32
    %dma_wait3A_530 = tpu.memref_slice %arg6[%dma_wait3A_528, %dma_wait3A_529] : memref<48x2048xi32, #tpu.memory_space<vmem>> -> memref<8x2048xi32, #tpu.memory_space<vmem>>
    %dma_wait3A_531 = arith.constant 0 : i32
    %dma_wait3A_532 = tpu.memref_slice %arg2[%add3A_519, %dma_wait3A_531] : memref<2048x2048xi32, #tpu.memory_space<hbm>> -> memref<8x2048xi32, #tpu.memory_space<hbm>>
    tpu.wait_dma2 semaphore(%dma_wait3A_527 : memref<!tpu.dma_semaphore, #tpu.memory_space<semaphore_mem>>) src(%dma_wait3A_532 : memref<8x2048xi32, #tpu.memory_space<hbm>>) dst(%dma_wait3A_530 : memref<8x2048xi32, #tpu.memory_space<vmem>>)
    %parallel_loop3A_533 = arith.constant 0 : i32
    %parallel_loop3A_534 = arith.constant 2048 : i32
    %parallel_loop3A_535 = arith.constant 16 : i32
    scf.for %parallel_loop3A_734 = %parallel_loop3A_533 to %parallel_loop3A_534 step %parallel_loop3A_535  : i32 {
      %parallel_loop3A_735 = arith.constant 0 : i32
      %parallel_loop3A_736 = arith.index_cast %parallel_loop3A_735 : i32 to index
      %parallel_loop3A_737 = arith.index_cast %parallel_loop3A_734 : i32 to index
      %parallel_loop3A_738 = tpu.vector_load %arg6[%parallel_loop3A_736, %parallel_loop3A_737] {strides = array<i32>} : memref<48x2048xi32, #tpu.memory_space<vmem>>, vector<16xi32>,
      %parallel_loop3A_739 = tpu.vector_load_idx %arg5[%parallel_loop3A_738] : memref<128xi32, #tpu.memory_space<vmem>>[vector<16xi32>], vector<16xi32>,
      %parallel_loop3A_740 = arith.constant 0 : i32
      %parallel_loop3A_741 = arith.index_cast %parallel_loop3A_740 : i32 to index
      %parallel_loop3A_742 = arith.index_cast %parallel_loop3A_734 : i32 to index
      %parallel_loop3A_743 = tpu.vector_load %arg6[%parallel_loop3A_741, %parallel_loop3A_742] {strides = array<i32>} : memref<48x2048xi32, #tpu.memory_space<vmem>>, vector<16xi32>,
      tpu.vector_store %arg6[%parallel_loop3A_741, %parallel_loop3A_742], %parallel_loop3A_739 {strides = array<i32>} : memref<48x2048xi32, #tpu.memory_space<vmem>>, vector<16xi32>,
    } {sc.loop_unroll_factor = 8 : i64, sc.parallel_access}
    %parallel_loop3A_536 = arith.constant 0 : i32
    %parallel_loop3A_537 = arith.constant 2048 : i32
    %parallel_loop3A_538 = arith.constant 16 : i32
    scf.for %parallel_loop3A_734 = %parallel_loop3A_536 to %parallel_loop3A_537 step %parallel_loop3A_538  : i32 {
      %parallel_loop3A_735 = arith.constant 1 : i32
      %parallel_loop3A_736 = arith.index_cast %parallel_loop3A_735 : i32 to index
      %parallel_loop3A_737 = arith.index_cast %parallel_loop3A_734 : i32 to index
      %parallel_loop3A_738 = tpu.vector_load %arg6[%parallel_loop3A_736, %parallel_loop3A_737] {strides = array<i32>} : memref<48x2048xi32, #tpu.memory_space<vmem>>, vector<16xi32>,
      %parallel_loop3A_739 = tpu.vector_load_idx %arg5[%parallel_loop3A_738] : memref<128xi32, #tpu.memory_space<vmem>>[vector<16xi32>], vector<16xi32>,
      %parallel_loop3A_740 = arith.constant 1 : i32
      %parallel_loop3A_741 = arith.index_cast %parallel_loop3A_740 : i32 to index
      %parallel_loop3A_742 = arith.index_cast %parallel_loop3A_734 : i32 to index
      %parallel_loop3A_743 = tpu.vector_load %arg6[%parallel_loop3A_741, %parallel_loop3A_742] {strides = array<i32>} : memref<48x2048xi32, #tpu.memory_space<vmem>>, vector<16xi32>,
      tpu.vector_store %arg6[%parallel_loop3A_741, %parallel_loop3A_742], %parallel_loop3A_739 {strides = array<i32>} : memref<48x2048xi32, #tpu.memory_space<vmem>>, vector<16xi32>,
    } {sc.loop_unroll_factor = 8 : i64, sc.parallel_access}
    %parallel_loop3A_539 = arith.constant 0 : i32
    %parallel_loop3A_540 = arith.constant 2048 : i32
    %parallel_loop3A_541 = arith.constant 16 : i32
    scf.for %parallel_loop3A_734 = %parallel_loop3A_539 to %parallel_loop3A_540 step %parallel_loop3A_541  : i32 {
      %parallel_loop3A_735 = arith.constant 2 : i32
      %parallel_loop3A_736 = arith.index_cast %parallel_loop3A_735 : i32 to index
      %parallel_loop3A_737 = arith.index_cast %parallel_loop3A_734 : i32 to index
      %parallel_loop3A_738 = tpu.vector_load %arg6[%parallel_loop3A_736, %parallel_loop3A_737] {strides = array<i32>} : memref<48x2048xi32, #tpu.memory_space<vmem>>, vector<16xi32>,
      %parallel_loop3A_739 = tpu.vector_load_idx %arg5[%parallel_loop3A_738] : memref<128xi32, #tpu.memory_space<vmem>>[vector<16xi32>], vector<16xi32>,
      %parallel_loop3A_740 = arith.constant 2 : i32
      %parallel_loop3A_741 = arith.index_cast %parallel_loop3A_740 : i32 to index
      %parallel_loop3A_742 = arith.index_cast %parallel_loop3A_734 : i32 to index
      %parallel_loop3A_743 = tpu.vector_load %arg6[%parallel_loop3A_741, %parallel_loop3A_742] {strides = array<i32>} : memref<48x2048xi32, #tpu.memory_space<vmem>>, vector<16xi32>,
      tpu.vector_store %arg6[%parallel_loop3A_741, %parallel_loop3A_742], %parallel_loop3A_739 {strides = array<i32>} : memref<48x2048xi32, #tpu.memory_space<vmem>>, vector<16xi32>,
    } {sc.loop_unroll_factor = 8 : i64, sc.parallel_access}
    %parallel_loop3A_542 = arith.constant 0 : i32
    %parallel_loop3A_543 = arith.constant 2048 : i32
    %parallel_loop3A_544 = arith.constant 16 : i32
    scf.for %parallel_loop3A_734 = %parallel_loop3A_542 to %parallel_loop3A_543 step %parallel_loop3A_544  : i32 {
      %parallel_loop3A_735 = arith.constant 3 : i32
      %parallel_loop3A_736 = arith.index_cast %parallel_loop3A_735 : i32 to index
      %parallel_loop3A_737 = arith.index_cast %parallel_loop3A_734 : i32 to index
      %parallel_loop3A_738 = tpu.vector_load %arg6[%parallel_loop3A_736, %parallel_loop3A_737] {strides = array<i32>} : memref<48x2048xi32, #tpu.memory_space<vmem>>, vector<16xi32>,
      %parallel_loop3A_739 = tpu.vector_load_idx %arg5[%parallel_loop3A_738] : memref<128xi32, #tpu.memory_space<vmem>>[vector<16xi32>], vector<16xi32>,
      %parallel_loop3A_740 = arith.constant 3 : i32
      %parallel_loop3A_741 = arith.index_cast %parallel_loop3A_740 : i32 to index
      %parallel_loop3A_742 = arith.index_cast %parallel_loop3A_734 : i32 to index
      %parallel_loop3A_743 = tpu.vector_load %arg6[%parallel_loop3A_741, %parallel_loop3A_742] {strides = array<i32>} : memref<48x2048xi32, #tpu.memory_space<vmem>>, vector<16xi32>,
      tpu.vector_store %arg6[%parallel_loop3A_741, %parallel_loop3A_742], %parallel_loop3A_739 {strides = array<i32>} : memref<48x2048xi32, #tpu.memory_space<vmem>>, vector<16xi32>,
    } {sc.loop_unroll_factor = 8 : i64, sc.parallel_access}
    %parallel_loop3A_545 = arith.constant 0 : i32
    %parallel_loop3A_546 = arith.constant 2048 : i32
    %parallel_loop3A_547 = arith.constant 16 : i32
    scf.for %parallel_loop3A_734 = %parallel_loop3A_545 to %parallel_loop3A_546 step %parallel_loop3A_547  : i32 {
      %parallel_loop3A_735 = arith.constant 4 : i32
      %parallel_loop3A_736 = arith.index_cast %parallel_loop3A_735 : i32 to index
      %parallel_loop3A_737 = arith.index_cast %parallel_loop3A_734 : i32 to index
      %parallel_loop3A_738 = tpu.vector_load %arg6[%parallel_loop3A_736, %parallel_loop3A_737] {strides = array<i32>} : memref<48x2048xi32, #tpu.memory_space<vmem>>, vector<16xi32>,
      %parallel_loop3A_739 = tpu.vector_load_idx %arg5[%parallel_loop3A_738] : memref<128xi32, #tpu.memory_space<vmem>>[vector<16xi32>], vector<16xi32>,
      %parallel_loop3A_740 = arith.constant 4 : i32
      %parallel_loop3A_741 = arith.index_cast %parallel_loop3A_740 : i32 to index
      %parallel_loop3A_742 = arith.index_cast %parallel_loop3A_734 : i32 to index
      %parallel_loop3A_743 = tpu.vector_load %arg6[%parallel_loop3A_741, %parallel_loop3A_742] {strides = array<i32>} : memref<48x2048xi32, #tpu.memory_space<vmem>>, vector<16xi32>,
      tpu.vector_store %arg6[%parallel_loop3A_741, %parallel_loop3A_742], %parallel_loop3A_739 {strides = array<i32>} : memref<48x2048xi32, #tpu.memory_space<vmem>>, vector<16xi32>,
    } {sc.loop_unroll_factor = 8 : i64, sc.parallel_access}
    %parallel_loop3A_548 = arith.constant 0 : i32
    %parallel_loop3A_549 = arith.constant 2048 : i32
    %parallel_loop3A_550 = arith.constant 16 : i32
    scf.for %parallel_loop3A_734 = %parallel_loop3A_548 to %parallel_loop3A_549 step %parallel_loop3A_550  : i32 {
      %parallel_loop3A_735 = arith.constant 5 : i32
      %parallel_loop3A_736 = arith.index_cast %parallel_loop3A_735 : i32 to index
      %parallel_loop3A_737 = arith.index_cast %parallel_loop3A_734 : i32 to index
      %parallel_loop3A_738 = tpu.vector_load %arg6[%parallel_loop3A_736, %parallel_loop3A_737] {strides = array<i32>} : memref<48x2048xi32, #tpu.memory_space<vmem>>, vector<16xi32>,
      %parallel_loop3A_739 = tpu.vector_load_idx %arg5[%parallel_loop3A_738] : memref<128xi32, #tpu.memory_space<vmem>>[vector<16xi32>], vector<16xi32>,
      %parallel_loop3A_740 = arith.constant 5 : i32
      %parallel_loop3A_741 = arith.index_cast %parallel_loop3A_740 : i32 to index
      %parallel_loop3A_742 = arith.index_cast %parallel_loop3A_734 : i32 to index
      %parallel_loop3A_743 = tpu.vector_load %arg6[%parallel_loop3A_741, %parallel_loop3A_742] {strides = array<i32>} : memref<48x2048xi32, #tpu.memory_space<vmem>>, vector<16xi32>,
      tpu.vector_store %arg6[%parallel_loop3A_741, %parallel_loop3A_742], %parallel_loop3A_739 {strides = array<i32>} : memref<48x2048xi32, #tpu.memory_space<vmem>>, vector<16xi32>,
    } {sc.loop_unroll_factor = 8 : i64, sc.parallel_access}
    %parallel_loop3A_551 = arith.constant 0 : i32
    %parallel_loop3A_552 = arith.constant 2048 : i32
    %parallel_loop3A_553 = arith.constant 16 : i32
    scf.for %parallel_loop3A_734 = %parallel_loop3A_551 to %parallel_loop3A_552 step %parallel_loop3A_553  : i32 {
      %parallel_loop3A_735 = arith.constant 6 : i32
      %parallel_loop3A_736 = arith.index_cast %parallel_loop3A_735 : i32 to index
      %parallel_loop3A_737 = arith.index_cast %parallel_loop3A_734 : i32 to index
      %parallel_loop3A_738 = tpu.vector_load %arg6[%parallel_loop3A_736, %parallel_loop3A_737] {strides = array<i32>} : memref<48x2048xi32, #tpu.memory_space<vmem>>, vector<16xi32>,
      %parallel_loop3A_739 = tpu.vector_load_idx %arg5[%parallel_loop3A_738] : memref<128xi32, #tpu.memory_space<vmem>>[vector<16xi32>], vector<16xi32>,
      %parallel_loop3A_740 = arith.constant 6 : i32
      %parallel_loop3A_741 = arith.index_cast %parallel_loop3A_740 : i32 to index
      %parallel_loop3A_742 = arith.index_cast %parallel_loop3A_734 : i32 to index
      %parallel_loop3A_743 = tpu.vector_load %arg6[%parallel_loop3A_741, %parallel_loop3A_742] {strides = array<i32>} : memref<48x2048xi32, #tpu.memory_space<vmem>>, vector<16xi32>,
      tpu.vector_store %arg6[%parallel_loop3A_741, %parallel_loop3A_742], %parallel_loop3A_739 {strides = array<i32>} : memref<48x2048xi32, #tpu.memory_space<vmem>>, vector<16xi32>,
    } {sc.loop_unroll_factor = 8 : i64, sc.parallel_access}
    %parallel_loop3A_554 = arith.constant 0 : i32
    %parallel_loop3A_555 = arith.constant 2048 : i32
    %parallel_loop3A_556 = arith.constant 16 : i32
    scf.for %parallel_loop3A_734 = %parallel_loop3A_554 to %parallel_loop3A_555 step %parallel_loop3A_556  : i32 {
      %parallel_loop3A_735 = arith.constant 7 : i32
      %parallel_loop3A_736 = arith.index_cast %parallel_loop3A_735 : i32 to index
      %parallel_loop3A_737 = arith.index_cast %parallel_loop3A_734 : i32 to index
      %parallel_loop3A_738 = tpu.vector_load %arg6[%parallel_loop3A_736, %parallel_loop3A_737] {strides = array<i32>} : memref<48x2048xi32, #tpu.memory_space<vmem>>, vector<16xi32>,
      %parallel_loop3A_739 = tpu.vector_load_idx %arg5[%parallel_loop3A_738] : memref<128xi32, #tpu.memory_space<vmem>>[vector<16xi32>], vector<16xi32>,
      %parallel_loop3A_740 = arith.constant 7 : i32
      %parallel_loop3A_741 = arith.index_cast %parallel_loop3A_740 : i32 to index
      %parallel_loop3A_742 = arith.index_cast %parallel_loop3A_734 : i32 to index
      %parallel_loop3A_743 = tpu.vector_load %arg6[%parallel_loop3A_741, %parallel_loop3A_742] {strides = array<i32>} : memref<48x2048xi32, #tpu.memory_space<vmem>>, vector<16xi32>,
      tpu.vector_store %arg6[%parallel_loop3A_741, %parallel_loop3A_742], %parallel_loop3A_739 {strides = array<i32>} : memref<48x2048xi32, #tpu.memory_space<vmem>>, vector<16xi32>,
    } {sc.loop_unroll_factor = 8 : i64, sc.parallel_access}
    %mul3A_557 = arith.constant 64 : i32
    %mul3A_558 = arith.muli %add3A, %mul3A_557 : i32
    %add3A_559 = arith.constant 48 : i32
    %add3A_560 = arith.addi %mul3A_558, %add3A_559 : i32
    %dma_start3A_561 = arith.constant 0 : i32
    %dma_start3A_562 = arith.constant 0 : i32
    %dma_start3A_563 = arith.constant 0 : i32
    %dma_start3A_564 = tpu.memref_slice %arg6[%dma_start3A_562, %dma_start3A_563] : memref<48x2048xi32, #tpu.memory_space<vmem>> -> memref<8x2048xi32, #tpu.memory_space<vmem>>
    %dma_start3A_565 = arith.constant 0 : i32
    %dma_start3A_566 = tpu.memref_slice %arg4[%add3A_560, %dma_start3A_565] : memref<2048x2048xi32, #tpu.memory_space<hbm>> -> memref<8x2048xi32, #tpu.memory_space<hbm>>
    %dma_start3A_567 = tpu.memref_slice %arg8[%dma_start3A_561] : memref<6x!tpu.dma_semaphore, #tpu.memory_space<semaphore_mem>> -> memref<1x!tpu.dma_semaphore, #tpu.memory_space<semaphore_mem>>
    %dma_start3A_568 = tpu.memref_squeeze %dma_start3A_567 : memref<1x!tpu.dma_semaphore, #tpu.memory_space<semaphore_mem>> -> memref<!tpu.dma_semaphore, #tpu.memory_space<semaphore_mem>>
    %dma_start3A_569 = arith.constant 0 : i32
    %dma_start3A_570 = tpu.memref_slice %arg4[%add3A_560, %dma_start3A_569] : memref<2048x2048xi32, #tpu.memory_space<hbm>> -> memref<8x2048xi32, #tpu.memory_space<hbm>>
    %dma_start3A_571 = arith.constant 0 : i32
    %dma_start3A_572 = arith.constant 0 : i32
    %dma_start3A_573 = tpu.memref_slice %arg6[%dma_start3A_571, %dma_start3A_572] : memref<48x2048xi32, #tpu.memory_space<vmem>> -> memref<8x2048xi32, #tpu.memory_space<vmem>>
    tpu.enqueue_dma source(%dma_start3A_573 : memref<8x2048xi32, #tpu.memory_space<vmem>>) target(%dma_start3A_570 : memref<8x2048xi32, #tpu.memory_space<hbm>>) target_semaphore(%dma_start3A_568 : memref<!tpu.dma_semaphore, #tpu.memory_space<semaphore_mem>>)
    %mul3A_574 = arith.constant 64 : i32
    %mul3A_575 = arith.muli %add3A, %mul3A_574 : i32
    %add3A_576 = arith.constant 56 : i32
    %add3A_577 = arith.addi %mul3A_575, %add3A_576 : i32
    %dma_wait3A_578 = arith.constant 1 : i32
    %dma_wait3A_579 = arith.constant 8 : i32
    %dma_wait3A_580 = arith.constant 0 : i32
    %dma_wait3A_581 = tpu.memref_slice %arg6[%dma_wait3A_579, %dma_wait3A_580] : memref<48x2048xi32, #tpu.memory_space<vmem>> -> memref<8x2048xi32, #tpu.memory_space<vmem>>
    %dma_wait3A_582 = arith.constant 0 : i32
    %dma_wait3A_583 = tpu.memref_slice %arg2[%add3A_577, %dma_wait3A_582] : memref<2048x2048xi32, #tpu.memory_space<hbm>> -> memref<8x2048xi32, #tpu.memory_space<hbm>>
    %dma_wait3A_584 = tpu.memref_slice %arg7[%dma_wait3A_578] : memref<6x!tpu.dma_semaphore, #tpu.memory_space<semaphore_mem>> -> memref<1x!tpu.dma_semaphore, #tpu.memory_space<semaphore_mem>>
    %dma_wait3A_585 = tpu.memref_squeeze %dma_wait3A_584 : memref<1x!tpu.dma_semaphore, #tpu.memory_space<semaphore_mem>> -> memref<!tpu.dma_semaphore, #tpu.memory_space<semaphore_mem>>
    %dma_wait3A_586 = arith.constant 8 : i32
    %dma_wait3A_587 = arith.constant 0 : i32
    %dma_wait3A_588 = tpu.memref_slice %arg6[%dma_wait3A_586, %dma_wait3A_587] : memref<48x2048xi32, #tpu.memory_space<vmem>> -> memref<8x2048xi32, #tpu.memory_space<vmem>>
    %dma_wait3A_589 = arith.constant 0 : i32
    %dma_wait3A_590 = tpu.memref_slice %arg2[%add3A_577, %dma_wait3A_589] : memref<2048x2048xi32, #tpu.memory_space<hbm>> -> memref<8x2048xi32, #tpu.memory_space<hbm>>
    tpu.wait_dma2 semaphore(%dma_wait3A_585 : memref<!tpu.dma_semaphore, #tpu.memory_space<semaphore_mem>>) src(%dma_wait3A_590 : memref<8x2048xi32, #tpu.memory_space<hbm>>) dst(%dma_wait3A_588 : memref<8x2048xi32, #tpu.memory_space<vmem>>)
    %parallel_loop3A_591 = arith.constant 0 : i32
    %parallel_loop3A_592 = arith.constant 2048 : i32
    %parallel_loop3A_593 = arith.constant 16 : i32
    scf.for %parallel_loop3A_734 = %parallel_loop3A_591 to %parallel_loop3A_592 step %parallel_loop3A_593  : i32 {
      %parallel_loop3A_735 = arith.constant 8 : i32
      %parallel_loop3A_736 = arith.index_cast %parallel_loop3A_735 : i32 to index
      %parallel_loop3A_737 = arith.index_cast %parallel_loop3A_734 : i32 to index
      %parallel_loop3A_738 = tpu.vector_load %arg6[%parallel_loop3A_736, %parallel_loop3A_737] {strides = array<i32>} : memref<48x2048xi32, #tpu.memory_space<vmem>>, vector<16xi32>,
      %parallel_loop3A_739 = tpu.vector_load_idx %arg5[%parallel_loop3A_738] : memref<128xi32, #tpu.memory_space<vmem>>[vector<16xi32>], vector<16xi32>,
      %parallel_loop3A_740 = arith.constant 8 : i32
      %parallel_loop3A_741 = arith.index_cast %parallel_loop3A_740 : i32 to index
      %parallel_loop3A_742 = arith.index_cast %parallel_loop3A_734 : i32 to index
      %parallel_loop3A_743 = tpu.vector_load %arg6[%parallel_loop3A_741, %parallel_loop3A_742] {strides = array<i32>} : memref<48x2048xi32, #tpu.memory_space<vmem>>, vector<16xi32>,
      tpu.vector_store %arg6[%parallel_loop3A_741, %parallel_loop3A_742], %parallel_loop3A_739 {strides = array<i32>} : memref<48x2048xi32, #tpu.memory_space<vmem>>, vector<16xi32>,
    } {sc.loop_unroll_factor = 8 : i64, sc.parallel_access}
    %parallel_loop3A_594 = arith.constant 0 : i32
    %parallel_loop3A_595 = arith.constant 2048 : i32
    %parallel_loop3A_596 = arith.constant 16 : i32
    scf.for %parallel_loop3A_734 = %parallel_loop3A_594 to %parallel_loop3A_595 step %parallel_loop3A_596  : i32 {
      %parallel_loop3A_735 = arith.constant 9 : i32
      %parallel_loop3A_736 = arith.index_cast %parallel_loop3A_735 : i32 to index
      %parallel_loop3A_737 = arith.index_cast %parallel_loop3A_734 : i32 to index
      %parallel_loop3A_738 = tpu.vector_load %arg6[%parallel_loop3A_736, %parallel_loop3A_737] {strides = array<i32>} : memref<48x2048xi32, #tpu.memory_space<vmem>>, vector<16xi32>,
      %parallel_loop3A_739 = tpu.vector_load_idx %arg5[%parallel_loop3A_738] : memref<128xi32, #tpu.memory_space<vmem>>[vector<16xi32>], vector<16xi32>,
      %parallel_loop3A_740 = arith.constant 9 : i32
      %parallel_loop3A_741 = arith.index_cast %parallel_loop3A_740 : i32 to index
      %parallel_loop3A_742 = arith.index_cast %parallel_loop3A_734 : i32 to index
      %parallel_loop3A_743 = tpu.vector_load %arg6[%parallel_loop3A_741, %parallel_loop3A_742] {strides = array<i32>} : memref<48x2048xi32, #tpu.memory_space<vmem>>, vector<16xi32>,
      tpu.vector_store %arg6[%parallel_loop3A_741, %parallel_loop3A_742], %parallel_loop3A_739 {strides = array<i32>} : memref<48x2048xi32, #tpu.memory_space<vmem>>, vector<16xi32>,
    } {sc.loop_unroll_factor = 8 : i64, sc.parallel_access}
    %parallel_loop3A_597 = arith.constant 0 : i32
    %parallel_loop3A_598 = arith.constant 2048 : i32
    %parallel_loop3A_599 = arith.constant 16 : i32
    scf.for %parallel_loop3A_734 = %parallel_loop3A_597 to %parallel_loop3A_598 step %parallel_loop3A_599  : i32 {
      %parallel_loop3A_735 = arith.constant 10 : i32
      %parallel_loop3A_736 = arith.index_cast %parallel_loop3A_735 : i32 to index
      %parallel_loop3A_737 = arith.index_cast %parallel_loop3A_734 : i32 to index
      %parallel_loop3A_738 = tpu.vector_load %arg6[%parallel_loop3A_736, %parallel_loop3A_737] {strides = array<i32>} : memref<48x2048xi32, #tpu.memory_space<vmem>>, vector<16xi32>,
      %parallel_loop3A_739 = tpu.vector_load_idx %arg5[%parallel_loop3A_738] : memref<128xi32, #tpu.memory_space<vmem>>[vector<16xi32>], vector<16xi32>,
      %parallel_loop3A_740 = arith.constant 10 : i32
      %parallel_loop3A_741 = arith.index_cast %parallel_loop3A_740 : i32 to index
      %parallel_loop3A_742 = arith.index_cast %parallel_loop3A_734 : i32 to index
      %parallel_loop3A_743 = tpu.vector_load %arg6[%parallel_loop3A_741, %parallel_loop3A_742] {strides = array<i32>} : memref<48x2048xi32, #tpu.memory_space<vmem>>, vector<16xi32>,
      tpu.vector_store %arg6[%parallel_loop3A_741, %parallel_loop3A_742], %parallel_loop3A_739 {strides = array<i32>} : memref<48x2048xi32, #tpu.memory_space<vmem>>, vector<16xi32>,
    } {sc.loop_unroll_factor = 8 : i64, sc.parallel_access}
    %parallel_loop3A_600 = arith.constant 0 : i32
    %parallel_loop3A_601 = arith.constant 2048 : i32
    %parallel_loop3A_602 = arith.constant 16 : i32
    scf.for %parallel_loop3A_734 = %parallel_loop3A_600 to %parallel_loop3A_601 step %parallel_loop3A_602  : i32 {
      %parallel_loop3A_735 = arith.constant 11 : i32
      %parallel_loop3A_736 = arith.index_cast %parallel_loop3A_735 : i32 to index
      %parallel_loop3A_737 = arith.index_cast %parallel_loop3A_734 : i32 to index
      %parallel_loop3A_738 = tpu.vector_load %arg6[%parallel_loop3A_736, %parallel_loop3A_737] {strides = array<i32>} : memref<48x2048xi32, #tpu.memory_space<vmem>>, vector<16xi32>,
      %parallel_loop3A_739 = tpu.vector_load_idx %arg5[%parallel_loop3A_738] : memref<128xi32, #tpu.memory_space<vmem>>[vector<16xi32>], vector<16xi32>,
      %parallel_loop3A_740 = arith.constant 11 : i32
      %parallel_loop3A_741 = arith.index_cast %parallel_loop3A_740 : i32 to index
      %parallel_loop3A_742 = arith.index_cast %parallel_loop3A_734 : i32 to index
      %parallel_loop3A_743 = tpu.vector_load %arg6[%parallel_loop3A_741, %parallel_loop3A_742] {strides = array<i32>} : memref<48x2048xi32, #tpu.memory_space<vmem>>, vector<16xi32>,
      tpu.vector_store %arg6[%parallel_loop3A_741, %parallel_loop3A_742], %parallel_loop3A_739 {strides = array<i32>} : memref<48x2048xi32, #tpu.memory_space<vmem>>, vector<16xi32>,
    } {sc.loop_unroll_factor = 8 : i64, sc.parallel_access}
    %parallel_loop3A_603 = arith.constant 0 : i32
    %parallel_loop3A_604 = arith.constant 2048 : i32
    %parallel_loop3A_605 = arith.constant 16 : i32
    scf.for %parallel_loop3A_734 = %parallel_loop3A_603 to %parallel_loop3A_604 step %parallel_loop3A_605  : i32 {
      %parallel_loop3A_735 = arith.constant 12 : i32
      %parallel_loop3A_736 = arith.index_cast %parallel_loop3A_735 : i32 to index
      %parallel_loop3A_737 = arith.index_cast %parallel_loop3A_734 : i32 to index
      %parallel_loop3A_738 = tpu.vector_load %arg6[%parallel_loop3A_736, %parallel_loop3A_737] {strides = array<i32>} : memref<48x2048xi32, #tpu.memory_space<vmem>>, vector<16xi32>,
      %parallel_loop3A_739 = tpu.vector_load_idx %arg5[%parallel_loop3A_738] : memref<128xi32, #tpu.memory_space<vmem>>[vector<16xi32>], vector<16xi32>,
      %parallel_loop3A_740 = arith.constant 12 : i32
      %parallel_loop3A_741 = arith.index_cast %parallel_loop3A_740 : i32 to index
      %parallel_loop3A_742 = arith.index_cast %parallel_loop3A_734 : i32 to index
      %parallel_loop3A_743 = tpu.vector_load %arg6[%parallel_loop3A_741, %parallel_loop3A_742] {strides = array<i32>} : memref<48x2048xi32, #tpu.memory_space<vmem>>, vector<16xi32>,
      tpu.vector_store %arg6[%parallel_loop3A_741, %parallel_loop3A_742], %parallel_loop3A_739 {strides = array<i32>} : memref<48x2048xi32, #tpu.memory_space<vmem>>, vector<16xi32>,
    } {sc.loop_unroll_factor = 8 : i64, sc.parallel_access}
    %parallel_loop3A_606 = arith.constant 0 : i32
    %parallel_loop3A_607 = arith.constant 2048 : i32
    %parallel_loop3A_608 = arith.constant 16 : i32
    scf.for %parallel_loop3A_734 = %parallel_loop3A_606 to %parallel_loop3A_607 step %parallel_loop3A_608  : i32 {
      %parallel_loop3A_735 = arith.constant 13 : i32
      %parallel_loop3A_736 = arith.index_cast %parallel_loop3A_735 : i32 to index
      %parallel_loop3A_737 = arith.index_cast %parallel_loop3A_734 : i32 to index
      %parallel_loop3A_738 = tpu.vector_load %arg6[%parallel_loop3A_736, %parallel_loop3A_737] {strides = array<i32>} : memref<48x2048xi32, #tpu.memory_space<vmem>>, vector<16xi32>,
      %parallel_loop3A_739 = tpu.vector_load_idx %arg5[%parallel_loop3A_738] : memref<128xi32, #tpu.memory_space<vmem>>[vector<16xi32>], vector<16xi32>,
      %parallel_loop3A_740 = arith.constant 13 : i32
      %parallel_loop3A_741 = arith.index_cast %parallel_loop3A_740 : i32 to index
      %parallel_loop3A_742 = arith.index_cast %parallel_loop3A_734 : i32 to index
      %parallel_loop3A_743 = tpu.vector_load %arg6[%parallel_loop3A_741, %parallel_loop3A_742] {strides = array<i32>} : memref<48x2048xi32, #tpu.memory_space<vmem>>, vector<16xi32>,
      tpu.vector_store %arg6[%parallel_loop3A_741, %parallel_loop3A_742], %parallel_loop3A_739 {strides = array<i32>} : memref<48x2048xi32, #tpu.memory_space<vmem>>, vector<16xi32>,
    } {sc.loop_unroll_factor = 8 : i64, sc.parallel_access}
    %parallel_loop3A_609 = arith.constant 0 : i32
    %parallel_loop3A_610 = arith.constant 2048 : i32
    %parallel_loop3A_611 = arith.constant 16 : i32
    scf.for %parallel_loop3A_734 = %parallel_loop3A_609 to %parallel_loop3A_610 step %parallel_loop3A_611  : i32 {
      %parallel_loop3A_735 = arith.constant 14 : i32
      %parallel_loop3A_736 = arith.index_cast %parallel_loop3A_735 : i32 to index
      %parallel_loop3A_737 = arith.index_cast %parallel_loop3A_734 : i32 to index
      %parallel_loop3A_738 = tpu.vector_load %arg6[%parallel_loop3A_736, %parallel_loop3A_737] {strides = array<i32>} : memref<48x2048xi32, #tpu.memory_space<vmem>>, vector<16xi32>,
      %parallel_loop3A_739 = tpu.vector_load_idx %arg5[%parallel_loop3A_738] : memref<128xi32, #tpu.memory_space<vmem>>[vector<16xi32>], vector<16xi32>,
      %parallel_loop3A_740 = arith.constant 14 : i32
      %parallel_loop3A_741 = arith.index_cast %parallel_loop3A_740 : i32 to index
      %parallel_loop3A_742 = arith.index_cast %parallel_loop3A_734 : i32 to index
      %parallel_loop3A_743 = tpu.vector_load %arg6[%parallel_loop3A_741, %parallel_loop3A_742] {strides = array<i32>} : memref<48x2048xi32, #tpu.memory_space<vmem>>, vector<16xi32>,
      tpu.vector_store %arg6[%parallel_loop3A_741, %parallel_loop3A_742], %parallel_loop3A_739 {strides = array<i32>} : memref<48x2048xi32, #tpu.memory_space<vmem>>, vector<16xi32>,
    } {sc.loop_unroll_factor = 8 : i64, sc.parallel_access}
    %parallel_loop3A_612 = arith.constant 0 : i32
    %parallel_loop3A_613 = arith.constant 2048 : i32
    %parallel_loop3A_614 = arith.constant 16 : i32
    scf.for %parallel_loop3A_734 = %parallel_loop3A_612 to %parallel_loop3A_613 step %parallel_loop3A_614  : i32 {
      %parallel_loop3A_735 = arith.constant 15 : i32
      %parallel_loop3A_736 = arith.index_cast %parallel_loop3A_735 : i32 to index
      %parallel_loop3A_737 = arith.index_cast %parallel_loop3A_734 : i32 to index
      %parallel_loop3A_738 = tpu.vector_load %arg6[%parallel_loop3A_736, %parallel_loop3A_737] {strides = array<i32>} : memref<48x2048xi32, #tpu.memory_space<vmem>>, vector<16xi32>,
      %parallel_loop3A_739 = tpu.vector_load_idx %arg5[%parallel_loop3A_738] : memref<128xi32, #tpu.memory_space<vmem>>[vector<16xi32>], vector<16xi32>,
      %parallel_loop3A_740 = arith.constant 15 : i32
      %parallel_loop3A_741 = arith.index_cast %parallel_loop3A_740 : i32 to index
      %parallel_loop3A_742 = arith.index_cast %parallel_loop3A_734 : i32 to index
      %parallel_loop3A_743 = tpu.vector_load %arg6[%parallel_loop3A_741, %parallel_loop3A_742] {strides = array<i32>} : memref<48x2048xi32, #tpu.memory_space<vmem>>, vector<16xi32>,
      tpu.vector_store %arg6[%parallel_loop3A_741, %parallel_loop3A_742], %parallel_loop3A_739 {strides = array<i32>} : memref<48x2048xi32, #tpu.memory_space<vmem>>, vector<16xi32>,
    } {sc.loop_unroll_factor = 8 : i64, sc.parallel_access}
    %mul3A_615 = arith.constant 64 : i32
    %mul3A_616 = arith.muli %add3A, %mul3A_615 : i32
    %add3A_617 = arith.constant 56 : i32
    %add3A_618 = arith.addi %mul3A_616, %add3A_617 : i32
    %dma_start3A_619 = arith.constant 1 : i32
    %dma_start3A_620 = arith.constant 8 : i32
    %dma_start3A_621 = arith.constant 0 : i32
    %dma_start3A_622 = tpu.memref_slice %arg6[%dma_start3A_620, %dma_start3A_621] : memref<48x2048xi32, #tpu.memory_space<vmem>> -> memref<8x2048xi32, #tpu.memory_space<vmem>>
    %dma_start3A_623 = arith.constant 0 : i32
    %dma_start3A_624 = tpu.memref_slice %arg4[%add3A_618, %dma_start3A_623] : memref<2048x2048xi32, #tpu.memory_space<hbm>> -> memref<8x2048xi32, #tpu.memory_space<hbm>>
    %dma_start3A_625 = tpu.memref_slice %arg8[%dma_start3A_619] : memref<6x!tpu.dma_semaphore, #tpu.memory_space<semaphore_mem>> -> memref<1x!tpu.dma_semaphore, #tpu.memory_space<semaphore_mem>>
    %dma_start3A_626 = tpu.memref_squeeze %dma_start3A_625 : memref<1x!tpu.dma_semaphore, #tpu.memory_space<semaphore_mem>> -> memref<!tpu.dma_semaphore, #tpu.memory_space<semaphore_mem>>
    %dma_start3A_627 = arith.constant 0 : i32
    %dma_start3A_628 = tpu.memref_slice %arg4[%add3A_618, %dma_start3A_627] : memref<2048x2048xi32, #tpu.memory_space<hbm>> -> memref<8x2048xi32, #tpu.memory_space<hbm>>
    %dma_start3A_629 = arith.constant 8 : i32
    %dma_start3A_630 = arith.constant 0 : i32
    %dma_start3A_631 = tpu.memref_slice %arg6[%dma_start3A_629, %dma_start3A_630] : memref<48x2048xi32, #tpu.memory_space<vmem>> -> memref<8x2048xi32, #tpu.memory_space<vmem>>
    tpu.enqueue_dma source(%dma_start3A_631 : memref<8x2048xi32, #tpu.memory_space<vmem>>) target(%dma_start3A_628 : memref<8x2048xi32, #tpu.memory_space<hbm>>) target_semaphore(%dma_start3A_626 : memref<!tpu.dma_semaphore, #tpu.memory_space<semaphore_mem>>)
    %mul3A_632 = arith.constant 64 : i32
    %mul3A_633 = arith.muli %add3A, %mul3A_632 : i32
    %add3A_634 = arith.constant 16 : i32
    %add3A_635 = arith.addi %mul3A_633, %add3A_634 : i32
    %dma_wait3A_636 = arith.constant 2 : i32
    %dma_wait3A_637 = arith.constant 16 : i32
    %dma_wait3A_638 = arith.constant 0 : i32
    %dma_wait3A_639 = tpu.memref_slice %arg6[%dma_wait3A_637, %dma_wait3A_638] : memref<48x2048xi32, #tpu.memory_space<vmem>> -> memref<8x2048xi32, #tpu.memory_space<vmem>>
    %dma_wait3A_640 = arith.constant 0 : i32
    %dma_wait3A_641 = tpu.memref_slice %arg4[%add3A_635, %dma_wait3A_640] : memref<2048x2048xi32, #tpu.memory_space<hbm>> -> memref<8x2048xi32, #tpu.memory_space<hbm>>
    %dma_wait3A_642 = tpu.memref_slice %arg8[%dma_wait3A_636] : memref<6x!tpu.dma_semaphore, #tpu.memory_space<semaphore_mem>> -> memref<1x!tpu.dma_semaphore, #tpu.memory_space<semaphore_mem>>
    %dma_wait3A_643 = tpu.memref_squeeze %dma_wait3A_642 : memref<1x!tpu.dma_semaphore, #tpu.memory_space<semaphore_mem>> -> memref<!tpu.dma_semaphore, #tpu.memory_space<semaphore_mem>>
    %dma_wait3A_644 = arith.constant 0 : i32
    %dma_wait3A_645 = tpu.memref_slice %arg4[%add3A_635, %dma_wait3A_644] : memref<2048x2048xi32, #tpu.memory_space<hbm>> -> memref<8x2048xi32, #tpu.memory_space<hbm>>
    %dma_wait3A_646 = arith.constant 16 : i32
    %dma_wait3A_647 = arith.constant 0 : i32
    %dma_wait3A_648 = tpu.memref_slice %arg6[%dma_wait3A_646, %dma_wait3A_647] : memref<48x2048xi32, #tpu.memory_space<vmem>> -> memref<8x2048xi32, #tpu.memory_space<vmem>>
    tpu.wait_dma2 semaphore(%dma_wait3A_643 : memref<!tpu.dma_semaphore, #tpu.memory_space<semaphore_mem>>) src(%dma_wait3A_648 : memref<8x2048xi32, #tpu.memory_space<vmem>>) dst(%dma_wait3A_645 : memref<8x2048xi32, #tpu.memory_space<hbm>>)
    %mul3A_649 = arith.constant 64 : i32
    %mul3A_650 = arith.muli %add3A, %mul3A_649 : i32
    %add3A_651 = arith.constant 24 : i32
    %add3A_652 = arith.addi %mul3A_650, %add3A_651 : i32
    %dma_wait3A_653 = arith.constant 3 : i32
    %dma_wait3A_654 = arith.constant 24 : i32
    %dma_wait3A_655 = arith.constant 0 : i32
    %dma_wait3A_656 = tpu.memref_slice %arg6[%dma_wait3A_654, %dma_wait3A_655] : memref<48x2048xi32, #tpu.memory_space<vmem>> -> memref<8x2048xi32, #tpu.memory_space<vmem>>
    %dma_wait3A_657 = arith.constant 0 : i32
    %dma_wait3A_658 = tpu.memref_slice %arg4[%add3A_652, %dma_wait3A_657] : memref<2048x2048xi32, #tpu.memory_space<hbm>> -> memref<8x2048xi32, #tpu.memory_space<hbm>>
    %dma_wait3A_659 = tpu.memref_slice %arg8[%dma_wait3A_653] : memref<6x!tpu.dma_semaphore, #tpu.memory_space<semaphore_mem>> -> memref<1x!tpu.dma_semaphore, #tpu.memory_space<semaphore_mem>>
    %dma_wait3A_660 = tpu.memref_squeeze %dma_wait3A_659 : memref<1x!tpu.dma_semaphore, #tpu.memory_space<semaphore_mem>> -> memref<!tpu.dma_semaphore, #tpu.memory_space<semaphore_mem>>
    %dma_wait3A_661 = arith.constant 0 : i32
    %dma_wait3A_662 = tpu.memref_slice %arg4[%add3A_652, %dma_wait3A_661] : memref<2048x2048xi32, #tpu.memory_space<hbm>> -> memref<8x2048xi32, #tpu.memory_space<hbm>>
    %dma_wait3A_663 = arith.constant 24 : i32
    %dma_wait3A_664 = arith.constant 0 : i32
    %dma_wait3A_665 = tpu.memref_slice %arg6[%dma_wait3A_663, %dma_wait3A_664] : memref<48x2048xi32, #tpu.memory_space<vmem>> -> memref<8x2048xi32, #tpu.memory_space<vmem>>
    tpu.wait_dma2 semaphore(%dma_wait3A_660 : memref<!tpu.dma_semaphore, #tpu.memory_space<semaphore_mem>>) src(%dma_wait3A_665 : memref<8x2048xi32, #tpu.memory_space<vmem>>) dst(%dma_wait3A_662 : memref<8x2048xi32, #tpu.memory_space<hbm>>)
    %mul3A_666 = arith.constant 64 : i32
    %mul3A_667 = arith.muli %add3A, %mul3A_666 : i32
    %add3A_668 = arith.constant 32 : i32
    %add3A_669 = arith.addi %mul3A_667, %add3A_668 : i32
    %dma_wait3A_670 = arith.constant 4 : i32
    %dma_wait3A_671 = arith.constant 32 : i32
    %dma_wait3A_672 = arith.constant 0 : i32
    %dma_wait3A_673 = tpu.memref_slice %arg6[%dma_wait3A_671, %dma_wait3A_672] : memref<48x2048xi32, #tpu.memory_space<vmem>> -> memref<8x2048xi32, #tpu.memory_space<vmem>>
    %dma_wait3A_674 = arith.constant 0 : i32
    %dma_wait3A_675 = tpu.memref_slice %arg4[%add3A_669, %dma_wait3A_674] : memref<2048x2048xi32, #tpu.memory_space<hbm>> -> memref<8x2048xi32, #tpu.memory_space<hbm>>
    %dma_wait3A_676 = tpu.memref_slice %arg8[%dma_wait3A_670] : memref<6x!tpu.dma_semaphore, #tpu.memory_space<semaphore_mem>> -> memref<1x!tpu.dma_semaphore, #tpu.memory_space<semaphore_mem>>
    %dma_wait3A_677 = tpu.memref_squeeze %dma_wait3A_676 : memref<1x!tpu.dma_semaphore, #tpu.memory_space<semaphore_mem>> -> memref<!tpu.dma_semaphore, #tpu.memory_space<semaphore_mem>>
    %dma_wait3A_678 = arith.constant 0 : i32
    %dma_wait3A_679 = tpu.memref_slice %arg4[%add3A_669, %dma_wait3A_678] : memref<2048x2048xi32, #tpu.memory_space<hbm>> -> memref<8x2048xi32, #tpu.memory_space<hbm>>
    %dma_wait3A_680 = arith.constant 32 : i32
    %dma_wait3A_681 = arith.constant 0 : i32
    %dma_wait3A_682 = tpu.memref_slice %arg6[%dma_wait3A_680, %dma_wait3A_681] : memref<48x2048xi32, #tpu.memory_space<vmem>> -> memref<8x2048xi32, #tpu.memory_space<vmem>>
    tpu.wait_dma2 semaphore(%dma_wait3A_677 : memref<!tpu.dma_semaphore, #tpu.memory_space<semaphore_mem>>) src(%dma_wait3A_682 : memref<8x2048xi32, #tpu.memory_space<vmem>>) dst(%dma_wait3A_679 : memref<8x2048xi32, #tpu.memory_space<hbm>>)
    %mul3A_683 = arith.constant 64 : i32
    %mul3A_684 = arith.muli %add3A, %mul3A_683 : i32
    %add3A_685 = arith.constant 40 : i32
    %add3A_686 = arith.addi %mul3A_684, %add3A_685 : i32
    %dma_wait3A_687 = arith.constant 5 : i32
    %dma_wait3A_688 = arith.constant 40 : i32
    %dma_wait3A_689 = arith.constant 0 : i32
    %dma_wait3A_690 = tpu.memref_slice %arg6[%dma_wait3A_688, %dma_wait3A_689] : memref<48x2048xi32, #tpu.memory_space<vmem>> -> memref<8x2048xi32, #tpu.memory_space<vmem>>
    %dma_wait3A_691 = arith.constant 0 : i32
    %dma_wait3A_692 = tpu.memref_slice %arg4[%add3A_686, %dma_wait3A_691] : memref<2048x2048xi32, #tpu.memory_space<hbm>> -> memref<8x2048xi32, #tpu.memory_space<hbm>>
    %dma_wait3A_693 = tpu.memref_slice %arg8[%dma_wait3A_687] : memref<6x!tpu.dma_semaphore, #tpu.memory_space<semaphore_mem>> -> memref<1x!tpu.dma_semaphore, #tpu.memory_space<semaphore_mem>>
    %dma_wait3A_694 = tpu.memref_squeeze %dma_wait3A_693 : memref<1x!tpu.dma_semaphore, #tpu.memory_space<semaphore_mem>> -> memref<!tpu.dma_semaphore, #tpu.memory_space<semaphore_mem>>
    %dma_wait3A_695 = arith.constant 0 : i32
    %dma_wait3A_696 = tpu.memref_slice %arg4[%add3A_686, %dma_wait3A_695] : memref<2048x2048xi32, #tpu.memory_space<hbm>> -> memref<8x2048xi32, #tpu.memory_space<hbm>>
    %dma_wait3A_697 = arith.constant 40 : i32
    %dma_wait3A_698 = arith.constant 0 : i32
    %dma_wait3A_699 = tpu.memref_slice %arg6[%dma_wait3A_697, %dma_wait3A_698] : memref<48x2048xi32, #tpu.memory_space<vmem>> -> memref<8x2048xi32, #tpu.memory_space<vmem>>
    tpu.wait_dma2 semaphore(%dma_wait3A_694 : memref<!tpu.dma_semaphore, #tpu.memory_space<semaphore_mem>>) src(%dma_wait3A_699 : memref<8x2048xi32, #tpu.memory_space<vmem>>) dst(%dma_wait3A_696 : memref<8x2048xi32, #tpu.memory_space<hbm>>)
    %mul3A_700 = arith.constant 64 : i32
    %mul3A_701 = arith.muli %add3A, %mul3A_700 : i32
    %add3A_702 = arith.constant 48 : i32
    %add3A_703 = arith.addi %mul3A_701, %add3A_702 : i32
    %dma_wait3A_704 = arith.constant 0 : i32
    %dma_wait3A_705 = arith.constant 0 : i32
    %dma_wait3A_706 = arith.constant 0 : i32
    %dma_wait3A_707 = tpu.memref_slice %arg6[%dma_wait3A_705, %dma_wait3A_706] : memref<48x2048xi32, #tpu.memory_space<vmem>> -> memref<8x2048xi32, #tpu.memory_space<vmem>>
    %dma_wait3A_708 = arith.constant 0 : i32
    %dma_wait3A_709 = tpu.memref_slice %arg4[%add3A_703, %dma_wait3A_708] : memref<2048x2048xi32, #tpu.memory_space<hbm>> -> memref<8x2048xi32, #tpu.memory_space<hbm>>
    %dma_wait3A_710 = tpu.memref_slice %arg8[%dma_wait3A_704] : memref<6x!tpu.dma_semaphore, #tpu.memory_space<semaphore_mem>> -> memref<1x!tpu.dma_semaphore, #tpu.memory_space<semaphore_mem>>
    %dma_wait3A_711 = tpu.memref_squeeze %dma_wait3A_710 : memref<1x!tpu.dma_semaphore, #tpu.memory_space<semaphore_mem>> -> memref<!tpu.dma_semaphore, #tpu.memory_space<semaphore_mem>>
    %dma_wait3A_712 = arith.constant 0 : i32
    %dma_wait3A_713 = tpu.memref_slice %arg4[%add3A_703, %dma_wait3A_712] : memref<2048x2048xi32, #tpu.memory_space<hbm>> -> memref<8x2048xi32, #tpu.memory_space<hbm>>
    %dma_wait3A_714 = arith.constant 0 : i32
    %dma_wait3A_715 = arith.constant 0 : i32
    %dma_wait3A_716 = tpu.memref_slice %arg6[%dma_wait3A_714, %dma_wait3A_715] : memref<48x2048xi32, #tpu.memory_space<vmem>> -> memref<8x2048xi32, #tpu.memory_space<vmem>>
    tpu.wait_dma2 semaphore(%dma_wait3A_711 : memref<!tpu.dma_semaphore, #tpu.memory_space<semaphore_mem>>) src(%dma_wait3A_716 : memref<8x2048xi32, #tpu.memory_space<vmem>>) dst(%dma_wait3A_713 : memref<8x2048xi32, #tpu.memory_space<hbm>>)
    %mul3A_717 = arith.constant 64 : i32
    %mul3A_718 = arith.muli %add3A, %mul3A_717 : i32
    %add3A_719 = arith.constant 56 : i32
    %add3A_720 = arith.addi %mul3A_718, %add3A_719 : i32
    %dma_wait3A_721 = arith.constant 1 : i32
    %dma_wait3A_722 = arith.constant 8 : i32
    %dma_wait3A_723 = arith.constant 0 : i32
    %dma_wait3A_724 = tpu.memref_slice %arg6[%dma_wait3A_722, %dma_wait3A_723] : memref<48x2048xi32, #tpu.memory_space<vmem>> -> memref<8x2048xi32, #tpu.memory_space<vmem>>
    %dma_wait3A_725 = arith.constant 0 : i32
    %dma_wait3A_726 = tpu.memref_slice %arg4[%add3A_720, %dma_wait3A_725] : memref<2048x2048xi32, #tpu.memory_space<hbm>> -> memref<8x2048xi32, #tpu.memory_space<hbm>>
    %dma_wait3A_727 = tpu.memref_slice %arg8[%dma_wait3A_721] : memref<6x!tpu.dma_semaphore, #tpu.memory_space<semaphore_mem>> -> memref<1x!tpu.dma_semaphore, #tpu.memory_space<semaphore_mem>>
    %dma_wait3A_728 = tpu.memref_squeeze %dma_wait3A_727 : memref<1x!tpu.dma_semaphore, #tpu.memory_space<semaphore_mem>> -> memref<!tpu.dma_semaphore, #tpu.memory_space<semaphore_mem>>
    %dma_wait3A_729 = arith.constant 0 : i32
    %dma_wait3A_730 = tpu.memref_slice %arg4[%add3A_720, %dma_wait3A_729] : memref<2048x2048xi32, #tpu.memory_space<hbm>> -> memref<8x2048xi32, #tpu.memory_space<hbm>>
    %dma_wait3A_731 = arith.constant 8 : i32
    %dma_wait3A_732 = arith.constant 0 : i32
    %dma_wait3A_733 = tpu.memref_slice %arg6[%dma_wait3A_731, %dma_wait3A_732] : memref<48x2048xi32, #tpu.memory_space<vmem>> -> memref<8x2048xi32, #tpu.memory_space<vmem>>
    tpu.wait_dma2 semaphore(%dma_wait3A_728 : memref<!tpu.dma_semaphore, #tpu.memory_space<semaphore_mem>>) src(%dma_wait3A_733 : memref<8x2048xi32, #tpu.memory_space<vmem>>) dst(%dma_wait3A_730 : memref<8x2048xi32, #tpu.memory_space<hbm>>)
    return
  }
}

module attributes {stable_mosaic.version = 14 : i64} {
  func.func @_copy_body(%arg0: i32, %arg1: i32, %arg2: memref<1x1024x2048xf32, #tpu.memory_space<vmem>>, %arg3: memref<1x1024x2048xf32, #tpu.memory_space<vmem>>) attributes {dimension_semantics = [#tpu.dimension_semantics<arbitrary>, #tpu.dimension_semantics<arbitrary>], iteration_bounds = array<i64: 3, 2>, scalar_prefetch = 0 : i64, scratch_operands = 0 : i64, tpu.core_type = #tpu.core_type<tc>, window_params = [{transform_indices = @transform_0, window_bounds = array<i64: 1, 1024, 2048>}, {transform_indices = @transform_1, window_bounds = array<i64: 1, 1024, 2048>}]} {
    %get3A = arith.constant 0 : index
    %get3A_0 = arith.constant 0 : index
    %get3A_1 = arith.constant 0 : index
    %get3A_2 = vector.load %arg2[%get3A, %get3A_0, %get3A_1] : memref<1x1024x2048xf32, #tpu.memory_space<vmem>>, vector<1x1024x2048xf32>
    %swap3A = arith.constant 0 : index
    %swap3A_3 = arith.constant 0 : index
    %swap3A_4 = arith.constant 0 : index
    %swap3A_5 = vector.load %arg3[%swap3A, %swap3A_3, %swap3A_4] : memref<1x1024x2048xf32, #tpu.memory_space<vmem>>, vector<1x1024x2048xf32>
    tpu.vector_store %arg3[%swap3A, %swap3A_3, %swap3A_4], %get3A_2 {strides = array<i32>} : memref<1x1024x2048xf32, #tpu.memory_space<vmem>>, vector<1x1024x2048xf32>,
    return
  }
  func.func @transform_0(%arg0: i32, %arg1: i32) -> (i32, i32, i32) {
    %c0_i32 = arith.constant 0 : i32
    %c0_i32_0 = arith.constant 0 : i32
    return %arg0, %arg1, %c0_i32 : i32, i32, i32
  }
  func.func @transform_1(%arg0: i32, %arg1: i32) -> (i32, i32, i32) {
    %c0_i32 = arith.constant 0 : i32
    %c0_i32_0 = arith.constant 0 : i32
    return %arg0, %arg1, %c0_i32 : i32, i32, i32
  }
}

</mosaic_0001>

<sc_bundles>
// kernel: kernel.4.cloned.1.call-start
scs
__scs_entry_jumppad:
0x0: {  	(pc) =	sbr.rel $0x88, $3  }
0x1: {  	(tag) =	ssettag $0x0;
	lr =	simm.s32 $0x1  }
0x2: {  	[smem:$0x3F9E] =	sst lr;
	_ =	strace $0xD0000000  }
0x3: {  	_ = 	snop  }
0x4: {  	_ = 	snop  }
0x5: {  	_ = 	snop  }
0x6: {  	_ = 	snop  }
0x7: {  	_ = 	snop  }
__scs_overlays_trampoline_lowered:
0x8: {  	[smem:$0x3FAD] =	sst s0  }
0x9: {  	[smem:$0x3FAE] =	sst s1  }
0xa: {  	[smem:$0x3FAF] =	sst s2  }
0xb: {  	[smem:$0x3FB0] =	sst s3  }
0xc: {  	[smem:$0x3FB1] =	sst s4  }
0xd: {  	[smem:$0x3FB2] =	sst s5  }
0xe: {  	[smem:$0x3FB3] =	sst s6  }
0xf: {  	[smem:$0x3FB4] =	sst s7  }
0x10: {  	[smem:$0x3FB5] =	sst s8  }
0x11: {  	[smem:$0x3FB6] =	sst s9;
	s0 =	simm.s32 @!p0 $0x0  }
0x12: {  	s1 =	sld [smem:$0x3F9C];
	s0 =	simm.s32 @p0 $0x1  }
0x13: {  	[smem:$0x3FB7] =	sst s0;
	s0 =	simm.s32 @!p1 $0x0  }
0x14: {  	s2 =	sld [smem:$0x3F9B];
	s0 =	simm.s32 @p1 $0x1  }
0x15: {  	[smem:$0x3FB8] =	sst s0;
	s0 =	simm.s32 @!p2 $0x0  }
0x16: {  	s3 =	sld [smem:$0x3FDB];
	s0 =	simm.s32 @p2 $0x1  }
0x17: {  	s4 =	simm.s32 $0x1BF5;
	[smem:$0x3FBA] =	sst s0  }
0x18: {  	s0 =	sld [smem:$0x3F9D];
	_ =	swait.ge [sflag:s4], $0x0  }
0x19: {  	s7 =	sld [smem:$0x3F9E]  }
0x1a: {  	s8 =	sadd.s32 $0xFFFFE003, lr  }
0x1b: {  	s9 =	sadd.s32 $0xFFFFFEF7, lr;
	s5 =	simm.s32 $0xFFFFFFFF;
	p2 =	slt.u32 s8, $0xFFFFF086  }
0x1c: {  	p1 =	slt.u32 s9, $0xF7A;
	s5 =	simm.s32 @!p2 $0x0  }
0x1d: {  	s5 =	simm.s32 @p1 $0x1;
	p0 =	seq.s32 s7, s2  }
0x1e: {  	s7 =	smul.u32 @!p0 $0xF7A, s2;
	p2 =	seq.s32 @!p0 s5, $0x0  }
0x1f: {  	s9 =	smul.u32 $0xF7A, s1;
	s8 =	simm.s32 @!p0 $0x1BF5;
	p2 =	por !p2, p0  }
0x20: {  	[sflag:s8] =	ssyncset.s32 @!p0 $0xFFFFF086;
	s6 =	sadd.s32 @!p0 s3, s7;
	s7 =	simm.s32 @!p0 $0x108  }
0x21: {  	s3 =	sadd.s32 s3, s9;
	s6 =	sadd.s32 @!p0 $0x88, s6;
	s7 =	simm.s32 @p2 $0x1082  }
0x22: {  	[simem:s7], [sflag:s8] =	dma.local @!p0 [hbm:s6], $0xF7A  }
0x23: {  	s9 =	sor.u32 $0xD0000000, s2;
	s6 =	simm.s32 $0x108;
	_ =	swait.ge @!p0 [sflag:s8], $0x0  }
0x24: {  	s3 =	sadd.s32 $0x88, s3;
	s6 =	simm.s32 @!p1 $0x1082;
	[sflag:s4] =	ssyncset.s32 $0xFFFFF086  }
0x25: {  	[simem:s6], [sflag:s4] =	dma.local [hbm:s3], $0xF7A  }
0x26: {  	[smem:$0x3F9E] =	sst s1;
	(tag) =	ssettag s2;
	_ =	strace s9  }
0x27: {  	s1 =	sld [smem:$0x3FAE]  }
0x28: {  	s2 =	sld [smem:$0x3FAF]  }
0x29: {  	s4 =	sld [smem:$0x3FB1]  }
0x2a: {  	p0 =	seq.s32 s5, $0x0;
	s5 =	sld [smem:$0x3FB2]  }
0x2b: {  	s6 =	sld [smem:$0x3FB3]  }
0x2c: {  	s7 =	sld [smem:$0x3FB4]  }
0x2d: {  	s3 =	simm.s32 $0x108;
	s8 =	sld [smem:$0x3FB5]  }
0x2e: {  	s3 =	simm.s32 @!p0 $0x1082;
	s9 =	sld [smem:$0x3FB6]  }
0x2f: {  	lr =	sadd.s32 s0, s3;
	s0 =	sld [smem:$0x3FAD]  }
0x30: {  	s3 =	sld [smem:$0x3FB0]  }
0x31: {  	[smem:$0x3FB9] =	sst s10  }
0x32: {  	s10 =	sld [smem:$0x3FB7];
	_ =	sdelay $0x3  }
0x33: {  	p0 =	seq.s32 s10, $0x1;
	s10 =	sld [smem:$0x3FB9];
	_ =	sdelay $0x3  }
0x34: {  	[smem:$0x3FB9] =	sst s10  }
0x35: {  	s10 =	sld [smem:$0x3FB8];
	_ =	sdelay $0x3  }
0x36: {  	p1 =	seq.s32 s10, $0x1;
	s10 =	sld [smem:$0x3FB9];
	_ =	sdelay $0x3  }
0x37: {  	[smem:$0x3FB9] =	sst s10  }
0x38: {  	s10 =	sld [smem:$0x3FBA]  }
0x39: {  	_ = 	snop;
	(pc) =	sbr.ind lr, $3  }
0x3a: {  	_ = 	snop  }
0x3b: {  	_ = 	snop  }
0x3c: {  	p2 =	seq.s32 s10, $0x1;
	s10 =	sld [smem:$0x3FB9]  }
0x3d: {  	_ =	shalt  }
0x3e: {  	_ =	shalt  }
0x3f: {  	_ =	shalt  }
0x40: {  	_ =	shalt  }
0x41: {  	_ =	shalt  }
0x42: {  	_ =	shalt  }
0x43: {  	_ =	shalt  }
0x44: {  	_ =	shalt  }
0x45: {  	_ =	shalt  }
0x46: {  	_ =	shalt  }
0x47: {  	_ =	shalt  }
0x48: {  	_ =	shalt  }
0x49: {  	_ =	shalt  }
0x4a: {  	_ =	shalt  }
0x4b: {  	_ =	shalt  }
0x4c: {  	_ =	shalt  }
0x4d: {  	_ =	shalt  }
0x4e: {  	_ =	shalt  }
0x4f: {  	_ =	shalt  }
0x50: {  	_ =	shalt  }
0x51: {  	_ =	shalt  }
0x52: {  	_ =	shalt  }
0x53: {  	_ =	shalt  }
0x54: {  	_ =	shalt  }
0x55: {  	_ =	shalt  }
0x56: {  	_ =	shalt  }
0x57: {  	_ =	shalt  }
0x58: {  	_ =	shalt  }
0x59: {  	_ =	shalt  }
0x5a: {  	_ =	shalt  }
0x5b: {  	_ =	shalt  }
0x5c: {  	_ =	shalt  }
0x5d: {  	_ =	shalt  }
0x5e: {  	_ =	shalt  }
0x5f: {  	_ =	shalt  }
0x60: {  	_ =	shalt  }
0x61: {  	_ =	shalt  }
0x62: {  	_ =	shalt  }
0x63: {  	_ =	shalt  }
0x64: {  	_ =	shalt  }
0x65: {  	_ =	shalt  }
0x66: {  	_ =	shalt  }
0x67: {  	_ =	shalt  }
0x68: {  	_ =	shalt  }
0x69: {  	_ =	shalt  }
0x6a: {  	_ =	shalt  }
0x6b: {  	_ =	shalt  }
0x6c: {  	_ =	shalt  }
0x6d: {  	_ =	shalt  }
0x6e: {  	_ =	shalt  }
0x6f: {  	_ =	shalt  }
0x70: {  	_ =	shalt  }
0x71: {  	_ =	shalt  }
0x72: {  	_ =	shalt  }
0x73: {  	_ =	shalt  }
0x74: {  	_ =	shalt  }
0x75: {  	_ =	shalt  }
0x76: {  	_ =	shalt  }
0x77: {  	_ =	shalt  }
0x78: {  	_ =	shalt  }
0x79: {  	_ =	shalt  }
0x7a: {  	_ =	shalt  }
0x7b: {  	_ =	shalt  }
0x7c: {  	_ =	shalt  }
0x7d: {  	_ =	shalt  }
0x7e: {  	_ =	shalt  }
0x7f: {  	_ =	shalt  }
0x80: {  	_ =	shalt  }
0x81: {  	_ =	shalt  }
0x82: {  	_ =	shalt  }
0x83: {  	_ =	shalt  }
0x84: {  	_ =	shalt  }
0x85: {  	_ =	shalt  }
0x86: {  	_ =	shalt  }
0x87: {  	_ =	shalt  }
.Lfunc_end0:
.L_simem_size_0:
called_computation_lowered:
.L_overlay_start_0:
0x88: {  	s2 =	sld [smem:$0x3FD9]  }
0x89: {  	s3 =	sld [smem:$0x3FFE];
	_ =	sdelay $0x1  }
0x8a: {  	s1 =	srdreg.scid  }
0x8b: {  	s0 =	sand.u32 $0x1, s1  }
0x8c: {  	s15 =	sshll.u32 s0, $0xA;
	s2 =	sadd.s32 s3, s2  }
0x8d: {  	s2 =	sadd.s32 s2, s15  }
0x8e: {  	[smem:$0x3FC5] =	sst s2  }
0x8f: {  	_ = 	snop  }
0x90: {  	s2 =	sld [smem:$0x3FD0];
	_ =	sdelay $0x1  }
0x91: {  	s16 =	sld [smem:$0x3FC8]  }
0x92: {  	s5 =	simm.s32 $0xA;
	s6 =	simm.s32 $0x10;
	s4 =	sld [smem:$0x3FC7]  }
0x93: {  	[smem:s6], [sflag:s5] =	dma.local [hbm:s2], $0x1  }
0x94: {  	_ =	swait.eq [sflag:s5], $0x1  }
0x95: {  	[sflag:s5] =	ssyncset.done $0x0  }
0x96: {  	[sflag:s5] =	ssyncadd.s32 $0xFFFFFFFF  }
0x97: {  	s17 =	sld [smem:$0x11];
	(tm) =	ssettm $0x1  }
0x98: {  	s18 =	sld [smem:$0x3FFB];
	_ =	sdelay $0x3  }
0x99: {  	_ =	strace s18  }
0x9a: {  	s5 =	sld [smem:$0x3FFC];
	_ =	sdelay $0x3  }
0x9b: {  	_ =	strace s5  }
0x9c: {  	s5 =	sld [smem:$0x3FFD];
	_ =	sdelay $0x3  }
0x9d: {  	_ =	strace s5  }
0x9e: {  	_ =	strace $0x8FFFFFFF  }
0x9f: {  	s19 =	sld [smem:$0x3FDB];
	_ =	sdelay $0x1  }
0xa0: {  	s20 =	simm.s32 $_scs_section_size  }
0xa1: {  	s7 =	simm.s32 $_size__tile_overlayer_lowered;
	s8 =	simm.s32 $_tile_overlayer_lowered  }
0xa2: {  	s23 =	simm.s32 $0x1BFF;
	s22 =	sshll.u32 s8, $0x1;
	s5 =	sadd.s32 s20, s19  }
0xa3: {  	s9 =	simm.s32 $0x0;
	s21 =	sshll.u32 s7, $0x1;
	s7 =	sadd.s32 s22, s5  }
0xa4: {  	[timem:s9], [sflag:s23] =	dma.local [hbm:s7], s21  }
0xa5: {  	_ =	swait.ge [sflag:s23], s21  }
0xa6: {  	s6 =	ssub.s32 $0x0, s21;
	[sflag:s23] =	ssyncset.done $0x0  }
0xa7: {  	[sflag:s23] =	ssyncadd.s32 s6;
	_ =	sdelay $0x1  }
0xa8: {  	s24 =	simm.s32 $0x1B8B  }
0xa9: {  	_ =	swait.ge [sflag:s24], $0x1  }
0xaa: {  	[sflag:s24] =	ssyncset.done $0x0  }
0xab: {  	s25 =	simm.s32 $0x1B8E;
	[sflag:s24] =	ssyncadd.s32 $0xFFFFFFFF  }
0xac: {  	s26 =	simm.s32 $execute0_lowered;
	[smem:$0x3FD2] =	sst s25  }
0xad: {  	s6 =	sshll.u32 s26, $0x1;
	_ =	strace $0x80000046;
	[dreg:$0x1] =	wrdreg $0xFFFFFFFF  }
0xae: {  	s28 =	simm.s32 $_size_execute0_lowered;
	s5 =	sadd.s32 s5, s6;
	[dreg:$0x0] =	wrdreg $0x0  }
0xaf: {  	s6 =	sshll.u32 s28, $0x1;
	[dreg:$0x2] =	wrdreg s5  }
0xb0: {  	[dreg:$0x3] =	wrdreg s6  }
0xb1: {  	[dreg:$0x4] =	wrdreg $0xC0  }
0xb2: {  	_ =	task [dreg:s9], $0x5FFFF  }
0xb3: {  	[dreg:$0x1] =	wrdreg $0xFFFFFFFF  }
0xb4: {  	[dreg:$0x0] =	wrdreg $0x60  }
0xb5: {  	[dreg:$0x2] =	wrdreg s16  }
0xb6: {  	[dreg:$0x3] =	wrdreg s4  }
0xb7: {  	[dreg:$0x4] =	wrdreg s17  }
0xb8: {  	[dreg:$0x5] =	wrdreg $0x9  }
0xb9: {  	_ =	task.clear_ibuf [dreg:s9], $0x6FFFF;
	_ =	strace $0x90000046  }
0xba: {  	s29 =	simm.s32 $0x9;
	_ =	strace $0x80000048  }
0xbb: {  	_ =	swait.ge [sflag:s29], $0x1  }
0xbc: {  	[sflag:s29] =	ssyncadd.s32 $0xFFFFFFFF  }
0xbd: {  	_ =	strace $0x90000048  }
0xbe: {  	_ =	sfence  }
0xbf: {  	s30 =	sld [smem:$0x0];
	_ =	sdelay $0x2  }
0xc0: {  	s31 =	sshll.u32 s1, $0xD;
	s1 =	sshrl.u32 s1, $0x2  }
0xc1: {  	s3 =	sand.u32 $0x4000, s31;
	s1 =	sadd.s32 s1, s30  }
0xc2: {  	s0 =	sor.u32 s3, s0;
	s1 =	sshll.u32 s1, $0x11  }
0xc3: {  	s0 =	sor.u32 s1, s0  }
0xc4: {  	s0 =	sadd.s32 $0x8F2B, s0  }
0xc5: {  	[sflag:s0] =	ssyncadd.remote.s32 $0x1  }
0xc6: {  	_ =	sfence.sel $0xFFFF  }
0xc7: {  	[dreg:$0x0] =	wrdreg $0xFFFFFFFF;
	(pc) =	sbr.abs _section_cstart, $3  }
0xc8: {  	[dreg:$0x1] =	wrdreg $0xFFFFFFFF  }
0xc9: {  	_ =	task.clear_ibuf [dreg:s9], $0x2FFFF;
	_ =	strace $0x9FFFFFFF  }
0xca: {  	(tm) =	ssettm $0x7FFFFFFF  }
0xcb: {  	_ =	shalt  }
tec
execute0_lowered:
.L_overlay_start_1:
0x0: {  	(tag) =	ssettag $0x1  }
0x1: {  	s0 =	rddreg [dreg:$0x0]  }
0x2: {  	s1 =	rddreg [dreg:$0x2];
	s3 =	simm.s32 $0x0;
	s2 =	srdreg.scid  }
0x3: {  	s5 =	stileid.u32;
	s29 =	simm.s32 $0x2;
	s31 =	simm.s32 $0x3  }
0x4: {  	s28 =	simm.s32 $0x9;
	s30 =	simm.s32 $0xA;
	s2 =	sand.u32 $0x1, s2  }
0x5: {  	s5 =	sshll.u32 s5, $0xF;
	s4 =	ssub.s32 $0x2, s2;
	s2 =	sshll.u32 s2, $0xE  }
0x6: {  	[smem:$0x7FF] =	sst s3;
	s6 =	sshrl.u32 s4, $0x1;
	s2 =	sor.u32 s2, s5  }
0x7: {  	_ =	strace $0x80000047;
	s4 =	ssub.s32 s4, s6;
	s5 =	sadd.s32 s0, s2  }
0x8: {  	s19 =	sor.u32 $0x800, s2;
	s21 =	sor.u32 $0x1000, s2;
	s7 =	sor.u32 $0x1800, s2  }
0x9: {  	s23 =	sor.u32 $0x2000, s2;
	s9 =	sadd.s32 s1, s2;
	s25 =	sor.u32 $0x2800, s2  }
0xa: {  	s26 =	sor.u32 $0x3000, s2;
	s2 =	sor.u32 $0x3800, s2;
	s6 =	simm.s32 $0x0  }
0xb: {  	[dreg:$0x4] =	wrdreg s5;
	s20 =	sadd.s32 s0, s19;
	s8 =	sadd.s32 s0, s21  }
0xc: {  	s22 =	sadd.s32 s0, s7;
	[dreg:$0x8] =	wrdreg s9;
	s24 =	sadd.s32 s0, s23  }
0xd: {  	s5 =	sadd.s32 s1, s19;
	s11 =	sadd.s32 s0, s25;
	s12 =	sadd.s32 s1, s21  }
0xe: {  	s13 =	sadd.s32 s0, s26;
	s14 =	sadd.s32 s1, s7;
	s15 =	sadd.s32 s0, s2  }
0xf: {  	s16 =	sadd.s32 s1, s23;
	s17 =	sadd.s32 s1, s25;
	s18 =	sadd.s32 s1, s26  }
0x10: {  	s19 =	sadd.s32 s1, s2;
	s21 =	simm.s32 $0x80;
	[dreg:$0x5] =	wrdreg s20  }
0x11: {  	s25 =	simm.s32 $0xD;
	s26 =	simm.s32 $0x1;
	[dreg:$0x6] =	wrdreg s8  }
0x12: {  	s0 =	simm.s32 $0x7;
	s2 =	simm.s32 $0x4;
	[dreg:$0x7] =	wrdreg s22  }
0x13: {  	s1 =	simm.s32 $0x8;
	s23 =	simm.s32 $0x5;
	[dreg:$0x9] =	wrdreg s24  }
0x14: {  	[dreg:$0xa] =	wrdreg s5;
	s20 =	smax.u32 s4, $0x1;
	s22 =	simm.s32 $0x4080  }
0x15: {  	s24 =	simm.s32 $0x6;
	s4 =	simm.s32 $0xB;
	s5 =	simm.s32 $0xC  }
.LBB2_1:
0x16: {  	s7 =	rddreg [dreg:$0x4]  }
0x17: {  	[tilespmem:s21], [sflag:$0x1] =	stream.linear.gather [hbm4b:s7+s3], $0x4000, $0x38;
	[tilespmem:$0x18080] =	vst v63  }
0x18: {  	s9 =	rddreg [dreg:$0x5]  }
0x19: {  	[tilespmem:s22], [sflag:$0x2] =	stream.linear.gather [hbm4b:s9+s3], $0x4000, $0x38;
	[tilespmem:$0x18080] =	vst v63  }
0x1a: {  	s10 =	rddreg [dreg:$0x6];
	s8 =	simm.s32 $0x8080  }
0x1b: {  	[tilespmem:s8], [sflag:$0x3] =	stream.linear.gather [hbm4b:s10+s3], $0x4000, $0x38;
	[tilespmem:$0x18080] =	vst v63  }
0x1c: {  	s9 =	simm.s32 $0xC080;
	s8 =	rddreg [dreg:$0x7]  }
0x1d: {  	[tilespmem:s9], [sflag:$0x4] =	stream.linear.gather [hbm4b:s8+s3], $0x4000, $0x38;
	[tilespmem:$0x18080] =	vst v63  }
0x1e: {  	s10 =	rddreg [dreg:$0x1]  }
0x1f: {  	[tilespmem:s3], [sflag:$0xD] =	stream.linear.gather [hbm4b:s10+s3], $0x22, $0x38;
	[tilespmem:$0x18080] =	vst v63  }
0x20: {  	_ =	swait.ge [sflag:s25], $0x22  }
0x21: {  	[sflag:s25] =	ssyncset.done $0x0  }
0x22: {  	[sflag:s25] =	ssyncadd.s32 $0xFFFFFFDE  }
0x23: {  	_ =	swait.ge [sflag:s26], $0x4000  }
0x24: {  	[sflag:s26] =	ssyncset.done $0x0  }
0x25: {  	s8 =	simm.s32 $0xC0;
	[sflag:s26] =	ssyncadd.s32 $0xFFFFC000  }
0x26: {  	v0 =	vld [tilespmem:s8+$0x30]  }
0x27: {  	v1 =	vld [tilespmem:s8+$0xFFFFFFD0]  }
0x28: {  	v2 =	vld [tilespmem:s8+$0xFFFFFFE0]  }
0x29: {  	v3 =	vld [tilespmem:s8+$0xFFFFFFF0]  }
0x2a: {  	v4 =	vld [tilespmem:s8+$0x0]  }
0x2b: {  	v6 =	vld [tilespmem:s8+$0x10]  }
0x2c: {  	v7 =	vld [tilespmem:s8+$0x20]  }
0x2d: {  	v8 =	vld [tilespmem:s8+$0xFFFFFFC0]  }
0x2e: {  	v9 =	vld.idx.msk [tilespmem:v0+s3+$0x0], $0xffff  }
0x2f: {  	v10 =	vld.idx.msk [tilespmem:v1+s3+$0x0], $0xffff  }
0x30: {  	v5 =	vld.idx.msk [tilespmem:v2+s3+$0x0], $0xffff  }
0x31: {  	v3 =	vld.idx.msk [tilespmem:v3+s3+$0x0], $0xffff  }
0x32: {  	v2 =	vld.idx.msk [tilespmem:v4+s3+$0x0], $0xffff  }
0x33: {  	v1 =	vld.idx.msk [tilespmem:v6+s3+$0x0], $0xffff  }
0x34: {  	v0 =	vld.idx.msk [tilespmem:v7+s3+$0x0], $0xffff;
	[tilespmem:s8+$0x30] =	vst v9  }
0x35: {  	s7 =	simm.s32 $0x170;
	s9 =	simm.s32 $0x0;
	s10 =	simm.s32 $0x4C0;
	v4 =	vld.idx.msk [tilespmem:v8+s3+$0x0], $0xffff;
	[tilespmem:s8+$0xFFFFFFD0] =	vst v10  }
.LBB2_2:
0x36: {  	v6 =	vld [tilespmem:s10+$0x30];
	s9 =	sadd.s32 $0x80, s9;
	[tilespmem:s8+$0xFFFFFFE0] =	vst v5  }
0x37: {  	v5 =	vld [tilespmem:s10+$0xFFFFFFD0];
	p0 =	slt.u32 s9, $0x780;
	[tilespmem:s8+$0xFFFFFFF0] =	vst v3  }
0x38: {  	v3 =	vld [tilespmem:s10+$0xFFFFFFE0];
	[tilespmem:s8+$0x0] =	vst v2  }
0x39: {  	v2 =	vld [tilespmem:s10+$0xFFFFFFF0];
	[tilespmem:s8+$0x10] =	vst v1  }
0x3a: {  	v1 =	vld [tilespmem:s10+$0x0];
	[tilespmem:s8+$0x20] =	vst v0  }
0x3b: {  	v0 =	vld [tilespmem:s10+$0x10];
	[tilespmem:s8+$0xFFFFFFC0] =	vst v4;
	s8 =	smov.u32 s10  }
0x3c: {  	v4 =	vld [tilespmem:s10+$0x20]  }
0x3d: {  	v7 =	vld [tilespmem:s10+$0xFFFFFFC0]  }
0x3e: {  	v6 =	vld.idx.msk [tilespmem:v6+s3+$0x0], $0xffff  }
0x3f: {  	v8 =	vld.idx.msk [tilespmem:v5+s3+$0x0], $0xffff  }
0x40: {  	v5 =	vld.idx.msk [tilespmem:v3+s3+$0x0], $0xffff  }
.Ltmp0:
0x41: {  	v3 =	vld.idx.msk [tilespmem:v2+s3+$0x0], $0xffff;
	(pc) =	sbr.rel @p0 .LBB2_2-.Ltmp0, $4  }
0x42: {  	v2 =	vld.idx.msk [tilespmem:v1+s3+$0x0], $0xffff  }
0x43: {  	v1 =	vld.idx.msk [tilespmem:v0+s3+$0x0], $0xffff  }
0x44: {  	v0 =	vld.idx.msk [tilespmem:v4+s3+$0x0], $0xffff;
	[tilespmem:s10+$0x30] =	vst v6  }
0x45: {  	s10 =	sadd.s32 $0x400, s10;
	v4 =	vld.idx.msk [tilespmem:v7+s3+$0x0], $0xffff;
	[tilespmem:s8+$0xFFFFFFD0] =	vst v8  }
0x46: {  	[tilespmem:s8+$0xFFFFFFE0] =	vst v5  }
0x47: {  	[tilespmem:s8+$0xFFFFFFF0] =	vst v3  }
0x48: {  	[tilespmem:s8+$0x0] =	vst v2  }
0x49: {  	[tilespmem:s8+$0x10] =	vst v1  }
0x4a: {  	[tilespmem:s8+$0x20] =	vst v0  }
0x4b: {  	[tilespmem:s8+$0xFFFFFFC0] =	vst v4  }
0x4c: {  	v0 =	vld [tilespmem:s7+$0x0]  }
0x4d: {  	v1 =	vld [tilespmem:s7+$0xFFFFFFA0]  }
0x4e: {  	v2 =	vld [tilespmem:s7+$0xFFFFFFB0]  }
0x4f: {  	v3 =	vld [tilespmem:s7+$0xFFFFFFC0]  }
0x50: {  	v4 =	vld [tilespmem:s7+$0xFFFFFFD0]  }
0x51: {  	v6 =	vld [tilespmem:s7+$0xFFFFFFE0]  }
0x52: {  	v7 =	vld [tilespmem:s7+$0xFFFFFFF0]  }
0x53: {  	v8 =	vld [tilespmem:s7+$0xFFFFFF90]  }
0x54: {  	v9 =	vld.idx.msk [tilespmem:v0+s3+$0x0], $0xffff  }
0x55: {  	v10 =	vld.idx.msk [tilespmem:v1+s3+$0x0], $0xffff  }
0x56: {  	v5 =	vld.idx.msk [tilespmem:v2+s3+$0x0], $0xffff  }
0x57: {  	v3 =	vld.idx.msk [tilespmem:v3+s3+$0x0], $0xffff  }
0x58: {  	v2 =	vld.idx.msk [tilespmem:v4+s3+$0x0], $0xffff  }
0x59: {  	v1 =	vld.idx.msk [tilespmem:v6+s3+$0x0], $0xffff  }
0x5a: {  	v0 =	vld.idx.msk [tilespmem:v7+s3+$0x0], $0xffff;
	[tilespmem:s7+$0x0] =	vst v9  }
0x5b: {  	s9 =	simm.s32 $0x0;
	s10 =	simm.s32 $0x570;
	s8 =	simm.s32 $0x1F0;
	v4 =	vld.idx.msk [tilespmem:v8+s3+$0x0], $0xffff;
	[tilespmem:s7+$0xFFFFFFA0] =	vst v10  }
.LBB2_4:
0x5c: {  	v6 =	vld [tilespmem:s10+$0x0];
	s9 =	sadd.s32 $0x80, s9;
	[tilespmem:s7+$0xFFFFFFB0] =	vst v5  }
0x5d: {  	v5 =	vld [tilespmem:s10+$0xFFFFFFA0];
	p0 =	slt.u32 s9, $0x780;
	[tilespmem:s7+$0xFFFFFFC0] =	vst v3  }
0x5e: {  	v3 =	vld [tilespmem:s10+$0xFFFFFFB0];
	[tilespmem:s7+$0xFFFFFFD0] =	vst v2  }
0x5f: {  	v2 =	vld [tilespmem:s10+$0xFFFFFFC0];
	[tilespmem:s7+$0xFFFFFFE0] =	vst v1  }
0x60: {  	v1 =	vld [tilespmem:s10+$0xFFFFFFD0];
	[tilespmem:s7+$0xFFFFFFF0] =	vst v0  }
0x61: {  	v0 =	vld [tilespmem:s10+$0xFFFFFFE0];
	[tilespmem:s7+$0xFFFFFF90] =	vst v4;
	s7 =	smov.u32 s10  }
0x62: {  	v4 =	vld [tilespmem:s10+$0xFFFFFFF0]  }
0x63: {  	v7 =	vld [tilespmem:s10+$0xFFFFFF90]  }
0x64: {  	v6 =	vld.idx.msk [tilespmem:v6+s3+$0x0], $0xffff  }
0x65: {  	v8 =	vld.idx.msk [tilespmem:v5+s3+$0x0], $0xffff  }
0x66: {  	v5 =	vld.idx.msk [tilespmem:v3+s3+$0x0], $0xffff  }
.Ltmp1:
0x67: {  	v3 =	vld.idx.msk [tilespmem:v2+s3+$0x0], $0xffff;
	(pc) =	sbr.rel @p0 .LBB2_4-.Ltmp1, $4  }
0x68: {  	v2 =	vld.idx.msk [tilespmem:v1+s3+$0x0], $0xffff  }
0x69: {  	v1 =	vld.idx.msk [tilespmem:v0+s3+$0x0], $0xffff  }
0x6a: {  	v0 =	vld.idx.msk [tilespmem:v4+s3+$0x0], $0xffff;
	[tilespmem:s10+$0x0] =	vst v6  }
0x6b: {  	s10 =	sadd.s32 $0x400, s10;
	v4 =	vld.idx.msk [tilespmem:v7+s3+$0x0], $0xffff;
	[tilespmem:s7+$0xFFFFFFA0] =	vst v8  }
0x6c: {  	[tilespmem:s7+$0xFFFFFFB0] =	vst v5  }
0x6d: {  	[tilespmem:s7+$0xFFFFFFC0] =	vst v3  }
0x6e: {  	[tilespmem:s7+$0xFFFFFFD0] =	vst v2  }
0x6f: {  	[tilespmem:s7+$0xFFFFFFE0] =	vst v1  }
0x70: {  	[tilespmem:s7+$0xFFFFFFF0] =	vst v0  }
0x71: {  	[tilespmem:s7+$0xFFFFFF90] =	vst v4  }
0x72: {  	v0 =	vld [tilespmem:s8+$0x0]  }
0x73: {  	v1 =	vld [tilespmem:s8+$0xFFFFFFA0]  }
0x74: {  	v2 =	vld [tilespmem:s8+$0xFFFFFFB0]  }
0x75: {  	v3 =	vld [tilespmem:s8+$0xFFFFFFC0]  }
0x76: {  	v4 =	vld [tilespmem:s8+$0xFFFFFFD0]  }
0x77: {  	v6 =	vld [tilespmem:s8+$0xFFFFFFE0]  }
0x78: {  	v7 =	vld [tilespmem:s8+$0xFFFFFFF0]  }
0x79: {  	v8 =	vld [tilespmem:s8+$0xFFFFFF90]  }
0x7a: {  	v9 =	vld.idx.msk [tilespmem:v0+s3+$0x0], $0xffff  }
0x7b: {  	v10 =	vld.idx.msk [tilespmem:v1+s3+$0x0], $0xffff  }
0x7c: {  	v5 =	vld.idx.msk [tilespmem:v2+s3+$0x0], $0xffff  }
0x7d: {  	v3 =	vld.idx.msk [tilespmem:v3+s3+$0x0], $0xffff  }
0x7e: {  	v2 =	vld.idx.msk [tilespmem:v4+s3+$0x0], $0xffff  }
0x7f: {  	v1 =	vld.idx.msk [tilespmem:v6+s3+$0x0], $0xffff  }
0x80: {  	v0 =	vld.idx.msk [tilespmem:v7+s3+$0x0], $0xffff;
	[tilespmem:s8+$0x0] =	vst v9  }
0x81: {  	s9 =	simm.s32 $0x0;
	s10 =	simm.s32 $0x5F0;
	s7 =	simm.s32 $0x270;
	v4 =	vld.idx.msk [tilespmem:v8+s3+$0x0], $0xffff;
	[tilespmem:s8+$0xFFFFFFA0] =	vst v10  }
.LBB2_6:
0x82: {  	v6 =	vld [tilespmem:s10+$0x0];
	s9 =	sadd.s32 $0x80, s9;
	[tilespmem:s8+$0xFFFFFFB0] =	vst v5  }
0x83: {  	v5 =	vld [tilespmem:s10+$0xFFFFFFA0];
	p0 =	slt.u32 s9, $0x780;
	[tilespmem:s8+$0xFFFFFFC0] =	vst v3  }
0x84: {  	v3 =	vld [tilespmem:s10+$0xFFFFFFB0];
	[tilespmem:s8+$0xFFFFFFD0] =	vst v2  }
0x85: {  	v2 =	vld [tilespmem:s10+$0xFFFFFFC0];
	[tilespmem:s8+$0xFFFFFFE0] =	vst v1  }
0x86: {  	v1 =	vld [tilespmem:s10+$0xFFFFFFD0];
	[tilespmem:s8+$0xFFFFFFF0] =	vst v0  }
0x87: {  	v0 =	vld [tilespmem:s10+$0xFFFFFFE0];
	[tilespmem:s8+$0xFFFFFF90] =	vst v4;
	s8 =	smov.u32 s10  }
0x88: {  	v4 =	vld [tilespmem:s10+$0xFFFFFFF0]  }
0x89: {  	v7 =	vld [tilespmem:s10+$0xFFFFFF90]  }
0x8a: {  	v6 =	vld.idx.msk [tilespmem:v6+s3+$0x0], $0xffff  }
0x8b: {  	v8 =	vld.idx.msk [tilespmem:v5+s3+$0x0], $0xffff  }
0x8c: {  	v5 =	vld.idx.msk [tilespmem:v3+s3+$0x0], $0xffff  }
.Ltmp2:
0x8d: {  	v3 =	vld.idx.msk [tilespmem:v2+s3+$0x0], $0xffff;
	(pc) =	sbr.rel @p0 .LBB2_6-.Ltmp2, $4  }
0x8e: {  	v2 =	vld.idx.msk [tilespmem:v1+s3+$0x0], $0xffff  }
0x8f: {  	v1 =	vld.idx.msk [tilespmem:v0+s3+$0x0], $0xffff  }
0x90: {  	v0 =	vld.idx.msk [tilespmem:v4+s3+$0x0], $0xffff;
	[tilespmem:s10+$0x0] =	vst v6  }
0x91: {  	s10 =	sadd.s32 $0x400, s10;
	v4 =	vld.idx.msk [tilespmem:v7+s3+$0x0], $0xffff;
	[tilespmem:s8+$0xFFFFFFA0] =	vst v8  }
0x92: {  	[tilespmem:s8+$0xFFFFFFB0] =	vst v5  }
0x93: {  	[tilespmem:s8+$0xFFFFFFC0] =	vst v3  }
0x94: {  	[tilespmem:s8+$0xFFFFFFD0] =	vst v2  }
0x95: {  	[tilespmem:s8+$0xFFFFFFE0] =	vst v1  }
0x96: {  	[tilespmem:s8+$0xFFFFFFF0] =	vst v0  }
0x97: {  	[tilespmem:s8+$0xFFFFFF90] =	vst v4  }
0x98: {  	v0 =	vld [tilespmem:s7+$0x0]  }
0x99: {  	v1 =	vld [tilespmem:s7+$0xFFFFFFA0]  }
0x9a: {  	v2 =	vld [tilespmem:s7+$0xFFFFFFB0]  }
0x9b: {  	v3 =	vld [tilespmem:s7+$0xFFFFFFC0]  }
0x9c: {  	v4 =	vld [tilespmem:s7+$0xFFFFFFD0]  }
0x9d: {  	v6 =	vld [tilespmem:s7+$0xFFFFFFE0]  }
0x9e: {  	v7 =	vld [tilespmem:s7+$0xFFFFFFF0]  }
0x9f: {  	v8 =	vld [tilespmem:s7+$0xFFFFFF90]  }
0xa0: {  	v9 =	vld.idx.msk [tilespmem:v0+s3+$0x0], $0xffff  }
0xa1: {  	v10 =	vld.idx.msk [tilespmem:v1+s3+$0x0], $0xffff  }
0xa2: {  	v5 =	vld.idx.msk [tilespmem:v2+s3+$0x0], $0xffff  }
0xa3: {  	v3 =	vld.idx.msk [tilespmem:v3+s3+$0x0], $0xffff  }
0xa4: {  	v2 =	vld.idx.msk [tilespmem:v4+s3+$0x0], $0xffff  }
0xa5: {  	v1 =	vld.idx.msk [tilespmem:v6+s3+$0x0], $0xffff  }
0xa6: {  	v0 =	vld.idx.msk [tilespmem:v7+s3+$0x0], $0xffff;
	[tilespmem:s7+$0x0] =	vst v9  }
0xa7: {  	s9 =	simm.s32 $0x0;
	s10 =	simm.s32 $0x670;
	s8 =	simm.s32 $0x2F0;
	v4 =	vld.idx.msk [tilespmem:v8+s3+$0x0], $0xffff;
	[tilespmem:s7+$0xFFFFFFA0] =	vst v10  }
.LBB2_8:
0xa8: {  	v6 =	vld [tilespmem:s10+$0x0];
	s9 =	sadd.s32 $0x80, s9;
	[tilespmem:s7+$0xFFFFFFB0] =	vst v5  }
0xa9: {  	v5 =	vld [tilespmem:s10+$0xFFFFFFA0];
	p0 =	slt.u32 s9, $0x780;
	[tilespmem:s7+$0xFFFFFFC0] =	vst v3  }
0xaa: {  	v3 =	vld [tilespmem:s10+$0xFFFFFFB0];
	[tilespmem:s7+$0xFFFFFFD0] =	vst v2  }
0xab: {  	v2 =	vld [tilespmem:s10+$0xFFFFFFC0];
	[tilespmem:s7+$0xFFFFFFE0] =	vst v1  }
0xac: {  	v1 =	vld [tilespmem:s10+$0xFFFFFFD0];
	[tilespmem:s7+$0xFFFFFFF0] =	vst v0  }
0xad: {  	v0 =	vld [tilespmem:s10+$0xFFFFFFE0];
	[tilespmem:s7+$0xFFFFFF90] =	vst v4;
	s7 =	smov.u32 s10  }
0xae: {  	v4 =	vld [tilespmem:s10+$0xFFFFFFF0]  }
0xaf: {  	v7 =	vld [tilespmem:s10+$0xFFFFFF90]  }
0xb0: {  	v6 =	vld.idx.msk [tilespmem:v6+s3+$0x0], $0xffff  }
0xb1: {  	v8 =	vld.idx.msk [tilespmem:v5+s3+$0x0], $0xffff  }
0xb2: {  	v5 =	vld.idx.msk [tilespmem:v3+s3+$0x0], $0xffff  }
.Ltmp3:
0xb3: {  	v3 =	vld.idx.msk [tilespmem:v2+s3+$0x0], $0xffff;
	(pc) =	sbr.rel @p0 .LBB2_8-.Ltmp3, $4  }
0xb4: {  	v2 =	vld.idx.msk [tilespmem:v1+s3+$0x0], $0xffff  }
0xb5: {  	v1 =	vld.idx.msk [tilespmem:v0+s3+$0x0], $0xffff  }
0xb6: {  	v0 =	vld.idx.msk [tilespmem:v4+s3+$0x0], $0xffff;
	[tilespmem:s10+$0x0] =	vst v6  }
0xb7: {  	s10 =	sadd.s32 $0x400, s10;
	v4 =	vld.idx.msk [tilespmem:v7+s3+$0x0], $0xffff;
	[tilespmem:s7+$0xFFFFFFA0] =	vst v8  }
0xb8: {  	[tilespmem:s7+$0xFFFFFFB0] =	vst v5  }
0xb9: {  	[tilespmem:s7+$0xFFFFFFC0] =	vst v3  }
0xba: {  	[tilespmem:s7+$0xFFFFFFD0] =	vst v2  }
0xbb: {  	[tilespmem:s7+$0xFFFFFFE0] =	vst v1  }
0xbc: {  	[tilespmem:s7+$0xFFFFFFF0] =	vst v0  }
0xbd: {  	[tilespmem:s7+$0xFFFFFF90] =	vst v4  }
0xbe: {  	v0 =	vld [tilespmem:s8+$0x0]  }
0xbf: {  	v1 =	vld [tilespmem:s8+$0xFFFFFFA0]  }
0xc0: {  	v2 =	vld [tilespmem:s8+$0xFFFFFFB0]  }
0xc1: {  	v3 =	vld [tilespmem:s8+$0xFFFFFFC0]  }
0xc2: {  	v4 =	vld [tilespmem:s8+$0xFFFFFFD0]  }
0xc3: {  	v6 =	vld [tilespmem:s8+$0xFFFFFFE0]  }
0xc4: {  	v7 =	vld [tilespmem:s8+$0xFFFFFFF0]  }
0xc5: {  	v8 =	vld [tilespmem:s8+$0xFFFFFF90]  }
0xc6: {  	v9 =	vld.idx.msk [tilespmem:v0+s3+$0x0], $0xffff  }
0xc7: {  	v10 =	vld.idx.msk [tilespmem:v1+s3+$0x0], $0xffff  }
0xc8: {  	v5 =	vld.idx.msk [tilespmem:v2+s3+$0x0], $0xffff  }
0xc9: {  	v3 =	vld.idx.msk [tilespmem:v3+s3+$0x0], $0xffff  }
0xca: {  	v2 =	vld.idx.msk [tilespmem:v4+s3+$0x0], $0xffff  }
0xcb: {  	v1 =	vld.idx.msk [tilespmem:v6+s3+$0x0], $0xffff  }
0xcc: {  	v0 =	vld.idx.msk [tilespmem:v7+s3+$0x0], $0xffff;
	[tilespmem:s8+$0x0] =	vst v9  }
0xcd: {  	s9 =	simm.s32 $0x0;
	s10 =	simm.s32 $0x6F0;
	s7 =	simm.s32 $0x370;
	v4 =	vld.idx.msk [tilespmem:v8+s3+$0x0], $0xffff;
	[tilespmem:s8+$0xFFFFFFA0] =	vst v10  }
.LBB2_10:
0xce: {  	v6 =	vld [tilespmem:s10+$0x0];
	s9 =	sadd.s32 $0x80, s9;
	[tilespmem:s8+$0xFFFFFFB0] =	vst v5  }
0xcf: {  	v5 =	vld [tilespmem:s10+$0xFFFFFFA0];
	p0 =	slt.u32 s9, $0x780;
	[tilespmem:s8+$0xFFFFFFC0] =	vst v3  }
0xd0: {  	v3 =	vld [tilespmem:s10+$0xFFFFFFB0];
	[tilespmem:s8+$0xFFFFFFD0] =	vst v2  }
0xd1: {  	v2 =	vld [tilespmem:s10+$0xFFFFFFC0];
	[tilespmem:s8+$0xFFFFFFE0] =	vst v1  }
0xd2: {  	v1 =	vld [tilespmem:s10+$0xFFFFFFD0];
	[tilespmem:s8+$0xFFFFFFF0] =	vst v0  }
0xd3: {  	v0 =	vld [tilespmem:s10+$0xFFFFFFE0];
	[tilespmem:s8+$0xFFFFFF90] =	vst v4;
	s8 =	smov.u32 s10  }
0xd4: {  	v4 =	vld [tilespmem:s10+$0xFFFFFFF0]  }
0xd5: {  	v7 =	vld [tilespmem:s10+$0xFFFFFF90]  }
0xd6: {  	v6 =	vld.idx.msk [tilespmem:v6+s3+$0x0], $0xffff  }
0xd7: {  	v8 =	vld.idx.msk [tilespmem:v5+s3+$0x0], $0xffff  }
0xd8: {  	v5 =	vld.idx.msk [tilespmem:v3+s3+$0x0], $0xffff  }
.Ltmp4:
0xd9: {  	v3 =	vld.idx.msk [tilespmem:v2+s3+$0x0], $0xffff;
	(pc) =	sbr.rel @p0 .LBB2_10-.Ltmp4, $4  }
0xda: {  	v2 =	vld.idx.msk [tilespmem:v1+s3+$0x0], $0xffff  }
0xdb: {  	v1 =	vld.idx.msk [tilespmem:v0+s3+$0x0], $0xffff  }
0xdc: {  	v0 =	vld.idx.msk [tilespmem:v4+s3+$0x0], $0xffff;
	[tilespmem:s10+$0x0] =	vst v6  }
0xdd: {  	s10 =	sadd.s32 $0x400, s10;
	v4 =	vld.idx.msk [tilespmem:v7+s3+$0x0], $0xffff;
	[tilespmem:s8+$0xFFFFFFA0] =	vst v8  }
0xde: {  	[tilespmem:s8+$0xFFFFFFB0] =	vst v5  }
0xdf: {  	[tilespmem:s8+$0xFFFFFFC0] =	vst v3  }
0xe0: {  	[tilespmem:s8+$0xFFFFFFD0] =	vst v2  }
0xe1: {  	[tilespmem:s8+$0xFFFFFFE0] =	vst v1  }
0xe2: {  	[tilespmem:s8+$0xFFFFFFF0] =	vst v0  }
0xe3: {  	[tilespmem:s8+$0xFFFFFF90] =	vst v4  }
0xe4: {  	v0 =	vld [tilespmem:s7+$0x0]  }
0xe5: {  	v1 =	vld [tilespmem:s7+$0xFFFFFFA0]  }
0xe6: {  	v2 =	vld [tilespmem:s7+$0xFFFFFFB0]  }
0xe7: {  	v3 =	vld [tilespmem:s7+$0xFFFFFFC0]  }
0xe8: {  	v4 =	vld [tilespmem:s7+$0xFFFFFFD0]  }
0xe9: {  	v6 =	vld [tilespmem:s7+$0xFFFFFFE0]  }
0xea: {  	v7 =	vld [tilespmem:s7+$0xFFFFFFF0]  }
0xeb: {  	v8 =	vld [tilespmem:s7+$0xFFFFFF90]  }
0xec: {  	v9 =	vld.idx.msk [tilespmem:v0+s3+$0x0], $0xffff  }
0xed: {  	v10 =	vld.idx.msk [tilespmem:v1+s3+$0x0], $0xffff  }
0xee: {  	v5 =	vld.idx.msk [tilespmem:v2+s3+$0x0], $0xffff  }
0xef: {  	v3 =	vld.idx.msk [tilespmem:v3+s3+$0x0], $0xffff  }
0xf0: {  	v2 =	vld.idx.msk [tilespmem:v4+s3+$0x0], $0xffff  }
0xf1: {  	v1 =	vld.idx.msk [tilespmem:v6+s3+$0x0], $0xffff  }
0xf2: {  	v0 =	vld.idx.msk [tilespmem:v7+s3+$0x0], $0xffff;
	[tilespmem:s7+$0x0] =	vst v9  }
0xf3: {  	s9 =	simm.s32 $0x0;
	s10 =	simm.s32 $0x770;
	s8 =	simm.s32 $0x3F0;
	v4 =	vld.idx.msk [tilespmem:v8+s3+$0x0], $0xffff;
	[tilespmem:s7+$0xFFFFFFA0] =	vst v10  }
.LBB2_12:
0xf4: {  	v6 =	vld [tilespmem:s10+$0x0];
	s9 =	sadd.s32 $0x80, s9;
	[tilespmem:s7+$0xFFFFFFB0] =	vst v5  }
0xf5: {  	v5 =	vld [tilespmem:s10+$0xFFFFFFA0];
	p0 =	slt.u32 s9, $0x780;
	[tilespmem:s7+$0xFFFFFFC0] =	vst v3  }
0xf6: {  	v3 =	vld [tilespmem:s10+$0xFFFFFFB0];
	[tilespmem:s7+$0xFFFFFFD0] =	vst v2  }
0xf7: {  	v2 =	vld [tilespmem:s10+$0xFFFFFFC0];
	[tilespmem:s7+$0xFFFFFFE0] =	vst v1  }
0xf8: {  	v1 =	vld [tilespmem:s10+$0xFFFFFFD0];
	[tilespmem:s7+$0xFFFFFFF0] =	vst v0  }
0xf9: {  	v0 =	vld [tilespmem:s10+$0xFFFFFFE0];
	[tilespmem:s7+$0xFFFFFF90] =	vst v4;
	s7 =	smov.u32 s10  }
0xfa: {  	v4 =	vld [tilespmem:s10+$0xFFFFFFF0]  }
0xfb: {  	v7 =	vld [tilespmem:s10+$0xFFFFFF90]  }
0xfc: {  	v6 =	vld.idx.msk [tilespmem:v6+s3+$0x0], $0xffff  }
0xfd: {  	v8 =	vld.idx.msk [tilespmem:v5+s3+$0x0], $0xffff  }
0xfe: {  	v5 =	vld.idx.msk [tilespmem:v3+s3+$0x0], $0xffff  }
.Ltmp5:
0xff: {  	v3 =	vld.idx.msk [tilespmem:v2+s3+$0x0], $0xffff;
	(pc) =	sbr.rel @p0 .LBB2_12-.Ltmp5, $4  }
0x100: {  	v2 =	vld.idx.msk [tilespmem:v1+s3+$0x0], $0xffff  }
0x101: {  	v1 =	vld.idx.msk [tilespmem:v0+s3+$0x0], $0xffff  }
0x102: {  	v0 =	vld.idx.msk [tilespmem:v4+s3+$0x0], $0xffff;
	[tilespmem:s10+$0x0] =	vst v6  }
0x103: {  	s10 =	sadd.s32 $0x400, s10;
	v4 =	vld.idx.msk [tilespmem:v7+s3+$0x0], $0xffff;
	[tilespmem:s7+$0xFFFFFFA0] =	vst v8  }
0x104: {  	[tilespmem:s7+$0xFFFFFFB0] =	vst v5  }
0x105: {  	[tilespmem:s7+$0xFFFFFFC0] =	vst v3  }
0x106: {  	[tilespmem:s7+$0xFFFFFFD0] =	vst v2  }
0x107: {  	[tilespmem:s7+$0xFFFFFFE0] =	vst v1  }
0x108: {  	[tilespmem:s7+$0xFFFFFFF0] =	vst v0  }
0x109: {  	[tilespmem:s7+$0xFFFFFF90] =	vst v4  }
0x10a: {  	v0 =	vld [tilespmem:s8+$0x0]  }
0x10b: {  	v1 =	vld [tilespmem:s8+$0xFFFFFFA0]  }
0x10c: {  	v2 =	vld [tilespmem:s8+$0xFFFFFFB0]  }
0x10d: {  	v3 =	vld [tilespmem:s8+$0xFFFFFFC0]  }
0x10e: {  	v4 =	vld [tilespmem:s8+$0xFFFFFFD0]  }
0x10f: {  	v6 =	vld [tilespmem:s8+$0xFFFFFFE0]  }
0x110: {  	v7 =	vld [tilespmem:s8+$0xFFFFFFF0]  }
0x111: {  	v8 =	vld [tilespmem:s8+$0xFFFFFF90]  }
0x112: {  	v9 =	vld.idx.msk [tilespmem:v0+s3+$0x0], $0xffff  }
0x113: {  	v10 =	vld.idx.msk [tilespmem:v1+s3+$0x0], $0xffff  }
0x114: {  	v5 =	vld.idx.msk [tilespmem:v2+s3+$0x0], $0xffff  }
0x115: {  	v3 =	vld.idx.msk [tilespmem:v3+s3+$0x0], $0xffff  }
0x116: {  	v2 =	vld.idx.msk [tilespmem:v4+s3+$0x0], $0xffff  }
0x117: {  	v1 =	vld.idx.msk [tilespmem:v6+s3+$0x0], $0xffff  }
0x118: {  	v0 =	vld.idx.msk [tilespmem:v7+s3+$0x0], $0xffff;
	[tilespmem:s8+$0x0] =	vst v9  }
0x119: {  	s9 =	simm.s32 $0x0;
	s10 =	simm.s32 $0x7F0;
	s7 =	simm.s32 $0x470;
	v4 =	vld.idx.msk [tilespmem:v8+s3+$0x0], $0xffff;
	[tilespmem:s8+$0xFFFFFFA0] =	vst v10  }
.LBB2_14:
0x11a: {  	v6 =	vld [tilespmem:s10+$0x0];
	s9 =	sadd.s32 $0x80, s9;
	[tilespmem:s8+$0xFFFFFFB0] =	vst v5  }
0x11b: {  	v5 =	vld [tilespmem:s10+$0xFFFFFFA0];
	p0 =	slt.u32 s9, $0x780;
	[tilespmem:s8+$0xFFFFFFC0] =	vst v3  }
0x11c: {  	v3 =	vld [tilespmem:s10+$0xFFFFFFB0];
	[tilespmem:s8+$0xFFFFFFD0] =	vst v2  }
0x11d: {  	v2 =	vld [tilespmem:s10+$0xFFFFFFC0];
	[tilespmem:s8+$0xFFFFFFE0] =	vst v1  }
0x11e: {  	v1 =	vld [tilespmem:s10+$0xFFFFFFD0];
	[tilespmem:s8+$0xFFFFFFF0] =	vst v0  }
0x11f: {  	v0 =	vld [tilespmem:s10+$0xFFFFFFE0];
	[tilespmem:s8+$0xFFFFFF90] =	vst v4;
	s8 =	smov.u32 s10  }
0x120: {  	v4 =	vld [tilespmem:s10+$0xFFFFFFF0]  }
0x121: {  	v7 =	vld [tilespmem:s10+$0xFFFFFF90]  }
0x122: {  	v6 =	vld.idx.msk [tilespmem:v6+s3+$0x0], $0xffff  }
0x123: {  	v8 =	vld.idx.msk [tilespmem:v5+s3+$0x0], $0xffff  }
0x124: {  	v5 =	vld.idx.msk [tilespmem:v3+s3+$0x0], $0xffff  }
.Ltmp6:
0x125: {  	v3 =	vld.idx.msk [tilespmem:v2+s3+$0x0], $0xffff;
	(pc) =	sbr.rel @p0 .LBB2_14-.Ltmp6, $4  }
0x126: {  	v2 =	vld.idx.msk [tilespmem:v1+s3+$0x0], $0xffff  }
0x127: {  	v1 =	vld.idx.msk [tilespmem:v0+s3+$0x0], $0xffff  }
0x128: {  	v0 =	vld.idx.msk [tilespmem:v4+s3+$0x0], $0xffff;
	[tilespmem:s10+$0x0] =	vst v6  }
0x129: {  	s10 =	sadd.s32 $0x400, s10;
	v4 =	vld.idx.msk [tilespmem:v7+s3+$0x0], $0xffff;
	[tilespmem:s8+$0xFFFFFFA0] =	vst v8  }
0x12a: {  	[tilespmem:s8+$0xFFFFFFB0] =	vst v5  }
0x12b: {  	[tilespmem:s8+$0xFFFFFFC0] =	vst v3  }
0x12c: {  	[tilespmem:s8+$0xFFFFFFD0] =	vst v2  }
0x12d: {  	[tilespmem:s8+$0xFFFFFFE0] =	vst v1  }
0x12e: {  	[tilespmem:s8+$0xFFFFFFF0] =	vst v0  }
0x12f: {  	[tilespmem:s8+$0xFFFFFF90] =	vst v4  }
0x130: {  	v0 =	vld [tilespmem:s7+$0x0]  }
0x131: {  	v1 =	vld [tilespmem:s7+$0xFFFFFFA0]  }
0x132: {  	v2 =	vld [tilespmem:s7+$0xFFFFFFB0]  }
0x133: {  	v3 =	vld [tilespmem:s7+$0xFFFFFFC0]  }
0x134: {  	v6 =	vld [tilespmem:s7+$0xFFFFFFD0]  }
0x135: {  	v7 =	vld [tilespmem:s7+$0xFFFFFFE0]  }
0x136: {  	v8 =	vld [tilespmem:s7+$0xFFFFFFF0]  }
0x137: {  	v9 =	vld [tilespmem:s7+$0xFFFFFF90]  }
0x138: {  	v10 =	vld.idx.msk [tilespmem:v0+s3+$0x0], $0xffff  }
0x139: {  	v11 =	vld.idx.msk [tilespmem:v1+s3+$0x0], $0xffff  }
0x13a: {  	v5 =	vld.idx.msk [tilespmem:v2+s3+$0x0], $0xffff  }
0x13b: {  	v4 =	vld.idx.msk [tilespmem:v3+s3+$0x0], $0xffff  }
0x13c: {  	v2 =	vld.idx.msk [tilespmem:v6+s3+$0x0], $0xffff  }
0x13d: {  	v1 =	vld.idx.msk [tilespmem:v7+s3+$0x0], $0xffff  }
0x13e: {  	v0 =	vld.idx.msk [tilespmem:v8+s3+$0x0], $0xffff;
	[tilespmem:s7+$0x0] =	vst v10  }
0x13f: {  	s9 =	simm.s32 $0x870;
	s8 =	simm.s32 $0x0;
	v3 =	vld.idx.msk [tilespmem:v9+s3+$0x0], $0xffff;
	[tilespmem:s7+$0xFFFFFFA0] =	vst v11  }
.LBB2_16:
0x140: {  	v6 =	vld [tilespmem:s9+$0x0];
	s8 =	sadd.s32 $0x80, s8;
	[tilespmem:s7+$0xFFFFFFB0] =	vst v5  }
0x141: {  	v5 =	vld [tilespmem:s9+$0xFFFFFFA0];
	p0 =	slt.u32 s8, $0x780;
	[tilespmem:s7+$0xFFFFFFC0] =	vst v4  }
0x142: {  	v4 =	vld [tilespmem:s9+$0xFFFFFFB0];
	[tilespmem:s7+$0xFFFFFFD0] =	vst v2  }
0x143: {  	v2 =	vld [tilespmem:s9+$0xFFFFFFC0];
	[tilespmem:s7+$0xFFFFFFE0] =	vst v1  }
0x144: {  	v1 =	vld [tilespmem:s9+$0xFFFFFFD0];
	[tilespmem:s7+$0xFFFFFFF0] =	vst v0  }
0x145: {  	v0 =	vld [tilespmem:s9+$0xFFFFFFE0];
	[tilespmem:s7+$0xFFFFFF90] =	vst v3;
	s7 =	smov.u32 s9  }
0x146: {  	v3 =	vld [tilespmem:s9+$0xFFFFFFF0]  }
0x147: {  	v7 =	vld [tilespmem:s9+$0xFFFFFF90]  }
0x148: {  	v6 =	vld.idx.msk [tilespmem:v6+s3+$0x0], $0xffff  }
0x149: {  	v8 =	vld.idx.msk [tilespmem:v5+s3+$0x0], $0xffff  }
0x14a: {  	v5 =	vld.idx.msk [tilespmem:v4+s3+$0x0], $0xffff  }
.Ltmp7:
0x14b: {  	v4 =	vld.idx.msk [tilespmem:v2+s3+$0x0], $0xffff;
	(pc) =	sbr.rel @p0 .LBB2_16-.Ltmp7, $4  }
0x14c: {  	v2 =	vld.idx.msk [tilespmem:v1+s3+$0x0], $0xffff  }
0x14d: {  	v1 =	vld.idx.msk [tilespmem:v0+s3+$0x0], $0xffff  }
0x14e: {  	v0 =	vld.idx.msk [tilespmem:v3+s3+$0x0], $0xffff;
	[tilespmem:s9+$0x0] =	vst v6  }
0x14f: {  	s9 =	sadd.s32 $0x400, s9;
	v3 =	vld.idx.msk [tilespmem:v7+s3+$0x0], $0xffff;
	[tilespmem:s7+$0xFFFFFFA0] =	vst v8  }
0x150: {  	[tilespmem:s7+$0xFFFFFFB0] =	vst v5  }
0x151: {  	[tilespmem:s7+$0xFFFFFFC0] =	vst v4  }
0x152: {  	[tilespmem:s7+$0xFFFFFFD0] =	vst v2  }
0x153: {  	[tilespmem:s7+$0xFFFFFFE0] =	vst v1  }
0x154: {  	[tilespmem:s7+$0xFFFFFFF0] =	vst v0  }
0x155: {  	[tilespmem:s7+$0xFFFFFF90] =	vst v3  }
0x156: {  	s7 =	rddreg [dreg:$0x8]  }
0x157: {  	[hbm4b:s7+s3] =	stream.linear.scatter [tilespmem:s21], [sflag:$0x7], $0x4000, $0x38;
	[tilespmem:$0x18080] =	vst v63  }
0x158: {  	s8 =	simm.s32 $0x10080;
	s10 =	rddreg [dreg:$0x9]  }
0x159: {  	[tilespmem:s8], [sflag:$0x5] =	stream.linear.gather [hbm4b:s10+s3], $0x4000, $0x38;
	[tilespmem:$0x18080] =	vst v63  }
0x15a: {  	_ =	swait.ge [sflag:s29], $0x4000  }
0x15b: {  	[sflag:s29] =	ssyncset.done $0x0  }
0x15c: {  	s8 =	simm.s32 $0x40F0;
	[sflag:s29] =	ssyncadd.s32 $0xFFFFC000  }
0x15d: {  	v0 =	vld [tilespmem:s8+$0x0]  }
0x15e: {  	v1 =	vld [tilespmem:s8+$0xFFFFFFA0]  }
0x15f: {  	v2 =	vld [tilespmem:s8+$0xFFFFFFB0]  }
0x160: {  	v3 =	vld [tilespmem:s8+$0xFFFFFFC0]  }
0x161: {  	v4 =	vld [tilespmem:s8+$0xFFFFFFD0]  }
0x162: {  	v6 =	vld [tilespmem:s8+$0xFFFFFFE0]  }
0x163: {  	v7 =	vld [tilespmem:s8+$0xFFFFFFF0]  }
0x164: {  	v8 =	vld [tilespmem:s8+$0xFFFFFF90]  }
0x165: {  	v9 =	vld.idx.msk [tilespmem:v0+s3+$0x0], $0xffff  }
0x166: {  	v10 =	vld.idx.msk [tilespmem:v1+s3+$0x0], $0xffff  }
0x167: {  	v5 =	vld.idx.msk [tilespmem:v2+s3+$0x0], $0xffff  }
0x168: {  	v3 =	vld.idx.msk [tilespmem:v3+s3+$0x0], $0xffff  }
0x169: {  	v2 =	vld.idx.msk [tilespmem:v4+s3+$0x0], $0xffff  }
0x16a: {  	v1 =	vld.idx.msk [tilespmem:v6+s3+$0x0], $0xffff  }
0x16b: {  	v0 =	vld.idx.msk [tilespmem:v7+s3+$0x0], $0xffff;
	[tilespmem:s8+$0x0] =	vst v9  }
0x16c: {  	s9 =	simm.s32 $0x0;
	s7 =	simm.s32 $0x4170;
	s10 =	simm.s32 $0x44F0;
	v4 =	vld.idx.msk [tilespmem:v8+s3+$0x0], $0xffff;
	[tilespmem:s8+$0xFFFFFFA0] =	vst v10  }
.LBB2_18:
0x16d: {  	v6 =	vld [tilespmem:s10+$0x0];
	s9 =	sadd.s32 $0x80, s9;
	[tilespmem:s8+$0xFFFFFFB0] =	vst v5  }
0x16e: {  	v5 =	vld [tilespmem:s10+$0xFFFFFFA0];
	p0 =	slt.u32 s9, $0x780;
	[tilespmem:s8+$0xFFFFFFC0] =	vst v3  }
0x16f: {  	v3 =	vld [tilespmem:s10+$0xFFFFFFB0];
	[tilespmem:s8+$0xFFFFFFD0] =	vst v2  }
0x170: {  	v2 =	vld [tilespmem:s10+$0xFFFFFFC0];
	[tilespmem:s8+$0xFFFFFFE0] =	vst v1  }
0x171: {  	v1 =	vld [tilespmem:s10+$0xFFFFFFD0];
	[tilespmem:s8+$0xFFFFFFF0] =	vst v0  }
0x172: {  	v0 =	vld [tilespmem:s10+$0xFFFFFFE0];
	[tilespmem:s8+$0xFFFFFF90] =	vst v4;
	s8 =	smov.u32 s10  }
0x173: {  	v4 =	vld [tilespmem:s10+$0xFFFFFFF0]  }
0x174: {  	v7 =	vld [tilespmem:s10+$0xFFFFFF90]  }
0x175: {  	v6 =	vld.idx.msk [tilespmem:v6+s3+$0x0], $0xffff  }
0x176: {  	v8 =	vld.idx.msk [tilespmem:v5+s3+$0x0], $0xffff  }
0x177: {  	v5 =	vld.idx.msk [tilespmem:v3+s3+$0x0], $0xffff  }
.Ltmp8:
0x178: {  	v3 =	vld.idx.msk [tilespmem:v2+s3+$0x0], $0xffff;
	(pc) =	sbr.rel @p0 .LBB2_18-.Ltmp8, $4  }
0x179: {  	v2 =	vld.idx.msk [tilespmem:v1+s3+$0x0], $0xffff  }
0x17a: {  	v1 =	vld.idx.msk [tilespmem:v0+s3+$0x0], $0xffff  }
0x17b: {  	v0 =	vld.idx.msk [tilespmem:v4+s3+$0x0], $0xffff;
	[tilespmem:s10+$0x0] =	vst v6  }
0x17c: {  	s10 =	sadd.s32 $0x400, s10;
	v4 =	vld.idx.msk [tilespmem:v7+s3+$0x0], $0xffff;
	[tilespmem:s8+$0xFFFFFFA0] =	vst v8  }
0x17d: {  	[tilespmem:s8+$0xFFFFFFB0] =	vst v5  }
0x17e: {  	[tilespmem:s8+$0xFFFFFFC0] =	vst v3  }
0x17f: {  	[tilespmem:s8+$0xFFFFFFD0] =	vst v2  }
0x180: {  	[tilespmem:s8+$0xFFFFFFE0] =	vst v1  }
0x181: {  	[tilespmem:s8+$0xFFFFFFF0] =	vst v0  }
0x182: {  	[tilespmem:s8+$0xFFFFFF90] =	vst v4  }
0x183: {  	v0 =	vld [tilespmem:s7+$0x0]  }
0x184: {  	v1 =	vld [tilespmem:s7+$0xFFFFFFA0]  }
0x185: {  	v2 =	vld [tilespmem:s7+$0xFFFFFFB0]  }
0x186: {  	v3 =	vld [tilespmem:s7+$0xFFFFFFC0]  }
0x187: {  	v4 =	vld [tilespmem:s7+$0xFFFFFFD0]  }
0x188: {  	v6 =	vld [tilespmem:s7+$0xFFFFFFE0]  }
0x189: {  	v7 =	vld [tilespmem:s7+$0xFFFFFFF0]  }
0x18a: {  	v8 =	vld [tilespmem:s7+$0xFFFFFF90]  }
0x18b: {  	v9 =	vld.idx.msk [tilespmem:v0+s3+$0x0], $0xffff  }
0x18c: {  	v10 =	vld.idx.msk [tilespmem:v1+s3+$0x0], $0xffff  }
0x18d: {  	v5 =	vld.idx.msk [tilespmem:v2+s3+$0x0], $0xffff  }
0x18e: {  	v3 =	vld.idx.msk [tilespmem:v3+s3+$0x0], $0xffff  }
0x18f: {  	v2 =	vld.idx.msk [tilespmem:v4+s3+$0x0], $0xffff  }
0x190: {  	v1 =	vld.idx.msk [tilespmem:v6+s3+$0x0], $0xffff  }
0x191: {  	v0 =	vld.idx.msk [tilespmem:v7+s3+$0x0], $0xffff;
	[tilespmem:s7+$0x0] =	vst v9  }
0x192: {  	s9 =	simm.s32 $0x0;
	s10 =	simm.s32 $0x4570;
	s8 =	simm.s32 $0x41F0;
	v4 =	vld.idx.msk [tilespmem:v8+s3+$0x0], $0xffff;
	[tilespmem:s7+$0xFFFFFFA0] =	vst v10  }
.LBB2_20:
0x193: {  	v6 =	vld [tilespmem:s10+$0x0];
	s9 =	sadd.s32 $0x80, s9;
	[tilespmem:s7+$0xFFFFFFB0] =	vst v5  }
0x194: {  	v5 =	vld [tilespmem:s10+$0xFFFFFFA0];
	p0 =	slt.u32 s9, $0x780;
	[tilespmem:s7+$0xFFFFFFC0] =	vst v3  }
0x195: {  	v3 =	vld [tilespmem:s10+$0xFFFFFFB0];
	[tilespmem:s7+$0xFFFFFFD0] =	vst v2  }
0x196: {  	v2 =	vld [tilespmem:s10+$0xFFFFFFC0];
	[tilespmem:s7+$0xFFFFFFE0] =	vst v1  }
0x197: {  	v1 =	vld [tilespmem:s10+$0xFFFFFFD0];
	[tilespmem:s7+$0xFFFFFFF0] =	vst v0  }
0x198: {  	v0 =	vld [tilespmem:s10+$0xFFFFFFE0];
	[tilespmem:s7+$0xFFFFFF90] =	vst v4;
	s7 =	smov.u32 s10  }
0x199: {  	v4 =	vld [tilespmem:s10+$0xFFFFFFF0]  }
0x19a: {  	v7 =	vld [tilespmem:s10+$0xFFFFFF90]  }
0x19b: {  	v6 =	vld.idx.msk [tilespmem:v6+s3+$0x0], $0xffff  }
0x19c: {  	v8 =	vld.idx.msk [tilespmem:v5+s3+$0x0], $0xffff  }
0x19d: {  	v5 =	vld.idx.msk [tilespmem:v3+s3+$0x0], $0xffff  }
.Ltmp9:
0x19e: {  	v3 =	vld.idx.msk [tilespmem:v2+s3+$0x0], $0xffff;
	(pc) =	sbr.rel @p0 .LBB2_20-.Ltmp9, $4  }
0x19f: {  	v2 =	vld.idx.msk [tilespmem:v1+s3+$0x0], $0xffff  }
0x1a0: {  	v1 =	vld.idx.msk [tilespmem:v0+s3+$0x0], $0xffff  }
0x1a1: {  	v0 =	vld.idx.msk [tilespmem:v4+s3+$0x0], $0xffff;
	[tilespmem:s10+$0x0] =	vst v6  }
0x1a2: {  	s10 =	sadd.s32 $0x400, s10;
	v4 =	vld.idx.msk [tilespmem:v7+s3+$0x0], $0xffff;
	[tilespmem:s7+$0xFFFFFFA0] =	vst v8  }
0x1a3: {  	[tilespmem:s7+$0xFFFFFFB0] =	vst v5  }
0x1a4: {  	[tilespmem:s7+$0xFFFFFFC0] =	vst v3  }
0x1a5: {  	[tilespmem:s7+$0xFFFFFFD0] =	vst v2  }
0x1a6: {  	[tilespmem:s7+$0xFFFFFFE0] =	vst v1  }
0x1a7: {  	[tilespmem:s7+$0xFFFFFFF0] =	vst v0  }
0x1a8: {  	[tilespmem:s7+$0xFFFFFF90] =	vst v4  }
0x1a9: {  	v0 =	vld [tilespmem:s8+$0x0]  }
0x1aa: {  	v1 =	vld [tilespmem:s8+$0xFFFFFFA0]  }
0x1ab: {  	v2 =	vld [tilespmem:s8+$0xFFFFFFB0]  }
0x1ac: {  	v3 =	vld [tilespmem:s8+$0xFFFFFFC0]  }
0x1ad: {  	v4 =	vld [tilespmem:s8+$0xFFFFFFD0]  }
0x1ae: {  	v6 =	vld [tilespmem:s8+$0xFFFFFFE0]  }
0x1af: {  	v7 =	vld [tilespmem:s8+$0xFFFFFFF0]  }
0x1b0: {  	v8 =	vld [tilespmem:s8+$0xFFFFFF90]  }
0x1b1: {  	v9 =	vld.idx.msk [tilespmem:v0+s3+$0x0], $0xffff  }
0x1b2: {  	v10 =	vld.idx.msk [tilespmem:v1+s3+$0x0], $0xffff  }
0x1b3: {  	v5 =	vld.idx.msk [tilespmem:v2+s3+$0x0], $0xffff  }
0x1b4: {  	v3 =	vld.idx.msk [tilespmem:v3+s3+$0x0], $0xffff  }
0x1b5: {  	v2 =	vld.idx.msk [tilespmem:v4+s3+$0x0], $0xffff  }
0x1b6: {  	v1 =	vld.idx.msk [tilespmem:v6+s3+$0x0], $0xffff  }
0x1b7: {  	v0 =	vld.idx.msk [tilespmem:v7+s3+$0x0], $0xffff;
	[tilespmem:s8+$0x0] =	vst v9  }
0x1b8: {  	s9 =	simm.s32 $0x0;
	s10 =	simm.s32 $0x45F0;
	s7 =	simm.s32 $0x4270;
	v4 =	vld.idx.msk [tilespmem:v8+s3+$0x0], $0xffff;
	[tilespmem:s8+$0xFFFFFFA0] =	vst v10  }
.LBB2_22:
0x1b9: {  	v6 =	vld [tilespmem:s10+$0x0];
	s9 =	sadd.s32 $0x80, s9;
	[tilespmem:s8+$0xFFFFFFB0] =	vst v5  }
0x1ba: {  	v5 =	vld [tilespmem:s10+$0xFFFFFFA0];
	p0 =	slt.u32 s9, $0x780;
	[tilespmem:s8+$0xFFFFFFC0] =	vst v3  }
0x1bb: {  	v3 =	vld [tilespmem:s10+$0xFFFFFFB0];
	[tilespmem:s8+$0xFFFFFFD0] =	vst v2  }
0x1bc: {  	v2 =	vld [tilespmem:s10+$0xFFFFFFC0];
	[tilespmem:s8+$0xFFFFFFE0] =	vst v1  }
0x1bd: {  	v1 =	vld [tilespmem:s10+$0xFFFFFFD0];
	[tilespmem:s8+$0xFFFFFFF0] =	vst v0  }
0x1be: {  	v0 =	vld [tilespmem:s10+$0xFFFFFFE0];
	[tilespmem:s8+$0xFFFFFF90] =	vst v4;
	s8 =	smov.u32 s10  }
0x1bf: {  	v4 =	vld [tilespmem:s10+$0xFFFFFFF0]  }
0x1c0: {  	v7 =	vld [tilespmem:s10+$0xFFFFFF90]  }
0x1c1: {  	v6 =	vld.idx.msk [tilespmem:v6+s3+$0x0], $0xffff  }
0x1c2: {  	v8 =	vld.idx.msk [tilespmem:v5+s3+$0x0], $0xffff  }
0x1c3: {  	v5 =	vld.idx.msk [tilespmem:v3+s3+$0x0], $0xffff  }
.Ltmp10:
0x1c4: {  	v3 =	vld.idx.msk [tilespmem:v2+s3+$0x0], $0xffff;
	(pc) =	sbr.rel @p0 .LBB2_22-.Ltmp10, $4  }
0x1c5: {  	v2 =	vld.idx.msk [tilespmem:v1+s3+$0x0], $0xffff  }
0x1c6: {  	v1 =	vld.idx.msk [tilespmem:v0+s3+$0x0], $0xffff  }
0x1c7: {  	v0 =	vld.idx.msk [tilespmem:v4+s3+$0x0], $0xffff;
	[tilespmem:s10+$0x0] =	vst v6  }
0x1c8: {  	s10 =	sadd.s32 $0x400, s10;
	v4 =	vld.idx.msk [tilespmem:v7+s3+$0x0], $0xffff;
	[tilespmem:s8+$0xFFFFFFA0] =	vst v8  }
0x1c9: {  	[tilespmem:s8+$0xFFFFFFB0] =	vst v5  }
0x1ca: {  	[tilespmem:s8+$0xFFFFFFC0] =	vst v3  }
0x1cb: {  	[tilespmem:s8+$0xFFFFFFD0] =	vst v2  }
0x1cc: {  	[tilespmem:s8+$0xFFFFFFE0] =	vst v1  }
0x1cd: {  	[tilespmem:s8+$0xFFFFFFF0] =	vst v0  }
0x1ce: {  	[tilespmem:s8+$0xFFFFFF90] =	vst v4  }
0x1cf: {  	v0 =	vld [tilespmem:s7+$0x0]  }
0x1d0: {  	v1 =	vld [tilespmem:s7+$0xFFFFFFA0]  }
0x1d1: {  	v2 =	vld [tilespmem:s7+$0xFFFFFFB0]  }
0x1d2: {  	v3 =	vld [tilespmem:s7+$0xFFFFFFC0]  }
0x1d3: {  	v4 =	vld [tilespmem:s7+$0xFFFFFFD0]  }
0x1d4: {  	v6 =	vld [tilespmem:s7+$0xFFFFFFE0]  }
0x1d5: {  	v7 =	vld [tilespmem:s7+$0xFFFFFFF0]  }
0x1d6: {  	v8 =	vld [tilespmem:s7+$0xFFFFFF90]  }
0x1d7: {  	v9 =	vld.idx.msk [tilespmem:v0+s3+$0x0], $0xffff  }
0x1d8: {  	v10 =	vld.idx.msk [tilespmem:v1+s3+$0x0], $0xffff  }
0x1d9: {  	v5 =	vld.idx.msk [tilespmem:v2+s3+$0x0], $0xffff  }
0x1da: {  	v3 =	vld.idx.msk [tilespmem:v3+s3+$0x0], $0xffff  }
0x1db: {  	v2 =	vld.idx.msk [tilespmem:v4+s3+$0x0], $0xffff  }
0x1dc: {  	v1 =	vld.idx.msk [tilespmem:v6+s3+$0x0], $0xffff  }
0x1dd: {  	v0 =	vld.idx.msk [tilespmem:v7+s3+$0x0], $0xffff;
	[tilespmem:s7+$0x0] =	vst v9  }
0x1de: {  	s9 =	simm.s32 $0x0;
	s10 =	simm.s32 $0x4670;
	s8 =	simm.s32 $0x42F0;
	v4 =	vld.idx.msk [tilespmem:v8+s3+$0x0], $0xffff;
	[tilespmem:s7+$0xFFFFFFA0] =	vst v10  }
.LBB2_24:
0x1df: {  	v6 =	vld [tilespmem:s10+$0x0];
	s9 =	sadd.s32 $0x80, s9;
	[tilespmem:s7+$0xFFFFFFB0] =	vst v5  }
0x1e0: {  	v5 =	vld [tilespmem:s10+$0xFFFFFFA0];
	p0 =	slt.u32 s9, $0x780;
	[tilespmem:s7+$0xFFFFFFC0] =	vst v3  }
0x1e1: {  	v3 =	vld [tilespmem:s10+$0xFFFFFFB0];
	[tilespmem:s7+$0xFFFFFFD0] =	vst v2  }
0x1e2: {  	v2 =	vld [tilespmem:s10+$0xFFFFFFC0];
	[tilespmem:s7+$0xFFFFFFE0] =	vst v1  }
0x1e3: {  	v1 =	vld [tilespmem:s10+$0xFFFFFFD0];
	[tilespmem:s7+$0xFFFFFFF0] =	vst v0  }
0x1e4: {  	v0 =	vld [tilespmem:s10+$0xFFFFFFE0];
	[tilespmem:s7+$0xFFFFFF90] =	vst v4;
	s7 =	smov.u32 s10  }
0x1e5: {  	v4 =	vld [tilespmem:s10+$0xFFFFFFF0]  }
0x1e6: {  	v7 =	vld [tilespmem:s10+$0xFFFFFF90]  }
0x1e7: {  	v6 =	vld.idx.msk [tilespmem:v6+s3+$0x0], $0xffff  }
0x1e8: {  	v8 =	vld.idx.msk [tilespmem:v5+s3+$0x0], $0xffff  }
0x1e9: {  	v5 =	vld.idx.msk [tilespmem:v3+s3+$0x0], $0xffff  }
.Ltmp11:
0x1ea: {  	v3 =	vld.idx.msk [tilespmem:v2+s3+$0x0], $0xffff;
	(pc) =	sbr.rel @p0 .LBB2_24-.Ltmp11, $4  }
0x1eb: {  	v2 =	vld.idx.msk [tilespmem:v1+s3+$0x0], $0xffff  }
0x1ec: {  	v1 =	vld.idx.msk [tilespmem:v0+s3+$0x0], $0xffff  }
0x1ed: {  	v0 =	vld.idx.msk [tilespmem:v4+s3+$0x0], $0xffff;
	[tilespmem:s10+$0x0] =	vst v6  }
0x1ee: {  	s10 =	sadd.s32 $0x400, s10;
	v4 =	vld.idx.msk [tilespmem:v7+s3+$0x0], $0xffff;
	[tilespmem:s7+$0xFFFFFFA0] =	vst v8  }
0x1ef: {  	[tilespmem:s7+$0xFFFFFFB0] =	vst v5  }
0x1f0: {  	[tilespmem:s7+$0xFFFFFFC0] =	vst v3  }
0x1f1: {  	[tilespmem:s7+$0xFFFFFFD0] =	vst v2  }
0x1f2: {  	[tilespmem:s7+$0xFFFFFFE0] =	vst v1  }
0x1f3: {  	[tilespmem:s7+$0xFFFFFFF0] =	vst v0  }
0x1f4: {  	[tilespmem:s7+$0xFFFFFF90] =	vst v4  }
0x1f5: {  	v0 =	vld [tilespmem:s8+$0x0]  }
0x1f6: {  	v1 =	vld [tilespmem:s8+$0xFFFFFFA0]  }
0x1f7: {  	v2 =	vld [tilespmem:s8+$0xFFFFFFB0]  }
0x1f8: {  	v3 =	vld [tilespmem:s8+$0xFFFFFFC0]  }
0x1f9: {  	v4 =	vld [tilespmem:s8+$0xFFFFFFD0]  }
0x1fa: {  	v6 =	vld [tilespmem:s8+$0xFFFFFFE0]  }
0x1fb: {  	v7 =	vld [tilespmem:s8+$0xFFFFFFF0]  }
0x1fc: {  	v8 =	vld [tilespmem:s8+$0xFFFFFF90]  }
0x1fd: {  	v9 =	vld.idx.msk [tilespmem:v0+s3+$0x0], $0xffff  }
0x1fe: {  	v10 =	vld.idx.msk [tilespmem:v1+s3+$0x0], $0xffff  }
0x1ff: {  	v5 =	vld.idx.msk [tilespmem:v2+s3+$0x0], $0xffff  }
0x200: {  	v3 =	vld.idx.msk [tilespmem:v3+s3+$0x0], $0xffff  }
0x201: {  	v2 =	vld.idx.msk [tilespmem:v4+s3+$0x0], $0xffff  }
0x202: {  	v1 =	vld.idx.msk [tilespmem:v6+s3+$0x0], $0xffff  }
0x203: {  	v0 =	vld.idx.msk [tilespmem:v7+s3+$0x0], $0xffff;
	[tilespmem:s8+$0x0] =	vst v9  }
0x204: {  	s9 =	simm.s32 $0x0;
	s10 =	simm.s32 $0x46F0;
	s7 =	simm.s32 $0x4370;
	v4 =	vld.idx.msk [tilespmem:v8+s3+$0x0], $0xffff;
	[tilespmem:s8+$0xFFFFFFA0] =	vst v10  }
.LBB2_26:
0x205: {  	v6 =	vld [tilespmem:s10+$0x0];
	s9 =	sadd.s32 $0x80, s9;
	[tilespmem:s8+$0xFFFFFFB0] =	vst v5  }
0x206: {  	v5 =	vld [tilespmem:s10+$0xFFFFFFA0];
	p0 =	slt.u32 s9, $0x780;
	[tilespmem:s8+$0xFFFFFFC0] =	vst v3  }
0x207: {  	v3 =	vld [tilespmem:s10+$0xFFFFFFB0];
	[tilespmem:s8+$0xFFFFFFD0] =	vst v2  }
0x208: {  	v2 =	vld [tilespmem:s10+$0xFFFFFFC0];
	[tilespmem:s8+$0xFFFFFFE0] =	vst v1  }
0x209: {  	v1 =	vld [tilespmem:s10+$0xFFFFFFD0];
	[tilespmem:s8+$0xFFFFFFF0] =	vst v0  }
0x20a: {  	v0 =	vld [tilespmem:s10+$0xFFFFFFE0];
	[tilespmem:s8+$0xFFFFFF90] =	vst v4;
	s8 =	smov.u32 s10  }
0x20b: {  	v4 =	vld [tilespmem:s10+$0xFFFFFFF0]  }
0x20c: {  	v7 =	vld [tilespmem:s10+$0xFFFFFF90]  }
0x20d: {  	v6 =	vld.idx.msk [tilespmem:v6+s3+$0x0], $0xffff  }
0x20e: {  	v8 =	vld.idx.msk [tilespmem:v5+s3+$0x0], $0xffff  }
0x20f: {  	v5 =	vld.idx.msk [tilespmem:v3+s3+$0x0], $0xffff  }
.Ltmp12:
0x210: {  	v3 =	vld.idx.msk [tilespmem:v2+s3+$0x0], $0xffff;
	(pc) =	sbr.rel @p0 .LBB2_26-.Ltmp12, $4  }
0x211: {  	v2 =	vld.idx.msk [tilespmem:v1+s3+$0x0], $0xffff  }
0x212: {  	v1 =	vld.idx.msk [tilespmem:v0+s3+$0x0], $0xffff  }
0x213: {  	v0 =	vld.idx.msk [tilespmem:v4+s3+$0x0], $0xffff;
	[tilespmem:s10+$0x0] =	vst v6  }
0x214: {  	s10 =	sadd.s32 $0x400, s10;
	v4 =	vld.idx.msk [tilespmem:v7+s3+$0x0], $0xffff;
	[tilespmem:s8+$0xFFFFFFA0] =	vst v8  }
0x215: {  	[tilespmem:s8+$0xFFFFFFB0] =	vst v5  }
0x216: {  	[tilespmem:s8+$0xFFFFFFC0] =	vst v3  }
0x217: {  	[tilespmem:s8+$0xFFFFFFD0] =	vst v2  }
0x218: {  	[tilespmem:s8+$0xFFFFFFE0] =	vst v1  }
0x219: {  	[tilespmem:s8+$0xFFFFFFF0] =	vst v0  }
0x21a: {  	[tilespmem:s8+$0xFFFFFF90] =	vst v4  }
0x21b: {  	v0 =	vld [tilespmem:s7+$0x0]  }
0x21c: {  	v1 =	vld [tilespmem:s7+$0xFFFFFFA0]  }
0x21d: {  	v2 =	vld [tilespmem:s7+$0xFFFFFFB0]  }
0x21e: {  	v3 =	vld [tilespmem:s7+$0xFFFFFFC0]  }
0x21f: {  	v4 =	vld [tilespmem:s7+$0xFFFFFFD0]  }
0x220: {  	v6 =	vld [tilespmem:s7+$0xFFFFFFE0]  }
0x221: {  	v7 =	vld [tilespmem:s7+$0xFFFFFFF0]  }
0x222: {  	v8 =	vld [tilespmem:s7+$0xFFFFFF90]  }
0x223: {  	v9 =	vld.idx.msk [tilespmem:v0+s3+$0x0], $0xffff  }
0x224: {  	v10 =	vld.idx.msk [tilespmem:v1+s3+$0x0], $0xffff  }
0x225: {  	v5 =	vld.idx.msk [tilespmem:v2+s3+$0x0], $0xffff  }
0x226: {  	v3 =	vld.idx.msk [tilespmem:v3+s3+$0x0], $0xffff  }
0x227: {  	v2 =	vld.idx.msk [tilespmem:v4+s3+$0x0], $0xffff  }
0x228: {  	v1 =	vld.idx.msk [tilespmem:v6+s3+$0x0], $0xffff  }
0x229: {  	v0 =	vld.idx.msk [tilespmem:v7+s3+$0x0], $0xffff;
	[tilespmem:s7+$0x0] =	vst v9  }
0x22a: {  	s9 =	simm.s32 $0x0;
	s10 =	simm.s32 $0x4770;
	s8 =	simm.s32 $0x43F0;
	v4 =	vld.idx.msk [tilespmem:v8+s3+$0x0], $0xffff;
	[tilespmem:s7+$0xFFFFFFA0] =	vst v10  }
.LBB2_28:
0x22b: {  	v6 =	vld [tilespmem:s10+$0x0];
	s9 =	sadd.s32 $0x80, s9;
	[tilespmem:s7+$0xFFFFFFB0] =	vst v5  }
0x22c: {  	v5 =	vld [tilespmem:s10+$0xFFFFFFA0];
	p0 =	slt.u32 s9, $0x780;
	[tilespmem:s7+$0xFFFFFFC0] =	vst v3  }
0x22d: {  	v3 =	vld [tilespmem:s10+$0xFFFFFFB0];
	[tilespmem:s7+$0xFFFFFFD0] =	vst v2  }
0x22e: {  	v2 =	vld [tilespmem:s10+$0xFFFFFFC0];
	[tilespmem:s7+$0xFFFFFFE0] =	vst v1  }
0x22f: {  	v1 =	vld [tilespmem:s10+$0xFFFFFFD0];
	[tilespmem:s7+$0xFFFFFFF0] =	vst v0  }
0x230: {  	v0 =	vld [tilespmem:s10+$0xFFFFFFE0];
	[tilespmem:s7+$0xFFFFFF90] =	vst v4;
	s7 =	smov.u32 s10  }
0x231: {  	v4 =	vld [tilespmem:s10+$0xFFFFFFF0]  }
0x232: {  	v7 =	vld [tilespmem:s10+$0xFFFFFF90]  }
0x233: {  	v6 =	vld.idx.msk [tilespmem:v6+s3+$0x0], $0xffff  }
0x234: {  	v8 =	vld.idx.msk [tilespmem:v5+s3+$0x0], $0xffff  }
0x235: {  	v5 =	vld.idx.msk [tilespmem:v3+s3+$0x0], $0xffff  }
.Ltmp13:
0x236: {  	v3 =	vld.idx.msk [tilespmem:v2+s3+$0x0], $0xffff;
	(pc) =	sbr.rel @p0 .LBB2_28-.Ltmp13, $4  }
0x237: {  	v2 =	vld.idx.msk [tilespmem:v1+s3+$0x0], $0xffff  }
0x238: {  	v1 =	vld.idx.msk [tilespmem:v0+s3+$0x0], $0xffff  }
0x239: {  	v0 =	vld.idx.msk [tilespmem:v4+s3+$0x0], $0xffff;
	[tilespmem:s10+$0x0] =	vst v6  }
0x23a: {  	s10 =	sadd.s32 $0x400, s10;
	v4 =	vld.idx.msk [tilespmem:v7+s3+$0x0], $0xffff;
	[tilespmem:s7+$0xFFFFFFA0] =	vst v8  }
0x23b: {  	[tilespmem:s7+$0xFFFFFFB0] =	vst v5  }
0x23c: {  	[tilespmem:s7+$0xFFFFFFC0] =	vst v3  }
0x23d: {  	[tilespmem:s7+$0xFFFFFFD0] =	vst v2  }
0x23e: {  	[tilespmem:s7+$0xFFFFFFE0] =	vst v1  }
0x23f: {  	[tilespmem:s7+$0xFFFFFFF0] =	vst v0  }
0x240: {  	[tilespmem:s7+$0xFFFFFF90] =	vst v4  }
0x241: {  	v0 =	vld [tilespmem:s8+$0x0]  }
0x242: {  	v1 =	vld [tilespmem:s8+$0xFFFFFFA0]  }
0x243: {  	v2 =	vld [tilespmem:s8+$0xFFFFFFB0]  }
0x244: {  	v3 =	vld [tilespmem:s8+$0xFFFFFFC0]  }
0x245: {  	v4 =	vld [tilespmem:s8+$0xFFFFFFD0]  }
0x246: {  	v6 =	vld [tilespmem:s8+$0xFFFFFFE0]  }
0x247: {  	v7 =	vld [tilespmem:s8+$0xFFFFFFF0]  }
0x248: {  	v8 =	vld [tilespmem:s8+$0xFFFFFF90]  }
0x249: {  	v9 =	vld.idx.msk [tilespmem:v0+s3+$0x0], $0xffff  }
0x24a: {  	v10 =	vld.idx.msk [tilespmem:v1+s3+$0x0], $0xffff  }
0x24b: {  	v5 =	vld.idx.msk [tilespmem:v2+s3+$0x0], $0xffff  }
0x24c: {  	v3 =	vld.idx.msk [tilespmem:v3+s3+$0x0], $0xffff  }
0x24d: {  	v2 =	vld.idx.msk [tilespmem:v4+s3+$0x0], $0xffff  }
0x24e: {  	v1 =	vld.idx.msk [tilespmem:v6+s3+$0x0], $0xffff  }
0x24f: {  	v0 =	vld.idx.msk [tilespmem:v7+s3+$0x0], $0xffff;
	[tilespmem:s8+$0x0] =	vst v9  }
0x250: {  	s9 =	simm.s32 $0x0;
	s10 =	simm.s32 $0x47F0;
	s7 =	simm.s32 $0x4470;
	v4 =	vld.idx.msk [tilespmem:v8+s3+$0x0], $0xffff;
	[tilespmem:s8+$0xFFFFFFA0] =	vst v10  }
.LBB2_30:
0x251: {  	v6 =	vld [tilespmem:s10+$0x0];
	s9 =	sadd.s32 $0x80, s9;
	[tilespmem:s8+$0xFFFFFFB0] =	vst v5  }
0x252: {  	v5 =	vld [tilespmem:s10+$0xFFFFFFA0];
	p0 =	slt.u32 s9, $0x780;
	[tilespmem:s8+$0xFFFFFFC0] =	vst v3  }
0x253: {  	v3 =	vld [tilespmem:s10+$0xFFFFFFB0];
	[tilespmem:s8+$0xFFFFFFD0] =	vst v2  }
0x254: {  	v2 =	vld [tilespmem:s10+$0xFFFFFFC0];
	[tilespmem:s8+$0xFFFFFFE0] =	vst v1  }
0x255: {  	v1 =	vld [tilespmem:s10+$0xFFFFFFD0];
	[tilespmem:s8+$0xFFFFFFF0] =	vst v0  }
0x256: {  	v0 =	vld [tilespmem:s10+$0xFFFFFFE0];
	[tilespmem:s8+$0xFFFFFF90] =	vst v4;
	s8 =	smov.u32 s10  }
0x257: {  	v4 =	vld [tilespmem:s10+$0xFFFFFFF0]  }
0x258: {  	v7 =	vld [tilespmem:s10+$0xFFFFFF90]  }
0x259: {  	v6 =	vld.idx.msk [tilespmem:v6+s3+$0x0], $0xffff  }
0x25a: {  	v8 =	vld.idx.msk [tilespmem:v5+s3+$0x0], $0xffff  }
0x25b: {  	v5 =	vld.idx.msk [tilespmem:v3+s3+$0x0], $0xffff  }
.Ltmp14:
0x25c: {  	v3 =	vld.idx.msk [tilespmem:v2+s3+$0x0], $0xffff;
	(pc) =	sbr.rel @p0 .LBB2_30-.Ltmp14, $4  }
0x25d: {  	v2 =	vld.idx.msk [tilespmem:v1+s3+$0x0], $0xffff  }
0x25e: {  	v1 =	vld.idx.msk [tilespmem:v0+s3+$0x0], $0xffff  }
0x25f: {  	v0 =	vld.idx.msk [tilespmem:v4+s3+$0x0], $0xffff;
	[tilespmem:s10+$0x0] =	vst v6  }
0x260: {  	s10 =	sadd.s32 $0x400, s10;
	v4 =	vld.idx.msk [tilespmem:v7+s3+$0x0], $0xffff;
	[tilespmem:s8+$0xFFFFFFA0] =	vst v8  }
0x261: {  	[tilespmem:s8+$0xFFFFFFB0] =	vst v5  }
0x262: {  	[tilespmem:s8+$0xFFFFFFC0] =	vst v3  }
0x263: {  	[tilespmem:s8+$0xFFFFFFD0] =	vst v2  }
0x264: {  	[tilespmem:s8+$0xFFFFFFE0] =	vst v1  }
0x265: {  	[tilespmem:s8+$0xFFFFFFF0] =	vst v0  }
0x266: {  	[tilespmem:s8+$0xFFFFFF90] =	vst v4  }
0x267: {  	v0 =	vld [tilespmem:s7+$0x0]  }
0x268: {  	v1 =	vld [tilespmem:s7+$0xFFFFFFA0]  }
0x269: {  	v2 =	vld [tilespmem:s7+$0xFFFFFFB0]  }
0x26a: {  	v3 =	vld [tilespmem:s7+$0xFFFFFFC0]  }
0x26b: {  	v6 =	vld [tilespmem:s7+$0xFFFFFFD0]  }
0x26c: {  	v7 =	vld [tilespmem:s7+$0xFFFFFFE0]  }
0x26d: {  	v8 =	vld [tilespmem:s7+$0xFFFFFFF0]  }
0x26e: {  	v9 =	vld [tilespmem:s7+$0xFFFFFF90]  }
0x26f: {  	v10 =	vld.idx.msk [tilespmem:v0+s3+$0x0], $0xffff  }
0x270: {  	v11 =	vld.idx.msk [tilespmem:v1+s3+$0x0], $0xffff  }
0x271: {  	v5 =	vld.idx.msk [tilespmem:v2+s3+$0x0], $0xffff  }
0x272: {  	v4 =	vld.idx.msk [tilespmem:v3+s3+$0x0], $0xffff  }
0x273: {  	v2 =	vld.idx.msk [tilespmem:v6+s3+$0x0], $0xffff  }
0x274: {  	v1 =	vld.idx.msk [tilespmem:v7+s3+$0x0], $0xffff  }
0x275: {  	v0 =	vld.idx.msk [tilespmem:v8+s3+$0x0], $0xffff;
	[tilespmem:s7+$0x0] =	vst v10  }
0x276: {  	s9 =	simm.s32 $0x4870;
	s8 =	simm.s32 $0x0;
	v3 =	vld.idx.msk [tilespmem:v9+s3+$0x0], $0xffff;
	[tilespmem:s7+$0xFFFFFFA0] =	vst v11  }
.LBB2_32:
0x277: {  	v6 =	vld [tilespmem:s9+$0x0];
	s8 =	sadd.s32 $0x80, s8;
	[tilespmem:s7+$0xFFFFFFB0] =	vst v5  }
0x278: {  	v5 =	vld [tilespmem:s9+$0xFFFFFFA0];
	p0 =	slt.u32 s8, $0x780;
	[tilespmem:s7+$0xFFFFFFC0] =	vst v4  }
0x279: {  	v4 =	vld [tilespmem:s9+$0xFFFFFFB0];
	[tilespmem:s7+$0xFFFFFFD0] =	vst v2  }
0x27a: {  	v2 =	vld [tilespmem:s9+$0xFFFFFFC0];
	[tilespmem:s7+$0xFFFFFFE0] =	vst v1  }
0x27b: {  	v1 =	vld [tilespmem:s9+$0xFFFFFFD0];
	[tilespmem:s7+$0xFFFFFFF0] =	vst v0  }
0x27c: {  	v0 =	vld [tilespmem:s9+$0xFFFFFFE0];
	[tilespmem:s7+$0xFFFFFF90] =	vst v3;
	s7 =	smov.u32 s9  }
0x27d: {  	v3 =	vld [tilespmem:s9+$0xFFFFFFF0]  }
0x27e: {  	v7 =	vld [tilespmem:s9+$0xFFFFFF90]  }
0x27f: {  	v6 =	vld.idx.msk [tilespmem:v6+s3+$0x0], $0xffff  }
0x280: {  	v8 =	vld.idx.msk [tilespmem:v5+s3+$0x0], $0xffff  }
0x281: {  	v5 =	vld.idx.msk [tilespmem:v4+s3+$0x0], $0xffff  }
.Ltmp15:
0x282: {  	v4 =	vld.idx.msk [tilespmem:v2+s3+$0x0], $0xffff;
	(pc) =	sbr.rel @p0 .LBB2_32-.Ltmp15, $4  }
0x283: {  	v2 =	vld.idx.msk [tilespmem:v1+s3+$0x0], $0xffff  }
0x284: {  	v1 =	vld.idx.msk [tilespmem:v0+s3+$0x0], $0xffff  }
0x285: {  	v0 =	vld.idx.msk [tilespmem:v3+s3+$0x0], $0xffff;
	[tilespmem:s9+$0x0] =	vst v6  }
0x286: {  	s9 =	sadd.s32 $0x400, s9;
	v3 =	vld.idx.msk [tilespmem:v7+s3+$0x0], $0xffff;
	[tilespmem:s7+$0xFFFFFFA0] =	vst v8  }
0x287: {  	[tilespmem:s7+$0xFFFFFFB0] =	vst v5  }
0x288: {  	[tilespmem:s7+$0xFFFFFFC0] =	vst v4  }
0x289: {  	[tilespmem:s7+$0xFFFFFFD0] =	vst v2  }
0x28a: {  	[tilespmem:s7+$0xFFFFFFE0] =	vst v1  }
0x28b: {  	[tilespmem:s7+$0xFFFFFFF0] =	vst v0  }
0x28c: {  	[tilespmem:s7+$0xFFFFFF90] =	vst v3  }
0x28d: {  	s7 =	rddreg [dreg:$0xa]  }
0x28e: {  	[hbm4b:s7+s3] =	stream.linear.scatter [tilespmem:s22], [sflag:$0x8], $0x4000, $0x38;
	[tilespmem:$0x18080] =	vst v63  }
0x28f: {  	s10 =	simm.s32 $0x14080  }
0x290: {  	[tilespmem:s10], [sflag:$0x6] =	stream.linear.gather [hbm4b:s11+s3], $0x4000, $0x38;
	[tilespmem:$0x18080] =	vst v63  }
0x291: {  	_ =	swait.ge [sflag:s31], $0x4000  }
0x292: {  	[sflag:s31] =	ssyncset.done $0x0  }
0x293: {  	s8 =	simm.s32 $0x80F0;
	[sflag:s31] =	ssyncadd.s32 $0xFFFFC000  }
0x294: {  	v0 =	vld [tilespmem:s8+$0x0]  }
0x295: {  	v1 =	vld [tilespmem:s8+$0xFFFFFFA0]  }
0x296: {  	v2 =	vld [tilespmem:s8+$0xFFFFFFB0]  }
0x297: {  	v3 =	vld [tilespmem:s8+$0xFFFFFFC0]  }
0x298: {  	v4 =	vld [tilespmem:s8+$0xFFFFFFD0]  }
0x299: {  	v6 =	vld [tilespmem:s8+$0xFFFFFFE0]  }
0x29a: {  	v7 =	vld [tilespmem:s8+$0xFFFFFFF0]  }
0x29b: {  	v8 =	vld [tilespmem:s8+$0xFFFFFF90]  }
0x29c: {  	v9 =	vld.idx.msk [tilespmem:v0+s3+$0x0], $0xffff  }
0x29d: {  	v10 =	vld.idx.msk [tilespmem:v1+s3+$0x0], $0xffff  }
0x29e: {  	v5 =	vld.idx.msk [tilespmem:v2+s3+$0x0], $0xffff  }
0x29f: {  	v3 =	vld.idx.msk [tilespmem:v3+s3+$0x0], $0xffff  }
0x2a0: {  	v2 =	vld.idx.msk [tilespmem:v4+s3+$0x0], $0xffff  }
0x2a1: {  	v1 =	vld.idx.msk [tilespmem:v6+s3+$0x0], $0xffff  }
0x2a2: {  	v0 =	vld.idx.msk [tilespmem:v7+s3+$0x0], $0xffff;
	[tilespmem:s8+$0x0] =	vst v9  }
0x2a3: {  	s9 =	simm.s32 $0x0;
	s7 =	simm.s32 $0x8170;
	s10 =	simm.s32 $0x84F0;
	v4 =	vld.idx.msk [tilespmem:v8+s3+$0x0], $0xffff;
	[tilespmem:s8+$0xFFFFFFA0] =	vst v10  }
.LBB2_34:
0x2a4: {  	v6 =	vld [tilespmem:s10+$0x0];
	s9 =	sadd.s32 $0x80, s9;
	[tilespmem:s8+$0xFFFFFFB0] =	vst v5  }
0x2a5: {  	v5 =	vld [tilespmem:s10+$0xFFFFFFA0];
	p0 =	slt.u32 s9, $0x780;
	[tilespmem:s8+$0xFFFFFFC0] =	vst v3  }
0x2a6: {  	v3 =	vld [tilespmem:s10+$0xFFFFFFB0];
	[tilespmem:s8+$0xFFFFFFD0] =	vst v2  }
0x2a7: {  	v2 =	vld [tilespmem:s10+$0xFFFFFFC0];
	[tilespmem:s8+$0xFFFFFFE0] =	vst v1  }
0x2a8: {  	v1 =	vld [tilespmem:s10+$0xFFFFFFD0];
	[tilespmem:s8+$0xFFFFFFF0] =	vst v0  }
0x2a9: {  	v0 =	vld [tilespmem:s10+$0xFFFFFFE0];
	[tilespmem:s8+$0xFFFFFF90] =	vst v4;
	s8 =	smov.u32 s10  }
0x2aa: {  	v4 =	vld [tilespmem:s10+$0xFFFFFFF0]  }
0x2ab: {  	v7 =	vld [tilespmem:s10+$0xFFFFFF90]  }
0x2ac: {  	v6 =	vld.idx.msk [tilespmem:v6+s3+$0x0], $0xffff  }
0x2ad: {  	v8 =	vld.idx.msk [tilespmem:v5+s3+$0x0], $0xffff  }
0x2ae: {  	v5 =	vld.idx.msk [tilespmem:v3+s3+$0x0], $0xffff  }
.Ltmp16:
0x2af: {  	v3 =	vld.idx.msk [tilespmem:v2+s3+$0x0], $0xffff;
	(pc) =	sbr.rel @p0 .LBB2_34-.Ltmp16, $4  }
0x2b0: {  	v2 =	vld.idx.msk [tilespmem:v1+s3+$0x0], $0xffff  }
0x2b1: {  	v1 =	vld.idx.msk [tilespmem:v0+s3+$0x0], $0xffff  }
0x2b2: {  	v0 =	vld.idx.msk [tilespmem:v4+s3+$0x0], $0xffff;
	[tilespmem:s10+$0x0] =	vst v6  }
0x2b3: {  	s10 =	sadd.s32 $0x400, s10;
	v4 =	vld.idx.msk [tilespmem:v7+s3+$0x0], $0xffff;
	[tilespmem:s8+$0xFFFFFFA0] =	vst v8  }
0x2b4: {  	[tilespmem:s8+$0xFFFFFFB0] =	vst v5  }
0x2b5: {  	[tilespmem:s8+$0xFFFFFFC0] =	vst v3  }
0x2b6: {  	[tilespmem:s8+$0xFFFFFFD0] =	vst v2  }
0x2b7: {  	[tilespmem:s8+$0xFFFFFFE0] =	vst v1  }
0x2b8: {  	[tilespmem:s8+$0xFFFFFFF0] =	vst v0  }
0x2b9: {  	[tilespmem:s8+$0xFFFFFF90] =	vst v4  }
0x2ba: {  	v0 =	vld [tilespmem:s7+$0x0]  }
0x2bb: {  	v1 =	vld [tilespmem:s7+$0xFFFFFFA0]  }
0x2bc: {  	v2 =	vld [tilespmem:s7+$0xFFFFFFB0]  }
0x2bd: {  	v3 =	vld [tilespmem:s7+$0xFFFFFFC0]  }
0x2be: {  	v4 =	vld [tilespmem:s7+$0xFFFFFFD0]  }
0x2bf: {  	v6 =	vld [tilespmem:s7+$0xFFFFFFE0]  }
0x2c0: {  	v7 =	vld [tilespmem:s7+$0xFFFFFFF0]  }
0x2c1: {  	v8 =	vld [tilespmem:s7+$0xFFFFFF90]  }
0x2c2: {  	v9 =	vld.idx.msk [tilespmem:v0+s3+$0x0], $0xffff  }
0x2c3: {  	v10 =	vld.idx.msk [tilespmem:v1+s3+$0x0], $0xffff  }
0x2c4: {  	v5 =	vld.idx.msk [tilespmem:v2+s3+$0x0], $0xffff  }
0x2c5: {  	v3 =	vld.idx.msk [tilespmem:v3+s3+$0x0], $0xffff  }
0x2c6: {  	v2 =	vld.idx.msk [tilespmem:v4+s3+$0x0], $0xffff  }
0x2c7: {  	v1 =	vld.idx.msk [tilespmem:v6+s3+$0x0], $0xffff  }
0x2c8: {  	v0 =	vld.idx.msk [tilespmem:v7+s3+$0x0], $0xffff;
	[tilespmem:s7+$0x0] =	vst v9  }
0x2c9: {  	s9 =	simm.s32 $0x0;
	s10 =	simm.s32 $0x8570;
	s8 =	simm.s32 $0x81F0;
	v4 =	vld.idx.msk [tilespmem:v8+s3+$0x0], $0xffff;
	[tilespmem:s7+$0xFFFFFFA0] =	vst v10  }
.LBB2_36:
0x2ca: {  	v6 =	vld [tilespmem:s10+$0x0];
	s9 =	sadd.s32 $0x80, s9;
	[tilespmem:s7+$0xFFFFFFB0] =	vst v5  }
0x2cb: {  	v5 =	vld [tilespmem:s10+$0xFFFFFFA0];
	p0 =	slt.u32 s9, $0x780;
	[tilespmem:s7+$0xFFFFFFC0] =	vst v3  }
0x2cc: {  	v3 =	vld [tilespmem:s10+$0xFFFFFFB0];
	[tilespmem:s7+$0xFFFFFFD0] =	vst v2  }
0x2cd: {  	v2 =	vld [tilespmem:s10+$0xFFFFFFC0];
	[tilespmem:s7+$0xFFFFFFE0] =	vst v1  }
0x2ce: {  	v1 =	vld [tilespmem:s10+$0xFFFFFFD0];
	[tilespmem:s7+$0xFFFFFFF0] =	vst v0  }
0x2cf: {  	v0 =	vld [tilespmem:s10+$0xFFFFFFE0];
	[tilespmem:s7+$0xFFFFFF90] =	vst v4;
	s7 =	smov.u32 s10  }
0x2d0: {  	v4 =	vld [tilespmem:s10+$0xFFFFFFF0]  }
0x2d1: {  	v7 =	vld [tilespmem:s10+$0xFFFFFF90]  }
0x2d2: {  	v6 =	vld.idx.msk [tilespmem:v6+s3+$0x0], $0xffff  }
0x2d3: {  	v8 =	vld.idx.msk [tilespmem:v5+s3+$0x0], $0xffff  }
0x2d4: {  	v5 =	vld.idx.msk [tilespmem:v3+s3+$0x0], $0xffff  }
.Ltmp17:
0x2d5: {  	v3 =	vld.idx.msk [tilespmem:v2+s3+$0x0], $0xffff;
	(pc) =	sbr.rel @p0 .LBB2_36-.Ltmp17, $4  }
0x2d6: {  	v2 =	vld.idx.msk [tilespmem:v1+s3+$0x0], $0xffff  }
0x2d7: {  	v1 =	vld.idx.msk [tilespmem:v0+s3+$0x0], $0xffff  }
0x2d8: {  	v0 =	vld.idx.msk [tilespmem:v4+s3+$0x0], $0xffff;
	[tilespmem:s10+$0x0] =	vst v6  }
0x2d9: {  	s10 =	sadd.s32 $0x400, s10;
	v4 =	vld.idx.msk [tilespmem:v7+s3+$0x0], $0xffff;
	[tilespmem:s7+$0xFFFFFFA0] =	vst v8  }
0x2da: {  	[tilespmem:s7+$0xFFFFFFB0] =	vst v5  }
0x2db: {  	[tilespmem:s7+$0xFFFFFFC0] =	vst v3  }
0x2dc: {  	[tilespmem:s7+$0xFFFFFFD0] =	vst v2  }
0x2dd: {  	[tilespmem:s7+$0xFFFFFFE0] =	vst v1  }
0x2de: {  	[tilespmem:s7+$0xFFFFFFF0] =	vst v0  }
0x2df: {  	[tilespmem:s7+$0xFFFFFF90] =	vst v4  }
0x2e0: {  	v0 =	vld [tilespmem:s8+$0x0]  }
0x2e1: {  	v1 =	vld [tilespmem:s8+$0xFFFFFFA0]  }
0x2e2: {  	v2 =	vld [tilespmem:s8+$0xFFFFFFB0]  }
0x2e3: {  	v3 =	vld [tilespmem:s8+$0xFFFFFFC0]  }
0x2e4: {  	v4 =	vld [tilespmem:s8+$0xFFFFFFD0]  }
0x2e5: {  	v6 =	vld [tilespmem:s8+$0xFFFFFFE0]  }
0x2e6: {  	v7 =	vld [tilespmem:s8+$0xFFFFFFF0]  }
0x2e7: {  	v8 =	vld [tilespmem:s8+$0xFFFFFF90]  }
0x2e8: {  	v9 =	vld.idx.msk [tilespmem:v0+s3+$0x0], $0xffff  }
0x2e9: {  	v10 =	vld.idx.msk [tilespmem:v1+s3+$0x0], $0xffff  }
0x2ea: {  	v5 =	vld.idx.msk [tilespmem:v2+s3+$0x0], $0xffff  }
0x2eb: {  	v3 =	vld.idx.msk [tilespmem:v3+s3+$0x0], $0xffff  }
0x2ec: {  	v2 =	vld.idx.msk [tilespmem:v4+s3+$0x0], $0xffff  }
0x2ed: {  	v1 =	vld.idx.msk [tilespmem:v6+s3+$0x0], $0xffff  }
0x2ee: {  	v0 =	vld.idx.msk [tilespmem:v7+s3+$0x0], $0xffff;
	[tilespmem:s8+$0x0] =	vst v9  }
0x2ef: {  	s9 =	simm.s32 $0x0;
	s10 =	simm.s32 $0x85F0;
	s7 =	simm.s32 $0x8270;
	v4 =	vld.idx.msk [tilespmem:v8+s3+$0x0], $0xffff;
	[tilespmem:s8+$0xFFFFFFA0] =	vst v10  }
.LBB2_38:
0x2f0: {  	v6 =	vld [tilespmem:s10+$0x0];
	s9 =	sadd.s32 $0x80, s9;
	[tilespmem:s8+$0xFFFFFFB0] =	vst v5  }
0x2f1: {  	v5 =	vld [tilespmem:s10+$0xFFFFFFA0];
	p0 =	slt.u32 s9, $0x780;
	[tilespmem:s8+$0xFFFFFFC0] =	vst v3  }
0x2f2: {  	v3 =	vld [tilespmem:s10+$0xFFFFFFB0];
	[tilespmem:s8+$0xFFFFFFD0] =	vst v2  }
0x2f3: {  	v2 =	vld [tilespmem:s10+$0xFFFFFFC0];
	[tilespmem:s8+$0xFFFFFFE0] =	vst v1  }
0x2f4: {  	v1 =	vld [tilespmem:s10+$0xFFFFFFD0];
	[tilespmem:s8+$0xFFFFFFF0] =	vst v0  }
0x2f5: {  	v0 =	vld [tilespmem:s10+$0xFFFFFFE0];
	[tilespmem:s8+$0xFFFFFF90] =	vst v4;
	s8 =	smov.u32 s10  }
0x2f6: {  	v4 =	vld [tilespmem:s10+$0xFFFFFFF0]  }
0x2f7: {  	v7 =	vld [tilespmem:s10+$0xFFFFFF90]  }
0x2f8: {  	v6 =	vld.idx.msk [tilespmem:v6+s3+$0x0], $0xffff  }
0x2f9: {  	v8 =	vld.idx.msk [tilespmem:v5+s3+$0x0], $0xffff  }
0x2fa: {  	v5 =	vld.idx.msk [tilespmem:v3+s3+$0x0], $0xffff  }
.Ltmp18:
0x2fb: {  	v3 =	vld.idx.msk [tilespmem:v2+s3+$0x0], $0xffff;
	(pc) =	sbr.rel @p0 .LBB2_38-.Ltmp18, $4  }
0x2fc: {  	v2 =	vld.idx.msk [tilespmem:v1+s3+$0x0], $0xffff  }
0x2fd: {  	v1 =	vld.idx.msk [tilespmem:v0+s3+$0x0], $0xffff  }
0x2fe: {  	v0 =	vld.idx.msk [tilespmem:v4+s3+$0x0], $0xffff;
	[tilespmem:s10+$0x0] =	vst v6  }
0x2ff: {  	s10 =	sadd.s32 $0x400, s10;
	v4 =	vld.idx.msk [tilespmem:v7+s3+$0x0], $0xffff;
	[tilespmem:s8+$0xFFFFFFA0] =	vst v8  }
0x300: {  	[tilespmem:s8+$0xFFFFFFB0] =	vst v5  }
0x301: {  	[tilespmem:s8+$0xFFFFFFC0] =	vst v3  }
0x302: {  	[tilespmem:s8+$0xFFFFFFD0] =	vst v2  }
0x303: {  	[tilespmem:s8+$0xFFFFFFE0] =	vst v1  }
0x304: {  	[tilespmem:s8+$0xFFFFFFF0] =	vst v0  }
0x305: {  	[tilespmem:s8+$0xFFFFFF90] =	vst v4  }
0x306: {  	v0 =	vld [tilespmem:s7+$0x0]  }
0x307: {  	v1 =	vld [tilespmem:s7+$0xFFFFFFA0]  }
0x308: {  	v2 =	vld [tilespmem:s7+$0xFFFFFFB0]  }
0x309: {  	v3 =	vld [tilespmem:s7+$0xFFFFFFC0]  }
0x30a: {  	v4 =	vld [tilespmem:s7+$0xFFFFFFD0]  }
0x30b: {  	v6 =	vld [tilespmem:s7+$0xFFFFFFE0]  }
0x30c: {  	v7 =	vld [tilespmem:s7+$0xFFFFFFF0]  }
0x30d: {  	v8 =	vld [tilespmem:s7+$0xFFFFFF90]  }
0x30e: {  	v9 =	vld.idx.msk [tilespmem:v0+s3+$0x0], $0xffff  }
0x30f: {  	v10 =	vld.idx.msk [tilespmem:v1+s3+$0x0], $0xffff  }
0x310: {  	v5 =	vld.idx.msk [tilespmem:v2+s3+$0x0], $0xffff  }
0x311: {  	v3 =	vld.idx.msk [tilespmem:v3+s3+$0x0], $0xffff  }
0x312: {  	v2 =	vld.idx.msk [tilespmem:v4+s3+$0x0], $0xffff  }
0x313: {  	v1 =	vld.idx.msk [tilespmem:v6+s3+$0x0], $0xffff  }
0x314: {  	v0 =	vld.idx.msk [tilespmem:v7+s3+$0x0], $0xffff;
	[tilespmem:s7+$0x0] =	vst v9  }
0x315: {  	s9 =	simm.s32 $0x0;
	s10 =	simm.s32 $0x8670;
	s8 =	simm.s32 $0x82F0;
	v4 =	vld.idx.msk [tilespmem:v8+s3+$0x0], $0xffff;
	[tilespmem:s7+$0xFFFFFFA0] =	vst v10  }
.LBB2_40:
0x316: {  	v6 =	vld [tilespmem:s10+$0x0];
	s9 =	sadd.s32 $0x80, s9;
	[tilespmem:s7+$0xFFFFFFB0] =	vst v5  }
0x317: {  	v5 =	vld [tilespmem:s10+$0xFFFFFFA0];
	p0 =	slt.u32 s9, $0x780;
	[tilespmem:s7+$0xFFFFFFC0] =	vst v3  }
0x318: {  	v3 =	vld [tilespmem:s10+$0xFFFFFFB0];
	[tilespmem:s7+$0xFFFFFFD0] =	vst v2  }
0x319: {  	v2 =	vld [tilespmem:s10+$0xFFFFFFC0];
	[tilespmem:s7+$0xFFFFFFE0] =	vst v1  }
0x31a: {  	v1 =	vld [tilespmem:s10+$0xFFFFFFD0];
	[tilespmem:s7+$0xFFFFFFF0] =	vst v0  }
0x31b: {  	v0 =	vld [tilespmem:s10+$0xFFFFFFE0];
	[tilespmem:s7+$0xFFFFFF90] =	vst v4;
	s7 =	smov.u32 s10  }
0x31c: {  	v4 =	vld [tilespmem:s10+$0xFFFFFFF0]  }
0x31d: {  	v7 =	vld [tilespmem:s10+$0xFFFFFF90]  }
0x31e: {  	v6 =	vld.idx.msk [tilespmem:v6+s3+$0x0], $0xffff  }
0x31f: {  	v8 =	vld.idx.msk [tilespmem:v5+s3+$0x0], $0xffff  }
0x320: {  	v5 =	vld.idx.msk [tilespmem:v3+s3+$0x0], $0xffff  }
.Ltmp19:
0x321: {  	v3 =	vld.idx.msk [tilespmem:v2+s3+$0x0], $0xffff;
	(pc) =	sbr.rel @p0 .LBB2_40-.Ltmp19, $4  }
0x322: {  	v2 =	vld.idx.msk [tilespmem:v1+s3+$0x0], $0xffff  }
0x323: {  	v1 =	vld.idx.msk [tilespmem:v0+s3+$0x0], $0xffff  }
0x324: {  	v0 =	vld.idx.msk [tilespmem:v4+s3+$0x0], $0xffff;
	[tilespmem:s10+$0x0] =	vst v6  }
0x325: {  	s10 =	sadd.s32 $0x400, s10;
	v4 =	vld.idx.msk [tilespmem:v7+s3+$0x0], $0xffff;
	[tilespmem:s7+$0xFFFFFFA0] =	vst v8  }
0x326: {  	[tilespmem:s7+$0xFFFFFFB0] =	vst v5  }
0x327: {  	[tilespmem:s7+$0xFFFFFFC0] =	vst v3  }
0x328: {  	[tilespmem:s7+$0xFFFFFFD0] =	vst v2  }
0x329: {  	[tilespmem:s7+$0xFFFFFFE0] =	vst v1  }
0x32a: {  	[tilespmem:s7+$0xFFFFFFF0] =	vst v0  }
0x32b: {  	[tilespmem:s7+$0xFFFFFF90] =	vst v4  }
0x32c: {  	v0 =	vld [tilespmem:s8+$0x0]  }
0x32d: {  	v1 =	vld [tilespmem:s8+$0xFFFFFFA0]  }
0x32e: {  	v2 =	vld [tilespmem:s8+$0xFFFFFFB0]  }
0x32f: {  	v3 =	vld [tilespmem:s8+$0xFFFFFFC0]  }
0x330: {  	v4 =	vld [tilespmem:s8+$0xFFFFFFD0]  }
0x331: {  	v6 =	vld [tilespmem:s8+$0xFFFFFFE0]  }
0x332: {  	v7 =	vld [tilespmem:s8+$0xFFFFFFF0]  }
0x333: {  	v8 =	vld [tilespmem:s8+$0xFFFFFF90]  }
0x334: {  	v9 =	vld.idx.msk [tilespmem:v0+s3+$0x0], $0xffff  }
0x335: {  	v10 =	vld.idx.msk [tilespmem:v1+s3+$0x0], $0xffff  }
0x336: {  	v5 =	vld.idx.msk [tilespmem:v2+s3+$0x0], $0xffff  }
0x337: {  	v3 =	vld.idx.msk [tilespmem:v3+s3+$0x0], $0xffff  }
0x338: {  	v2 =	vld.idx.msk [tilespmem:v4+s3+$0x0], $0xffff  }
0x339: {  	v1 =	vld.idx.msk [tilespmem:v6+s3+$0x0], $0xffff  }
0x33a: {  	v0 =	vld.idx.msk [tilespmem:v7+s3+$0x0], $0xffff;
	[tilespmem:s8+$0x0] =	vst v9  }
0x33b: {  	s9 =	simm.s32 $0x0;
	s10 =	simm.s32 $0x86F0;
	s7 =	simm.s32 $0x8370;
	v4 =	vld.idx.msk [tilespmem:v8+s3+$0x0], $0xffff;
	[tilespmem:s8+$0xFFFFFFA0] =	vst v10  }
.LBB2_42:
0x33c: {  	v6 =	vld [tilespmem:s10+$0x0];
	s9 =	sadd.s32 $0x80, s9;
	[tilespmem:s8+$0xFFFFFFB0] =	vst v5  }
0x33d: {  	v5 =	vld [tilespmem:s10+$0xFFFFFFA0];
	p0 =	slt.u32 s9, $0x780;
	[tilespmem:s8+$0xFFFFFFC0] =	vst v3  }
0x33e: {  	v3 =	vld [tilespmem:s10+$0xFFFFFFB0];
	[tilespmem:s8+$0xFFFFFFD0] =	vst v2  }
0x33f: {  	v2 =	vld [tilespmem:s10+$0xFFFFFFC0];
	[tilespmem:s8+$0xFFFFFFE0] =	vst v1  }
0x340: {  	v1 =	vld [tilespmem:s10+$0xFFFFFFD0];
	[tilespmem:s8+$0xFFFFFFF0] =	vst v0  }
0x341: {  	v0 =	vld [tilespmem:s10+$0xFFFFFFE0];
	[tilespmem:s8+$0xFFFFFF90] =	vst v4;
	s8 =	smov.u32 s10  }
0x342: {  	v4 =	vld [tilespmem:s10+$0xFFFFFFF0]  }
0x343: {  	v7 =	vld [tilespmem:s10+$0xFFFFFF90]  }
0x344: {  	v6 =	vld.idx.msk [tilespmem:v6+s3+$0x0], $0xffff  }
0x345: {  	v8 =	vld.idx.msk [tilespmem:v5+s3+$0x0], $0xffff  }
0x346: {  	v5 =	vld.idx.msk [tilespmem:v3+s3+$0x0], $0xffff  }
.Ltmp20:
0x347: {  	v3 =	vld.idx.msk [tilespmem:v2+s3+$0x0], $0xffff;
	(pc) =	sbr.rel @p0 .LBB2_42-.Ltmp20, $4  }
0x348: {  	v2 =	vld.idx.msk [tilespmem:v1+s3+$0x0], $0xffff  }
0x349: {  	v1 =	vld.idx.msk [tilespmem:v0+s3+$0x0], $0xffff  }
0x34a: {  	v0 =	vld.idx.msk [tilespmem:v4+s3+$0x0], $0xffff;
	[tilespmem:s10+$0x0] =	vst v6  }
0x34b: {  	s10 =	sadd.s32 $0x400, s10;
	v4 =	vld.idx.msk [tilespmem:v7+s3+$0x0], $0xffff;
	[tilespmem:s8+$0xFFFFFFA0] =	vst v8  }
0x34c: {  	[tilespmem:s8+$0xFFFFFFB0] =	vst v5  }
0x34d: {  	[tilespmem:s8+$0xFFFFFFC0] =	vst v3  }
0x34e: {  	[tilespmem:s8+$0xFFFFFFD0] =	vst v2  }
0x34f: {  	[tilespmem:s8+$0xFFFFFFE0] =	vst v1  }
0x350: {  	[tilespmem:s8+$0xFFFFFFF0] =	vst v0  }
0x351: {  	[tilespmem:s8+$0xFFFFFF90] =	vst v4  }
0x352: {  	v0 =	vld [tilespmem:s7+$0x0]  }
0x353: {  	v1 =	vld [tilespmem:s7+$0xFFFFFFA0]  }
0x354: {  	v2 =	vld [tilespmem:s7+$0xFFFFFFB0]  }
0x355: {  	v3 =	vld [tilespmem:s7+$0xFFFFFFC0]  }
0x356: {  	v4 =	vld [tilespmem:s7+$0xFFFFFFD0]  }
0x357: {  	v6 =	vld [tilespmem:s7+$0xFFFFFFE0]  }
0x358: {  	v7 =	vld [tilespmem:s7+$0xFFFFFFF0]  }
0x359: {  	v8 =	vld [tilespmem:s7+$0xFFFFFF90]  }
0x35a: {  	v9 =	vld.idx.msk [tilespmem:v0+s3+$0x0], $0xffff  }
0x35b: {  	v10 =	vld.idx.msk [tilespmem:v1+s3+$0x0], $0xffff  }
0x35c: {  	v5 =	vld.idx.msk [tilespmem:v2+s3+$0x0], $0xffff  }
0x35d: {  	v3 =	vld.idx.msk [tilespmem:v3+s3+$0x0], $0xffff  }
0x35e: {  	v2 =	vld.idx.msk [tilespmem:v4+s3+$0x0], $0xffff  }
0x35f: {  	v1 =	vld.idx.msk [tilespmem:v6+s3+$0x0], $0xffff  }
0x360: {  	v0 =	vld.idx.msk [tilespmem:v7+s3+$0x0], $0xffff;
	[tilespmem:s7+$0x0] =	vst v9  }
0x361: {  	s9 =	simm.s32 $0x0;
	s10 =	simm.s32 $0x8770;
	s8 =	simm.s32 $0x83F0;
	v4 =	vld.idx.msk [tilespmem:v8+s3+$0x0], $0xffff;
	[tilespmem:s7+$0xFFFFFFA0] =	vst v10  }
.LBB2_44:
0x362: {  	v6 =	vld [tilespmem:s10+$0x0];
	s9 =	sadd.s32 $0x80, s9;
	[tilespmem:s7+$0xFFFFFFB0] =	vst v5  }
0x363: {  	v5 =	vld [tilespmem:s10+$0xFFFFFFA0];
	p0 =	slt.u32 s9, $0x780;
	[tilespmem:s7+$0xFFFFFFC0] =	vst v3  }
0x364: {  	v3 =	vld [tilespmem:s10+$0xFFFFFFB0];
	[tilespmem:s7+$0xFFFFFFD0] =	vst v2  }
0x365: {  	v2 =	vld [tilespmem:s10+$0xFFFFFFC0];
	[tilespmem:s7+$0xFFFFFFE0] =	vst v1  }
0x366: {  	v1 =	vld [tilespmem:s10+$0xFFFFFFD0];
	[tilespmem:s7+$0xFFFFFFF0] =	vst v0  }
0x367: {  	v0 =	vld [tilespmem:s10+$0xFFFFFFE0];
	[tilespmem:s7+$0xFFFFFF90] =	vst v4;
	s7 =	smov.u32 s10  }
0x368: {  	v4 =	vld [tilespmem:s10+$0xFFFFFFF0]  }
0x369: {  	v7 =	vld [tilespmem:s10+$0xFFFFFF90]  }
0x36a: {  	v6 =	vld.idx.msk [tilespmem:v6+s3+$0x0], $0xffff  }
0x36b: {  	v8 =	vld.idx.msk [tilespmem:v5+s3+$0x0], $0xffff  }
0x36c: {  	v5 =	vld.idx.msk [tilespmem:v3+s3+$0x0], $0xffff  }
.Ltmp21:
0x36d: {  	v3 =	vld.idx.msk [tilespmem:v2+s3+$0x0], $0xffff;
	(pc) =	sbr.rel @p0 .LBB2_44-.Ltmp21, $4  }
0x36e: {  	v2 =	vld.idx.msk [tilespmem:v1+s3+$0x0], $0xffff  }
0x36f: {  	v1 =	vld.idx.msk [tilespmem:v0+s3+$0x0], $0xffff  }
0x370: {  	v0 =	vld.idx.msk [tilespmem:v4+s3+$0x0], $0xffff;
	[tilespmem:s10+$0x0] =	vst v6  }
0x371: {  	s10 =	sadd.s32 $0x400, s10;
	v4 =	vld.idx.msk [tilespmem:v7+s3+$0x0], $0xffff;
	[tilespmem:s7+$0xFFFFFFA0] =	vst v8  }
0x372: {  	[tilespmem:s7+$0xFFFFFFB0] =	vst v5  }
0x373: {  	[tilespmem:s7+$0xFFFFFFC0] =	vst v3  }
0x374: {  	[tilespmem:s7+$0xFFFFFFD0] =	vst v2  }
0x375: {  	[tilespmem:s7+$0xFFFFFFE0] =	vst v1  }
0x376: {  	[tilespmem:s7+$0xFFFFFFF0] =	vst v0  }
0x377: {  	[tilespmem:s7+$0xFFFFFF90] =	vst v4  }
0x378: {  	v0 =	vld [tilespmem:s8+$0x0]  }
0x379: {  	v1 =	vld [tilespmem:s8+$0xFFFFFFA0]  }
0x37a: {  	v2 =	vld [tilespmem:s8+$0xFFFFFFB0]  }
0x37b: {  	v3 =	vld [tilespmem:s8+$0xFFFFFFC0]  }
0x37c: {  	v4 =	vld [tilespmem:s8+$0xFFFFFFD0]  }
0x37d: {  	v6 =	vld [tilespmem:s8+$0xFFFFFFE0]  }
0x37e: {  	v7 =	vld [tilespmem:s8+$0xFFFFFFF0]  }
0x37f: {  	v8 =	vld [tilespmem:s8+$0xFFFFFF90]  }
0x380: {  	v9 =	vld.idx.msk [tilespmem:v0+s3+$0x0], $0xffff  }
0x381: {  	v10 =	vld.idx.msk [tilespmem:v1+s3+$0x0], $0xffff  }
0x382: {  	v5 =	vld.idx.msk [tilespmem:v2+s3+$0x0], $0xffff  }
0x383: {  	v3 =	vld.idx.msk [tilespmem:v3+s3+$0x0], $0xffff  }
0x384: {  	v2 =	vld.idx.msk [tilespmem:v4+s3+$0x0], $0xffff  }
0x385: {  	v1 =	vld.idx.msk [tilespmem:v6+s3+$0x0], $0xffff  }
0x386: {  	v0 =	vld.idx.msk [tilespmem:v7+s3+$0x0], $0xffff;
	[tilespmem:s8+$0x0] =	vst v9  }
0x387: {  	s9 =	simm.s32 $0x0;
	s10 =	simm.s32 $0x87F0;
	s7 =	simm.s32 $0x8470;
	v4 =	vld.idx.msk [tilespmem:v8+s3+$0x0], $0xffff;
	[tilespmem:s8+$0xFFFFFFA0] =	vst v10  }
.LBB2_46:
0x388: {  	v6 =	vld [tilespmem:s10+$0x0];
	s9 =	sadd.s32 $0x80, s9;
	[tilespmem:s8+$0xFFFFFFB0] =	vst v5  }
0x389: {  	v5 =	vld [tilespmem:s10+$0xFFFFFFA0];
	p0 =	slt.u32 s9, $0x780;
	[tilespmem:s8+$0xFFFFFFC0] =	vst v3  }
0x38a: {  	v3 =	vld [tilespmem:s10+$0xFFFFFFB0];
	[tilespmem:s8+$0xFFFFFFD0] =	vst v2  }
0x38b: {  	v2 =	vld [tilespmem:s10+$0xFFFFFFC0];
	[tilespmem:s8+$0xFFFFFFE0] =	vst v1  }
0x38c: {  	v1 =	vld [tilespmem:s10+$0xFFFFFFD0];
	[tilespmem:s8+$0xFFFFFFF0] =	vst v0  }
0x38d: {  	v0 =	vld [tilespmem:s10+$0xFFFFFFE0];
	[tilespmem:s8+$0xFFFFFF90] =	vst v4;
	s8 =	smov.u32 s10  }
0x38e: {  	v4 =	vld [tilespmem:s10+$0xFFFFFFF0]  }
0x38f: {  	v7 =	vld [tilespmem:s10+$0xFFFFFF90]  }
0x390: {  	v6 =	vld.idx.msk [tilespmem:v6+s3+$0x0], $0xffff  }
0x391: {  	v8 =	vld.idx.msk [tilespmem:v5+s3+$0x0], $0xffff  }
0x392: {  	v5 =	vld.idx.msk [tilespmem:v3+s3+$0x0], $0xffff  }
.Ltmp22:
0x393: {  	v3 =	vld.idx.msk [tilespmem:v2+s3+$0x0], $0xffff;
	(pc) =	sbr.rel @p0 .LBB2_46-.Ltmp22, $4  }
0x394: {  	v2 =	vld.idx.msk [tilespmem:v1+s3+$0x0], $0xffff  }
0x395: {  	v1 =	vld.idx.msk [tilespmem:v0+s3+$0x0], $0xffff  }
0x396: {  	v0 =	vld.idx.msk [tilespmem:v4+s3+$0x0], $0xffff;
	[tilespmem:s10+$0x0] =	vst v6  }
0x397: {  	s10 =	sadd.s32 $0x400, s10;
	v4 =	vld.idx.msk [tilespmem:v7+s3+$0x0], $0xffff;
	[tilespmem:s8+$0xFFFFFFA0] =	vst v8  }
0x398: {  	[tilespmem:s8+$0xFFFFFFB0] =	vst v5  }
0x399: {  	[tilespmem:s8+$0xFFFFFFC0] =	vst v3  }
0x39a: {  	[tilespmem:s8+$0xFFFFFFD0] =	vst v2  }
0x39b: {  	[tilespmem:s8+$0xFFFFFFE0] =	vst v1  }
0x39c: {  	[tilespmem:s8+$0xFFFFFFF0] =	vst v0  }
0x39d: {  	[tilespmem:s8+$0xFFFFFF90] =	vst v4  }
0x39e: {  	v0 =	vld [tilespmem:s7+$0x0]  }
0x39f: {  	v1 =	vld [tilespmem:s7+$0xFFFFFFA0]  }
0x3a0: {  	v2 =	vld [tilespmem:s7+$0xFFFFFFB0]  }
0x3a1: {  	v3 =	vld [tilespmem:s7+$0xFFFFFFC0]  }
0x3a2: {  	v6 =	vld [tilespmem:s7+$0xFFFFFFD0]  }
0x3a3: {  	v7 =	vld [tilespmem:s7+$0xFFFFFFE0]  }
0x3a4: {  	v8 =	vld [tilespmem:s7+$0xFFFFFFF0]  }
0x3a5: {  	v9 =	vld [tilespmem:s7+$0xFFFFFF90]  }
0x3a6: {  	v10 =	vld.idx.msk [tilespmem:v0+s3+$0x0], $0xffff  }
0x3a7: {  	v11 =	vld.idx.msk [tilespmem:v1+s3+$0x0], $0xffff  }
0x3a8: {  	v5 =	vld.idx.msk [tilespmem:v2+s3+$0x0], $0xffff  }
0x3a9: {  	v4 =	vld.idx.msk [tilespmem:v3+s3+$0x0], $0xffff  }
0x3aa: {  	v2 =	vld.idx.msk [tilespmem:v6+s3+$0x0], $0xffff  }
0x3ab: {  	v1 =	vld.idx.msk [tilespmem:v7+s3+$0x0], $0xffff  }
0x3ac: {  	v0 =	vld.idx.msk [tilespmem:v8+s3+$0x0], $0xffff;
	[tilespmem:s7+$0x0] =	vst v10  }
0x3ad: {  	s9 =	simm.s32 $0x8870;
	s8 =	simm.s32 $0x0;
	v3 =	vld.idx.msk [tilespmem:v9+s3+$0x0], $0xffff;
	[tilespmem:s7+$0xFFFFFFA0] =	vst v11  }
.LBB2_48:
0x3ae: {  	v6 =	vld [tilespmem:s9+$0x0];
	s8 =	sadd.s32 $0x80, s8;
	[tilespmem:s7+$0xFFFFFFB0] =	vst v5  }
0x3af: {  	v5 =	vld [tilespmem:s9+$0xFFFFFFA0];
	p0 =	slt.u32 s8, $0x780;
	[tilespmem:s7+$0xFFFFFFC0] =	vst v4  }
0x3b0: {  	v4 =	vld [tilespmem:s9+$0xFFFFFFB0];
	[tilespmem:s7+$0xFFFFFFD0] =	vst v2  }
0x3b1: {  	v2 =	vld [tilespmem:s9+$0xFFFFFFC0];
	[tilespmem:s7+$0xFFFFFFE0] =	vst v1  }
0x3b2: {  	v1 =	vld [tilespmem:s9+$0xFFFFFFD0];
	[tilespmem:s7+$0xFFFFFFF0] =	vst v0  }
0x3b3: {  	v0 =	vld [tilespmem:s9+$0xFFFFFFE0];
	[tilespmem:s7+$0xFFFFFF90] =	vst v3;
	s7 =	smov.u32 s9  }
0x3b4: {  	v3 =	vld [tilespmem:s9+$0xFFFFFFF0]  }
0x3b5: {  	v7 =	vld [tilespmem:s9+$0xFFFFFF90]  }
0x3b6: {  	v6 =	vld.idx.msk [tilespmem:v6+s3+$0x0], $0xffff  }
0x3b7: {  	v8 =	vld.idx.msk [tilespmem:v5+s3+$0x0], $0xffff  }
0x3b8: {  	v5 =	vld.idx.msk [tilespmem:v4+s3+$0x0], $0xffff  }
.Ltmp23:
0x3b9: {  	v4 =	vld.idx.msk [tilespmem:v2+s3+$0x0], $0xffff;
	(pc) =	sbr.rel @p0 .LBB2_48-.Ltmp23, $4  }
0x3ba: {  	v2 =	vld.idx.msk [tilespmem:v1+s3+$0x0], $0xffff  }
0x3bb: {  	v1 =	vld.idx.msk [tilespmem:v0+s3+$0x0], $0xffff  }
0x3bc: {  	v0 =	vld.idx.msk [tilespmem:v3+s3+$0x0], $0xffff;
	[tilespmem:s9+$0x0] =	vst v6  }
0x3bd: {  	s9 =	sadd.s32 $0x400, s9;
	v3 =	vld.idx.msk [tilespmem:v7+s3+$0x0], $0xffff;
	[tilespmem:s7+$0xFFFFFFA0] =	vst v8  }
0x3be: {  	[tilespmem:s7+$0xFFFFFFB0] =	vst v5  }
0x3bf: {  	[tilespmem:s7+$0xFFFFFFC0] =	vst v4  }
0x3c0: {  	[tilespmem:s7+$0xFFFFFFD0] =	vst v2  }
0x3c1: {  	[tilespmem:s7+$0xFFFFFFE0] =	vst v1  }
0x3c2: {  	[tilespmem:s7+$0xFFFFFFF0] =	vst v0  }
0x3c3: {  	s10 =	simm.s32 $0x8080;
	[tilespmem:s7+$0xFFFFFF90] =	vst v3  }
0x3c4: {  	[hbm4b:s12+s3] =	stream.linear.scatter [tilespmem:s10], [sflag:$0x9], $0x4000, $0x38;
	[tilespmem:$0x18080] =	vst v63  }
0x3c5: {  	_ =	swait.ge [sflag:s0], $0x4000  }
0x3c6: {  	[sflag:s0] =	ssyncset.done $0x0  }
0x3c7: {  	[sflag:s0] =	ssyncadd.s32 $0xFFFFC000  }
0x3c8: {  	[tilespmem:s21], [sflag:$0x1] =	stream.linear.gather [hbm4b:s13+s3], $0x4000, $0x38;
	[tilespmem:$0x18080] =	vst v63  }
0x3c9: {  	_ =	swait.ge [sflag:s2], $0x4000  }
0x3ca: {  	[sflag:s2] =	ssyncset.done $0x0  }
0x3cb: {  	s8 =	simm.s32 $0xC0F0;
	[sflag:s2] =	ssyncadd.s32 $0xFFFFC000  }
0x3cc: {  	v0 =	vld [tilespmem:s8+$0x0]  }
0x3cd: {  	v1 =	vld [tilespmem:s8+$0xFFFFFFA0]  }
0x3ce: {  	v2 =	vld [tilespmem:s8+$0xFFFFFFB0]  }
0x3cf: {  	v3 =	vld [tilespmem:s8+$0xFFFFFFC0]  }
0x3d0: {  	v4 =	vld [tilespmem:s8+$0xFFFFFFD0]  }
0x3d1: {  	v6 =	vld [tilespmem:s8+$0xFFFFFFE0]  }
0x3d2: {  	v7 =	vld [tilespmem:s8+$0xFFFFFFF0]  }
0x3d3: {  	v8 =	vld [tilespmem:s8+$0xFFFFFF90]  }
0x3d4: {  	v9 =	vld.idx.msk [tilespmem:v0+s3+$0x0], $0xffff  }
0x3d5: {  	v10 =	vld.idx.msk [tilespmem:v1+s3+$0x0], $0xffff  }
0x3d6: {  	v5 =	vld.idx.msk [tilespmem:v2+s3+$0x0], $0xffff  }
0x3d7: {  	v3 =	vld.idx.msk [tilespmem:v3+s3+$0x0], $0xffff  }
0x3d8: {  	v2 =	vld.idx.msk [tilespmem:v4+s3+$0x0], $0xffff  }
0x3d9: {  	v1 =	vld.idx.msk [tilespmem:v6+s3+$0x0], $0xffff  }
0x3da: {  	v0 =	vld.idx.msk [tilespmem:v7+s3+$0x0], $0xffff;
	[tilespmem:s8+$0x0] =	vst v9  }
0x3db: {  	s9 =	simm.s32 $0x0;
	s7 =	simm.s32 $0xC170;
	s10 =	simm.s32 $0xC4F0;
	v4 =	vld.idx.msk [tilespmem:v8+s3+$0x0], $0xffff;
	[tilespmem:s8+$0xFFFFFFA0] =	vst v10  }
.LBB2_50:
0x3dc: {  	v6 =	vld [tilespmem:s10+$0x0];
	s9 =	sadd.s32 $0x80, s9;
	[tilespmem:s8+$0xFFFFFFB0] =	vst v5  }
0x3dd: {  	v5 =	vld [tilespmem:s10+$0xFFFFFFA0];
	p0 =	slt.u32 s9, $0x780;
	[tilespmem:s8+$0xFFFFFFC0] =	vst v3  }
0x3de: {  	v3 =	vld [tilespmem:s10+$0xFFFFFFB0];
	[tilespmem:s8+$0xFFFFFFD0] =	vst v2  }
0x3df: {  	v2 =	vld [tilespmem:s10+$0xFFFFFFC0];
	[tilespmem:s8+$0xFFFFFFE0] =	vst v1  }
0x3e0: {  	v1 =	vld [tilespmem:s10+$0xFFFFFFD0];
	[tilespmem:s8+$0xFFFFFFF0] =	vst v0  }
0x3e1: {  	v0 =	vld [tilespmem:s10+$0xFFFFFFE0];
	[tilespmem:s8+$0xFFFFFF90] =	vst v4;
	s8 =	smov.u32 s10  }
0x3e2: {  	v4 =	vld [tilespmem:s10+$0xFFFFFFF0]  }
0x3e3: {  	v7 =	vld [tilespmem:s10+$0xFFFFFF90]  }
0x3e4: {  	v6 =	vld.idx.msk [tilespmem:v6+s3+$0x0], $0xffff  }
0x3e5: {  	v8 =	vld.idx.msk [tilespmem:v5+s3+$0x0], $0xffff  }
0x3e6: {  	v5 =	vld.idx.msk [tilespmem:v3+s3+$0x0], $0xffff  }
.Ltmp24:
0x3e7: {  	v3 =	vld.idx.msk [tilespmem:v2+s3+$0x0], $0xffff;
	(pc) =	sbr.rel @p0 .LBB2_50-.Ltmp24, $4  }
0x3e8: {  	v2 =	vld.idx.msk [tilespmem:v1+s3+$0x0], $0xffff  }
0x3e9: {  	v1 =	vld.idx.msk [tilespmem:v0+s3+$0x0], $0xffff  }
0x3ea: {  	v0 =	vld.idx.msk [tilespmem:v4+s3+$0x0], $0xffff;
	[tilespmem:s10+$0x0] =	vst v6  }
0x3eb: {  	s10 =	sadd.s32 $0x400, s10;
	v4 =	vld.idx.msk [tilespmem:v7+s3+$0x0], $0xffff;
	[tilespmem:s8+$0xFFFFFFA0] =	vst v8  }
0x3ec: {  	[tilespmem:s8+$0xFFFFFFB0] =	vst v5  }
0x3ed: {  	[tilespmem:s8+$0xFFFFFFC0] =	vst v3  }
0x3ee: {  	[tilespmem:s8+$0xFFFFFFD0] =	vst v2  }
0x3ef: {  	[tilespmem:s8+$0xFFFFFFE0] =	vst v1  }
0x3f0: {  	[tilespmem:s8+$0xFFFFFFF0] =	vst v0  }
0x3f1: {  	[tilespmem:s8+$0xFFFFFF90] =	vst v4  }
0x3f2: {  	v0 =	vld [tilespmem:s7+$0x0]  }
0x3f3: {  	v1 =	vld [tilespmem:s7+$0xFFFFFFA0]  }
0x3f4: {  	v2 =	vld [tilespmem:s7+$0xFFFFFFB0]  }
0x3f5: {  	v3 =	vld [tilespmem:s7+$0xFFFFFFC0]  }
0x3f6: {  	v4 =	vld [tilespmem:s7+$0xFFFFFFD0]  }
0x3f7: {  	v6 =	vld [tilespmem:s7+$0xFFFFFFE0]  }
0x3f8: {  	v7 =	vld [tilespmem:s7+$0xFFFFFFF0]  }
0x3f9: {  	v8 =	vld [tilespmem:s7+$0xFFFFFF90]  }
0x3fa: {  	v9 =	vld.idx.msk [tilespmem:v0+s3+$0x0], $0xffff  }
0x3fb: {  	v10 =	vld.idx.msk [tilespmem:v1+s3+$0x0], $0xffff  }
0x3fc: {  	v5 =	vld.idx.msk [tilespmem:v2+s3+$0x0], $0xffff  }
0x3fd: {  	v3 =	vld.idx.msk [tilespmem:v3+s3+$0x0], $0xffff  }
0x3fe: {  	v2 =	vld.idx.msk [tilespmem:v4+s3+$0x0], $0xffff  }
0x3ff: {  	v1 =	vld.idx.msk [tilespmem:v6+s3+$0x0], $0xffff  }
0x400: {  	v0 =	vld.idx.msk [tilespmem:v7+s3+$0x0], $0xffff;
	[tilespmem:s7+$0x0] =	vst v9  }
0x401: {  	s9 =	simm.s32 $0x0;
	s10 =	simm.s32 $0xC570;
	s8 =	simm.s32 $0xC1F0;
	v4 =	vld.idx.msk [tilespmem:v8+s3+$0x0], $0xffff;
	[tilespmem:s7+$0xFFFFFFA0] =	vst v10  }
.LBB2_52:
0x402: {  	v6 =	vld [tilespmem:s10+$0x0];
	s9 =	sadd.s32 $0x80, s9;
	[tilespmem:s7+$0xFFFFFFB0] =	vst v5  }
0x403: {  	v5 =	vld [tilespmem:s10+$0xFFFFFFA0];
	p0 =	slt.u32 s9, $0x780;
	[tilespmem:s7+$0xFFFFFFC0] =	vst v3  }
0x404: {  	v3 =	vld [tilespmem:s10+$0xFFFFFFB0];
	[tilespmem:s7+$0xFFFFFFD0] =	vst v2  }
0x405: {  	v2 =	vld [tilespmem:s10+$0xFFFFFFC0];
	[tilespmem:s7+$0xFFFFFFE0] =	vst v1  }
0x406: {  	v1 =	vld [tilespmem:s10+$0xFFFFFFD0];
	[tilespmem:s7+$0xFFFFFFF0] =	vst v0  }
0x407: {  	v0 =	vld [tilespmem:s10+$0xFFFFFFE0];
	[tilespmem:s7+$0xFFFFFF90] =	vst v4;
	s7 =	smov.u32 s10  }
0x408: {  	v4 =	vld [tilespmem:s10+$0xFFFFFFF0]  }
0x409: {  	v7 =	vld [tilespmem:s10+$0xFFFFFF90]  }
0x40a: {  	v6 =	vld.idx.msk [tilespmem:v6+s3+$0x0], $0xffff  }
0x40b: {  	v8 =	vld.idx.msk [tilespmem:v5+s3+$0x0], $0xffff  }
0x40c: {  	v5 =	vld.idx.msk [tilespmem:v3+s3+$0x0], $0xffff  }
.Ltmp25:
0x40d: {  	v3 =	vld.idx.msk [tilespmem:v2+s3+$0x0], $0xffff;
	(pc) =	sbr.rel @p0 .LBB2_52-.Ltmp25, $4  }
0x40e: {  	v2 =	vld.idx.msk [tilespmem:v1+s3+$0x0], $0xffff  }
0x40f: {  	v1 =	vld.idx.msk [tilespmem:v0+s3+$0x0], $0xffff  }
0x410: {  	v0 =	vld.idx.msk [tilespmem:v4+s3+$0x0], $0xffff;
	[tilespmem:s10+$0x0] =	vst v6  }
0x411: {  	s10 =	sadd.s32 $0x400, s10;
	v4 =	vld.idx.msk [tilespmem:v7+s3+$0x0], $0xffff;
	[tilespmem:s7+$0xFFFFFFA0] =	vst v8  }
0x412: {  	[tilespmem:s7+$0xFFFFFFB0] =	vst v5  }
0x413: {  	[tilespmem:s7+$0xFFFFFFC0] =	vst v3  }
0x414: {  	[tilespmem:s7+$0xFFFFFFD0] =	vst v2  }
0x415: {  	[tilespmem:s7+$0xFFFFFFE0] =	vst v1  }
0x416: {  	[tilespmem:s7+$0xFFFFFFF0] =	vst v0  }
0x417: {  	[tilespmem:s7+$0xFFFFFF90] =	vst v4  }
0x418: {  	v0 =	vld [tilespmem:s8+$0x0]  }
0x419: {  	v1 =	vld [tilespmem:s8+$0xFFFFFFA0]  }
0x41a: {  	v2 =	vld [tilespmem:s8+$0xFFFFFFB0]  }
0x41b: {  	v3 =	vld [tilespmem:s8+$0xFFFFFFC0]  }
0x41c: {  	v4 =	vld [tilespmem:s8+$0xFFFFFFD0]  }
0x41d: {  	v6 =	vld [tilespmem:s8+$0xFFFFFFE0]  }
0x41e: {  	v7 =	vld [tilespmem:s8+$0xFFFFFFF0]  }
0x41f: {  	v8 =	vld [tilespmem:s8+$0xFFFFFF90]  }
0x420: {  	v9 =	vld.idx.msk [tilespmem:v0+s3+$0x0], $0xffff  }
0x421: {  	v10 =	vld.idx.msk [tilespmem:v1+s3+$0x0], $0xffff  }
0x422: {  	v5 =	vld.idx.msk [tilespmem:v2+s3+$0x0], $0xffff  }
0x423: {  	v3 =	vld.idx.msk [tilespmem:v3+s3+$0x0], $0xffff  }
0x424: {  	v2 =	vld.idx.msk [tilespmem:v4+s3+$0x0], $0xffff  }
0x425: {  	v1 =	vld.idx.msk [tilespmem:v6+s3+$0x0], $0xffff  }
0x426: {  	v0 =	vld.idx.msk [tilespmem:v7+s3+$0x0], $0xffff;
	[tilespmem:s8+$0x0] =	vst v9  }
0x427: {  	s9 =	simm.s32 $0x0;
	s10 =	simm.s32 $0xC5F0;
	s7 =	simm.s32 $0xC270;
	v4 =	vld.idx.msk [tilespmem:v8+s3+$0x0], $0xffff;
	[tilespmem:s8+$0xFFFFFFA0] =	vst v10  }
.LBB2_54:
0x428: {  	v6 =	vld [tilespmem:s10+$0x0];
	s9 =	sadd.s32 $0x80, s9;
	[tilespmem:s8+$0xFFFFFFB0] =	vst v5  }
0x429: {  	v5 =	vld [tilespmem:s10+$0xFFFFFFA0];
	p0 =	slt.u32 s9, $0x780;
	[tilespmem:s8+$0xFFFFFFC0] =	vst v3  }
0x42a: {  	v3 =	vld [tilespmem:s10+$0xFFFFFFB0];
	[tilespmem:s8+$0xFFFFFFD0] =	vst v2  }
0x42b: {  	v2 =	vld [tilespmem:s10+$0xFFFFFFC0];
	[tilespmem:s8+$0xFFFFFFE0] =	vst v1  }
0x42c: {  	v1 =	vld [tilespmem:s10+$0xFFFFFFD0];
	[tilespmem:s8+$0xFFFFFFF0] =	vst v0  }
0x42d: {  	v0 =	vld [tilespmem:s10+$0xFFFFFFE0];
	[tilespmem:s8+$0xFFFFFF90] =	vst v4;
	s8 =	smov.u32 s10  }
0x42e: {  	v4 =	vld [tilespmem:s10+$0xFFFFFFF0]  }
0x42f: {  	v7 =	vld [tilespmem:s10+$0xFFFFFF90]  }
0x430: {  	v6 =	vld.idx.msk [tilespmem:v6+s3+$0x0], $0xffff  }
0x431: {  	v8 =	vld.idx.msk [tilespmem:v5+s3+$0x0], $0xffff  }
0x432: {  	v5 =	vld.idx.msk [tilespmem:v3+s3+$0x0], $0xffff  }
.Ltmp26:
0x433: {  	v3 =	vld.idx.msk [tilespmem:v2+s3+$0x0], $0xffff;
	(pc) =	sbr.rel @p0 .LBB2_54-.Ltmp26, $4  }
0x434: {  	v2 =	vld.idx.msk [tilespmem:v1+s3+$0x0], $0xffff  }
0x435: {  	v1 =	vld.idx.msk [tilespmem:v0+s3+$0x0], $0xffff  }
0x436: {  	v0 =	vld.idx.msk [tilespmem:v4+s3+$0x0], $0xffff;
	[tilespmem:s10+$0x0] =	vst v6  }
0x437: {  	s10 =	sadd.s32 $0x400, s10;
	v4 =	vld.idx.msk [tilespmem:v7+s3+$0x0], $0xffff;
	[tilespmem:s8+$0xFFFFFFA0] =	vst v8  }
0x438: {  	[tilespmem:s8+$0xFFFFFFB0] =	vst v5  }
0x439: {  	[tilespmem:s8+$0xFFFFFFC0] =	vst v3  }
0x43a: {  	[tilespmem:s8+$0xFFFFFFD0] =	vst v2  }
0x43b: {  	[tilespmem:s8+$0xFFFFFFE0] =	vst v1  }
0x43c: {  	[tilespmem:s8+$0xFFFFFFF0] =	vst v0  }
0x43d: {  	[tilespmem:s8+$0xFFFFFF90] =	vst v4  }
0x43e: {  	v0 =	vld [tilespmem:s7+$0x0]  }
0x43f: {  	v1 =	vld [tilespmem:s7+$0xFFFFFFA0]  }
0x440: {  	v2 =	vld [tilespmem:s7+$0xFFFFFFB0]  }
0x441: {  	v3 =	vld [tilespmem:s7+$0xFFFFFFC0]  }
0x442: {  	v4 =	vld [tilespmem:s7+$0xFFFFFFD0]  }
0x443: {  	v6 =	vld [tilespmem:s7+$0xFFFFFFE0]  }
0x444: {  	v7 =	vld [tilespmem:s7+$0xFFFFFFF0]  }
0x445: {  	v8 =	vld [tilespmem:s7+$0xFFFFFF90]  }
0x446: {  	v9 =	vld.idx.msk [tilespmem:v0+s3+$0x0], $0xffff  }
0x447: {  	v10 =	vld.idx.msk [tilespmem:v1+s3+$0x0], $0xffff  }
0x448: {  	v5 =	vld.idx.msk [tilespmem:v2+s3+$0x0], $0xffff  }
0x449: {  	v3 =	vld.idx.msk [tilespmem:v3+s3+$0x0], $0xffff  }
0x44a: {  	v2 =	vld.idx.msk [tilespmem:v4+s3+$0x0], $0xffff  }
0x44b: {  	v1 =	vld.idx.msk [tilespmem:v6+s3+$0x0], $0xffff  }
0x44c: {  	v0 =	vld.idx.msk [tilespmem:v7+s3+$0x0], $0xffff;
	[tilespmem:s7+$0x0] =	vst v9  }
0x44d: {  	s9 =	simm.s32 $0x0;
	s10 =	simm.s32 $0xC670;
	s8 =	simm.s32 $0xC2F0;
	v4 =	vld.idx.msk [tilespmem:v8+s3+$0x0], $0xffff;
	[tilespmem:s7+$0xFFFFFFA0] =	vst v10  }
.LBB2_56:
0x44e: {  	v6 =	vld [tilespmem:s10+$0x0];
	s9 =	sadd.s32 $0x80, s9;
	[tilespmem:s7+$0xFFFFFFB0] =	vst v5  }
0x44f: {  	v5 =	vld [tilespmem:s10+$0xFFFFFFA0];
	p0 =	slt.u32 s9, $0x780;
	[tilespmem:s7+$0xFFFFFFC0] =	vst v3  }
0x450: {  	v3 =	vld [tilespmem:s10+$0xFFFFFFB0];
	[tilespmem:s7+$0xFFFFFFD0] =	vst v2  }
0x451: {  	v2 =	vld [tilespmem:s10+$0xFFFFFFC0];
	[tilespmem:s7+$0xFFFFFFE0] =	vst v1  }
0x452: {  	v1 =	vld [tilespmem:s10+$0xFFFFFFD0];
	[tilespmem:s7+$0xFFFFFFF0] =	vst v0  }
0x453: {  	v0 =	vld [tilespmem:s10+$0xFFFFFFE0];
	[tilespmem:s7+$0xFFFFFF90] =	vst v4;
	s7 =	smov.u32 s10  }
0x454: {  	v4 =	vld [tilespmem:s10+$0xFFFFFFF0]  }
0x455: {  	v7 =	vld [tilespmem:s10+$0xFFFFFF90]  }
0x456: {  	v6 =	vld.idx.msk [tilespmem:v6+s3+$0x0], $0xffff  }
0x457: {  	v8 =	vld.idx.msk [tilespmem:v5+s3+$0x0], $0xffff  }
0x458: {  	v5 =	vld.idx.msk [tilespmem:v3+s3+$0x0], $0xffff  }
.Ltmp27:
0x459: {  	v3 =	vld.idx.msk [tilespmem:v2+s3+$0x0], $0xffff;
	(pc) =	sbr.rel @p0 .LBB2_56-.Ltmp27, $4  }
0x45a: {  	v2 =	vld.idx.msk [tilespmem:v1+s3+$0x0], $0xffff  }
0x45b: {  	v1 =	vld.idx.msk [tilespmem:v0+s3+$0x0], $0xffff  }
0x45c: {  	v0 =	vld.idx.msk [tilespmem:v4+s3+$0x0], $0xffff;
	[tilespmem:s10+$0x0] =	vst v6  }
0x45d: {  	s10 =	sadd.s32 $0x400, s10;
	v4 =	vld.idx.msk [tilespmem:v7+s3+$0x0], $0xffff;
	[tilespmem:s7+$0xFFFFFFA0] =	vst v8  }
0x45e: {  	[tilespmem:s7+$0xFFFFFFB0] =	vst v5  }
0x45f: {  	[tilespmem:s7+$0xFFFFFFC0] =	vst v3  }
0x460: {  	[tilespmem:s7+$0xFFFFFFD0] =	vst v2  }
0x461: {  	[tilespmem:s7+$0xFFFFFFE0] =	vst v1  }
0x462: {  	[tilespmem:s7+$0xFFFFFFF0] =	vst v0  }
0x463: {  	[tilespmem:s7+$0xFFFFFF90] =	vst v4  }
0x464: {  	v0 =	vld [tilespmem:s8+$0x0]  }
0x465: {  	v1 =	vld [tilespmem:s8+$0xFFFFFFA0]  }
0x466: {  	v2 =	vld [tilespmem:s8+$0xFFFFFFB0]  }
0x467: {  	v3 =	vld [tilespmem:s8+$0xFFFFFFC0]  }
0x468: {  	v4 =	vld [tilespmem:s8+$0xFFFFFFD0]  }
0x469: {  	v6 =	vld [tilespmem:s8+$0xFFFFFFE0]  }
0x46a: {  	v7 =	vld [tilespmem:s8+$0xFFFFFFF0]  }
0x46b: {  	v8 =	vld [tilespmem:s8+$0xFFFFFF90]  }
0x46c: {  	v9 =	vld.idx.msk [tilespmem:v0+s3+$0x0], $0xffff  }
0x46d: {  	v10 =	vld.idx.msk [tilespmem:v1+s3+$0x0], $0xffff  }
0x46e: {  	v5 =	vld.idx.msk [tilespmem:v2+s3+$0x0], $0xffff  }
0x46f: {  	v3 =	vld.idx.msk [tilespmem:v3+s3+$0x0], $0xffff  }
0x470: {  	v2 =	vld.idx.msk [tilespmem:v4+s3+$0x0], $0xffff  }
0x471: {  	v1 =	vld.idx.msk [tilespmem:v6+s3+$0x0], $0xffff  }
0x472: {  	v0 =	vld.idx.msk [tilespmem:v7+s3+$0x0], $0xffff;
	[tilespmem:s8+$0x0] =	vst v9  }
0x473: {  	s9 =	simm.s32 $0x0;
	s10 =	simm.s32 $0xC6F0;
	s7 =	simm.s32 $0xC370;
	v4 =	vld.idx.msk [tilespmem:v8+s3+$0x0], $0xffff;
	[tilespmem:s8+$0xFFFFFFA0] =	vst v10  }
.LBB2_58:
0x474: {  	v6 =	vld [tilespmem:s10+$0x0];
	s9 =	sadd.s32 $0x80, s9;
	[tilespmem:s8+$0xFFFFFFB0] =	vst v5  }
0x475: {  	v5 =	vld [tilespmem:s10+$0xFFFFFFA0];
	p0 =	slt.u32 s9, $0x780;
	[tilespmem:s8+$0xFFFFFFC0] =	vst v3  }
0x476: {  	v3 =	vld [tilespmem:s10+$0xFFFFFFB0];
	[tilespmem:s8+$0xFFFFFFD0] =	vst v2  }
0x477: {  	v2 =	vld [tilespmem:s10+$0xFFFFFFC0];
	[tilespmem:s8+$0xFFFFFFE0] =	vst v1  }
0x478: {  	v1 =	vld [tilespmem:s10+$0xFFFFFFD0];
	[tilespmem:s8+$0xFFFFFFF0] =	vst v0  }
0x479: {  	v0 =	vld [tilespmem:s10+$0xFFFFFFE0];
	[tilespmem:s8+$0xFFFFFF90] =	vst v4;
	s8 =	smov.u32 s10  }
0x47a: {  	v4 =	vld [tilespmem:s10+$0xFFFFFFF0]  }
0x47b: {  	v7 =	vld [tilespmem:s10+$0xFFFFFF90]  }
0x47c: {  	v6 =	vld.idx.msk [tilespmem:v6+s3+$0x0], $0xffff  }
0x47d: {  	v8 =	vld.idx.msk [tilespmem:v5+s3+$0x0], $0xffff  }
0x47e: {  	v5 =	vld.idx.msk [tilespmem:v3+s3+$0x0], $0xffff  }
.Ltmp28:
0x47f: {  	v3 =	vld.idx.msk [tilespmem:v2+s3+$0x0], $0xffff;
	(pc) =	sbr.rel @p0 .LBB2_58-.Ltmp28, $4  }
0x480: {  	v2 =	vld.idx.msk [tilespmem:v1+s3+$0x0], $0xffff  }
0x481: {  	v1 =	vld.idx.msk [tilespmem:v0+s3+$0x0], $0xffff  }
0x482: {  	v0 =	vld.idx.msk [tilespmem:v4+s3+$0x0], $0xffff;
	[tilespmem:s10+$0x0] =	vst v6  }
0x483: {  	s10 =	sadd.s32 $0x400, s10;
	v4 =	vld.idx.msk [tilespmem:v7+s3+$0x0], $0xffff;
	[tilespmem:s8+$0xFFFFFFA0] =	vst v8  }
0x484: {  	[tilespmem:s8+$0xFFFFFFB0] =	vst v5  }
0x485: {  	[tilespmem:s8+$0xFFFFFFC0] =	vst v3  }
0x486: {  	[tilespmem:s8+$0xFFFFFFD0] =	vst v2  }
0x487: {  	[tilespmem:s8+$0xFFFFFFE0] =	vst v1  }
0x488: {  	[tilespmem:s8+$0xFFFFFFF0] =	vst v0  }
0x489: {  	[tilespmem:s8+$0xFFFFFF90] =	vst v4  }
0x48a: {  	v0 =	vld [tilespmem:s7+$0x0]  }
0x48b: {  	v1 =	vld [tilespmem:s7+$0xFFFFFFA0]  }
0x48c: {  	v2 =	vld [tilespmem:s7+$0xFFFFFFB0]  }
0x48d: {  	v3 =	vld [tilespmem:s7+$0xFFFFFFC0]  }
0x48e: {  	v4 =	vld [tilespmem:s7+$0xFFFFFFD0]  }
0x48f: {  	v6 =	vld [tilespmem:s7+$0xFFFFFFE0]  }
0x490: {  	v7 =	vld [tilespmem:s7+$0xFFFFFFF0]  }
0x491: {  	v8 =	vld [tilespmem:s7+$0xFFFFFF90]  }
0x492: {  	v9 =	vld.idx.msk [tilespmem:v0+s3+$0x0], $0xffff  }
0x493: {  	v10 =	vld.idx.msk [tilespmem:v1+s3+$0x0], $0xffff  }
0x494: {  	v5 =	vld.idx.msk [tilespmem:v2+s3+$0x0], $0xffff  }
0x495: {  	v3 =	vld.idx.msk [tilespmem:v3+s3+$0x0], $0xffff  }
0x496: {  	v2 =	vld.idx.msk [tilespmem:v4+s3+$0x0], $0xffff  }
0x497: {  	v1 =	vld.idx.msk [tilespmem:v6+s3+$0x0], $0xffff  }
0x498: {  	v0 =	vld.idx.msk [tilespmem:v7+s3+$0x0], $0xffff;
	[tilespmem:s7+$0x0] =	vst v9  }
0x499: {  	s9 =	simm.s32 $0x0;
	s10 =	simm.s32 $0xC770;
	s8 =	simm.s32 $0xC3F0;
	v4 =	vld.idx.msk [tilespmem:v8+s3+$0x0], $0xffff;
	[tilespmem:s7+$0xFFFFFFA0] =	vst v10  }
.LBB2_60:
0x49a: {  	v6 =	vld [tilespmem:s10+$0x0];
	s9 =	sadd.s32 $0x80, s9;
	[tilespmem:s7+$0xFFFFFFB0] =	vst v5  }
0x49b: {  	v5 =	vld [tilespmem:s10+$0xFFFFFFA0];
	p0 =	slt.u32 s9, $0x780;
	[tilespmem:s7+$0xFFFFFFC0] =	vst v3  }
0x49c: {  	v3 =	vld [tilespmem:s10+$0xFFFFFFB0];
	[tilespmem:s7+$0xFFFFFFD0] =	vst v2  }
0x49d: {  	v2 =	vld [tilespmem:s10+$0xFFFFFFC0];
	[tilespmem:s7+$0xFFFFFFE0] =	vst v1  }
0x49e: {  	v1 =	vld [tilespmem:s10+$0xFFFFFFD0];
	[tilespmem:s7+$0xFFFFFFF0] =	vst v0  }
0x49f: {  	v0 =	vld [tilespmem:s10+$0xFFFFFFE0];
	[tilespmem:s7+$0xFFFFFF90] =	vst v4;
	s7 =	smov.u32 s10  }
0x4a0: {  	v4 =	vld [tilespmem:s10+$0xFFFFFFF0]  }
0x4a1: {  	v7 =	vld [tilespmem:s10+$0xFFFFFF90]  }
0x4a2: {  	v6 =	vld.idx.msk [tilespmem:v6+s3+$0x0], $0xffff  }
0x4a3: {  	v8 =	vld.idx.msk [tilespmem:v5+s3+$0x0], $0xffff  }
0x4a4: {  	v5 =	vld.idx.msk [tilespmem:v3+s3+$0x0], $0xffff  }
.Ltmp29:
0x4a5: {  	v3 =	vld.idx.msk [tilespmem:v2+s3+$0x0], $0xffff;
	(pc) =	sbr.rel @p0 .LBB2_60-.Ltmp29, $4  }
0x4a6: {  	v2 =	vld.idx.msk [tilespmem:v1+s3+$0x0], $0xffff  }
0x4a7: {  	v1 =	vld.idx.msk [tilespmem:v0+s3+$0x0], $0xffff  }
0x4a8: {  	v0 =	vld.idx.msk [tilespmem:v4+s3+$0x0], $0xffff;
	[tilespmem:s10+$0x0] =	vst v6  }
0x4a9: {  	s10 =	sadd.s32 $0x400, s10;
	v4 =	vld.idx.msk [tilespmem:v7+s3+$0x0], $0xffff;
	[tilespmem:s7+$0xFFFFFFA0] =	vst v8  }
0x4aa: {  	[tilespmem:s7+$0xFFFFFFB0] =	vst v5  }
0x4ab: {  	[tilespmem:s7+$0xFFFFFFC0] =	vst v3  }
0x4ac: {  	[tilespmem:s7+$0xFFFFFFD0] =	vst v2  }
0x4ad: {  	[tilespmem:s7+$0xFFFFFFE0] =	vst v1  }
0x4ae: {  	[tilespmem:s7+$0xFFFFFFF0] =	vst v0  }
0x4af: {  	[tilespmem:s7+$0xFFFFFF90] =	vst v4  }
0x4b0: {  	v0 =	vld [tilespmem:s8+$0x0]  }
0x4b1: {  	v1 =	vld [tilespmem:s8+$0xFFFFFFA0]  }
0x4b2: {  	v2 =	vld [tilespmem:s8+$0xFFFFFFB0]  }
0x4b3: {  	v3 =	vld [tilespmem:s8+$0xFFFFFFC0]  }
0x4b4: {  	v4 =	vld [tilespmem:s8+$0xFFFFFFD0]  }
0x4b5: {  	v6 =	vld [tilespmem:s8+$0xFFFFFFE0]  }
0x4b6: {  	v7 =	vld [tilespmem:s8+$0xFFFFFFF0]  }
0x4b7: {  	v8 =	vld [tilespmem:s8+$0xFFFFFF90]  }
0x4b8: {  	v9 =	vld.idx.msk [tilespmem:v0+s3+$0x0], $0xffff  }
0x4b9: {  	v10 =	vld.idx.msk [tilespmem:v1+s3+$0x0], $0xffff  }
0x4ba: {  	v5 =	vld.idx.msk [tilespmem:v2+s3+$0x0], $0xffff  }
0x4bb: {  	v3 =	vld.idx.msk [tilespmem:v3+s3+$0x0], $0xffff  }
0x4bc: {  	v2 =	vld.idx.msk [tilespmem:v4+s3+$0x0], $0xffff  }
0x4bd: {  	v1 =	vld.idx.msk [tilespmem:v6+s3+$0x0], $0xffff  }
0x4be: {  	v0 =	vld.idx.msk [tilespmem:v7+s3+$0x0], $0xffff;
	[tilespmem:s8+$0x0] =	vst v9  }
0x4bf: {  	s9 =	simm.s32 $0x0;
	s10 =	simm.s32 $0xC7F0;
	s7 =	simm.s32 $0xC470;
	v4 =	vld.idx.msk [tilespmem:v8+s3+$0x0], $0xffff;
	[tilespmem:s8+$0xFFFFFFA0] =	vst v10  }
.LBB2_62:
0x4c0: {  	v6 =	vld [tilespmem:s10+$0x0];
	s9 =	sadd.s32 $0x80, s9;
	[tilespmem:s8+$0xFFFFFFB0] =	vst v5  }
0x4c1: {  	v5 =	vld [tilespmem:s10+$0xFFFFFFA0];
	p0 =	slt.u32 s9, $0x780;
	[tilespmem:s8+$0xFFFFFFC0] =	vst v3  }
0x4c2: {  	v3 =	vld [tilespmem:s10+$0xFFFFFFB0];
	[tilespmem:s8+$0xFFFFFFD0] =	vst v2  }
0x4c3: {  	v2 =	vld [tilespmem:s10+$0xFFFFFFC0];
	[tilespmem:s8+$0xFFFFFFE0] =	vst v1  }
0x4c4: {  	v1 =	vld [tilespmem:s10+$0xFFFFFFD0];
	[tilespmem:s8+$0xFFFFFFF0] =	vst v0  }
0x4c5: {  	v0 =	vld [tilespmem:s10+$0xFFFFFFE0];
	[tilespmem:s8+$0xFFFFFF90] =	vst v4;
	s8 =	smov.u32 s10  }
0x4c6: {  	v4 =	vld [tilespmem:s10+$0xFFFFFFF0]  }
0x4c7: {  	v7 =	vld [tilespmem:s10+$0xFFFFFF90]  }
0x4c8: {  	v6 =	vld.idx.msk [tilespmem:v6+s3+$0x0], $0xffff  }
0x4c9: {  	v8 =	vld.idx.msk [tilespmem:v5+s3+$0x0], $0xffff  }
0x4ca: {  	v5 =	vld.idx.msk [tilespmem:v3+s3+$0x0], $0xffff  }
.Ltmp30:
0x4cb: {  	v3 =	vld.idx.msk [tilespmem:v2+s3+$0x0], $0xffff;
	(pc) =	sbr.rel @p0 .LBB2_62-.Ltmp30, $4  }
0x4cc: {  	v2 =	vld.idx.msk [tilespmem:v1+s3+$0x0], $0xffff  }
0x4cd: {  	v1 =	vld.idx.msk [tilespmem:v0+s3+$0x0], $0xffff  }
0x4ce: {  	v0 =	vld.idx.msk [tilespmem:v4+s3+$0x0], $0xffff;
	[tilespmem:s10+$0x0] =	vst v6  }
0x4cf: {  	s10 =	sadd.s32 $0x400, s10;
	v4 =	vld.idx.msk [tilespmem:v7+s3+$0x0], $0xffff;
	[tilespmem:s8+$0xFFFFFFA0] =	vst v8  }
0x4d0: {  	[tilespmem:s8+$0xFFFFFFB0] =	vst v5  }
0x4d1: {  	[tilespmem:s8+$0xFFFFFFC0] =	vst v3  }
0x4d2: {  	[tilespmem:s8+$0xFFFFFFD0] =	vst v2  }
0x4d3: {  	[tilespmem:s8+$0xFFFFFFE0] =	vst v1  }
0x4d4: {  	[tilespmem:s8+$0xFFFFFFF0] =	vst v0  }
0x4d5: {  	[tilespmem:s8+$0xFFFFFF90] =	vst v4  }
0x4d6: {  	v0 =	vld [tilespmem:s7+$0x0]  }
0x4d7: {  	v1 =	vld [tilespmem:s7+$0xFFFFFFA0]  }
0x4d8: {  	v2 =	vld [tilespmem:s7+$0xFFFFFFB0]  }
0x4d9: {  	v3 =	vld [tilespmem:s7+$0xFFFFFFC0]  }
0x4da: {  	v6 =	vld [tilespmem:s7+$0xFFFFFFD0]  }
0x4db: {  	v7 =	vld [tilespmem:s7+$0xFFFFFFE0]  }
0x4dc: {  	v8 =	vld [tilespmem:s7+$0xFFFFFFF0]  }
0x4dd: {  	v9 =	vld [tilespmem:s7+$0xFFFFFF90]  }
0x4de: {  	v10 =	vld.idx.msk [tilespmem:v0+s3+$0x0], $0xffff  }
0x4df: {  	v11 =	vld.idx.msk [tilespmem:v1+s3+$0x0], $0xffff  }
0x4e0: {  	v5 =	vld.idx.msk [tilespmem:v2+s3+$0x0], $0xffff  }
0x4e1: {  	v4 =	vld.idx.msk [tilespmem:v3+s3+$0x0], $0xffff  }
0x4e2: {  	v2 =	vld.idx.msk [tilespmem:v6+s3+$0x0], $0xffff  }
0x4e3: {  	v1 =	vld.idx.msk [tilespmem:v7+s3+$0x0], $0xffff  }
0x4e4: {  	v0 =	vld.idx.msk [tilespmem:v8+s3+$0x0], $0xffff;
	[tilespmem:s7+$0x0] =	vst v10  }
0x4e5: {  	s9 =	simm.s32 $0xC870;
	s8 =	simm.s32 $0x0;
	v3 =	vld.idx.msk [tilespmem:v9+s3+$0x0], $0xffff;
	[tilespmem:s7+$0xFFFFFFA0] =	vst v11  }
.LBB2_64:
0x4e6: {  	v6 =	vld [tilespmem:s9+$0x0];
	s8 =	sadd.s32 $0x80, s8;
	[tilespmem:s7+$0xFFFFFFB0] =	vst v5  }
0x4e7: {  	v5 =	vld [tilespmem:s9+$0xFFFFFFA0];
	p0 =	slt.u32 s8, $0x780;
	[tilespmem:s7+$0xFFFFFFC0] =	vst v4  }
0x4e8: {  	v4 =	vld [tilespmem:s9+$0xFFFFFFB0];
	[tilespmem:s7+$0xFFFFFFD0] =	vst v2  }
0x4e9: {  	v2 =	vld [tilespmem:s9+$0xFFFFFFC0];
	[tilespmem:s7+$0xFFFFFFE0] =	vst v1  }
0x4ea: {  	v1 =	vld [tilespmem:s9+$0xFFFFFFD0];
	[tilespmem:s7+$0xFFFFFFF0] =	vst v0  }
0x4eb: {  	v0 =	vld [tilespmem:s9+$0xFFFFFFE0];
	[tilespmem:s7+$0xFFFFFF90] =	vst v3;
	s7 =	smov.u32 s9  }
0x4ec: {  	v3 =	vld [tilespmem:s9+$0xFFFFFFF0]  }
0x4ed: {  	v7 =	vld [tilespmem:s9+$0xFFFFFF90]  }
0x4ee: {  	v6 =	vld.idx.msk [tilespmem:v6+s3+$0x0], $0xffff  }
0x4ef: {  	v8 =	vld.idx.msk [tilespmem:v5+s3+$0x0], $0xffff  }
0x4f0: {  	v5 =	vld.idx.msk [tilespmem:v4+s3+$0x0], $0xffff  }
.Ltmp31:
0x4f1: {  	v4 =	vld.idx.msk [tilespmem:v2+s3+$0x0], $0xffff;
	(pc) =	sbr.rel @p0 .LBB2_64-.Ltmp31, $4  }
0x4f2: {  	v2 =	vld.idx.msk [tilespmem:v1+s3+$0x0], $0xffff  }
0x4f3: {  	v1 =	vld.idx.msk [tilespmem:v0+s3+$0x0], $0xffff  }
0x4f4: {  	v0 =	vld.idx.msk [tilespmem:v3+s3+$0x0], $0xffff;
	[tilespmem:s9+$0x0] =	vst v6  }
0x4f5: {  	s9 =	sadd.s32 $0x400, s9;
	v3 =	vld.idx.msk [tilespmem:v7+s3+$0x0], $0xffff;
	[tilespmem:s7+$0xFFFFFFA0] =	vst v8  }
0x4f6: {  	[tilespmem:s7+$0xFFFFFFB0] =	vst v5  }
0x4f7: {  	[tilespmem:s7+$0xFFFFFFC0] =	vst v4  }
0x4f8: {  	[tilespmem:s7+$0xFFFFFFD0] =	vst v2  }
0x4f9: {  	[tilespmem:s7+$0xFFFFFFE0] =	vst v1  }
0x4fa: {  	[tilespmem:s7+$0xFFFFFFF0] =	vst v0  }
0x4fb: {  	s10 =	simm.s32 $0xC080;
	[tilespmem:s7+$0xFFFFFF90] =	vst v3  }
0x4fc: {  	[hbm4b:s14+s3] =	stream.linear.scatter [tilespmem:s10], [sflag:$0xA], $0x4000, $0x38;
	[tilespmem:$0x18080] =	vst v63  }
0x4fd: {  	_ =	swait.ge [sflag:s1], $0x4000  }
0x4fe: {  	[sflag:s1] =	ssyncset.done $0x0  }
0x4ff: {  	[sflag:s1] =	ssyncadd.s32 $0xFFFFC000  }
0x500: {  	[tilespmem:s22], [sflag:$0x2] =	stream.linear.gather [hbm4b:s15+s3], $0x4000, $0x38;
	[tilespmem:$0x18080] =	vst v63  }
0x501: {  	_ =	swait.ge [sflag:s23], $0x4000  }
0x502: {  	[sflag:s23] =	ssyncset.done $0x0  }
0x503: {  	s8 =	simm.s32 $0x100F0;
	[sflag:s23] =	ssyncadd.s32 $0xFFFFC000  }
0x504: {  	v0 =	vld [tilespmem:s8+$0x0]  }
0x505: {  	v1 =	vld [tilespmem:s8+$0xFFFFFFA0]  }
0x506: {  	v2 =	vld [tilespmem:s8+$0xFFFFFFB0]  }
0x507: {  	v3 =	vld [tilespmem:s8+$0xFFFFFFC0]  }
0x508: {  	v4 =	vld [tilespmem:s8+$0xFFFFFFD0]  }
0x509: {  	v6 =	vld [tilespmem:s8+$0xFFFFFFE0]  }
0x50a: {  	v7 =	vld [tilespmem:s8+$0xFFFFFFF0]  }
0x50b: {  	v8 =	vld [tilespmem:s8+$0xFFFFFF90]  }
0x50c: {  	v9 =	vld.idx.msk [tilespmem:v0+s3+$0x0], $0xffff  }
0x50d: {  	v10 =	vld.idx.msk [tilespmem:v1+s3+$0x0], $0xffff  }
0x50e: {  	v5 =	vld.idx.msk [tilespmem:v2+s3+$0x0], $0xffff  }
0x50f: {  	v3 =	vld.idx.msk [tilespmem:v3+s3+$0x0], $0xffff  }
0x510: {  	v2 =	vld.idx.msk [tilespmem:v4+s3+$0x0], $0xffff  }
0x511: {  	v1 =	vld.idx.msk [tilespmem:v6+s3+$0x0], $0xffff  }
0x512: {  	v0 =	vld.idx.msk [tilespmem:v7+s3+$0x0], $0xffff;
	[tilespmem:s8+$0x0] =	vst v9  }
0x513: {  	s9 =	simm.s32 $0x0;
	s7 =	simm.s32 $0x10170;
	s10 =	simm.s32 $0x104F0;
	v4 =	vld.idx.msk [tilespmem:v8+s3+$0x0], $0xffff;
	[tilespmem:s8+$0xFFFFFFA0] =	vst v10  }
.LBB2_66:
0x514: {  	v6 =	vld [tilespmem:s10+$0x0];
	s9 =	sadd.s32 $0x80, s9;
	[tilespmem:s8+$0xFFFFFFB0] =	vst v5  }
0x515: {  	v5 =	vld [tilespmem:s10+$0xFFFFFFA0];
	p0 =	slt.u32 s9, $0x780;
	[tilespmem:s8+$0xFFFFFFC0] =	vst v3  }
0x516: {  	v3 =	vld [tilespmem:s10+$0xFFFFFFB0];
	[tilespmem:s8+$0xFFFFFFD0] =	vst v2  }
0x517: {  	v2 =	vld [tilespmem:s10+$0xFFFFFFC0];
	[tilespmem:s8+$0xFFFFFFE0] =	vst v1  }
0x518: {  	v1 =	vld [tilespmem:s10+$0xFFFFFFD0];
	[tilespmem:s8+$0xFFFFFFF0] =	vst v0  }
0x519: {  	v0 =	vld [tilespmem:s10+$0xFFFFFFE0];
	[tilespmem:s8+$0xFFFFFF90] =	vst v4;
	s8 =	smov.u32 s10  }
0x51a: {  	v4 =	vld [tilespmem:s10+$0xFFFFFFF0]  }
0x51b: {  	v7 =	vld [tilespmem:s10+$0xFFFFFF90]  }
0x51c: {  	v6 =	vld.idx.msk [tilespmem:v6+s3+$0x0], $0xffff  }
0x51d: {  	v8 =	vld.idx.msk [tilespmem:v5+s3+$0x0], $0xffff  }
0x51e: {  	v5 =	vld.idx.msk [tilespmem:v3+s3+$0x0], $0xffff  }
.Ltmp32:
0x51f: {  	v3 =	vld.idx.msk [tilespmem:v2+s3+$0x0], $0xffff;
	(pc) =	sbr.rel @p0 .LBB2_66-.Ltmp32, $4  }
0x520: {  	v2 =	vld.idx.msk [tilespmem:v1+s3+$0x0], $0xffff  }
0x521: {  	v1 =	vld.idx.msk [tilespmem:v0+s3+$0x0], $0xffff  }
0x522: {  	v0 =	vld.idx.msk [tilespmem:v4+s3+$0x0], $0xffff;
	[tilespmem:s10+$0x0] =	vst v6  }
0x523: {  	s10 =	sadd.s32 $0x400, s10;
	v4 =	vld.idx.msk [tilespmem:v7+s3+$0x0], $0xffff;
	[tilespmem:s8+$0xFFFFFFA0] =	vst v8  }
0x524: {  	[tilespmem:s8+$0xFFFFFFB0] =	vst v5  }
0x525: {  	[tilespmem:s8+$0xFFFFFFC0] =	vst v3  }
0x526: {  	[tilespmem:s8+$0xFFFFFFD0] =	vst v2  }
0x527: {  	[tilespmem:s8+$0xFFFFFFE0] =	vst v1  }
0x528: {  	[tilespmem:s8+$0xFFFFFFF0] =	vst v0  }
0x529: {  	[tilespmem:s8+$0xFFFFFF90] =	vst v4  }
0x52a: {  	v0 =	vld [tilespmem:s7+$0x0]  }
0x52b: {  	v1 =	vld [tilespmem:s7+$0xFFFFFFA0]  }
0x52c: {  	v2 =	vld [tilespmem:s7+$0xFFFFFFB0]  }
0x52d: {  	v3 =	vld [tilespmem:s7+$0xFFFFFFC0]  }
0x52e: {  	v4 =	vld [tilespmem:s7+$0xFFFFFFD0]  }
0x52f: {  	v6 =	vld [tilespmem:s7+$0xFFFFFFE0]  }
0x530: {  	v7 =	vld [tilespmem:s7+$0xFFFFFFF0]  }
0x531: {  	v8 =	vld [tilespmem:s7+$0xFFFFFF90]  }
0x532: {  	v9 =	vld.idx.msk [tilespmem:v0+s3+$0x0], $0xffff  }
0x533: {  	v10 =	vld.idx.msk [tilespmem:v1+s3+$0x0], $0xffff  }
0x534: {  	v5 =	vld.idx.msk [tilespmem:v2+s3+$0x0], $0xffff  }
0x535: {  	v3 =	vld.idx.msk [tilespmem:v3+s3+$0x0], $0xffff  }
0x536: {  	v2 =	vld.idx.msk [tilespmem:v4+s3+$0x0], $0xffff  }
0x537: {  	v1 =	vld.idx.msk [tilespmem:v6+s3+$0x0], $0xffff  }
0x538: {  	v0 =	vld.idx.msk [tilespmem:v7+s3+$0x0], $0xffff;
	[tilespmem:s7+$0x0] =	vst v9  }
0x539: {  	s9 =	simm.s32 $0x0;
	s10 =	simm.s32 $0x10570;
	s8 =	simm.s32 $0x101F0;
	v4 =	vld.idx.msk [tilespmem:v8+s3+$0x0], $0xffff;
	[tilespmem:s7+$0xFFFFFFA0] =	vst v10  }
.LBB2_68:
0x53a: {  	v6 =	vld [tilespmem:s10+$0x0];
	s9 =	sadd.s32 $0x80, s9;
	[tilespmem:s7+$0xFFFFFFB0] =	vst v5  }
0x53b: {  	v5 =	vld [tilespmem:s10+$0xFFFFFFA0];
	p0 =	slt.u32 s9, $0x780;
	[tilespmem:s7+$0xFFFFFFC0] =	vst v3  }
0x53c: {  	v3 =	vld [tilespmem:s10+$0xFFFFFFB0];
	[tilespmem:s7+$0xFFFFFFD0] =	vst v2  }
0x53d: {  	v2 =	vld [tilespmem:s10+$0xFFFFFFC0];
	[tilespmem:s7+$0xFFFFFFE0] =	vst v1  }
0x53e: {  	v1 =	vld [tilespmem:s10+$0xFFFFFFD0];
	[tilespmem:s7+$0xFFFFFFF0] =	vst v0  }
0x53f: {  	v0 =	vld [tilespmem:s10+$0xFFFFFFE0];
	[tilespmem:s7+$0xFFFFFF90] =	vst v4;
	s7 =	smov.u32 s10  }
0x540: {  	v4 =	vld [tilespmem:s10+$0xFFFFFFF0]  }
0x541: {  	v7 =	vld [tilespmem:s10+$0xFFFFFF90]  }
0x542: {  	v6 =	vld.idx.msk [tilespmem:v6+s3+$0x0], $0xffff  }
0x543: {  	v8 =	vld.idx.msk [tilespmem:v5+s3+$0x0], $0xffff  }
0x544: {  	v5 =	vld.idx.msk [tilespmem:v3+s3+$0x0], $0xffff  }
.Ltmp33:
0x545: {  	v3 =	vld.idx.msk [tilespmem:v2+s3+$0x0], $0xffff;
	(pc) =	sbr.rel @p0 .LBB2_68-.Ltmp33, $4  }
0x546: {  	v2 =	vld.idx.msk [tilespmem:v1+s3+$0x0], $0xffff  }
0x547: {  	v1 =	vld.idx.msk [tilespmem:v0+s3+$0x0], $0xffff  }
0x548: {  	v0 =	vld.idx.msk [tilespmem:v4+s3+$0x0], $0xffff;
	[tilespmem:s10+$0x0] =	vst v6  }
0x549: {  	s10 =	sadd.s32 $0x400, s10;
	v4 =	vld.idx.msk [tilespmem:v7+s3+$0x0], $0xffff;
	[tilespmem:s7+$0xFFFFFFA0] =	vst v8  }
0x54a: {  	[tilespmem:s7+$0xFFFFFFB0] =	vst v5  }
0x54b: {  	[tilespmem:s7+$0xFFFFFFC0] =	vst v3  }
0x54c: {  	[tilespmem:s7+$0xFFFFFFD0] =	vst v2  }
0x54d: {  	[tilespmem:s7+$0xFFFFFFE0] =	vst v1  }
0x54e: {  	[tilespmem:s7+$0xFFFFFFF0] =	vst v0  }
0x54f: {  	[tilespmem:s7+$0xFFFFFF90] =	vst v4  }
0x550: {  	v0 =	vld [tilespmem:s8+$0x0]  }
0x551: {  	v1 =	vld [tilespmem:s8+$0xFFFFFFA0]  }
0x552: {  	v2 =	vld [tilespmem:s8+$0xFFFFFFB0]  }
0x553: {  	v3 =	vld [tilespmem:s8+$0xFFFFFFC0]  }
0x554: {  	v4 =	vld [tilespmem:s8+$0xFFFFFFD0]  }
0x555: {  	v6 =	vld [tilespmem:s8+$0xFFFFFFE0]  }
0x556: {  	v7 =	vld [tilespmem:s8+$0xFFFFFFF0]  }
0x557: {  	v8 =	vld [tilespmem:s8+$0xFFFFFF90]  }
0x558: {  	v9 =	vld.idx.msk [tilespmem:v0+s3+$0x0], $0xffff  }
0x559: {  	v10 =	vld.idx.msk [tilespmem:v1+s3+$0x0], $0xffff  }
0x55a: {  	v5 =	vld.idx.msk [tilespmem:v2+s3+$0x0], $0xffff  }
0x55b: {  	v3 =	vld.idx.msk [tilespmem:v3+s3+$0x0], $0xffff  }
0x55c: {  	v2 =	vld.idx.msk [tilespmem:v4+s3+$0x0], $0xffff  }
0x55d: {  	v1 =	vld.idx.msk [tilespmem:v6+s3+$0x0], $0xffff  }
0x55e: {  	v0 =	vld.idx.msk [tilespmem:v7+s3+$0x0], $0xffff;
	[tilespmem:s8+$0x0] =	vst v9  }
0x55f: {  	s9 =	simm.s32 $0x0;
	s10 =	simm.s32 $0x105F0;
	s7 =	simm.s32 $0x10270;
	v4 =	vld.idx.msk [tilespmem:v8+s3+$0x0], $0xffff;
	[tilespmem:s8+$0xFFFFFFA0] =	vst v10  }
.LBB2_70:
0x560: {  	v6 =	vld [tilespmem:s10+$0x0];
	s9 =	sadd.s32 $0x80, s9;
	[tilespmem:s8+$0xFFFFFFB0] =	vst v5  }
0x561: {  	v5 =	vld [tilespmem:s10+$0xFFFFFFA0];
	p0 =	slt.u32 s9, $0x780;
	[tilespmem:s8+$0xFFFFFFC0] =	vst v3  }
0x562: {  	v3 =	vld [tilespmem:s10+$0xFFFFFFB0];
	[tilespmem:s8+$0xFFFFFFD0] =	vst v2  }
0x563: {  	v2 =	vld [tilespmem:s10+$0xFFFFFFC0];
	[tilespmem:s8+$0xFFFFFFE0] =	vst v1  }
0x564: {  	v1 =	vld [tilespmem:s10+$0xFFFFFFD0];
	[tilespmem:s8+$0xFFFFFFF0] =	vst v0  }
0x565: {  	v0 =	vld [tilespmem:s10+$0xFFFFFFE0];
	[tilespmem:s8+$0xFFFFFF90] =	vst v4;
	s8 =	smov.u32 s10  }
0x566: {  	v4 =	vld [tilespmem:s10+$0xFFFFFFF0]  }
0x567: {  	v7 =	vld [tilespmem:s10+$0xFFFFFF90]  }
0x568: {  	v6 =	vld.idx.msk [tilespmem:v6+s3+$0x0], $0xffff  }
0x569: {  	v8 =	vld.idx.msk [tilespmem:v5+s3+$0x0], $0xffff  }
0x56a: {  	v5 =	vld.idx.msk [tilespmem:v3+s3+$0x0], $0xffff  }
.Ltmp34:
0x56b: {  	v3 =	vld.idx.msk [tilespmem:v2+s3+$0x0], $0xffff;
	(pc) =	sbr.rel @p0 .LBB2_70-.Ltmp34, $4  }
0x56c: {  	v2 =	vld.idx.msk [tilespmem:v1+s3+$0x0], $0xffff  }
0x56d: {  	v1 =	vld.idx.msk [tilespmem:v0+s3+$0x0], $0xffff  }
0x56e: {  	v0 =	vld.idx.msk [tilespmem:v4+s3+$0x0], $0xffff;
	[tilespmem:s10+$0x0] =	vst v6  }
0x56f: {  	s10 =	sadd.s32 $0x400, s10;
	v4 =	vld.idx.msk [tilespmem:v7+s3+$0x0], $0xffff;
	[tilespmem:s8+$0xFFFFFFA0] =	vst v8  }
0x570: {  	[tilespmem:s8+$0xFFFFFFB0] =	vst v5  }
0x571: {  	[tilespmem:s8+$0xFFFFFFC0] =	vst v3  }
0x572: {  	[tilespmem:s8+$0xFFFFFFD0] =	vst v2  }
0x573: {  	[tilespmem:s8+$0xFFFFFFE0] =	vst v1  }
0x574: {  	[tilespmem:s8+$0xFFFFFFF0] =	vst v0  }
0x575: {  	[tilespmem:s8+$0xFFFFFF90] =	vst v4  }
0x576: {  	v0 =	vld [tilespmem:s7+$0x0]  }
0x577: {  	v1 =	vld [tilespmem:s7+$0xFFFFFFA0]  }
0x578: {  	v2 =	vld [tilespmem:s7+$0xFFFFFFB0]  }
0x579: {  	v3 =	vld [tilespmem:s7+$0xFFFFFFC0]  }
0x57a: {  	v4 =	vld [tilespmem:s7+$0xFFFFFFD0]  }
0x57b: {  	v6 =	vld [tilespmem:s7+$0xFFFFFFE0]  }
0x57c: {  	v7 =	vld [tilespmem:s7+$0xFFFFFFF0]  }
0x57d: {  	v8 =	vld [tilespmem:s7+$0xFFFFFF90]  }
0x57e: {  	v9 =	vld.idx.msk [tilespmem:v0+s3+$0x0], $0xffff  }
0x57f: {  	v10 =	vld.idx.msk [tilespmem:v1+s3+$0x0], $0xffff  }
0x580: {  	v5 =	vld.idx.msk [tilespmem:v2+s3+$0x0], $0xffff  }
0x581: {  	v3 =	vld.idx.msk [tilespmem:v3+s3+$0x0], $0xffff  }
0x582: {  	v2 =	vld.idx.msk [tilespmem:v4+s3+$0x0], $0xffff  }
0x583: {  	v1 =	vld.idx.msk [tilespmem:v6+s3+$0x0], $0xffff  }
0x584: {  	v0 =	vld.idx.msk [tilespmem:v7+s3+$0x0], $0xffff;
	[tilespmem:s7+$0x0] =	vst v9  }
0x585: {  	s9 =	simm.s32 $0x0;
	s10 =	simm.s32 $0x10670;
	s8 =	simm.s32 $0x102F0;
	v4 =	vld.idx.msk [tilespmem:v8+s3+$0x0], $0xffff;
	[tilespmem:s7+$0xFFFFFFA0] =	vst v10  }
.LBB2_72:
0x586: {  	v6 =	vld [tilespmem:s10+$0x0];
	s9 =	sadd.s32 $0x80, s9;
	[tilespmem:s7+$0xFFFFFFB0] =	vst v5  }
0x587: {  	v5 =	vld [tilespmem:s10+$0xFFFFFFA0];
	p0 =	slt.u32 s9, $0x780;
	[tilespmem:s7+$0xFFFFFFC0] =	vst v3  }
0x588: {  	v3 =	vld [tilespmem:s10+$0xFFFFFFB0];
	[tilespmem:s7+$0xFFFFFFD0] =	vst v2  }
0x589: {  	v2 =	vld [tilespmem:s10+$0xFFFFFFC0];
	[tilespmem:s7+$0xFFFFFFE0] =	vst v1  }
0x58a: {  	v1 =	vld [tilespmem:s10+$0xFFFFFFD0];
	[tilespmem:s7+$0xFFFFFFF0] =	vst v0  }
0x58b: {  	v0 =	vld [tilespmem:s10+$0xFFFFFFE0];
	[tilespmem:s7+$0xFFFFFF90] =	vst v4;
	s7 =	smov.u32 s10  }
0x58c: {  	v4 =	vld [tilespmem:s10+$0xFFFFFFF0]  }
0x58d: {  	v7 =	vld [tilespmem:s10+$0xFFFFFF90]  }
0x58e: {  	v6 =	vld.idx.msk [tilespmem:v6+s3+$0x0], $0xffff  }
0x58f: {  	v8 =	vld.idx.msk [tilespmem:v5+s3+$0x0], $0xffff  }
0x590: {  	v5 =	vld.idx.msk [tilespmem:v3+s3+$0x0], $0xffff  }
.Ltmp35:
0x591: {  	v3 =	vld.idx.msk [tilespmem:v2+s3+$0x0], $0xffff;
	(pc) =	sbr.rel @p0 .LBB2_72-.Ltmp35, $4  }
0x592: {  	v2 =	vld.idx.msk [tilespmem:v1+s3+$0x0], $0xffff  }
0x593: {  	v1 =	vld.idx.msk [tilespmem:v0+s3+$0x0], $0xffff  }
0x594: {  	v0 =	vld.idx.msk [tilespmem:v4+s3+$0x0], $0xffff;
	[tilespmem:s10+$0x0] =	vst v6  }
0x595: {  	s10 =	sadd.s32 $0x400, s10;
	v4 =	vld.idx.msk [tilespmem:v7+s3+$0x0], $0xffff;
	[tilespmem:s7+$0xFFFFFFA0] =	vst v8  }
0x596: {  	[tilespmem:s7+$0xFFFFFFB0] =	vst v5  }
0x597: {  	[tilespmem:s7+$0xFFFFFFC0] =	vst v3  }
0x598: {  	[tilespmem:s7+$0xFFFFFFD0] =	vst v2  }
0x599: {  	[tilespmem:s7+$0xFFFFFFE0] =	vst v1  }
0x59a: {  	[tilespmem:s7+$0xFFFFFFF0] =	vst v0  }
0x59b: {  	[tilespmem:s7+$0xFFFFFF90] =	vst v4  }
0x59c: {  	v0 =	vld [tilespmem:s8+$0x0]  }
0x59d: {  	v1 =	vld [tilespmem:s8+$0xFFFFFFA0]  }
0x59e: {  	v2 =	vld [tilespmem:s8+$0xFFFFFFB0]  }
0x59f: {  	v3 =	vld [tilespmem:s8+$0xFFFFFFC0]  }
0x5a0: {  	v4 =	vld [tilespmem:s8+$0xFFFFFFD0]  }
0x5a1: {  	v6 =	vld [tilespmem:s8+$0xFFFFFFE0]  }
0x5a2: {  	v7 =	vld [tilespmem:s8+$0xFFFFFFF0]  }
0x5a3: {  	v8 =	vld [tilespmem:s8+$0xFFFFFF90]  }
0x5a4: {  	v9 =	vld.idx.msk [tilespmem:v0+s3+$0x0], $0xffff  }
0x5a5: {  	v10 =	vld.idx.msk [tilespmem:v1+s3+$0x0], $0xffff  }
0x5a6: {  	v5 =	vld.idx.msk [tilespmem:v2+s3+$0x0], $0xffff  }
0x5a7: {  	v3 =	vld.idx.msk [tilespmem:v3+s3+$0x0], $0xffff  }
0x5a8: {  	v2 =	vld.idx.msk [tilespmem:v4+s3+$0x0], $0xffff  }
0x5a9: {  	v1 =	vld.idx.msk [tilespmem:v6+s3+$0x0], $0xffff  }
0x5aa: {  	v0 =	vld.idx.msk [tilespmem:v7+s3+$0x0], $0xffff;
	[tilespmem:s8+$0x0] =	vst v9  }
0x5ab: {  	s9 =	simm.s32 $0x0;
	s10 =	simm.s32 $0x106F0;
	s7 =	simm.s32 $0x10370;
	v4 =	vld.idx.msk [tilespmem:v8+s3+$0x0], $0xffff;
	[tilespmem:s8+$0xFFFFFFA0] =	vst v10  }
.LBB2_74:
0x5ac: {  	v6 =	vld [tilespmem:s10+$0x0];
	s9 =	sadd.s32 $0x80, s9;
	[tilespmem:s8+$0xFFFFFFB0] =	vst v5  }
0x5ad: {  	v5 =	vld [tilespmem:s10+$0xFFFFFFA0];
	p0 =	slt.u32 s9, $0x780;
	[tilespmem:s8+$0xFFFFFFC0] =	vst v3  }
0x5ae: {  	v3 =	vld [tilespmem:s10+$0xFFFFFFB0];
	[tilespmem:s8+$0xFFFFFFD0] =	vst v2  }
0x5af: {  	v2 =	vld [tilespmem:s10+$0xFFFFFFC0];
	[tilespmem:s8+$0xFFFFFFE0] =	vst v1  }
0x5b0: {  	v1 =	vld [tilespmem:s10+$0xFFFFFFD0];
	[tilespmem:s8+$0xFFFFFFF0] =	vst v0  }
0x5b1: {  	v0 =	vld [tilespmem:s10+$0xFFFFFFE0];
	[tilespmem:s8+$0xFFFFFF90] =	vst v4;
	s8 =	smov.u32 s10  }
0x5b2: {  	v4 =	vld [tilespmem:s10+$0xFFFFFFF0]  }
0x5b3: {  	v7 =	vld [tilespmem:s10+$0xFFFFFF90]  }
0x5b4: {  	v6 =	vld.idx.msk [tilespmem:v6+s3+$0x0], $0xffff  }
0x5b5: {  	v8 =	vld.idx.msk [tilespmem:v5+s3+$0x0], $0xffff  }
0x5b6: {  	v5 =	vld.idx.msk [tilespmem:v3+s3+$0x0], $0xffff  }
.Ltmp36:
0x5b7: {  	v3 =	vld.idx.msk [tilespmem:v2+s3+$0x0], $0xffff;
	(pc) =	sbr.rel @p0 .LBB2_74-.Ltmp36, $4  }
0x5b8: {  	v2 =	vld.idx.msk [tilespmem:v1+s3+$0x0], $0xffff  }
0x5b9: {  	v1 =	vld.idx.msk [tilespmem:v0+s3+$0x0], $0xffff  }
0x5ba: {  	v0 =	vld.idx.msk [tilespmem:v4+s3+$0x0], $0xffff;
	[tilespmem:s10+$0x0] =	vst v6  }
0x5bb: {  	s10 =	sadd.s32 $0x400, s10;
	v4 =	vld.idx.msk [tilespmem:v7+s3+$0x0], $0xffff;
	[tilespmem:s8+$0xFFFFFFA0] =	vst v8  }
0x5bc: {  	[tilespmem:s8+$0xFFFFFFB0] =	vst v5  }
0x5bd: {  	[tilespmem:s8+$0xFFFFFFC0] =	vst v3  }
0x5be: {  	[tilespmem:s8+$0xFFFFFFD0] =	vst v2  }
0x5bf: {  	[tilespmem:s8+$0xFFFFFFE0] =	vst v1  }
0x5c0: {  	[tilespmem:s8+$0xFFFFFFF0] =	vst v0  }
0x5c1: {  	[tilespmem:s8+$0xFFFFFF90] =	vst v4  }
0x5c2: {  	v0 =	vld [tilespmem:s7+$0x0]  }
0x5c3: {  	v1 =	vld [tilespmem:s7+$0xFFFFFFA0]  }
0x5c4: {  	v2 =	vld [tilespmem:s7+$0xFFFFFFB0]  }
0x5c5: {  	v3 =	vld [tilespmem:s7+$0xFFFFFFC0]  }
0x5c6: {  	v4 =	vld [tilespmem:s7+$0xFFFFFFD0]  }
0x5c7: {  	v6 =	vld [tilespmem:s7+$0xFFFFFFE0]  }
0x5c8: {  	v7 =	vld [tilespmem:s7+$0xFFFFFFF0]  }
0x5c9: {  	v8 =	vld [tilespmem:s7+$0xFFFFFF90]  }
0x5ca: {  	v9 =	vld.idx.msk [tilespmem:v0+s3+$0x0], $0xffff  }
0x5cb: {  	v10 =	vld.idx.msk [tilespmem:v1+s3+$0x0], $0xffff  }
0x5cc: {  	v5 =	vld.idx.msk [tilespmem:v2+s3+$0x0], $0xffff  }
0x5cd: {  	v3 =	vld.idx.msk [tilespmem:v3+s3+$0x0], $0xffff  }
0x5ce: {  	v2 =	vld.idx.msk [tilespmem:v4+s3+$0x0], $0xffff  }
0x5cf: {  	v1 =	vld.idx.msk [tilespmem:v6+s3+$0x0], $0xffff  }
0x5d0: {  	v0 =	vld.idx.msk [tilespmem:v7+s3+$0x0], $0xffff;
	[tilespmem:s7+$0x0] =	vst v9  }
0x5d1: {  	s9 =	simm.s32 $0x0;
	s10 =	simm.s32 $0x10770;
	s8 =	simm.s32 $0x103F0;
	v4 =	vld.idx.msk [tilespmem:v8+s3+$0x0], $0xffff;
	[tilespmem:s7+$0xFFFFFFA0] =	vst v10  }
.LBB2_76:
0x5d2: {  	v6 =	vld [tilespmem:s10+$0x0];
	s9 =	sadd.s32 $0x80, s9;
	[tilespmem:s7+$0xFFFFFFB0] =	vst v5  }
0x5d3: {  	v5 =	vld [tilespmem:s10+$0xFFFFFFA0];
	p0 =	slt.u32 s9, $0x780;
	[tilespmem:s7+$0xFFFFFFC0] =	vst v3  }
0x5d4: {  	v3 =	vld [tilespmem:s10+$0xFFFFFFB0];
	[tilespmem:s7+$0xFFFFFFD0] =	vst v2  }
0x5d5: {  	v2 =	vld [tilespmem:s10+$0xFFFFFFC0];
	[tilespmem:s7+$0xFFFFFFE0] =	vst v1  }
0x5d6: {  	v1 =	vld [tilespmem:s10+$0xFFFFFFD0];
	[tilespmem:s7+$0xFFFFFFF0] =	vst v0  }
0x5d7: {  	v0 =	vld [tilespmem:s10+$0xFFFFFFE0];
	[tilespmem:s7+$0xFFFFFF90] =	vst v4;
	s7 =	smov.u32 s10  }
0x5d8: {  	v4 =	vld [tilespmem:s10+$0xFFFFFFF0]  }
0x5d9: {  	v7 =	vld [tilespmem:s10+$0xFFFFFF90]  }
0x5da: {  	v6 =	vld.idx.msk [tilespmem:v6+s3+$0x0], $0xffff  }
0x5db: {  	v8 =	vld.idx.msk [tilespmem:v5+s3+$0x0], $0xffff  }
0x5dc: {  	v5 =	vld.idx.msk [tilespmem:v3+s3+$0x0], $0xffff  }
.Ltmp37:
0x5dd: {  	v3 =	vld.idx.msk [tilespmem:v2+s3+$0x0], $0xffff;
	(pc) =	sbr.rel @p0 .LBB2_76-.Ltmp37, $4  }
0x5de: {  	v2 =	vld.idx.msk [tilespmem:v1+s3+$0x0], $0xffff  }
0x5df: {  	v1 =	vld.idx.msk [tilespmem:v0+s3+$0x0], $0xffff  }
0x5e0: {  	v0 =	vld.idx.msk [tilespmem:v4+s3+$0x0], $0xffff;
	[tilespmem:s10+$0x0] =	vst v6  }
0x5e1: {  	s10 =	sadd.s32 $0x400, s10;
	v4 =	vld.idx.msk [tilespmem:v7+s3+$0x0], $0xffff;
	[tilespmem:s7+$0xFFFFFFA0] =	vst v8  }
0x5e2: {  	[tilespmem:s7+$0xFFFFFFB0] =	vst v5  }
0x5e3: {  	[tilespmem:s7+$0xFFFFFFC0] =	vst v3  }
0x5e4: {  	[tilespmem:s7+$0xFFFFFFD0] =	vst v2  }
0x5e5: {  	[tilespmem:s7+$0xFFFFFFE0] =	vst v1  }
0x5e6: {  	[tilespmem:s7+$0xFFFFFFF0] =	vst v0  }
0x5e7: {  	[tilespmem:s7+$0xFFFFFF90] =	vst v4  }
0x5e8: {  	v0 =	vld [tilespmem:s8+$0x0]  }
0x5e9: {  	v1 =	vld [tilespmem:s8+$0xFFFFFFA0]  }
0x5ea: {  	v2 =	vld [tilespmem:s8+$0xFFFFFFB0]  }
0x5eb: {  	v3 =	vld [tilespmem:s8+$0xFFFFFFC0]  }
0x5ec: {  	v4 =	vld [tilespmem:s8+$0xFFFFFFD0]  }
0x5ed: {  	v6 =	vld [tilespmem:s8+$0xFFFFFFE0]  }
0x5ee: {  	v7 =	vld [tilespmem:s8+$0xFFFFFFF0]  }
0x5ef: {  	v8 =	vld [tilespmem:s8+$0xFFFFFF90]  }
0x5f0: {  	v9 =	vld.idx.msk [tilespmem:v0+s3+$0x0], $0xffff  }
0x5f1: {  	v10 =	vld.idx.msk [tilespmem:v1+s3+$0x0], $0xffff  }
0x5f2: {  	v5 =	vld.idx.msk [tilespmem:v2+s3+$0x0], $0xffff  }
0x5f3: {  	v3 =	vld.idx.msk [tilespmem:v3+s3+$0x0], $0xffff  }
0x5f4: {  	v2 =	vld.idx.msk [tilespmem:v4+s3+$0x0], $0xffff  }
0x5f5: {  	v1 =	vld.idx.msk [tilespmem:v6+s3+$0x0], $0xffff  }
0x5f6: {  	v0 =	vld.idx.msk [tilespmem:v7+s3+$0x0], $0xffff;
	[tilespmem:s8+$0x0] =	vst v9  }
0x5f7: {  	s9 =	simm.s32 $0x0;
	s10 =	simm.s32 $0x107F0;
	s7 =	simm.s32 $0x10470;
	v4 =	vld.idx.msk [tilespmem:v8+s3+$0x0], $0xffff;
	[tilespmem:s8+$0xFFFFFFA0] =	vst v10  }
.LBB2_78:
0x5f8: {  	v6 =	vld [tilespmem:s10+$0x0];
	s9 =	sadd.s32 $0x80, s9;
	[tilespmem:s8+$0xFFFFFFB0] =	vst v5  }
0x5f9: {  	v5 =	vld [tilespmem:s10+$0xFFFFFFA0];
	p0 =	slt.u32 s9, $0x780;
	[tilespmem:s8+$0xFFFFFFC0] =	vst v3  }
0x5fa: {  	v3 =	vld [tilespmem:s10+$0xFFFFFFB0];
	[tilespmem:s8+$0xFFFFFFD0] =	vst v2  }
0x5fb: {  	v2 =	vld [tilespmem:s10+$0xFFFFFFC0];
	[tilespmem:s8+$0xFFFFFFE0] =	vst v1  }
0x5fc: {  	v1 =	vld [tilespmem:s10+$0xFFFFFFD0];
	[tilespmem:s8+$0xFFFFFFF0] =	vst v0  }
0x5fd: {  	v0 =	vld [tilespmem:s10+$0xFFFFFFE0];
	[tilespmem:s8+$0xFFFFFF90] =	vst v4;
	s8 =	smov.u32 s10  }
0x5fe: {  	v4 =	vld [tilespmem:s10+$0xFFFFFFF0]  }
0x5ff: {  	v7 =	vld [tilespmem:s10+$0xFFFFFF90]  }
0x600: {  	v6 =	vld.idx.msk [tilespmem:v6+s3+$0x0], $0xffff  }
0x601: {  	v8 =	vld.idx.msk [tilespmem:v5+s3+$0x0], $0xffff  }
0x602: {  	v5 =	vld.idx.msk [tilespmem:v3+s3+$0x0], $0xffff  }
.Ltmp38:
0x603: {  	v3 =	vld.idx.msk [tilespmem:v2+s3+$0x0], $0xffff;
	(pc) =	sbr.rel @p0 .LBB2_78-.Ltmp38, $4  }
0x604: {  	v2 =	vld.idx.msk [tilespmem:v1+s3+$0x0], $0xffff  }
0x605: {  	v1 =	vld.idx.msk [tilespmem:v0+s3+$0x0], $0xffff  }
0x606: {  	v0 =	vld.idx.msk [tilespmem:v4+s3+$0x0], $0xffff;
	[tilespmem:s10+$0x0] =	vst v6  }
0x607: {  	s10 =	sadd.s32 $0x400, s10;
	v4 =	vld.idx.msk [tilespmem:v7+s3+$0x0], $0xffff;
	[tilespmem:s8+$0xFFFFFFA0] =	vst v8  }
0x608: {  	[tilespmem:s8+$0xFFFFFFB0] =	vst v5  }
0x609: {  	[tilespmem:s8+$0xFFFFFFC0] =	vst v3  }
0x60a: {  	[tilespmem:s8+$0xFFFFFFD0] =	vst v2  }
0x60b: {  	[tilespmem:s8+$0xFFFFFFE0] =	vst v1  }
0x60c: {  	[tilespmem:s8+$0xFFFFFFF0] =	vst v0  }
0x60d: {  	[tilespmem:s8+$0xFFFFFF90] =	vst v4  }
0x60e: {  	v0 =	vld [tilespmem:s7+$0x0]  }
0x60f: {  	v1 =	vld [tilespmem:s7+$0xFFFFFFA0]  }
0x610: {  	v2 =	vld [tilespmem:s7+$0xFFFFFFB0]  }
0x611: {  	v3 =	vld [tilespmem:s7+$0xFFFFFFC0]  }
0x612: {  	v6 =	vld [tilespmem:s7+$0xFFFFFFD0]  }
0x613: {  	v7 =	vld [tilespmem:s7+$0xFFFFFFE0]  }
0x614: {  	v8 =	vld [tilespmem:s7+$0xFFFFFFF0]  }
0x615: {  	v9 =	vld [tilespmem:s7+$0xFFFFFF90]  }
0x616: {  	v10 =	vld.idx.msk [tilespmem:v0+s3+$0x0], $0xffff  }
0x617: {  	v11 =	vld.idx.msk [tilespmem:v1+s3+$0x0], $0xffff  }
0x618: {  	v5 =	vld.idx.msk [tilespmem:v2+s3+$0x0], $0xffff  }
0x619: {  	v4 =	vld.idx.msk [tilespmem:v3+s3+$0x0], $0xffff  }
0x61a: {  	v2 =	vld.idx.msk [tilespmem:v6+s3+$0x0], $0xffff  }
0x61b: {  	v1 =	vld.idx.msk [tilespmem:v7+s3+$0x0], $0xffff  }
0x61c: {  	v0 =	vld.idx.msk [tilespmem:v8+s3+$0x0], $0xffff;
	[tilespmem:s7+$0x0] =	vst v10  }
0x61d: {  	s9 =	simm.s32 $0x10870;
	s8 =	simm.s32 $0x0;
	v3 =	vld.idx.msk [tilespmem:v9+s3+$0x0], $0xffff;
	[tilespmem:s7+$0xFFFFFFA0] =	vst v11  }
.LBB2_80:
0x61e: {  	v6 =	vld [tilespmem:s9+$0x0];
	s8 =	sadd.s32 $0x80, s8;
	[tilespmem:s7+$0xFFFFFFB0] =	vst v5  }
0x61f: {  	v5 =	vld [tilespmem:s9+$0xFFFFFFA0];
	p0 =	slt.u32 s8, $0x780;
	[tilespmem:s7+$0xFFFFFFC0] =	vst v4  }
0x620: {  	v4 =	vld [tilespmem:s9+$0xFFFFFFB0];
	[tilespmem:s7+$0xFFFFFFD0] =	vst v2  }
0x621: {  	v2 =	vld [tilespmem:s9+$0xFFFFFFC0];
	[tilespmem:s7+$0xFFFFFFE0] =	vst v1  }
0x622: {  	v1 =	vld [tilespmem:s9+$0xFFFFFFD0];
	[tilespmem:s7+$0xFFFFFFF0] =	vst v0  }
0x623: {  	v0 =	vld [tilespmem:s9+$0xFFFFFFE0];
	[tilespmem:s7+$0xFFFFFF90] =	vst v3;
	s7 =	smov.u32 s9  }
0x624: {  	v3 =	vld [tilespmem:s9+$0xFFFFFFF0]  }
0x625: {  	v7 =	vld [tilespmem:s9+$0xFFFFFF90]  }
0x626: {  	v6 =	vld.idx.msk [tilespmem:v6+s3+$0x0], $0xffff  }
0x627: {  	v8 =	vld.idx.msk [tilespmem:v5+s3+$0x0], $0xffff  }
0x628: {  	v5 =	vld.idx.msk [tilespmem:v4+s3+$0x0], $0xffff  }
.Ltmp39:
0x629: {  	v4 =	vld.idx.msk [tilespmem:v2+s3+$0x0], $0xffff;
	(pc) =	sbr.rel @p0 .LBB2_80-.Ltmp39, $4  }
0x62a: {  	v2 =	vld.idx.msk [tilespmem:v1+s3+$0x0], $0xffff  }
0x62b: {  	v1 =	vld.idx.msk [tilespmem:v0+s3+$0x0], $0xffff  }
0x62c: {  	v0 =	vld.idx.msk [tilespmem:v3+s3+$0x0], $0xffff;
	[tilespmem:s9+$0x0] =	vst v6  }
0x62d: {  	s9 =	sadd.s32 $0x400, s9;
	v3 =	vld.idx.msk [tilespmem:v7+s3+$0x0], $0xffff;
	[tilespmem:s7+$0xFFFFFFA0] =	vst v8  }
0x62e: {  	[tilespmem:s7+$0xFFFFFFB0] =	vst v5  }
0x62f: {  	[tilespmem:s7+$0xFFFFFFC0] =	vst v4  }
0x630: {  	[tilespmem:s7+$0xFFFFFFD0] =	vst v2  }
0x631: {  	[tilespmem:s7+$0xFFFFFFE0] =	vst v1  }
0x632: {  	[tilespmem:s7+$0xFFFFFFF0] =	vst v0  }
0x633: {  	s10 =	simm.s32 $0x10080;
	[tilespmem:s7+$0xFFFFFF90] =	vst v3  }
0x634: {  	[hbm4b:s16+s3] =	stream.linear.scatter [tilespmem:s10], [sflag:$0xB], $0x4000, $0x38;
	[tilespmem:$0x18080] =	vst v63  }
0x635: {  	_ =	swait.ge [sflag:s24], $0x4000  }
0x636: {  	[sflag:s24] =	ssyncset.done $0x0  }
0x637: {  	s8 =	simm.s32 $0x140F0;
	[sflag:s24] =	ssyncadd.s32 $0xFFFFC000  }
0x638: {  	v0 =	vld [tilespmem:s8+$0x0]  }
0x639: {  	v1 =	vld [tilespmem:s8+$0xFFFFFFA0]  }
0x63a: {  	v2 =	vld [tilespmem:s8+$0xFFFFFFB0]  }
0x63b: {  	v3 =	vld [tilespmem:s8+$0xFFFFFFC0]  }
0x63c: {  	v4 =	vld [tilespmem:s8+$0xFFFFFFD0]  }
0x63d: {  	v6 =	vld [tilespmem:s8+$0xFFFFFFE0]  }
0x63e: {  	v7 =	vld [tilespmem:s8+$0xFFFFFFF0]  }
0x63f: {  	v8 =	vld [tilespmem:s8+$0xFFFFFF90]  }
0x640: {  	v9 =	vld.idx.msk [tilespmem:v0+s3+$0x0], $0xffff  }
0x641: {  	v10 =	vld.idx.msk [tilespmem:v1+s3+$0x0], $0xffff  }
0x642: {  	v5 =	vld.idx.msk [tilespmem:v2+s3+$0x0], $0xffff  }
0x643: {  	v3 =	vld.idx.msk [tilespmem:v3+s3+$0x0], $0xffff  }
0x644: {  	v2 =	vld.idx.msk [tilespmem:v4+s3+$0x0], $0xffff  }
0x645: {  	v1 =	vld.idx.msk [tilespmem:v6+s3+$0x0], $0xffff  }
0x646: {  	v0 =	vld.idx.msk [tilespmem:v7+s3+$0x0], $0xffff;
	[tilespmem:s8+$0x0] =	vst v9  }
0x647: {  	s9 =	simm.s32 $0x0;
	s7 =	simm.s32 $0x14170;
	s10 =	simm.s32 $0x144F0;
	v4 =	vld.idx.msk [tilespmem:v8+s3+$0x0], $0xffff;
	[tilespmem:s8+$0xFFFFFFA0] =	vst v10  }
.LBB2_82:
0x648: {  	v6 =	vld [tilespmem:s10+$0x0];
	s9 =	sadd.s32 $0x80, s9;
	[tilespmem:s8+$0xFFFFFFB0] =	vst v5  }
0x649: {  	v5 =	vld [tilespmem:s10+$0xFFFFFFA0];
	p0 =	slt.u32 s9, $0x780;
	[tilespmem:s8+$0xFFFFFFC0] =	vst v3  }
0x64a: {  	v3 =	vld [tilespmem:s10+$0xFFFFFFB0];
	[tilespmem:s8+$0xFFFFFFD0] =	vst v2  }
0x64b: {  	v2 =	vld [tilespmem:s10+$0xFFFFFFC0];
	[tilespmem:s8+$0xFFFFFFE0] =	vst v1  }
0x64c: {  	v1 =	vld [tilespmem:s10+$0xFFFFFFD0];
	[tilespmem:s8+$0xFFFFFFF0] =	vst v0  }
0x64d: {  	v0 =	vld [tilespmem:s10+$0xFFFFFFE0];
	[tilespmem:s8+$0xFFFFFF90] =	vst v4;
	s8 =	smov.u32 s10  }
0x64e: {  	v4 =	vld [tilespmem:s10+$0xFFFFFFF0]  }
0x64f: {  	v7 =	vld [tilespmem:s10+$0xFFFFFF90]  }
0x650: {  	v6 =	vld.idx.msk [tilespmem:v6+s3+$0x0], $0xffff  }
0x651: {  	v8 =	vld.idx.msk [tilespmem:v5+s3+$0x0], $0xffff  }
0x652: {  	v5 =	vld.idx.msk [tilespmem:v3+s3+$0x0], $0xffff  }
.Ltmp40:
0x653: {  	v3 =	vld.idx.msk [tilespmem:v2+s3+$0x0], $0xffff;
	(pc) =	sbr.rel @p0 .LBB2_82-.Ltmp40, $4  }
0x654: {  	v2 =	vld.idx.msk [tilespmem:v1+s3+$0x0], $0xffff  }
0x655: {  	v1 =	vld.idx.msk [tilespmem:v0+s3+$0x0], $0xffff  }
0x656: {  	v0 =	vld.idx.msk [tilespmem:v4+s3+$0x0], $0xffff;
	[tilespmem:s10+$0x0] =	vst v6  }
0x657: {  	s10 =	sadd.s32 $0x400, s10;
	v4 =	vld.idx.msk [tilespmem:v7+s3+$0x0], $0xffff;
	[tilespmem:s8+$0xFFFFFFA0] =	vst v8  }
0x658: {  	[tilespmem:s8+$0xFFFFFFB0] =	vst v5  }
0x659: {  	[tilespmem:s8+$0xFFFFFFC0] =	vst v3  }
0x65a: {  	[tilespmem:s8+$0xFFFFFFD0] =	vst v2  }
0x65b: {  	[tilespmem:s8+$0xFFFFFFE0] =	vst v1  }
0x65c: {  	[tilespmem:s8+$0xFFFFFFF0] =	vst v0  }
0x65d: {  	[tilespmem:s8+$0xFFFFFF90] =	vst v4  }
0x65e: {  	v0 =	vld [tilespmem:s7+$0x0]  }
0x65f: {  	v1 =	vld [tilespmem:s7+$0xFFFFFFA0]  }
0x660: {  	v2 =	vld [tilespmem:s7+$0xFFFFFFB0]  }
0x661: {  	v3 =	vld [tilespmem:s7+$0xFFFFFFC0]  }
0x662: {  	v4 =	vld [tilespmem:s7+$0xFFFFFFD0]  }
0x663: {  	v6 =	vld [tilespmem:s7+$0xFFFFFFE0]  }
0x664: {  	v7 =	vld [tilespmem:s7+$0xFFFFFFF0]  }
0x665: {  	v8 =	vld [tilespmem:s7+$0xFFFFFF90]  }
0x666: {  	v9 =	vld.idx.msk [tilespmem:v0+s3+$0x0], $0xffff  }
0x667: {  	v10 =	vld.idx.msk [tilespmem:v1+s3+$0x0], $0xffff  }
0x668: {  	v5 =	vld.idx.msk [tilespmem:v2+s3+$0x0], $0xffff  }
0x669: {  	v3 =	vld.idx.msk [tilespmem:v3+s3+$0x0], $0xffff  }
0x66a: {  	v2 =	vld.idx.msk [tilespmem:v4+s3+$0x0], $0xffff  }
0x66b: {  	v1 =	vld.idx.msk [tilespmem:v6+s3+$0x0], $0xffff  }
0x66c: {  	v0 =	vld.idx.msk [tilespmem:v7+s3+$0x0], $0xffff;
	[tilespmem:s7+$0x0] =	vst v9  }
0x66d: {  	s9 =	simm.s32 $0x0;
	s10 =	simm.s32 $0x14570;
	s8 =	simm.s32 $0x141F0;
	v4 =	vld.idx.msk [tilespmem:v8+s3+$0x0], $0xffff;
	[tilespmem:s7+$0xFFFFFFA0] =	vst v10  }
.LBB2_84:
0x66e: {  	v6 =	vld [tilespmem:s10+$0x0];
	s9 =	sadd.s32 $0x80, s9;
	[tilespmem:s7+$0xFFFFFFB0] =	vst v5  }
0x66f: {  	v5 =	vld [tilespmem:s10+$0xFFFFFFA0];
	p0 =	slt.u32 s9, $0x780;
	[tilespmem:s7+$0xFFFFFFC0] =	vst v3  }
0x670: {  	v3 =	vld [tilespmem:s10+$0xFFFFFFB0];
	[tilespmem:s7+$0xFFFFFFD0] =	vst v2  }
0x671: {  	v2 =	vld [tilespmem:s10+$0xFFFFFFC0];
	[tilespmem:s7+$0xFFFFFFE0] =	vst v1  }
0x672: {  	v1 =	vld [tilespmem:s10+$0xFFFFFFD0];
	[tilespmem:s7+$0xFFFFFFF0] =	vst v0  }
0x673: {  	v0 =	vld [tilespmem:s10+$0xFFFFFFE0];
	[tilespmem:s7+$0xFFFFFF90] =	vst v4;
	s7 =	smov.u32 s10  }
0x674: {  	v4 =	vld [tilespmem:s10+$0xFFFFFFF0]  }
0x675: {  	v7 =	vld [tilespmem:s10+$0xFFFFFF90]  }
0x676: {  	v6 =	vld.idx.msk [tilespmem:v6+s3+$0x0], $0xffff  }
0x677: {  	v8 =	vld.idx.msk [tilespmem:v5+s3+$0x0], $0xffff  }
0x678: {  	v5 =	vld.idx.msk [tilespmem:v3+s3+$0x0], $0xffff  }
.Ltmp41:
0x679: {  	v3 =	vld.idx.msk [tilespmem:v2+s3+$0x0], $0xffff;
	(pc) =	sbr.rel @p0 .LBB2_84-.Ltmp41, $4  }
0x67a: {  	v2 =	vld.idx.msk [tilespmem:v1+s3+$0x0], $0xffff  }
0x67b: {  	v1 =	vld.idx.msk [tilespmem:v0+s3+$0x0], $0xffff  }
0x67c: {  	v0 =	vld.idx.msk [tilespmem:v4+s3+$0x0], $0xffff;
	[tilespmem:s10+$0x0] =	vst v6  }
0x67d: {  	s10 =	sadd.s32 $0x400, s10;
	v4 =	vld.idx.msk [tilespmem:v7+s3+$0x0], $0xffff;
	[tilespmem:s7+$0xFFFFFFA0] =	vst v8  }
0x67e: {  	[tilespmem:s7+$0xFFFFFFB0] =	vst v5  }
0x67f: {  	[tilespmem:s7+$0xFFFFFFC0] =	vst v3  }
0x680: {  	[tilespmem:s7+$0xFFFFFFD0] =	vst v2  }
0x681: {  	[tilespmem:s7+$0xFFFFFFE0] =	vst v1  }
0x682: {  	[tilespmem:s7+$0xFFFFFFF0] =	vst v0  }
0x683: {  	[tilespmem:s7+$0xFFFFFF90] =	vst v4  }
0x684: {  	v0 =	vld [tilespmem:s8+$0x0]  }
0x685: {  	v1 =	vld [tilespmem:s8+$0xFFFFFFA0]  }
0x686: {  	v2 =	vld [tilespmem:s8+$0xFFFFFFB0]  }
0x687: {  	v3 =	vld [tilespmem:s8+$0xFFFFFFC0]  }
0x688: {  	v4 =	vld [tilespmem:s8+$0xFFFFFFD0]  }
0x689: {  	v6 =	vld [tilespmem:s8+$0xFFFFFFE0]  }
0x68a: {  	v7 =	vld [tilespmem:s8+$0xFFFFFFF0]  }
0x68b: {  	v8 =	vld [tilespmem:s8+$0xFFFFFF90]  }
0x68c: {  	v9 =	vld.idx.msk [tilespmem:v0+s3+$0x0], $0xffff  }
0x68d: {  	v10 =	vld.idx.msk [tilespmem:v1+s3+$0x0], $0xffff  }
0x68e: {  	v5 =	vld.idx.msk [tilespmem:v2+s3+$0x0], $0xffff  }
0x68f: {  	v3 =	vld.idx.msk [tilespmem:v3+s3+$0x0], $0xffff  }
0x690: {  	v2 =	vld.idx.msk [tilespmem:v4+s3+$0x0], $0xffff  }
0x691: {  	v1 =	vld.idx.msk [tilespmem:v6+s3+$0x0], $0xffff  }
0x692: {  	v0 =	vld.idx.msk [tilespmem:v7+s3+$0x0], $0xffff;
	[tilespmem:s8+$0x0] =	vst v9  }
0x693: {  	s9 =	simm.s32 $0x0;
	s10 =	simm.s32 $0x145F0;
	s7 =	simm.s32 $0x14270;
	v4 =	vld.idx.msk [tilespmem:v8+s3+$0x0], $0xffff;
	[tilespmem:s8+$0xFFFFFFA0] =	vst v10  }
.LBB2_86:
0x694: {  	v6 =	vld [tilespmem:s10+$0x0];
	s9 =	sadd.s32 $0x80, s9;
	[tilespmem:s8+$0xFFFFFFB0] =	vst v5  }
0x695: {  	v5 =	vld [tilespmem:s10+$0xFFFFFFA0];
	p0 =	slt.u32 s9, $0x780;
	[tilespmem:s8+$0xFFFFFFC0] =	vst v3  }
0x696: {  	v3 =	vld [tilespmem:s10+$0xFFFFFFB0];
	[tilespmem:s8+$0xFFFFFFD0] =	vst v2  }
0x697: {  	v2 =	vld [tilespmem:s10+$0xFFFFFFC0];
	[tilespmem:s8+$0xFFFFFFE0] =	vst v1  }
0x698: {  	v1 =	vld [tilespmem:s10+$0xFFFFFFD0];
	[tilespmem:s8+$0xFFFFFFF0] =	vst v0  }
0x699: {  	v0 =	vld [tilespmem:s10+$0xFFFFFFE0];
	[tilespmem:s8+$0xFFFFFF90] =	vst v4;
	s8 =	smov.u32 s10  }
0x69a: {  	v4 =	vld [tilespmem:s10+$0xFFFFFFF0]  }
0x69b: {  	v7 =	vld [tilespmem:s10+$0xFFFFFF90]  }
0x69c: {  	v6 =	vld.idx.msk [tilespmem:v6+s3+$0x0], $0xffff  }
0x69d: {  	v8 =	vld.idx.msk [tilespmem:v5+s3+$0x0], $0xffff  }
0x69e: {  	v5 =	vld.idx.msk [tilespmem:v3+s3+$0x0], $0xffff  }
.Ltmp42:
0x69f: {  	v3 =	vld.idx.msk [tilespmem:v2+s3+$0x0], $0xffff;
	(pc) =	sbr.rel @p0 .LBB2_86-.Ltmp42, $4  }
0x6a0: {  	v2 =	vld.idx.msk [tilespmem:v1+s3+$0x0], $0xffff  }
0x6a1: {  	v1 =	vld.idx.msk [tilespmem:v0+s3+$0x0], $0xffff  }
0x6a2: {  	v0 =	vld.idx.msk [tilespmem:v4+s3+$0x0], $0xffff;
	[tilespmem:s10+$0x0] =	vst v6  }
0x6a3: {  	s10 =	sadd.s32 $0x400, s10;
	v4 =	vld.idx.msk [tilespmem:v7+s3+$0x0], $0xffff;
	[tilespmem:s8+$0xFFFFFFA0] =	vst v8  }
0x6a4: {  	[tilespmem:s8+$0xFFFFFFB0] =	vst v5  }
0x6a5: {  	[tilespmem:s8+$0xFFFFFFC0] =	vst v3  }
0x6a6: {  	[tilespmem:s8+$0xFFFFFFD0] =	vst v2  }
0x6a7: {  	[tilespmem:s8+$0xFFFFFFE0] =	vst v1  }
0x6a8: {  	[tilespmem:s8+$0xFFFFFFF0] =	vst v0  }
0x6a9: {  	[tilespmem:s8+$0xFFFFFF90] =	vst v4  }
0x6aa: {  	v0 =	vld [tilespmem:s7+$0x0]  }
0x6ab: {  	v1 =	vld [tilespmem:s7+$0xFFFFFFA0]  }
0x6ac: {  	v2 =	vld [tilespmem:s7+$0xFFFFFFB0]  }
0x6ad: {  	v3 =	vld [tilespmem:s7+$0xFFFFFFC0]  }
0x6ae: {  	v4 =	vld [tilespmem:s7+$0xFFFFFFD0]  }
0x6af: {  	v6 =	vld [tilespmem:s7+$0xFFFFFFE0]  }
0x6b0: {  	v7 =	vld [tilespmem:s7+$0xFFFFFFF0]  }
0x6b1: {  	v8 =	vld [tilespmem:s7+$0xFFFFFF90]  }
0x6b2: {  	v9 =	vld.idx.msk [tilespmem:v0+s3+$0x0], $0xffff  }
0x6b3: {  	v10 =	vld.idx.msk [tilespmem:v1+s3+$0x0], $0xffff  }
0x6b4: {  	v5 =	vld.idx.msk [tilespmem:v2+s3+$0x0], $0xffff  }
0x6b5: {  	v3 =	vld.idx.msk [tilespmem:v3+s3+$0x0], $0xffff  }
0x6b6: {  	v2 =	vld.idx.msk [tilespmem:v4+s3+$0x0], $0xffff  }
0x6b7: {  	v1 =	vld.idx.msk [tilespmem:v6+s3+$0x0], $0xffff  }
0x6b8: {  	v0 =	vld.idx.msk [tilespmem:v7+s3+$0x0], $0xffff;
	[tilespmem:s7+$0x0] =	vst v9  }
0x6b9: {  	s9 =	simm.s32 $0x0;
	s10 =	simm.s32 $0x14670;
	s8 =	simm.s32 $0x142F0;
	v4 =	vld.idx.msk [tilespmem:v8+s3+$0x0], $0xffff;
	[tilespmem:s7+$0xFFFFFFA0] =	vst v10  }
.LBB2_88:
0x6ba: {  	v6 =	vld [tilespmem:s10+$0x0];
	s9 =	sadd.s32 $0x80, s9;
	[tilespmem:s7+$0xFFFFFFB0] =	vst v5  }
0x6bb: {  	v5 =	vld [tilespmem:s10+$0xFFFFFFA0];
	p0 =	slt.u32 s9, $0x780;
	[tilespmem:s7+$0xFFFFFFC0] =	vst v3  }
0x6bc: {  	v3 =	vld [tilespmem:s10+$0xFFFFFFB0];
	[tilespmem:s7+$0xFFFFFFD0] =	vst v2  }
0x6bd: {  	v2 =	vld [tilespmem:s10+$0xFFFFFFC0];
	[tilespmem:s7+$0xFFFFFFE0] =	vst v1  }
0x6be: {  	v1 =	vld [tilespmem:s10+$0xFFFFFFD0];
	[tilespmem:s7+$0xFFFFFFF0] =	vst v0  }
0x6bf: {  	v0 =	vld [tilespmem:s10+$0xFFFFFFE0];
	[tilespmem:s7+$0xFFFFFF90] =	vst v4;
	s7 =	smov.u32 s10  }
0x6c0: {  	v4 =	vld [tilespmem:s10+$0xFFFFFFF0]  }
0x6c1: {  	v7 =	vld [tilespmem:s10+$0xFFFFFF90]  }
0x6c2: {  	v6 =	vld.idx.msk [tilespmem:v6+s3+$0x0], $0xffff  }
0x6c3: {  	v8 =	vld.idx.msk [tilespmem:v5+s3+$0x0], $0xffff  }
0x6c4: {  	v5 =	vld.idx.msk [tilespmem:v3+s3+$0x0], $0xffff  }
.Ltmp43:
0x6c5: {  	v3 =	vld.idx.msk [tilespmem:v2+s3+$0x0], $0xffff;
	(pc) =	sbr.rel @p0 .LBB2_88-.Ltmp43, $4  }
0x6c6: {  	v2 =	vld.idx.msk [tilespmem:v1+s3+$0x0], $0xffff  }
0x6c7: {  	v1 =	vld.idx.msk [tilespmem:v0+s3+$0x0], $0xffff  }
0x6c8: {  	v0 =	vld.idx.msk [tilespmem:v4+s3+$0x0], $0xffff;
	[tilespmem:s10+$0x0] =	vst v6  }
0x6c9: {  	s10 =	sadd.s32 $0x400, s10;
	v4 =	vld.idx.msk [tilespmem:v7+s3+$0x0], $0xffff;
	[tilespmem:s7+$0xFFFFFFA0] =	vst v8  }
0x6ca: {  	[tilespmem:s7+$0xFFFFFFB0] =	vst v5  }
0x6cb: {  	[tilespmem:s7+$0xFFFFFFC0] =	vst v3  }
0x6cc: {  	[tilespmem:s7+$0xFFFFFFD0] =	vst v2  }
0x6cd: {  	[tilespmem:s7+$0xFFFFFFE0] =	vst v1  }
0x6ce: {  	[tilespmem:s7+$0xFFFFFFF0] =	vst v0  }
0x6cf: {  	[tilespmem:s7+$0xFFFFFF90] =	vst v4  }
0x6d0: {  	v0 =	vld [tilespmem:s8+$0x0]  }
0x6d1: {  	v1 =	vld [tilespmem:s8+$0xFFFFFFA0]  }
0x6d2: {  	v2 =	vld [tilespmem:s8+$0xFFFFFFB0]  }
0x6d3: {  	v3 =	vld [tilespmem:s8+$0xFFFFFFC0]  }
0x6d4: {  	v4 =	vld [tilespmem:s8+$0xFFFFFFD0]  }
0x6d5: {  	v6 =	vld [tilespmem:s8+$0xFFFFFFE0]  }
0x6d6: {  	v7 =	vld [tilespmem:s8+$0xFFFFFFF0]  }
0x6d7: {  	v8 =	vld [tilespmem:s8+$0xFFFFFF90]  }
0x6d8: {  	v9 =	vld.idx.msk [tilespmem:v0+s3+$0x0], $0xffff  }
0x6d9: {  	v10 =	vld.idx.msk [tilespmem:v1+s3+$0x0], $0xffff  }
0x6da: {  	v5 =	vld.idx.msk [tilespmem:v2+s3+$0x0], $0xffff  }
0x6db: {  	v3 =	vld.idx.msk [tilespmem:v3+s3+$0x0], $0xffff  }
0x6dc: {  	v2 =	vld.idx.msk [tilespmem:v4+s3+$0x0], $0xffff  }
0x6dd: {  	v1 =	vld.idx.msk [tilespmem:v6+s3+$0x0], $0xffff  }
0x6de: {  	v0 =	vld.idx.msk [tilespmem:v7+s3+$0x0], $0xffff;
	[tilespmem:s8+$0x0] =	vst v9  }
0x6df: {  	s9 =	simm.s32 $0x0;
	s10 =	simm.s32 $0x146F0;
	s7 =	simm.s32 $0x14370;
	v4 =	vld.idx.msk [tilespmem:v8+s3+$0x0], $0xffff;
	[tilespmem:s8+$0xFFFFFFA0] =	vst v10  }
.LBB2_90:
0x6e0: {  	v6 =	vld [tilespmem:s10+$0x0];
	s9 =	sadd.s32 $0x80, s9;
	[tilespmem:s8+$0xFFFFFFB0] =	vst v5  }
0x6e1: {  	v5 =	vld [tilespmem:s10+$0xFFFFFFA0];
	p0 =	slt.u32 s9, $0x780;
	[tilespmem:s8+$0xFFFFFFC0] =	vst v3  }
0x6e2: {  	v3 =	vld [tilespmem:s10+$0xFFFFFFB0];
	[tilespmem:s8+$0xFFFFFFD0] =	vst v2  }
0x6e3: {  	v2 =	vld [tilespmem:s10+$0xFFFFFFC0];
	[tilespmem:s8+$0xFFFFFFE0] =	vst v1  }
0x6e4: {  	v1 =	vld [tilespmem:s10+$0xFFFFFFD0];
	[tilespmem:s8+$0xFFFFFFF0] =	vst v0  }
0x6e5: {  	v0 =	vld [tilespmem:s10+$0xFFFFFFE0];
	[tilespmem:s8+$0xFFFFFF90] =	vst v4;
	s8 =	smov.u32 s10  }
0x6e6: {  	v4 =	vld [tilespmem:s10+$0xFFFFFFF0]  }
0x6e7: {  	v7 =	vld [tilespmem:s10+$0xFFFFFF90]  }
0x6e8: {  	v6 =	vld.idx.msk [tilespmem:v6+s3+$0x0], $0xffff  }
0x6e9: {  	v8 =	vld.idx.msk [tilespmem:v5+s3+$0x0], $0xffff  }
0x6ea: {  	v5 =	vld.idx.msk [tilespmem:v3+s3+$0x0], $0xffff  }
.Ltmp44:
0x6eb: {  	v3 =	vld.idx.msk [tilespmem:v2+s3+$0x0], $0xffff;
	(pc) =	sbr.rel @p0 .LBB2_90-.Ltmp44, $4  }
0x6ec: {  	v2 =	vld.idx.msk [tilespmem:v1+s3+$0x0], $0xffff  }
0x6ed: {  	v1 =	vld.idx.msk [tilespmem:v0+s3+$0x0], $0xffff  }
0x6ee: {  	v0 =	vld.idx.msk [tilespmem:v4+s3+$0x0], $0xffff;
	[tilespmem:s10+$0x0] =	vst v6  }
0x6ef: {  	s10 =	sadd.s32 $0x400, s10;
	v4 =	vld.idx.msk [tilespmem:v7+s3+$0x0], $0xffff;
	[tilespmem:s8+$0xFFFFFFA0] =	vst v8  }
0x6f0: {  	[tilespmem:s8+$0xFFFFFFB0] =	vst v5  }
0x6f1: {  	[tilespmem:s8+$0xFFFFFFC0] =	vst v3  }
0x6f2: {  	[tilespmem:s8+$0xFFFFFFD0] =	vst v2  }
0x6f3: {  	[tilespmem:s8+$0xFFFFFFE0] =	vst v1  }
0x6f4: {  	[tilespmem:s8+$0xFFFFFFF0] =	vst v0  }
0x6f5: {  	[tilespmem:s8+$0xFFFFFF90] =	vst v4  }
0x6f6: {  	v0 =	vld [tilespmem:s7+$0x0]  }
0x6f7: {  	v1 =	vld [tilespmem:s7+$0xFFFFFFA0]  }
0x6f8: {  	v2 =	vld [tilespmem:s7+$0xFFFFFFB0]  }
0x6f9: {  	v3 =	vld [tilespmem:s7+$0xFFFFFFC0]  }
0x6fa: {  	v4 =	vld [tilespmem:s7+$0xFFFFFFD0]  }
0x6fb: {  	v6 =	vld [tilespmem:s7+$0xFFFFFFE0]  }
0x6fc: {  	v7 =	vld [tilespmem:s7+$0xFFFFFFF0]  }
0x6fd: {  	v8 =	vld [tilespmem:s7+$0xFFFFFF90]  }
0x6fe: {  	v9 =	vld.idx.msk [tilespmem:v0+s3+$0x0], $0xffff  }
0x6ff: {  	v10 =	vld.idx.msk [tilespmem:v1+s3+$0x0], $0xffff  }
0x700: {  	v5 =	vld.idx.msk [tilespmem:v2+s3+$0x0], $0xffff  }
0x701: {  	v3 =	vld.idx.msk [tilespmem:v3+s3+$0x0], $0xffff  }
0x702: {  	v2 =	vld.idx.msk [tilespmem:v4+s3+$0x0], $0xffff  }
0x703: {  	v1 =	vld.idx.msk [tilespmem:v6+s3+$0x0], $0xffff  }
0x704: {  	v0 =	vld.idx.msk [tilespmem:v7+s3+$0x0], $0xffff;
	[tilespmem:s7+$0x0] =	vst v9  }
0x705: {  	s9 =	simm.s32 $0x0;
	s10 =	simm.s32 $0x14770;
	s8 =	simm.s32 $0x143F0;
	v4 =	vld.idx.msk [tilespmem:v8+s3+$0x0], $0xffff;
	[tilespmem:s7+$0xFFFFFFA0] =	vst v10  }
.LBB2_92:
0x706: {  	v6 =	vld [tilespmem:s10+$0x0];
	s9 =	sadd.s32 $0x80, s9;
	[tilespmem:s7+$0xFFFFFFB0] =	vst v5  }
0x707: {  	v5 =	vld [tilespmem:s10+$0xFFFFFFA0];
	p0 =	slt.u32 s9, $0x780;
	[tilespmem:s7+$0xFFFFFFC0] =	vst v3  }
0x708: {  	v3 =	vld [tilespmem:s10+$0xFFFFFFB0];
	[tilespmem:s7+$0xFFFFFFD0] =	vst v2  }
0x709: {  	v2 =	vld [tilespmem:s10+$0xFFFFFFC0];
	[tilespmem:s7+$0xFFFFFFE0] =	vst v1  }
0x70a: {  	v1 =	vld [tilespmem:s10+$0xFFFFFFD0];
	[tilespmem:s7+$0xFFFFFFF0] =	vst v0  }
0x70b: {  	v0 =	vld [tilespmem:s10+$0xFFFFFFE0];
	[tilespmem:s7+$0xFFFFFF90] =	vst v4;
	s7 =	smov.u32 s10  }
0x70c: {  	v4 =	vld [tilespmem:s10+$0xFFFFFFF0]  }
0x70d: {  	v7 =	vld [tilespmem:s10+$0xFFFFFF90]  }
0x70e: {  	v6 =	vld.idx.msk [tilespmem:v6+s3+$0x0], $0xffff  }
0x70f: {  	v8 =	vld.idx.msk [tilespmem:v5+s3+$0x0], $0xffff  }
0x710: {  	v5 =	vld.idx.msk [tilespmem:v3+s3+$0x0], $0xffff  }
.Ltmp45:
0x711: {  	v3 =	vld.idx.msk [tilespmem:v2+s3+$0x0], $0xffff;
	(pc) =	sbr.rel @p0 .LBB2_92-.Ltmp45, $4  }
0x712: {  	v2 =	vld.idx.msk [tilespmem:v1+s3+$0x0], $0xffff  }
0x713: {  	v1 =	vld.idx.msk [tilespmem:v0+s3+$0x0], $0xffff  }
0x714: {  	v0 =	vld.idx.msk [tilespmem:v4+s3+$0x0], $0xffff;
	[tilespmem:s10+$0x0] =	vst v6  }
0x715: {  	s10 =	sadd.s32 $0x400, s10;
	v4 =	vld.idx.msk [tilespmem:v7+s3+$0x0], $0xffff;
	[tilespmem:s7+$0xFFFFFFA0] =	vst v8  }
0x716: {  	[tilespmem:s7+$0xFFFFFFB0] =	vst v5  }
0x717: {  	[tilespmem:s7+$0xFFFFFFC0] =	vst v3  }
0x718: {  	[tilespmem:s7+$0xFFFFFFD0] =	vst v2  }
0x719: {  	[tilespmem:s7+$0xFFFFFFE0] =	vst v1  }
0x71a: {  	[tilespmem:s7+$0xFFFFFFF0] =	vst v0  }
0x71b: {  	[tilespmem:s7+$0xFFFFFF90] =	vst v4  }
0x71c: {  	v0 =	vld [tilespmem:s8+$0x0]  }
0x71d: {  	v1 =	vld [tilespmem:s8+$0xFFFFFFA0]  }
0x71e: {  	v2 =	vld [tilespmem:s8+$0xFFFFFFB0]  }
0x71f: {  	v3 =	vld [tilespmem:s8+$0xFFFFFFC0]  }
0x720: {  	v4 =	vld [tilespmem:s8+$0xFFFFFFD0]  }
0x721: {  	v6 =	vld [tilespmem:s8+$0xFFFFFFE0]  }
0x722: {  	v7 =	vld [tilespmem:s8+$0xFFFFFFF0]  }
0x723: {  	v8 =	vld [tilespmem:s8+$0xFFFFFF90]  }
0x724: {  	v9 =	vld.idx.msk [tilespmem:v0+s3+$0x0], $0xffff  }
0x725: {  	v10 =	vld.idx.msk [tilespmem:v1+s3+$0x0], $0xffff  }
0x726: {  	v5 =	vld.idx.msk [tilespmem:v2+s3+$0x0], $0xffff  }
0x727: {  	v3 =	vld.idx.msk [tilespmem:v3+s3+$0x0], $0xffff  }
0x728: {  	v2 =	vld.idx.msk [tilespmem:v4+s3+$0x0], $0xffff  }
0x729: {  	v1 =	vld.idx.msk [tilespmem:v6+s3+$0x0], $0xffff  }
0x72a: {  	v0 =	vld.idx.msk [tilespmem:v7+s3+$0x0], $0xffff;
	[tilespmem:s8+$0x0] =	vst v9  }
0x72b: {  	s9 =	simm.s32 $0x0;
	s10 =	simm.s32 $0x147F0;
	s7 =	simm.s32 $0x14470;
	v4 =	vld.idx.msk [tilespmem:v8+s3+$0x0], $0xffff;
	[tilespmem:s8+$0xFFFFFFA0] =	vst v10  }
.LBB2_94:
0x72c: {  	v6 =	vld [tilespmem:s10+$0x0];
	s9 =	sadd.s32 $0x80, s9;
	[tilespmem:s8+$0xFFFFFFB0] =	vst v5  }
0x72d: {  	v5 =	vld [tilespmem:s10+$0xFFFFFFA0];
	p0 =	slt.u32 s9, $0x780;
	[tilespmem:s8+$0xFFFFFFC0] =	vst v3  }
0x72e: {  	v3 =	vld [tilespmem:s10+$0xFFFFFFB0];
	[tilespmem:s8+$0xFFFFFFD0] =	vst v2  }
0x72f: {  	v2 =	vld [tilespmem:s10+$0xFFFFFFC0];
	[tilespmem:s8+$0xFFFFFFE0] =	vst v1  }
0x730: {  	v1 =	vld [tilespmem:s10+$0xFFFFFFD0];
	[tilespmem:s8+$0xFFFFFFF0] =	vst v0  }
0x731: {  	v0 =	vld [tilespmem:s10+$0xFFFFFFE0];
	[tilespmem:s8+$0xFFFFFF90] =	vst v4;
	s8 =	smov.u32 s10  }
0x732: {  	v4 =	vld [tilespmem:s10+$0xFFFFFFF0]  }
0x733: {  	v7 =	vld [tilespmem:s10+$0xFFFFFF90]  }
0x734: {  	v6 =	vld.idx.msk [tilespmem:v6+s3+$0x0], $0xffff  }
0x735: {  	v8 =	vld.idx.msk [tilespmem:v5+s3+$0x0], $0xffff  }
0x736: {  	v5 =	vld.idx.msk [tilespmem:v3+s3+$0x0], $0xffff  }
.Ltmp46:
0x737: {  	v3 =	vld.idx.msk [tilespmem:v2+s3+$0x0], $0xffff;
	(pc) =	sbr.rel @p0 .LBB2_94-.Ltmp46, $4  }
0x738: {  	v2 =	vld.idx.msk [tilespmem:v1+s3+$0x0], $0xffff  }
0x739: {  	v1 =	vld.idx.msk [tilespmem:v0+s3+$0x0], $0xffff  }
0x73a: {  	v0 =	vld.idx.msk [tilespmem:v4+s3+$0x0], $0xffff;
	[tilespmem:s10+$0x0] =	vst v6  }
0x73b: {  	s10 =	sadd.s32 $0x400, s10;
	v4 =	vld.idx.msk [tilespmem:v7+s3+$0x0], $0xffff;
	[tilespmem:s8+$0xFFFFFFA0] =	vst v8  }
0x73c: {  	[tilespmem:s8+$0xFFFFFFB0] =	vst v5  }
0x73d: {  	[tilespmem:s8+$0xFFFFFFC0] =	vst v3  }
0x73e: {  	[tilespmem:s8+$0xFFFFFFD0] =	vst v2  }
0x73f: {  	[tilespmem:s8+$0xFFFFFFE0] =	vst v1  }
0x740: {  	[tilespmem:s8+$0xFFFFFFF0] =	vst v0  }
0x741: {  	[tilespmem:s8+$0xFFFFFF90] =	vst v4  }
0x742: {  	v0 =	vld [tilespmem:s7+$0x0]  }
0x743: {  	v1 =	vld [tilespmem:s7+$0xFFFFFFA0]  }
0x744: {  	v2 =	vld [tilespmem:s7+$0xFFFFFFB0]  }
0x745: {  	v3 =	vld [tilespmem:s7+$0xFFFFFFC0]  }
0x746: {  	v6 =	vld [tilespmem:s7+$0xFFFFFFD0]  }
0x747: {  	v7 =	vld [tilespmem:s7+$0xFFFFFFE0]  }
0x748: {  	v8 =	vld [tilespmem:s7+$0xFFFFFFF0]  }
0x749: {  	v9 =	vld [tilespmem:s7+$0xFFFFFF90]  }
0x74a: {  	v10 =	vld.idx.msk [tilespmem:v0+s3+$0x0], $0xffff  }
0x74b: {  	v11 =	vld.idx.msk [tilespmem:v1+s3+$0x0], $0xffff  }
0x74c: {  	v5 =	vld.idx.msk [tilespmem:v2+s3+$0x0], $0xffff  }
0x74d: {  	v4 =	vld.idx.msk [tilespmem:v3+s3+$0x0], $0xffff  }
0x74e: {  	v2 =	vld.idx.msk [tilespmem:v6+s3+$0x0], $0xffff  }
0x74f: {  	v1 =	vld.idx.msk [tilespmem:v7+s3+$0x0], $0xffff  }
0x750: {  	v0 =	vld.idx.msk [tilespmem:v8+s3+$0x0], $0xffff;
	[tilespmem:s7+$0x0] =	vst v10  }
0x751: {  	s9 =	simm.s32 $0x14870;
	s8 =	simm.s32 $0x0;
	v3 =	vld.idx.msk [tilespmem:v9+s3+$0x0], $0xffff;
	[tilespmem:s7+$0xFFFFFFA0] =	vst v11  }
.LBB2_96:
0x752: {  	v6 =	vld [tilespmem:s9+$0x0];
	s8 =	sadd.s32 $0x80, s8;
	[tilespmem:s7+$0xFFFFFFB0] =	vst v5  }
0x753: {  	v5 =	vld [tilespmem:s9+$0xFFFFFFA0];
	p0 =	slt.u32 s8, $0x780;
	[tilespmem:s7+$0xFFFFFFC0] =	vst v4  }
0x754: {  	v4 =	vld [tilespmem:s9+$0xFFFFFFB0];
	[tilespmem:s7+$0xFFFFFFD0] =	vst v2  }
0x755: {  	v2 =	vld [tilespmem:s9+$0xFFFFFFC0];
	[tilespmem:s7+$0xFFFFFFE0] =	vst v1  }
0x756: {  	v1 =	vld [tilespmem:s9+$0xFFFFFFD0];
	[tilespmem:s7+$0xFFFFFFF0] =	vst v0  }
0x757: {  	v0 =	vld [tilespmem:s9+$0xFFFFFFE0];
	[tilespmem:s7+$0xFFFFFF90] =	vst v3;
	s7 =	smov.u32 s9  }
0x758: {  	v3 =	vld [tilespmem:s9+$0xFFFFFFF0]  }
0x759: {  	v7 =	vld [tilespmem:s9+$0xFFFFFF90]  }
0x75a: {  	v6 =	vld.idx.msk [tilespmem:v6+s3+$0x0], $0xffff  }
0x75b: {  	v8 =	vld.idx.msk [tilespmem:v5+s3+$0x0], $0xffff  }
0x75c: {  	v5 =	vld.idx.msk [tilespmem:v4+s3+$0x0], $0xffff  }
.Ltmp47:
0x75d: {  	v4 =	vld.idx.msk [tilespmem:v2+s3+$0x0], $0xffff;
	(pc) =	sbr.rel @p0 .LBB2_96-.Ltmp47, $4  }
0x75e: {  	v2 =	vld.idx.msk [tilespmem:v1+s3+$0x0], $0xffff  }
0x75f: {  	v1 =	vld.idx.msk [tilespmem:v0+s3+$0x0], $0xffff  }
0x760: {  	v0 =	vld.idx.msk [tilespmem:v3+s3+$0x0], $0xffff;
	[tilespmem:s9+$0x0] =	vst v6  }
0x761: {  	s9 =	sadd.s32 $0x400, s9;
	v3 =	vld.idx.msk [tilespmem:v7+s3+$0x0], $0xffff;
	[tilespmem:s7+$0xFFFFFFA0] =	vst v8  }
0x762: {  	[tilespmem:s7+$0xFFFFFFB0] =	vst v5  }
0x763: {  	[tilespmem:s7+$0xFFFFFFC0] =	vst v4  }
0x764: {  	[tilespmem:s7+$0xFFFFFFD0] =	vst v2  }
0x765: {  	[tilespmem:s7+$0xFFFFFFE0] =	vst v1  }
0x766: {  	[tilespmem:s7+$0xFFFFFFF0] =	vst v0  }
0x767: {  	s10 =	simm.s32 $0x14080;
	[tilespmem:s7+$0xFFFFFF90] =	vst v3  }
0x768: {  	[hbm4b:s17+s3] =	stream.linear.scatter [tilespmem:s10], [sflag:$0xC], $0x4000, $0x38;
	[tilespmem:$0x18080] =	vst v63  }
0x769: {  	_ =	swait.ge [sflag:s26], $0x4000  }
0x76a: {  	[sflag:s26] =	ssyncset.done $0x0  }
0x76b: {  	s8 =	simm.s32 $0xC0;
	[sflag:s26] =	ssyncadd.s32 $0xFFFFC000  }
0x76c: {  	v0 =	vld [tilespmem:s8+$0x30]  }
0x76d: {  	v1 =	vld [tilespmem:s8+$0xFFFFFFD0]  }
0x76e: {  	v2 =	vld [tilespmem:s8+$0xFFFFFFE0]  }
0x76f: {  	v3 =	vld [tilespmem:s8+$0xFFFFFFF0]  }
0x770: {  	v4 =	vld [tilespmem:s8+$0x0]  }
0x771: {  	v6 =	vld [tilespmem:s8+$0x10]  }
0x772: {  	v7 =	vld [tilespmem:s8+$0x20]  }
0x773: {  	v8 =	vld [tilespmem:s8+$0xFFFFFFC0]  }
0x774: {  	v9 =	vld.idx.msk [tilespmem:v0+s3+$0x0], $0xffff  }
0x775: {  	v10 =	vld.idx.msk [tilespmem:v1+s3+$0x0], $0xffff  }
0x776: {  	v5 =	vld.idx.msk [tilespmem:v2+s3+$0x0], $0xffff  }
0x777: {  	v3 =	vld.idx.msk [tilespmem:v3+s3+$0x0], $0xffff  }
0x778: {  	v2 =	vld.idx.msk [tilespmem:v4+s3+$0x0], $0xffff  }
0x779: {  	v1 =	vld.idx.msk [tilespmem:v6+s3+$0x0], $0xffff  }
0x77a: {  	v0 =	vld.idx.msk [tilespmem:v7+s3+$0x0], $0xffff;
	[tilespmem:s8+$0x30] =	vst v9  }
0x77b: {  	s9 =	simm.s32 $0x0;
	s10 =	simm.s32 $0x4C0;
	v4 =	vld.idx.msk [tilespmem:v8+s3+$0x0], $0xffff;
	[tilespmem:s8+$0xFFFFFFD0] =	vst v10  }
.LBB2_98:
0x77c: {  	v6 =	vld [tilespmem:s10+$0x30];
	s9 =	sadd.s32 $0x80, s9;
	[tilespmem:s8+$0xFFFFFFE0] =	vst v5  }
0x77d: {  	v5 =	vld [tilespmem:s10+$0xFFFFFFD0];
	p0 =	slt.u32 s9, $0x780;
	[tilespmem:s8+$0xFFFFFFF0] =	vst v3  }
0x77e: {  	v3 =	vld [tilespmem:s10+$0xFFFFFFE0];
	[tilespmem:s8+$0x0] =	vst v2  }
0x77f: {  	v2 =	vld [tilespmem:s10+$0xFFFFFFF0];
	[tilespmem:s8+$0x10] =	vst v1  }
0x780: {  	v1 =	vld [tilespmem:s10+$0x0];
	[tilespmem:s8+$0x20] =	vst v0  }
0x781: {  	v0 =	vld [tilespmem:s10+$0x10];
	[tilespmem:s8+$0xFFFFFFC0] =	vst v4;
	s8 =	smov.u32 s10  }
0x782: {  	v4 =	vld [tilespmem:s10+$0x20]  }
0x783: {  	v7 =	vld [tilespmem:s10+$0xFFFFFFC0]  }
0x784: {  	v6 =	vld.idx.msk [tilespmem:v6+s3+$0x0], $0xffff  }
0x785: {  	v8 =	vld.idx.msk [tilespmem:v5+s3+$0x0], $0xffff  }
0x786: {  	v5 =	vld.idx.msk [tilespmem:v3+s3+$0x0], $0xffff  }
.Ltmp48:
0x787: {  	v3 =	vld.idx.msk [tilespmem:v2+s3+$0x0], $0xffff;
	(pc) =	sbr.rel @p0 .LBB2_98-.Ltmp48, $4  }
0x788: {  	v2 =	vld.idx.msk [tilespmem:v1+s3+$0x0], $0xffff  }
0x789: {  	v1 =	vld.idx.msk [tilespmem:v0+s3+$0x0], $0xffff  }
0x78a: {  	s7 =	simm.s32 $0x170;
	v0 =	vld.idx.msk [tilespmem:v4+s3+$0x0], $0xffff;
	[tilespmem:s10+$0x30] =	vst v6  }
0x78b: {  	s10 =	sadd.s32 $0x400, s10;
	v4 =	vld.idx.msk [tilespmem:v7+s3+$0x0], $0xffff;
	[tilespmem:s8+$0xFFFFFFD0] =	vst v8  }
0x78c: {  	[tilespmem:s8+$0xFFFFFFE0] =	vst v5  }
0x78d: {  	[tilespmem:s8+$0xFFFFFFF0] =	vst v3  }
0x78e: {  	[tilespmem:s8+$0x0] =	vst v2  }
0x78f: {  	[tilespmem:s8+$0x10] =	vst v1  }
0x790: {  	[tilespmem:s8+$0x20] =	vst v0  }
0x791: {  	[tilespmem:s8+$0xFFFFFFC0] =	vst v4  }
0x792: {  	v0 =	vld [tilespmem:s7+$0x0]  }
0x793: {  	v1 =	vld [tilespmem:s7+$0xFFFFFFA0]  }
0x794: {  	v2 =	vld [tilespmem:s7+$0xFFFFFFB0]  }
0x795: {  	v3 =	vld [tilespmem:s7+$0xFFFFFFC0]  }
0x796: {  	v4 =	vld [tilespmem:s7+$0xFFFFFFD0]  }
0x797: {  	v6 =	vld [tilespmem:s7+$0xFFFFFFE0]  }
0x798: {  	v7 =	vld [tilespmem:s7+$0xFFFFFFF0]  }
0x799: {  	v8 =	vld [tilespmem:s7+$0xFFFFFF90]  }
0x79a: {  	v9 =	vld.idx.msk [tilespmem:v0+s3+$0x0], $0xffff  }
0x79b: {  	v10 =	vld.idx.msk [tilespmem:v1+s3+$0x0], $0xffff  }
0x79c: {  	v5 =	vld.idx.msk [tilespmem:v2+s3+$0x0], $0xffff  }
0x79d: {  	v3 =	vld.idx.msk [tilespmem:v3+s3+$0x0], $0xffff  }
0x79e: {  	v2 =	vld.idx.msk [tilespmem:v4+s3+$0x0], $0xffff  }
0x79f: {  	v1 =	vld.idx.msk [tilespmem:v6+s3+$0x0], $0xffff  }
0x7a0: {  	v0 =	vld.idx.msk [tilespmem:v7+s3+$0x0], $0xffff;
	[tilespmem:s7+$0x0] =	vst v9  }
0x7a1: {  	s9 =	simm.s32 $0x0;
	s10 =	simm.s32 $0x570;
	v4 =	vld.idx.msk [tilespmem:v8+s3+$0x0], $0xffff;
	[tilespmem:s7+$0xFFFFFFA0] =	vst v10  }
.LBB2_100:
0x7a2: {  	v6 =	vld [tilespmem:s10+$0x0];
	s9 =	sadd.s32 $0x80, s9;
	[tilespmem:s7+$0xFFFFFFB0] =	vst v5  }
0x7a3: {  	v5 =	vld [tilespmem:s10+$0xFFFFFFA0];
	p0 =	slt.u32 s9, $0x780;
	[tilespmem:s7+$0xFFFFFFC0] =	vst v3  }
0x7a4: {  	v3 =	vld [tilespmem:s10+$0xFFFFFFB0];
	[tilespmem:s7+$0xFFFFFFD0] =	vst v2  }
0x7a5: {  	v2 =	vld [tilespmem:s10+$0xFFFFFFC0];
	[tilespmem:s7+$0xFFFFFFE0] =	vst v1  }
0x7a6: {  	v1 =	vld [tilespmem:s10+$0xFFFFFFD0];
	[tilespmem:s7+$0xFFFFFFF0] =	vst v0  }
0x7a7: {  	v0 =	vld [tilespmem:s10+$0xFFFFFFE0];
	[tilespmem:s7+$0xFFFFFF90] =	vst v4;
	s7 =	smov.u32 s10  }
0x7a8: {  	v4 =	vld [tilespmem:s10+$0xFFFFFFF0]  }
0x7a9: {  	v7 =	vld [tilespmem:s10+$0xFFFFFF90]  }
0x7aa: {  	v6 =	vld.idx.msk [tilespmem:v6+s3+$0x0], $0xffff  }
0x7ab: {  	v8 =	vld.idx.msk [tilespmem:v5+s3+$0x0], $0xffff  }
0x7ac: {  	v5 =	vld.idx.msk [tilespmem:v3+s3+$0x0], $0xffff  }
.Ltmp49:
0x7ad: {  	v3 =	vld.idx.msk [tilespmem:v2+s3+$0x0], $0xffff;
	(pc) =	sbr.rel @p0 .LBB2_100-.Ltmp49, $4  }
0x7ae: {  	v2 =	vld.idx.msk [tilespmem:v1+s3+$0x0], $0xffff  }
0x7af: {  	v1 =	vld.idx.msk [tilespmem:v0+s3+$0x0], $0xffff  }
0x7b0: {  	s8 =	simm.s32 $0x1F0;
	v0 =	vld.idx.msk [tilespmem:v4+s3+$0x0], $0xffff;
	[tilespmem:s10+$0x0] =	vst v6  }
0x7b1: {  	s10 =	sadd.s32 $0x400, s10;
	v4 =	vld.idx.msk [tilespmem:v7+s3+$0x0], $0xffff;
	[tilespmem:s7+$0xFFFFFFA0] =	vst v8  }
0x7b2: {  	[tilespmem:s7+$0xFFFFFFB0] =	vst v5  }
0x7b3: {  	[tilespmem:s7+$0xFFFFFFC0] =	vst v3  }
0x7b4: {  	[tilespmem:s7+$0xFFFFFFD0] =	vst v2  }
0x7b5: {  	[tilespmem:s7+$0xFFFFFFE0] =	vst v1  }
0x7b6: {  	[tilespmem:s7+$0xFFFFFFF0] =	vst v0  }
0x7b7: {  	[tilespmem:s7+$0xFFFFFF90] =	vst v4  }
0x7b8: {  	v0 =	vld [tilespmem:s8+$0x0]  }
0x7b9: {  	v1 =	vld [tilespmem:s8+$0xFFFFFFA0]  }
0x7ba: {  	v2 =	vld [tilespmem:s8+$0xFFFFFFB0]  }
0x7bb: {  	v3 =	vld [tilespmem:s8+$0xFFFFFFC0]  }
0x7bc: {  	v4 =	vld [tilespmem:s8+$0xFFFFFFD0]  }
0x7bd: {  	v6 =	vld [tilespmem:s8+$0xFFFFFFE0]  }
0x7be: {  	v7 =	vld [tilespmem:s8+$0xFFFFFFF0]  }
0x7bf: {  	v8 =	vld [tilespmem:s8+$0xFFFFFF90]  }
0x7c0: {  	v9 =	vld.idx.msk [tilespmem:v0+s3+$0x0], $0xffff  }
0x7c1: {  	v10 =	vld.idx.msk [tilespmem:v1+s3+$0x0], $0xffff  }
0x7c2: {  	v5 =	vld.idx.msk [tilespmem:v2+s3+$0x0], $0xffff  }
0x7c3: {  	v3 =	vld.idx.msk [tilespmem:v3+s3+$0x0], $0xffff  }
0x7c4: {  	v2 =	vld.idx.msk [tilespmem:v4+s3+$0x0], $0xffff  }
0x7c5: {  	v1 =	vld.idx.msk [tilespmem:v6+s3+$0x0], $0xffff  }
0x7c6: {  	v0 =	vld.idx.msk [tilespmem:v7+s3+$0x0], $0xffff;
	[tilespmem:s8+$0x0] =	vst v9  }
0x7c7: {  	s9 =	simm.s32 $0x0;
	s10 =	simm.s32 $0x5F0;
	v4 =	vld.idx.msk [tilespmem:v8+s3+$0x0], $0xffff;
	[tilespmem:s8+$0xFFFFFFA0] =	vst v10  }
.LBB2_102:
0x7c8: {  	v6 =	vld [tilespmem:s10+$0x0];
	s9 =	sadd.s32 $0x80, s9;
	[tilespmem:s8+$0xFFFFFFB0] =	vst v5  }
0x7c9: {  	v5 =	vld [tilespmem:s10+$0xFFFFFFA0];
	p0 =	slt.u32 s9, $0x780;
	[tilespmem:s8+$0xFFFFFFC0] =	vst v3  }
0x7ca: {  	v3 =	vld [tilespmem:s10+$0xFFFFFFB0];
	[tilespmem:s8+$0xFFFFFFD0] =	vst v2  }
0x7cb: {  	v2 =	vld [tilespmem:s10+$0xFFFFFFC0];
	[tilespmem:s8+$0xFFFFFFE0] =	vst v1  }
0x7cc: {  	v1 =	vld [tilespmem:s10+$0xFFFFFFD0];
	[tilespmem:s8+$0xFFFFFFF0] =	vst v0  }
0x7cd: {  	v0 =	vld [tilespmem:s10+$0xFFFFFFE0];
	[tilespmem:s8+$0xFFFFFF90] =	vst v4;
	s8 =	smov.u32 s10  }
0x7ce: {  	v4 =	vld [tilespmem:s10+$0xFFFFFFF0]  }
0x7cf: {  	v7 =	vld [tilespmem:s10+$0xFFFFFF90]  }
0x7d0: {  	v6 =	vld.idx.msk [tilespmem:v6+s3+$0x0], $0xffff  }
0x7d1: {  	v8 =	vld.idx.msk [tilespmem:v5+s3+$0x0], $0xffff  }
0x7d2: {  	v5 =	vld.idx.msk [tilespmem:v3+s3+$0x0], $0xffff  }
.Ltmp50:
0x7d3: {  	v3 =	vld.idx.msk [tilespmem:v2+s3+$0x0], $0xffff;
	(pc) =	sbr.rel @p0 .LBB2_102-.Ltmp50, $4  }
0x7d4: {  	v2 =	vld.idx.msk [tilespmem:v1+s3+$0x0], $0xffff  }
0x7d5: {  	v1 =	vld.idx.msk [tilespmem:v0+s3+$0x0], $0xffff  }
0x7d6: {  	s7 =	simm.s32 $0x270;
	v0 =	vld.idx.msk [tilespmem:v4+s3+$0x0], $0xffff;
	[tilespmem:s10+$0x0] =	vst v6  }
0x7d7: {  	s10 =	sadd.s32 $0x400, s10;
	v4 =	vld.idx.msk [tilespmem:v7+s3+$0x0], $0xffff;
	[tilespmem:s8+$0xFFFFFFA0] =	vst v8  }
0x7d8: {  	[tilespmem:s8+$0xFFFFFFB0] =	vst v5  }
0x7d9: {  	[tilespmem:s8+$0xFFFFFFC0] =	vst v3  }
0x7da: {  	[tilespmem:s8+$0xFFFFFFD0] =	vst v2  }
0x7db: {  	[tilespmem:s8+$0xFFFFFFE0] =	vst v1  }
0x7dc: {  	[tilespmem:s8+$0xFFFFFFF0] =	vst v0  }
0x7dd: {  	[tilespmem:s8+$0xFFFFFF90] =	vst v4  }
0x7de: {  	v0 =	vld [tilespmem:s7+$0x0]  }
0x7df: {  	v1 =	vld [tilespmem:s7+$0xFFFFFFA0]  }
0x7e0: {  	v2 =	vld [tilespmem:s7+$0xFFFFFFB0]  }
0x7e1: {  	v3 =	vld [tilespmem:s7+$0xFFFFFFC0]  }
0x7e2: {  	v4 =	vld [tilespmem:s7+$0xFFFFFFD0]  }
0x7e3: {  	v6 =	vld [tilespmem:s7+$0xFFFFFFE0]  }
0x7e4: {  	v7 =	vld [tilespmem:s7+$0xFFFFFFF0]  }
0x7e5: {  	v8 =	vld [tilespmem:s7+$0xFFFFFF90]  }
0x7e6: {  	v9 =	vld.idx.msk [tilespmem:v0+s3+$0x0], $0xffff  }
0x7e7: {  	v10 =	vld.idx.msk [tilespmem:v1+s3+$0x0], $0xffff  }
0x7e8: {  	v5 =	vld.idx.msk [tilespmem:v2+s3+$0x0], $0xffff  }
0x7e9: {  	v3 =	vld.idx.msk [tilespmem:v3+s3+$0x0], $0xffff  }
0x7ea: {  	v2 =	vld.idx.msk [tilespmem:v4+s3+$0x0], $0xffff  }
0x7eb: {  	v1 =	vld.idx.msk [tilespmem:v6+s3+$0x0], $0xffff  }
0x7ec: {  	v0 =	vld.idx.msk [tilespmem:v7+s3+$0x0], $0xffff;
	[tilespmem:s7+$0x0] =	vst v9  }
0x7ed: {  	s9 =	simm.s32 $0x0;
	s10 =	simm.s32 $0x670;
	v4 =	vld.idx.msk [tilespmem:v8+s3+$0x0], $0xffff;
	[tilespmem:s7+$0xFFFFFFA0] =	vst v10  }
.LBB2_104:
0x7ee: {  	v6 =	vld [tilespmem:s10+$0x0];
	s9 =	sadd.s32 $0x80, s9;
	[tilespmem:s7+$0xFFFFFFB0] =	vst v5  }
0x7ef: {  	v5 =	vld [tilespmem:s10+$0xFFFFFFA0];
	p0 =	slt.u32 s9, $0x780;
	[tilespmem:s7+$0xFFFFFFC0] =	vst v3  }
0x7f0: {  	v3 =	vld [tilespmem:s10+$0xFFFFFFB0];
	[tilespmem:s7+$0xFFFFFFD0] =	vst v2  }
0x7f1: {  	v2 =	vld [tilespmem:s10+$0xFFFFFFC0];
	[tilespmem:s7+$0xFFFFFFE0] =	vst v1  }
0x7f2: {  	v1 =	vld [tilespmem:s10+$0xFFFFFFD0];
	[tilespmem:s7+$0xFFFFFFF0] =	vst v0  }
0x7f3: {  	v0 =	vld [tilespmem:s10+$0xFFFFFFE0];
	[tilespmem:s7+$0xFFFFFF90] =	vst v4;
	s7 =	smov.u32 s10  }
0x7f4: {  	v4 =	vld [tilespmem:s10+$0xFFFFFFF0]  }
0x7f5: {  	v7 =	vld [tilespmem:s10+$0xFFFFFF90]  }
0x7f6: {  	v6 =	vld.idx.msk [tilespmem:v6+s3+$0x0], $0xffff  }
0x7f7: {  	v8 =	vld.idx.msk [tilespmem:v5+s3+$0x0], $0xffff  }
0x7f8: {  	v5 =	vld.idx.msk [tilespmem:v3+s3+$0x0], $0xffff  }
.Ltmp51:
0x7f9: {  	v3 =	vld.idx.msk [tilespmem:v2+s3+$0x0], $0xffff;
	(pc) =	sbr.rel @p0 .LBB2_104-.Ltmp51, $4  }
0x7fa: {  	v2 =	vld.idx.msk [tilespmem:v1+s3+$0x0], $0xffff  }
0x7fb: {  	v1 =	vld.idx.msk [tilespmem:v0+s3+$0x0], $0xffff  }
0x7fc: {  	s8 =	simm.s32 $0x2F0;
	v0 =	vld.idx.msk [tilespmem:v4+s3+$0x0], $0xffff;
	[tilespmem:s10+$0x0] =	vst v6  }
0x7fd: {  	s10 =	sadd.s32 $0x400, s10;
	v4 =	vld.idx.msk [tilespmem:v7+s3+$0x0], $0xffff;
	[tilespmem:s7+$0xFFFFFFA0] =	vst v8  }
0x7fe: {  	[tilespmem:s7+$0xFFFFFFB0] =	vst v5  }
0x7ff: {  	[tilespmem:s7+$0xFFFFFFC0] =	vst v3  }
0x800: {  	[tilespmem:s7+$0xFFFFFFD0] =	vst v2  }
0x801: {  	[tilespmem:s7+$0xFFFFFFE0] =	vst v1  }
0x802: {  	[tilespmem:s7+$0xFFFFFFF0] =	vst v0  }
0x803: {  	[tilespmem:s7+$0xFFFFFF90] =	vst v4  }
0x804: {  	v0 =	vld [tilespmem:s8+$0x0]  }
0x805: {  	v1 =	vld [tilespmem:s8+$0xFFFFFFA0]  }
0x806: {  	v2 =	vld [tilespmem:s8+$0xFFFFFFB0]  }
0x807: {  	v3 =	vld [tilespmem:s8+$0xFFFFFFC0]  }
0x808: {  	v4 =	vld [tilespmem:s8+$0xFFFFFFD0]  }
0x809: {  	v6 =	vld [tilespmem:s8+$0xFFFFFFE0]  }
0x80a: {  	v7 =	vld [tilespmem:s8+$0xFFFFFFF0]  }
0x80b: {  	v8 =	vld [tilespmem:s8+$0xFFFFFF90]  }
0x80c: {  	v9 =	vld.idx.msk [tilespmem:v0+s3+$0x0], $0xffff  }
0x80d: {  	v10 =	vld.idx.msk [tilespmem:v1+s3+$0x0], $0xffff  }
0x80e: {  	v5 =	vld.idx.msk [tilespmem:v2+s3+$0x0], $0xffff  }
0x80f: {  	v3 =	vld.idx.msk [tilespmem:v3+s3+$0x0], $0xffff  }
0x810: {  	v2 =	vld.idx.msk [tilespmem:v4+s3+$0x0], $0xffff  }
0x811: {  	v1 =	vld.idx.msk [tilespmem:v6+s3+$0x0], $0xffff  }
0x812: {  	v0 =	vld.idx.msk [tilespmem:v7+s3+$0x0], $0xffff;
	[tilespmem:s8+$0x0] =	vst v9  }
0x813: {  	s9 =	simm.s32 $0x0;
	s10 =	simm.s32 $0x6F0;
	v4 =	vld.idx.msk [tilespmem:v8+s3+$0x0], $0xffff;
	[tilespmem:s8+$0xFFFFFFA0] =	vst v10  }
.LBB2_106:
0x814: {  	v6 =	vld [tilespmem:s10+$0x0];
	s9 =	sadd.s32 $0x80, s9;
	[tilespmem:s8+$0xFFFFFFB0] =	vst v5  }
0x815: {  	v5 =	vld [tilespmem:s10+$0xFFFFFFA0];
	p0 =	slt.u32 s9, $0x780;
	[tilespmem:s8+$0xFFFFFFC0] =	vst v3  }
0x816: {  	v3 =	vld [tilespmem:s10+$0xFFFFFFB0];
	[tilespmem:s8+$0xFFFFFFD0] =	vst v2  }
0x817: {  	v2 =	vld [tilespmem:s10+$0xFFFFFFC0];
	[tilespmem:s8+$0xFFFFFFE0] =	vst v1  }
0x818: {  	v1 =	vld [tilespmem:s10+$0xFFFFFFD0];
	[tilespmem:s8+$0xFFFFFFF0] =	vst v0  }
0x819: {  	v0 =	vld [tilespmem:s10+$0xFFFFFFE0];
	[tilespmem:s8+$0xFFFFFF90] =	vst v4;
	s8 =	smov.u32 s10  }
0x81a: {  	v4 =	vld [tilespmem:s10+$0xFFFFFFF0]  }
0x81b: {  	v7 =	vld [tilespmem:s10+$0xFFFFFF90]  }
0x81c: {  	v6 =	vld.idx.msk [tilespmem:v6+s3+$0x0], $0xffff  }
0x81d: {  	v8 =	vld.idx.msk [tilespmem:v5+s3+$0x0], $0xffff  }
0x81e: {  	v5 =	vld.idx.msk [tilespmem:v3+s3+$0x0], $0xffff  }
.Ltmp52:
0x81f: {  	v3 =	vld.idx.msk [tilespmem:v2+s3+$0x0], $0xffff;
	(pc) =	sbr.rel @p0 .LBB2_106-.Ltmp52, $4  }
0x820: {  	v2 =	vld.idx.msk [tilespmem:v1+s3+$0x0], $0xffff  }
0x821: {  	v1 =	vld.idx.msk [tilespmem:v0+s3+$0x0], $0xffff  }
0x822: {  	s7 =	simm.s32 $0x370;
	v0 =	vld.idx.msk [tilespmem:v4+s3+$0x0], $0xffff;
	[tilespmem:s10+$0x0] =	vst v6  }
0x823: {  	s10 =	sadd.s32 $0x400, s10;
	v4 =	vld.idx.msk [tilespmem:v7+s3+$0x0], $0xffff;
	[tilespmem:s8+$0xFFFFFFA0] =	vst v8  }
0x824: {  	[tilespmem:s8+$0xFFFFFFB0] =	vst v5  }
0x825: {  	[tilespmem:s8+$0xFFFFFFC0] =	vst v3  }
0x826: {  	[tilespmem:s8+$0xFFFFFFD0] =	vst v2  }
0x827: {  	[tilespmem:s8+$0xFFFFFFE0] =	vst v1  }
0x828: {  	[tilespmem:s8+$0xFFFFFFF0] =	vst v0  }
0x829: {  	[tilespmem:s8+$0xFFFFFF90] =	vst v4  }
0x82a: {  	v0 =	vld [tilespmem:s7+$0x0]  }
0x82b: {  	v1 =	vld [tilespmem:s7+$0xFFFFFFA0]  }
0x82c: {  	v2 =	vld [tilespmem:s7+$0xFFFFFFB0]  }
0x82d: {  	v3 =	vld [tilespmem:s7+$0xFFFFFFC0]  }
0x82e: {  	v4 =	vld [tilespmem:s7+$0xFFFFFFD0]  }
0x82f: {  	v6 =	vld [tilespmem:s7+$0xFFFFFFE0]  }
0x830: {  	v7 =	vld [tilespmem:s7+$0xFFFFFFF0]  }
0x831: {  	v8 =	vld [tilespmem:s7+$0xFFFFFF90]  }
0x832: {  	v9 =	vld.idx.msk [tilespmem:v0+s3+$0x0], $0xffff  }
0x833: {  	v10 =	vld.idx.msk [tilespmem:v1+s3+$0x0], $0xffff  }
0x834: {  	v5 =	vld.idx.msk [tilespmem:v2+s3+$0x0], $0xffff  }
0x835: {  	v3 =	vld.idx.msk [tilespmem:v3+s3+$0x0], $0xffff  }
0x836: {  	v2 =	vld.idx.msk [tilespmem:v4+s3+$0x0], $0xffff  }
0x837: {  	v1 =	vld.idx.msk [tilespmem:v6+s3+$0x0], $0xffff  }
0x838: {  	v0 =	vld.idx.msk [tilespmem:v7+s3+$0x0], $0xffff;
	[tilespmem:s7+$0x0] =	vst v9  }
0x839: {  	s9 =	simm.s32 $0x0;
	s10 =	simm.s32 $0x770;
	v4 =	vld.idx.msk [tilespmem:v8+s3+$0x0], $0xffff;
	[tilespmem:s7+$0xFFFFFFA0] =	vst v10  }
.LBB2_108:
0x83a: {  	v6 =	vld [tilespmem:s10+$0x0];
	s9 =	sadd.s32 $0x80, s9;
	[tilespmem:s7+$0xFFFFFFB0] =	vst v5  }
0x83b: {  	v5 =	vld [tilespmem:s10+$0xFFFFFFA0];
	p0 =	slt.u32 s9, $0x780;
	[tilespmem:s7+$0xFFFFFFC0] =	vst v3  }
0x83c: {  	v3 =	vld [tilespmem:s10+$0xFFFFFFB0];
	[tilespmem:s7+$0xFFFFFFD0] =	vst v2  }
0x83d: {  	v2 =	vld [tilespmem:s10+$0xFFFFFFC0];
	[tilespmem:s7+$0xFFFFFFE0] =	vst v1  }
0x83e: {  	v1 =	vld [tilespmem:s10+$0xFFFFFFD0];
	[tilespmem:s7+$0xFFFFFFF0] =	vst v0  }
0x83f: {  	v0 =	vld [tilespmem:s10+$0xFFFFFFE0];
	[tilespmem:s7+$0xFFFFFF90] =	vst v4;
	s7 =	smov.u32 s10  }
0x840: {  	v4 =	vld [tilespmem:s10+$0xFFFFFFF0]  }
0x841: {  	v7 =	vld [tilespmem:s10+$0xFFFFFF90]  }
0x842: {  	v6 =	vld.idx.msk [tilespmem:v6+s3+$0x0], $0xffff  }
0x843: {  	v8 =	vld.idx.msk [tilespmem:v5+s3+$0x0], $0xffff  }
0x844: {  	v5 =	vld.idx.msk [tilespmem:v3+s3+$0x0], $0xffff  }
.Ltmp53:
0x845: {  	v3 =	vld.idx.msk [tilespmem:v2+s3+$0x0], $0xffff;
	(pc) =	sbr.rel @p0 .LBB2_108-.Ltmp53, $4  }
0x846: {  	v2 =	vld.idx.msk [tilespmem:v1+s3+$0x0], $0xffff  }
0x847: {  	v1 =	vld.idx.msk [tilespmem:v0+s3+$0x0], $0xffff  }
0x848: {  	s8 =	simm.s32 $0x3F0;
	v0 =	vld.idx.msk [tilespmem:v4+s3+$0x0], $0xffff;
	[tilespmem:s10+$0x0] =	vst v6  }
0x849: {  	s10 =	sadd.s32 $0x400, s10;
	v4 =	vld.idx.msk [tilespmem:v7+s3+$0x0], $0xffff;
	[tilespmem:s7+$0xFFFFFFA0] =	vst v8  }
0x84a: {  	[tilespmem:s7+$0xFFFFFFB0] =	vst v5  }
0x84b: {  	[tilespmem:s7+$0xFFFFFFC0] =	vst v3  }
0x84c: {  	[tilespmem:s7+$0xFFFFFFD0] =	vst v2  }
0x84d: {  	[tilespmem:s7+$0xFFFFFFE0] =	vst v1  }
0x84e: {  	[tilespmem:s7+$0xFFFFFFF0] =	vst v0  }
0x84f: {  	[tilespmem:s7+$0xFFFFFF90] =	vst v4  }
0x850: {  	v0 =	vld [tilespmem:s8+$0x0]  }
0x851: {  	v1 =	vld [tilespmem:s8+$0xFFFFFFA0]  }
0x852: {  	v2 =	vld [tilespmem:s8+$0xFFFFFFB0]  }
0x853: {  	v3 =	vld [tilespmem:s8+$0xFFFFFFC0]  }
0x854: {  	v4 =	vld [tilespmem:s8+$0xFFFFFFD0]  }
0x855: {  	v6 =	vld [tilespmem:s8+$0xFFFFFFE0]  }
0x856: {  	v7 =	vld [tilespmem:s8+$0xFFFFFFF0]  }
0x857: {  	v8 =	vld [tilespmem:s8+$0xFFFFFF90]  }
0x858: {  	v9 =	vld.idx.msk [tilespmem:v0+s3+$0x0], $0xffff  }
0x859: {  	v10 =	vld.idx.msk [tilespmem:v1+s3+$0x0], $0xffff  }
0x85a: {  	v5 =	vld.idx.msk [tilespmem:v2+s3+$0x0], $0xffff  }
0x85b: {  	v3 =	vld.idx.msk [tilespmem:v3+s3+$0x0], $0xffff  }
0x85c: {  	v2 =	vld.idx.msk [tilespmem:v4+s3+$0x0], $0xffff  }
0x85d: {  	v1 =	vld.idx.msk [tilespmem:v6+s3+$0x0], $0xffff  }
0x85e: {  	v0 =	vld.idx.msk [tilespmem:v7+s3+$0x0], $0xffff;
	[tilespmem:s8+$0x0] =	vst v9  }
0x85f: {  	s9 =	simm.s32 $0x0;
	s10 =	simm.s32 $0x7F0;
	v4 =	vld.idx.msk [tilespmem:v8+s3+$0x0], $0xffff;
	[tilespmem:s8+$0xFFFFFFA0] =	vst v10  }
.LBB2_110:
0x860: {  	v6 =	vld [tilespmem:s10+$0x0];
	s9 =	sadd.s32 $0x80, s9;
	[tilespmem:s8+$0xFFFFFFB0] =	vst v5  }
0x861: {  	v5 =	vld [tilespmem:s10+$0xFFFFFFA0];
	p0 =	slt.u32 s9, $0x780;
	[tilespmem:s8+$0xFFFFFFC0] =	vst v3  }
0x862: {  	v3 =	vld [tilespmem:s10+$0xFFFFFFB0];
	[tilespmem:s8+$0xFFFFFFD0] =	vst v2  }
0x863: {  	v2 =	vld [tilespmem:s10+$0xFFFFFFC0];
	[tilespmem:s8+$0xFFFFFFE0] =	vst v1  }
0x864: {  	v1 =	vld [tilespmem:s10+$0xFFFFFFD0];
	[tilespmem:s8+$0xFFFFFFF0] =	vst v0  }
0x865: {  	v0 =	vld [tilespmem:s10+$0xFFFFFFE0];
	[tilespmem:s8+$0xFFFFFF90] =	vst v4;
	s8 =	smov.u32 s10  }
0x866: {  	v4 =	vld [tilespmem:s10+$0xFFFFFFF0]  }
0x867: {  	v7 =	vld [tilespmem:s10+$0xFFFFFF90]  }
0x868: {  	v6 =	vld.idx.msk [tilespmem:v6+s3+$0x0], $0xffff  }
0x869: {  	v8 =	vld.idx.msk [tilespmem:v5+s3+$0x0], $0xffff  }
0x86a: {  	v5 =	vld.idx.msk [tilespmem:v3+s3+$0x0], $0xffff  }
.Ltmp54:
0x86b: {  	v3 =	vld.idx.msk [tilespmem:v2+s3+$0x0], $0xffff;
	(pc) =	sbr.rel @p0 .LBB2_110-.Ltmp54, $4  }
0x86c: {  	v2 =	vld.idx.msk [tilespmem:v1+s3+$0x0], $0xffff  }
0x86d: {  	v1 =	vld.idx.msk [tilespmem:v0+s3+$0x0], $0xffff  }
0x86e: {  	s7 =	simm.s32 $0x470;
	v0 =	vld.idx.msk [tilespmem:v4+s3+$0x0], $0xffff;
	[tilespmem:s10+$0x0] =	vst v6  }
0x86f: {  	s10 =	sadd.s32 $0x400, s10;
	v4 =	vld.idx.msk [tilespmem:v7+s3+$0x0], $0xffff;
	[tilespmem:s8+$0xFFFFFFA0] =	vst v8  }
0x870: {  	[tilespmem:s8+$0xFFFFFFB0] =	vst v5  }
0x871: {  	[tilespmem:s8+$0xFFFFFFC0] =	vst v3  }
0x872: {  	[tilespmem:s8+$0xFFFFFFD0] =	vst v2  }
0x873: {  	[tilespmem:s8+$0xFFFFFFE0] =	vst v1  }
0x874: {  	[tilespmem:s8+$0xFFFFFFF0] =	vst v0  }
0x875: {  	[tilespmem:s8+$0xFFFFFF90] =	vst v4  }
0x876: {  	v0 =	vld [tilespmem:s7+$0x0]  }
0x877: {  	v1 =	vld [tilespmem:s7+$0xFFFFFFA0]  }
0x878: {  	v2 =	vld [tilespmem:s7+$0xFFFFFFB0]  }
0x879: {  	v3 =	vld [tilespmem:s7+$0xFFFFFFC0]  }
0x87a: {  	v6 =	vld [tilespmem:s7+$0xFFFFFFD0]  }
0x87b: {  	v7 =	vld [tilespmem:s7+$0xFFFFFFE0]  }
0x87c: {  	v8 =	vld [tilespmem:s7+$0xFFFFFFF0]  }
0x87d: {  	v9 =	vld [tilespmem:s7+$0xFFFFFF90]  }
0x87e: {  	v10 =	vld.idx.msk [tilespmem:v0+s3+$0x0], $0xffff  }
0x87f: {  	v11 =	vld.idx.msk [tilespmem:v1+s3+$0x0], $0xffff  }
0x880: {  	v5 =	vld.idx.msk [tilespmem:v2+s3+$0x0], $0xffff  }
0x881: {  	v4 =	vld.idx.msk [tilespmem:v3+s3+$0x0], $0xffff  }
0x882: {  	v2 =	vld.idx.msk [tilespmem:v6+s3+$0x0], $0xffff  }
0x883: {  	v1 =	vld.idx.msk [tilespmem:v7+s3+$0x0], $0xffff  }
0x884: {  	v0 =	vld.idx.msk [tilespmem:v8+s3+$0x0], $0xffff;
	[tilespmem:s7+$0x0] =	vst v10  }
0x885: {  	s9 =	simm.s32 $0x870;
	s8 =	simm.s32 $0x0;
	v3 =	vld.idx.msk [tilespmem:v9+s3+$0x0], $0xffff;
	[tilespmem:s7+$0xFFFFFFA0] =	vst v11  }
.LBB2_112:
0x886: {  	v6 =	vld [tilespmem:s9+$0x0];
	s8 =	sadd.s32 $0x80, s8;
	[tilespmem:s7+$0xFFFFFFB0] =	vst v5  }
0x887: {  	v5 =	vld [tilespmem:s9+$0xFFFFFFA0];
	p0 =	slt.u32 s8, $0x780;
	[tilespmem:s7+$0xFFFFFFC0] =	vst v4  }
0x888: {  	v4 =	vld [tilespmem:s9+$0xFFFFFFB0];
	[tilespmem:s7+$0xFFFFFFD0] =	vst v2  }
0x889: {  	v2 =	vld [tilespmem:s9+$0xFFFFFFC0];
	[tilespmem:s7+$0xFFFFFFE0] =	vst v1  }
0x88a: {  	v1 =	vld [tilespmem:s9+$0xFFFFFFD0];
	[tilespmem:s7+$0xFFFFFFF0] =	vst v0  }
0x88b: {  	v0 =	vld [tilespmem:s9+$0xFFFFFFE0];
	[tilespmem:s7+$0xFFFFFF90] =	vst v3;
	s7 =	smov.u32 s9  }
0x88c: {  	v3 =	vld [tilespmem:s9+$0xFFFFFFF0]  }
0x88d: {  	v7 =	vld [tilespmem:s9+$0xFFFFFF90]  }
0x88e: {  	v6 =	vld.idx.msk [tilespmem:v6+s3+$0x0], $0xffff  }
0x88f: {  	v8 =	vld.idx.msk [tilespmem:v5+s3+$0x0], $0xffff  }
0x890: {  	v5 =	vld.idx.msk [tilespmem:v4+s3+$0x0], $0xffff  }
.Ltmp55:
0x891: {  	v4 =	vld.idx.msk [tilespmem:v2+s3+$0x0], $0xffff;
	(pc) =	sbr.rel @p0 .LBB2_112-.Ltmp55, $4  }
0x892: {  	v2 =	vld.idx.msk [tilespmem:v1+s3+$0x0], $0xffff  }
0x893: {  	v1 =	vld.idx.msk [tilespmem:v0+s3+$0x0], $0xffff  }
0x894: {  	v0 =	vld.idx.msk [tilespmem:v3+s3+$0x0], $0xffff;
	[tilespmem:s9+$0x0] =	vst v6  }
0x895: {  	s9 =	sadd.s32 $0x400, s9;
	v3 =	vld.idx.msk [tilespmem:v7+s3+$0x0], $0xffff;
	[tilespmem:s7+$0xFFFFFFA0] =	vst v8  }
0x896: {  	[tilespmem:s7+$0xFFFFFFB0] =	vst v5  }
0x897: {  	[tilespmem:s7+$0xFFFFFFC0] =	vst v4  }
0x898: {  	[tilespmem:s7+$0xFFFFFFD0] =	vst v2  }
0x899: {  	[tilespmem:s7+$0xFFFFFFE0] =	vst v1  }
0x89a: {  	[tilespmem:s7+$0xFFFFFFF0] =	vst v0  }
0x89b: {  	[tilespmem:s7+$0xFFFFFF90] =	vst v3  }
0x89c: {  	[hbm4b:s18+s3] =	stream.linear.scatter [tilespmem:s21], [sflag:$0x7], $0x4000, $0x38;
	[tilespmem:$0x18080] =	vst v63  }
0x89d: {  	_ =	swait.ge [sflag:s29], $0x4000  }
0x89e: {  	[sflag:s29] =	ssyncset.done $0x0  }
0x89f: {  	s8 =	simm.s32 $0x40F0;
	[sflag:s29] =	ssyncadd.s32 $0xFFFFC000  }
0x8a0: {  	v0 =	vld [tilespmem:s8+$0x0]  }
0x8a1: {  	v1 =	vld [tilespmem:s8+$0xFFFFFFA0]  }
0x8a2: {  	v2 =	vld [tilespmem:s8+$0xFFFFFFB0]  }
0x8a3: {  	v3 =	vld [tilespmem:s8+$0xFFFFFFC0]  }
0x8a4: {  	v4 =	vld [tilespmem:s8+$0xFFFFFFD0]  }
0x8a5: {  	v6 =	vld [tilespmem:s8+$0xFFFFFFE0]  }
0x8a6: {  	v7 =	vld [tilespmem:s8+$0xFFFFFFF0]  }
0x8a7: {  	v8 =	vld [tilespmem:s8+$0xFFFFFF90]  }
0x8a8: {  	v9 =	vld.idx.msk [tilespmem:v0+s3+$0x0], $0xffff  }
0x8a9: {  	v10 =	vld.idx.msk [tilespmem:v1+s3+$0x0], $0xffff  }
0x8aa: {  	v5 =	vld.idx.msk [tilespmem:v2+s3+$0x0], $0xffff  }
0x8ab: {  	v3 =	vld.idx.msk [tilespmem:v3+s3+$0x0], $0xffff  }
0x8ac: {  	v2 =	vld.idx.msk [tilespmem:v4+s3+$0x0], $0xffff  }
0x8ad: {  	v1 =	vld.idx.msk [tilespmem:v6+s3+$0x0], $0xffff  }
0x8ae: {  	v0 =	vld.idx.msk [tilespmem:v7+s3+$0x0], $0xffff;
	[tilespmem:s8+$0x0] =	vst v9  }
0x8af: {  	s9 =	simm.s32 $0x0;
	s10 =	simm.s32 $0x44F0;
	v4 =	vld.idx.msk [tilespmem:v8+s3+$0x0], $0xffff;
	[tilespmem:s8+$0xFFFFFFA0] =	vst v10  }
.LBB2_114:
0x8b0: {  	v6 =	vld [tilespmem:s10+$0x0];
	s9 =	sadd.s32 $0x80, s9;
	[tilespmem:s8+$0xFFFFFFB0] =	vst v5  }
0x8b1: {  	v5 =	vld [tilespmem:s10+$0xFFFFFFA0];
	p0 =	slt.u32 s9, $0x780;
	[tilespmem:s8+$0xFFFFFFC0] =	vst v3  }
0x8b2: {  	v3 =	vld [tilespmem:s10+$0xFFFFFFB0];
	[tilespmem:s8+$0xFFFFFFD0] =	vst v2  }
0x8b3: {  	v2 =	vld [tilespmem:s10+$0xFFFFFFC0];
	[tilespmem:s8+$0xFFFFFFE0] =	vst v1  }
0x8b4: {  	v1 =	vld [tilespmem:s10+$0xFFFFFFD0];
	[tilespmem:s8+$0xFFFFFFF0] =	vst v0  }
0x8b5: {  	v0 =	vld [tilespmem:s10+$0xFFFFFFE0];
	[tilespmem:s8+$0xFFFFFF90] =	vst v4;
	s8 =	smov.u32 s10  }
0x8b6: {  	v4 =	vld [tilespmem:s10+$0xFFFFFFF0]  }
0x8b7: {  	v7 =	vld [tilespmem:s10+$0xFFFFFF90]  }
0x8b8: {  	v6 =	vld.idx.msk [tilespmem:v6+s3+$0x0], $0xffff  }
0x8b9: {  	v8 =	vld.idx.msk [tilespmem:v5+s3+$0x0], $0xffff  }
0x8ba: {  	v5 =	vld.idx.msk [tilespmem:v3+s3+$0x0], $0xffff  }
.Ltmp56:
0x8bb: {  	v3 =	vld.idx.msk [tilespmem:v2+s3+$0x0], $0xffff;
	(pc) =	sbr.rel @p0 .LBB2_114-.Ltmp56, $4  }
0x8bc: {  	v2 =	vld.idx.msk [tilespmem:v1+s3+$0x0], $0xffff  }
0x8bd: {  	v1 =	vld.idx.msk [tilespmem:v0+s3+$0x0], $0xffff  }
0x8be: {  	s7 =	simm.s32 $0x4170;
	v0 =	vld.idx.msk [tilespmem:v4+s3+$0x0], $0xffff;
	[tilespmem:s10+$0x0] =	vst v6  }
0x8bf: {  	s10 =	sadd.s32 $0x400, s10;
	v4 =	vld.idx.msk [tilespmem:v7+s3+$0x0], $0xffff;
	[tilespmem:s8+$0xFFFFFFA0] =	vst v8  }
0x8c0: {  	[tilespmem:s8+$0xFFFFFFB0] =	vst v5  }
0x8c1: {  	[tilespmem:s8+$0xFFFFFFC0] =	vst v3  }
0x8c2: {  	[tilespmem:s8+$0xFFFFFFD0] =	vst v2  }
0x8c3: {  	[tilespmem:s8+$0xFFFFFFE0] =	vst v1  }
0x8c4: {  	[tilespmem:s8+$0xFFFFFFF0] =	vst v0  }
0x8c5: {  	[tilespmem:s8+$0xFFFFFF90] =	vst v4  }
0x8c6: {  	v0 =	vld [tilespmem:s7+$0x0]  }
0x8c7: {  	v1 =	vld [tilespmem:s7+$0xFFFFFFA0]  }
0x8c8: {  	v2 =	vld [tilespmem:s7+$0xFFFFFFB0]  }
0x8c9: {  	v3 =	vld [tilespmem:s7+$0xFFFFFFC0]  }
0x8ca: {  	v4 =	vld [tilespmem:s7+$0xFFFFFFD0]  }
0x8cb: {  	v6 =	vld [tilespmem:s7+$0xFFFFFFE0]  }
0x8cc: {  	v7 =	vld [tilespmem:s7+$0xFFFFFFF0]  }
0x8cd: {  	v8 =	vld [tilespmem:s7+$0xFFFFFF90]  }
0x8ce: {  	v9 =	vld.idx.msk [tilespmem:v0+s3+$0x0], $0xffff  }
0x8cf: {  	v10 =	vld.idx.msk [tilespmem:v1+s3+$0x0], $0xffff  }
0x8d0: {  	v5 =	vld.idx.msk [tilespmem:v2+s3+$0x0], $0xffff  }
0x8d1: {  	v3 =	vld.idx.msk [tilespmem:v3+s3+$0x0], $0xffff  }
0x8d2: {  	v2 =	vld.idx.msk [tilespmem:v4+s3+$0x0], $0xffff  }
0x8d3: {  	v1 =	vld.idx.msk [tilespmem:v6+s3+$0x0], $0xffff  }
0x8d4: {  	v0 =	vld.idx.msk [tilespmem:v7+s3+$0x0], $0xffff;
	[tilespmem:s7+$0x0] =	vst v9  }
0x8d5: {  	s9 =	simm.s32 $0x0;
	s10 =	simm.s32 $0x4570;
	v4 =	vld.idx.msk [tilespmem:v8+s3+$0x0], $0xffff;
	[tilespmem:s7+$0xFFFFFFA0] =	vst v10  }
.LBB2_116:
0x8d6: {  	v6 =	vld [tilespmem:s10+$0x0];
	s9 =	sadd.s32 $0x80, s9;
	[tilespmem:s7+$0xFFFFFFB0] =	vst v5  }
0x8d7: {  	v5 =	vld [tilespmem:s10+$0xFFFFFFA0];
	p0 =	slt.u32 s9, $0x780;
	[tilespmem:s7+$0xFFFFFFC0] =	vst v3  }
0x8d8: {  	v3 =	vld [tilespmem:s10+$0xFFFFFFB0];
	[tilespmem:s7+$0xFFFFFFD0] =	vst v2  }
0x8d9: {  	v2 =	vld [tilespmem:s10+$0xFFFFFFC0];
	[tilespmem:s7+$0xFFFFFFE0] =	vst v1  }
0x8da: {  	v1 =	vld [tilespmem:s10+$0xFFFFFFD0];
	[tilespmem:s7+$0xFFFFFFF0] =	vst v0  }
0x8db: {  	v0 =	vld [tilespmem:s10+$0xFFFFFFE0];
	[tilespmem:s7+$0xFFFFFF90] =	vst v4;
	s7 =	smov.u32 s10  }
0x8dc: {  	v4 =	vld [tilespmem:s10+$0xFFFFFFF0]  }
0x8dd: {  	v7 =	vld [tilespmem:s10+$0xFFFFFF90]  }
0x8de: {  	v6 =	vld.idx.msk [tilespmem:v6+s3+$0x0], $0xffff  }
0x8df: {  	v8 =	vld.idx.msk [tilespmem:v5+s3+$0x0], $0xffff  }
0x8e0: {  	v5 =	vld.idx.msk [tilespmem:v3+s3+$0x0], $0xffff  }
.Ltmp57:
0x8e1: {  	v3 =	vld.idx.msk [tilespmem:v2+s3+$0x0], $0xffff;
	(pc) =	sbr.rel @p0 .LBB2_116-.Ltmp57, $4  }
0x8e2: {  	v2 =	vld.idx.msk [tilespmem:v1+s3+$0x0], $0xffff  }
0x8e3: {  	v1 =	vld.idx.msk [tilespmem:v0+s3+$0x0], $0xffff  }
0x8e4: {  	s8 =	simm.s32 $0x41F0;
	v0 =	vld.idx.msk [tilespmem:v4+s3+$0x0], $0xffff;
	[tilespmem:s10+$0x0] =	vst v6  }
0x8e5: {  	s10 =	sadd.s32 $0x400, s10;
	v4 =	vld.idx.msk [tilespmem:v7+s3+$0x0], $0xffff;
	[tilespmem:s7+$0xFFFFFFA0] =	vst v8  }
0x8e6: {  	[tilespmem:s7+$0xFFFFFFB0] =	vst v5  }
0x8e7: {  	[tilespmem:s7+$0xFFFFFFC0] =	vst v3  }
0x8e8: {  	[tilespmem:s7+$0xFFFFFFD0] =	vst v2  }
0x8e9: {  	[tilespmem:s7+$0xFFFFFFE0] =	vst v1  }
0x8ea: {  	[tilespmem:s7+$0xFFFFFFF0] =	vst v0  }
0x8eb: {  	[tilespmem:s7+$0xFFFFFF90] =	vst v4  }
0x8ec: {  	v0 =	vld [tilespmem:s8+$0x0]  }
0x8ed: {  	v1 =	vld [tilespmem:s8+$0xFFFFFFA0]  }
0x8ee: {  	v2 =	vld [tilespmem:s8+$0xFFFFFFB0]  }
0x8ef: {  	v3 =	vld [tilespmem:s8+$0xFFFFFFC0]  }
0x8f0: {  	v4 =	vld [tilespmem:s8+$0xFFFFFFD0]  }
0x8f1: {  	v6 =	vld [tilespmem:s8+$0xFFFFFFE0]  }
0x8f2: {  	v7 =	vld [tilespmem:s8+$0xFFFFFFF0]  }
0x8f3: {  	v8 =	vld [tilespmem:s8+$0xFFFFFF90]  }
0x8f4: {  	v9 =	vld.idx.msk [tilespmem:v0+s3+$0x0], $0xffff  }
0x8f5: {  	v10 =	vld.idx.msk [tilespmem:v1+s3+$0x0], $0xffff  }
0x8f6: {  	v5 =	vld.idx.msk [tilespmem:v2+s3+$0x0], $0xffff  }
0x8f7: {  	v3 =	vld.idx.msk [tilespmem:v3+s3+$0x0], $0xffff  }
0x8f8: {  	v2 =	vld.idx.msk [tilespmem:v4+s3+$0x0], $0xffff  }
0x8f9: {  	v1 =	vld.idx.msk [tilespmem:v6+s3+$0x0], $0xffff  }
0x8fa: {  	v0 =	vld.idx.msk [tilespmem:v7+s3+$0x0], $0xffff;
	[tilespmem:s8+$0x0] =	vst v9  }
0x8fb: {  	s9 =	simm.s32 $0x0;
	s10 =	simm.s32 $0x45F0;
	v4 =	vld.idx.msk [tilespmem:v8+s3+$0x0], $0xffff;
	[tilespmem:s8+$0xFFFFFFA0] =	vst v10  }
.LBB2_118:
0x8fc: {  	v6 =	vld [tilespmem:s10+$0x0];
	s9 =	sadd.s32 $0x80, s9;
	[tilespmem:s8+$0xFFFFFFB0] =	vst v5  }
0x8fd: {  	v5 =	vld [tilespmem:s10+$0xFFFFFFA0];
	p0 =	slt.u32 s9, $0x780;
	[tilespmem:s8+$0xFFFFFFC0] =	vst v3  }
0x8fe: {  	v3 =	vld [tilespmem:s10+$0xFFFFFFB0];
	[tilespmem:s8+$0xFFFFFFD0] =	vst v2  }
0x8ff: {  	v2 =	vld [tilespmem:s10+$0xFFFFFFC0];
	[tilespmem:s8+$0xFFFFFFE0] =	vst v1  }
0x900: {  	v1 =	vld [tilespmem:s10+$0xFFFFFFD0];
	[tilespmem:s8+$0xFFFFFFF0] =	vst v0  }
0x901: {  	v0 =	vld [tilespmem:s10+$0xFFFFFFE0];
	[tilespmem:s8+$0xFFFFFF90] =	vst v4;
	s8 =	smov.u32 s10  }
0x902: {  	v4 =	vld [tilespmem:s10+$0xFFFFFFF0]  }
0x903: {  	v7 =	vld [tilespmem:s10+$0xFFFFFF90]  }
0x904: {  	v6 =	vld.idx.msk [tilespmem:v6+s3+$0x0], $0xffff  }
0x905: {  	v8 =	vld.idx.msk [tilespmem:v5+s3+$0x0], $0xffff  }
0x906: {  	v5 =	vld.idx.msk [tilespmem:v3+s3+$0x0], $0xffff  }
.Ltmp58:
0x907: {  	v3 =	vld.idx.msk [tilespmem:v2+s3+$0x0], $0xffff;
	(pc) =	sbr.rel @p0 .LBB2_118-.Ltmp58, $4  }
0x908: {  	v2 =	vld.idx.msk [tilespmem:v1+s3+$0x0], $0xffff  }
0x909: {  	v1 =	vld.idx.msk [tilespmem:v0+s3+$0x0], $0xffff  }
0x90a: {  	s7 =	simm.s32 $0x4270;
	v0 =	vld.idx.msk [tilespmem:v4+s3+$0x0], $0xffff;
	[tilespmem:s10+$0x0] =	vst v6  }
0x90b: {  	s10 =	sadd.s32 $0x400, s10;
	v4 =	vld.idx.msk [tilespmem:v7+s3+$0x0], $0xffff;
	[tilespmem:s8+$0xFFFFFFA0] =	vst v8  }
0x90c: {  	[tilespmem:s8+$0xFFFFFFB0] =	vst v5  }
0x90d: {  	[tilespmem:s8+$0xFFFFFFC0] =	vst v3  }
0x90e: {  	[tilespmem:s8+$0xFFFFFFD0] =	vst v2  }
0x90f: {  	[tilespmem:s8+$0xFFFFFFE0] =	vst v1  }
0x910: {  	[tilespmem:s8+$0xFFFFFFF0] =	vst v0  }
0x911: {  	[tilespmem:s8+$0xFFFFFF90] =	vst v4  }
0x912: {  	v0 =	vld [tilespmem:s7+$0x0]  }
0x913: {  	v1 =	vld [tilespmem:s7+$0xFFFFFFA0]  }
0x914: {  	v2 =	vld [tilespmem:s7+$0xFFFFFFB0]  }
0x915: {  	v3 =	vld [tilespmem:s7+$0xFFFFFFC0]  }
0x916: {  	v4 =	vld [tilespmem:s7+$0xFFFFFFD0]  }
0x917: {  	v6 =	vld [tilespmem:s7+$0xFFFFFFE0]  }
0x918: {  	v7 =	vld [tilespmem:s7+$0xFFFFFFF0]  }
0x919: {  	v8 =	vld [tilespmem:s7+$0xFFFFFF90]  }
0x91a: {  	v9 =	vld.idx.msk [tilespmem:v0+s3+$0x0], $0xffff  }
0x91b: {  	v10 =	vld.idx.msk [tilespmem:v1+s3+$0x0], $0xffff  }
0x91c: {  	v5 =	vld.idx.msk [tilespmem:v2+s3+$0x0], $0xffff  }
0x91d: {  	v3 =	vld.idx.msk [tilespmem:v3+s3+$0x0], $0xffff  }
0x91e: {  	v2 =	vld.idx.msk [tilespmem:v4+s3+$0x0], $0xffff  }
0x91f: {  	v1 =	vld.idx.msk [tilespmem:v6+s3+$0x0], $0xffff  }
0x920: {  	v0 =	vld.idx.msk [tilespmem:v7+s3+$0x0], $0xffff;
	[tilespmem:s7+$0x0] =	vst v9  }
0x921: {  	s9 =	simm.s32 $0x0;
	s10 =	simm.s32 $0x4670;
	v4 =	vld.idx.msk [tilespmem:v8+s3+$0x0], $0xffff;
	[tilespmem:s7+$0xFFFFFFA0] =	vst v10  }
.LBB2_120:
0x922: {  	v6 =	vld [tilespmem:s10+$0x0];
	s9 =	sadd.s32 $0x80, s9;
	[tilespmem:s7+$0xFFFFFFB0] =	vst v5  }
0x923: {  	v5 =	vld [tilespmem:s10+$0xFFFFFFA0];
	p0 =	slt.u32 s9, $0x780;
	[tilespmem:s7+$0xFFFFFFC0] =	vst v3  }
0x924: {  	v3 =	vld [tilespmem:s10+$0xFFFFFFB0];
	[tilespmem:s7+$0xFFFFFFD0] =	vst v2  }
0x925: {  	v2 =	vld [tilespmem:s10+$0xFFFFFFC0];
	[tilespmem:s7+$0xFFFFFFE0] =	vst v1  }
0x926: {  	v1 =	vld [tilespmem:s10+$0xFFFFFFD0];
	[tilespmem:s7+$0xFFFFFFF0] =	vst v0  }
0x927: {  	v0 =	vld [tilespmem:s10+$0xFFFFFFE0];
	[tilespmem:s7+$0xFFFFFF90] =	vst v4;
	s7 =	smov.u32 s10  }
0x928: {  	v4 =	vld [tilespmem:s10+$0xFFFFFFF0]  }
0x929: {  	v7 =	vld [tilespmem:s10+$0xFFFFFF90]  }
0x92a: {  	v6 =	vld.idx.msk [tilespmem:v6+s3+$0x0], $0xffff  }
0x92b: {  	v8 =	vld.idx.msk [tilespmem:v5+s3+$0x0], $0xffff  }
0x92c: {  	v5 =	vld.idx.msk [tilespmem:v3+s3+$0x0], $0xffff  }
.Ltmp59:
0x92d: {  	v3 =	vld.idx.msk [tilespmem:v2+s3+$0x0], $0xffff;
	(pc) =	sbr.rel @p0 .LBB2_120-.Ltmp59, $4  }
0x92e: {  	v2 =	vld.idx.msk [tilespmem:v1+s3+$0x0], $0xffff  }
0x92f: {  	v1 =	vld.idx.msk [tilespmem:v0+s3+$0x0], $0xffff  }
0x930: {  	s8 =	simm.s32 $0x42F0;
	v0 =	vld.idx.msk [tilespmem:v4+s3+$0x0], $0xffff;
	[tilespmem:s10+$0x0] =	vst v6  }
0x931: {  	s10 =	sadd.s32 $0x400, s10;
	v4 =	vld.idx.msk [tilespmem:v7+s3+$0x0], $0xffff;
	[tilespmem:s7+$0xFFFFFFA0] =	vst v8  }
0x932: {  	[tilespmem:s7+$0xFFFFFFB0] =	vst v5  }
0x933: {  	[tilespmem:s7+$0xFFFFFFC0] =	vst v3  }
0x934: {  	[tilespmem:s7+$0xFFFFFFD0] =	vst v2  }
0x935: {  	[tilespmem:s7+$0xFFFFFFE0] =	vst v1  }
0x936: {  	[tilespmem:s7+$0xFFFFFFF0] =	vst v0  }
0x937: {  	[tilespmem:s7+$0xFFFFFF90] =	vst v4  }
0x938: {  	v0 =	vld [tilespmem:s8+$0x0]  }
0x939: {  	v1 =	vld [tilespmem:s8+$0xFFFFFFA0]  }
0x93a: {  	v2 =	vld [tilespmem:s8+$0xFFFFFFB0]  }
0x93b: {  	v3 =	vld [tilespmem:s8+$0xFFFFFFC0]  }
0x93c: {  	v4 =	vld [tilespmem:s8+$0xFFFFFFD0]  }
0x93d: {  	v6 =	vld [tilespmem:s8+$0xFFFFFFE0]  }
0x93e: {  	v7 =	vld [tilespmem:s8+$0xFFFFFFF0]  }
0x93f: {  	v8 =	vld [tilespmem:s8+$0xFFFFFF90]  }
0x940: {  	v9 =	vld.idx.msk [tilespmem:v0+s3+$0x0], $0xffff  }
0x941: {  	v10 =	vld.idx.msk [tilespmem:v1+s3+$0x0], $0xffff  }
0x942: {  	v5 =	vld.idx.msk [tilespmem:v2+s3+$0x0], $0xffff  }
0x943: {  	v3 =	vld.idx.msk [tilespmem:v3+s3+$0x0], $0xffff  }
0x944: {  	v2 =	vld.idx.msk [tilespmem:v4+s3+$0x0], $0xffff  }
0x945: {  	v1 =	vld.idx.msk [tilespmem:v6+s3+$0x0], $0xffff  }
0x946: {  	v0 =	vld.idx.msk [tilespmem:v7+s3+$0x0], $0xffff;
	[tilespmem:s8+$0x0] =	vst v9  }
0x947: {  	s9 =	simm.s32 $0x0;
	s10 =	simm.s32 $0x46F0;
	v4 =	vld.idx.msk [tilespmem:v8+s3+$0x0], $0xffff;
	[tilespmem:s8+$0xFFFFFFA0] =	vst v10  }
.LBB2_122:
0x948: {  	v6 =	vld [tilespmem:s10+$0x0];
	s9 =	sadd.s32 $0x80, s9;
	[tilespmem:s8+$0xFFFFFFB0] =	vst v5  }
0x949: {  	v5 =	vld [tilespmem:s10+$0xFFFFFFA0];
	p0 =	slt.u32 s9, $0x780;
	[tilespmem:s8+$0xFFFFFFC0] =	vst v3  }
0x94a: {  	v3 =	vld [tilespmem:s10+$0xFFFFFFB0];
	[tilespmem:s8+$0xFFFFFFD0] =	vst v2  }
0x94b: {  	v2 =	vld [tilespmem:s10+$0xFFFFFFC0];
	[tilespmem:s8+$0xFFFFFFE0] =	vst v1  }
0x94c: {  	v1 =	vld [tilespmem:s10+$0xFFFFFFD0];
	[tilespmem:s8+$0xFFFFFFF0] =	vst v0  }
0x94d: {  	v0 =	vld [tilespmem:s10+$0xFFFFFFE0];
	[tilespmem:s8+$0xFFFFFF90] =	vst v4;
	s8 =	smov.u32 s10  }
0x94e: {  	v4 =	vld [tilespmem:s10+$0xFFFFFFF0]  }
0x94f: {  	v7 =	vld [tilespmem:s10+$0xFFFFFF90]  }
0x950: {  	v6 =	vld.idx.msk [tilespmem:v6+s3+$0x0], $0xffff  }
0x951: {  	v8 =	vld.idx.msk [tilespmem:v5+s3+$0x0], $0xffff  }
0x952: {  	v5 =	vld.idx.msk [tilespmem:v3+s3+$0x0], $0xffff  }
.Ltmp60:
0x953: {  	v3 =	vld.idx.msk [tilespmem:v2+s3+$0x0], $0xffff;
	(pc) =	sbr.rel @p0 .LBB2_122-.Ltmp60, $4  }
0x954: {  	v2 =	vld.idx.msk [tilespmem:v1+s3+$0x0], $0xffff  }
0x955: {  	v1 =	vld.idx.msk [tilespmem:v0+s3+$0x0], $0xffff  }
0x956: {  	s7 =	simm.s32 $0x4370;
	v0 =	vld.idx.msk [tilespmem:v4+s3+$0x0], $0xffff;
	[tilespmem:s10+$0x0] =	vst v6  }
0x957: {  	s10 =	sadd.s32 $0x400, s10;
	v4 =	vld.idx.msk [tilespmem:v7+s3+$0x0], $0xffff;
	[tilespmem:s8+$0xFFFFFFA0] =	vst v8  }
0x958: {  	[tilespmem:s8+$0xFFFFFFB0] =	vst v5  }
0x959: {  	[tilespmem:s8+$0xFFFFFFC0] =	vst v3  }
0x95a: {  	[tilespmem:s8+$0xFFFFFFD0] =	vst v2  }
0x95b: {  	[tilespmem:s8+$0xFFFFFFE0] =	vst v1  }
0x95c: {  	[tilespmem:s8+$0xFFFFFFF0] =	vst v0  }
0x95d: {  	[tilespmem:s8+$0xFFFFFF90] =	vst v4  }
0x95e: {  	v0 =	vld [tilespmem:s7+$0x0]  }
0x95f: {  	v1 =	vld [tilespmem:s7+$0xFFFFFFA0]  }
0x960: {  	v2 =	vld [tilespmem:s7+$0xFFFFFFB0]  }
0x961: {  	v3 =	vld [tilespmem:s7+$0xFFFFFFC0]  }
0x962: {  	v4 =	vld [tilespmem:s7+$0xFFFFFFD0]  }
0x963: {  	v6 =	vld [tilespmem:s7+$0xFFFFFFE0]  }
0x964: {  	v7 =	vld [tilespmem:s7+$0xFFFFFFF0]  }
0x965: {  	v8 =	vld [tilespmem:s7+$0xFFFFFF90]  }
0x966: {  	v9 =	vld.idx.msk [tilespmem:v0+s3+$0x0], $0xffff  }
0x967: {  	v10 =	vld.idx.msk [tilespmem:v1+s3+$0x0], $0xffff  }
0x968: {  	v5 =	vld.idx.msk [tilespmem:v2+s3+$0x0], $0xffff  }
0x969: {  	v3 =	vld.idx.msk [tilespmem:v3+s3+$0x0], $0xffff  }
0x96a: {  	v2 =	vld.idx.msk [tilespmem:v4+s3+$0x0], $0xffff  }
0x96b: {  	v1 =	vld.idx.msk [tilespmem:v6+s3+$0x0], $0xffff  }
0x96c: {  	v0 =	vld.idx.msk [tilespmem:v7+s3+$0x0], $0xffff;
	[tilespmem:s7+$0x0] =	vst v9  }
0x96d: {  	s9 =	simm.s32 $0x0;
	s10 =	simm.s32 $0x4770;
	v4 =	vld.idx.msk [tilespmem:v8+s3+$0x0], $0xffff;
	[tilespmem:s7+$0xFFFFFFA0] =	vst v10  }
.LBB2_124:
0x96e: {  	v6 =	vld [tilespmem:s10+$0x0];
	s9 =	sadd.s32 $0x80, s9;
	[tilespmem:s7+$0xFFFFFFB0] =	vst v5  }
0x96f: {  	v5 =	vld [tilespmem:s10+$0xFFFFFFA0];
	p0 =	slt.u32 s9, $0x780;
	[tilespmem:s7+$0xFFFFFFC0] =	vst v3  }
0x970: {  	v3 =	vld [tilespmem:s10+$0xFFFFFFB0];
	[tilespmem:s7+$0xFFFFFFD0] =	vst v2  }
0x971: {  	v2 =	vld [tilespmem:s10+$0xFFFFFFC0];
	[tilespmem:s7+$0xFFFFFFE0] =	vst v1  }
0x972: {  	v1 =	vld [tilespmem:s10+$0xFFFFFFD0];
	[tilespmem:s7+$0xFFFFFFF0] =	vst v0  }
0x973: {  	v0 =	vld [tilespmem:s10+$0xFFFFFFE0];
	[tilespmem:s7+$0xFFFFFF90] =	vst v4;
	s7 =	smov.u32 s10  }
0x974: {  	v4 =	vld [tilespmem:s10+$0xFFFFFFF0]  }
0x975: {  	v7 =	vld [tilespmem:s10+$0xFFFFFF90]  }
0x976: {  	v6 =	vld.idx.msk [tilespmem:v6+s3+$0x0], $0xffff  }
0x977: {  	v8 =	vld.idx.msk [tilespmem:v5+s3+$0x0], $0xffff  }
0x978: {  	v5 =	vld.idx.msk [tilespmem:v3+s3+$0x0], $0xffff  }
.Ltmp61:
0x979: {  	v3 =	vld.idx.msk [tilespmem:v2+s3+$0x0], $0xffff;
	(pc) =	sbr.rel @p0 .LBB2_124-.Ltmp61, $4  }
0x97a: {  	v2 =	vld.idx.msk [tilespmem:v1+s3+$0x0], $0xffff  }
0x97b: {  	v1 =	vld.idx.msk [tilespmem:v0+s3+$0x0], $0xffff  }
0x97c: {  	s8 =	simm.s32 $0x43F0;
	v0 =	vld.idx.msk [tilespmem:v4+s3+$0x0], $0xffff;
	[tilespmem:s10+$0x0] =	vst v6  }
0x97d: {  	s10 =	sadd.s32 $0x400, s10;
	v4 =	vld.idx.msk [tilespmem:v7+s3+$0x0], $0xffff;
	[tilespmem:s7+$0xFFFFFFA0] =	vst v8  }
0x97e: {  	[tilespmem:s7+$0xFFFFFFB0] =	vst v5  }
0x97f: {  	[tilespmem:s7+$0xFFFFFFC0] =	vst v3  }
0x980: {  	[tilespmem:s7+$0xFFFFFFD0] =	vst v2  }
0x981: {  	[tilespmem:s7+$0xFFFFFFE0] =	vst v1  }
0x982: {  	[tilespmem:s7+$0xFFFFFFF0] =	vst v0  }
0x983: {  	[tilespmem:s7+$0xFFFFFF90] =	vst v4  }
0x984: {  	v0 =	vld [tilespmem:s8+$0x0]  }
0x985: {  	v1 =	vld [tilespmem:s8+$0xFFFFFFA0]  }
0x986: {  	v2 =	vld [tilespmem:s8+$0xFFFFFFB0]  }
0x987: {  	v3 =	vld [tilespmem:s8+$0xFFFFFFC0]  }
0x988: {  	v4 =	vld [tilespmem:s8+$0xFFFFFFD0]  }
0x989: {  	v6 =	vld [tilespmem:s8+$0xFFFFFFE0]  }
0x98a: {  	v7 =	vld [tilespmem:s8+$0xFFFFFFF0]  }
0x98b: {  	v8 =	vld [tilespmem:s8+$0xFFFFFF90]  }
0x98c: {  	v9 =	vld.idx.msk [tilespmem:v0+s3+$0x0], $0xffff  }
0x98d: {  	v10 =	vld.idx.msk [tilespmem:v1+s3+$0x0], $0xffff  }
0x98e: {  	v5 =	vld.idx.msk [tilespmem:v2+s3+$0x0], $0xffff  }
0x98f: {  	v3 =	vld.idx.msk [tilespmem:v3+s3+$0x0], $0xffff  }
0x990: {  	v2 =	vld.idx.msk [tilespmem:v4+s3+$0x0], $0xffff  }
0x991: {  	v1 =	vld.idx.msk [tilespmem:v6+s3+$0x0], $0xffff  }
0x992: {  	v0 =	vld.idx.msk [tilespmem:v7+s3+$0x0], $0xffff;
	[tilespmem:s8+$0x0] =	vst v9  }
0x993: {  	s9 =	simm.s32 $0x0;
	s10 =	simm.s32 $0x47F0;
	v4 =	vld.idx.msk [tilespmem:v8+s3+$0x0], $0xffff;
	[tilespmem:s8+$0xFFFFFFA0] =	vst v10  }
.LBB2_126:
0x994: {  	v6 =	vld [tilespmem:s10+$0x0];
	s9 =	sadd.s32 $0x80, s9;
	[tilespmem:s8+$0xFFFFFFB0] =	vst v5  }
0x995: {  	v5 =	vld [tilespmem:s10+$0xFFFFFFA0];
	p0 =	slt.u32 s9, $0x780;
	[tilespmem:s8+$0xFFFFFFC0] =	vst v3  }
0x996: {  	v3 =	vld [tilespmem:s10+$0xFFFFFFB0];
	[tilespmem:s8+$0xFFFFFFD0] =	vst v2  }
0x997: {  	v2 =	vld [tilespmem:s10+$0xFFFFFFC0];
	[tilespmem:s8+$0xFFFFFFE0] =	vst v1  }
0x998: {  	v1 =	vld [tilespmem:s10+$0xFFFFFFD0];
	[tilespmem:s8+$0xFFFFFFF0] =	vst v0  }
0x999: {  	v0 =	vld [tilespmem:s10+$0xFFFFFFE0];
	[tilespmem:s8+$0xFFFFFF90] =	vst v4;
	s8 =	smov.u32 s10  }
0x99a: {  	v4 =	vld [tilespmem:s10+$0xFFFFFFF0]  }
0x99b: {  	v7 =	vld [tilespmem:s10+$0xFFFFFF90]  }
0x99c: {  	v6 =	vld.idx.msk [tilespmem:v6+s3+$0x0], $0xffff  }
0x99d: {  	v8 =	vld.idx.msk [tilespmem:v5+s3+$0x0], $0xffff  }
0x99e: {  	v5 =	vld.idx.msk [tilespmem:v3+s3+$0x0], $0xffff  }
.Ltmp62:
0x99f: {  	v3 =	vld.idx.msk [tilespmem:v2+s3+$0x0], $0xffff;
	(pc) =	sbr.rel @p0 .LBB2_126-.Ltmp62, $4  }
0x9a0: {  	v2 =	vld.idx.msk [tilespmem:v1+s3+$0x0], $0xffff  }
0x9a1: {  	v1 =	vld.idx.msk [tilespmem:v0+s3+$0x0], $0xffff  }
0x9a2: {  	s7 =	simm.s32 $0x4470;
	v0 =	vld.idx.msk [tilespmem:v4+s3+$0x0], $0xffff;
	[tilespmem:s10+$0x0] =	vst v6  }
0x9a3: {  	s10 =	sadd.s32 $0x400, s10;
	v4 =	vld.idx.msk [tilespmem:v7+s3+$0x0], $0xffff;
	[tilespmem:s8+$0xFFFFFFA0] =	vst v8  }
0x9a4: {  	[tilespmem:s8+$0xFFFFFFB0] =	vst v5  }
0x9a5: {  	[tilespmem:s8+$0xFFFFFFC0] =	vst v3  }
0x9a6: {  	[tilespmem:s8+$0xFFFFFFD0] =	vst v2  }
0x9a7: {  	[tilespmem:s8+$0xFFFFFFE0] =	vst v1  }
0x9a8: {  	[tilespmem:s8+$0xFFFFFFF0] =	vst v0  }
0x9a9: {  	[tilespmem:s8+$0xFFFFFF90] =	vst v4  }
0x9aa: {  	v0 =	vld [tilespmem:s7+$0x0]  }
0x9ab: {  	v1 =	vld [tilespmem:s7+$0xFFFFFFA0]  }
0x9ac: {  	v2 =	vld [tilespmem:s7+$0xFFFFFFB0]  }
0x9ad: {  	v3 =	vld [tilespmem:s7+$0xFFFFFFC0]  }
0x9ae: {  	v6 =	vld [tilespmem:s7+$0xFFFFFFD0]  }
0x9af: {  	v7 =	vld [tilespmem:s7+$0xFFFFFFE0]  }
0x9b0: {  	v8 =	vld [tilespmem:s7+$0xFFFFFFF0]  }
0x9b1: {  	v9 =	vld [tilespmem:s7+$0xFFFFFF90]  }
0x9b2: {  	v10 =	vld.idx.msk [tilespmem:v0+s3+$0x0], $0xffff  }
0x9b3: {  	v11 =	vld.idx.msk [tilespmem:v1+s3+$0x0], $0xffff  }
0x9b4: {  	v5 =	vld.idx.msk [tilespmem:v2+s3+$0x0], $0xffff  }
0x9b5: {  	v4 =	vld.idx.msk [tilespmem:v3+s3+$0x0], $0xffff  }
0x9b6: {  	v2 =	vld.idx.msk [tilespmem:v6+s3+$0x0], $0xffff  }
0x9b7: {  	v1 =	vld.idx.msk [tilespmem:v7+s3+$0x0], $0xffff  }
0x9b8: {  	v0 =	vld.idx.msk [tilespmem:v8+s3+$0x0], $0xffff;
	[tilespmem:s7+$0x0] =	vst v10  }
0x9b9: {  	s9 =	simm.s32 $0x4870;
	s8 =	simm.s32 $0x0;
	v3 =	vld.idx.msk [tilespmem:v9+s3+$0x0], $0xffff;
	[tilespmem:s7+$0xFFFFFFA0] =	vst v11  }
.LBB2_128:
0x9ba: {  	v6 =	vld [tilespmem:s9+$0x0];
	s8 =	sadd.s32 $0x80, s8;
	[tilespmem:s7+$0xFFFFFFB0] =	vst v5  }
0x9bb: {  	v5 =	vld [tilespmem:s9+$0xFFFFFFA0];
	p0 =	slt.u32 s8, $0x780;
	[tilespmem:s7+$0xFFFFFFC0] =	vst v4  }
0x9bc: {  	v4 =	vld [tilespmem:s9+$0xFFFFFFB0];
	[tilespmem:s7+$0xFFFFFFD0] =	vst v2  }
0x9bd: {  	v2 =	vld [tilespmem:s9+$0xFFFFFFC0];
	[tilespmem:s7+$0xFFFFFFE0] =	vst v1  }
0x9be: {  	v1 =	vld [tilespmem:s9+$0xFFFFFFD0];
	[tilespmem:s7+$0xFFFFFFF0] =	vst v0  }
0x9bf: {  	v0 =	vld [tilespmem:s9+$0xFFFFFFE0];
	[tilespmem:s7+$0xFFFFFF90] =	vst v3;
	s7 =	smov.u32 s9  }
0x9c0: {  	v3 =	vld [tilespmem:s9+$0xFFFFFFF0]  }
0x9c1: {  	v7 =	vld [tilespmem:s9+$0xFFFFFF90]  }
0x9c2: {  	v6 =	vld.idx.msk [tilespmem:v6+s3+$0x0], $0xffff  }
0x9c3: {  	v8 =	vld.idx.msk [tilespmem:v5+s3+$0x0], $0xffff  }
0x9c4: {  	v5 =	vld.idx.msk [tilespmem:v4+s3+$0x0], $0xffff  }
.Ltmp63:
0x9c5: {  	v4 =	vld.idx.msk [tilespmem:v2+s3+$0x0], $0xffff;
	(pc) =	sbr.rel @p0 .LBB2_128-.Ltmp63, $4  }
0x9c6: {  	v2 =	vld.idx.msk [tilespmem:v1+s3+$0x0], $0xffff  }
0x9c7: {  	v1 =	vld.idx.msk [tilespmem:v0+s3+$0x0], $0xffff  }
0x9c8: {  	v0 =	vld.idx.msk [tilespmem:v3+s3+$0x0], $0xffff;
	[tilespmem:s9+$0x0] =	vst v6  }
0x9c9: {  	s9 =	sadd.s32 $0x400, s9;
	v3 =	vld.idx.msk [tilespmem:v7+s3+$0x0], $0xffff;
	[tilespmem:s7+$0xFFFFFFA0] =	vst v8  }
0x9ca: {  	[tilespmem:s7+$0xFFFFFFB0] =	vst v5  }
0x9cb: {  	[tilespmem:s7+$0xFFFFFFC0] =	vst v4  }
0x9cc: {  	[tilespmem:s7+$0xFFFFFFD0] =	vst v2  }
0x9cd: {  	[tilespmem:s7+$0xFFFFFFE0] =	vst v1  }
0x9ce: {  	[tilespmem:s7+$0xFFFFFFF0] =	vst v0  }
0x9cf: {  	[tilespmem:s7+$0xFFFFFF90] =	vst v3  }
0x9d0: {  	[hbm4b:s19+s3] =	stream.linear.scatter [tilespmem:s22], [sflag:$0x8], $0x4000, $0x38;
	[tilespmem:$0x18080] =	vst v63  }
0x9d1: {  	_ =	swait.ge [sflag:s28], $0x4000  }
0x9d2: {  	[sflag:s28] =	ssyncset.done $0x0  }
0x9d3: {  	[sflag:s28] =	ssyncadd.s32 $0xFFFFC000  }
0x9d4: {  	_ =	swait.ge [sflag:s30], $0x4000  }
0x9d5: {  	[sflag:s30] =	ssyncset.done $0x0  }
0x9d6: {  	[sflag:s30] =	ssyncadd.s32 $0xFFFFC000  }
0x9d7: {  	_ =	swait.ge [sflag:s4], $0x4000  }
0x9d8: {  	[sflag:s4] =	ssyncset.done $0x0  }
0x9d9: {  	[sflag:s4] =	ssyncadd.s32 $0xFFFFC000  }
0x9da: {  	_ =	swait.ge [sflag:s5], $0x4000  }
0x9db: {  	[sflag:s5] =	ssyncset.done $0x0  }
0x9dc: {  	s6 =	sadd.s32 $0x1, s6;
	[sflag:s5] =	ssyncadd.s32 $0xFFFFC000  }
0x9dd: {  	p0 =	sne.s32 s6, s20;
	_ =	swait.ge [sflag:s0], $0x4000  }
.Ltmp64:
0x9de: {  	[sflag:s0] =	ssyncset.done $0x0;
	(pc) =	sbr.rel @p0 .LBB2_1-.Ltmp64, $4  }
0x9df: {  	[sflag:s0] =	ssyncadd.s32 $0xFFFFC000  }
0x9e0: {  	_ =	swait.ge [sflag:s1], $0x4000  }
0x9e1: {  	[sflag:s1] =	ssyncset.done $0x0  }
0x9e2: {  	[sflag:s1] =	ssyncadd.s32 $0xFFFFC000  }
0x9e3: {  	_ =	sfence.sel $0x180000  }
0x9e4: {  	[bflag:$0x0] =	sbarrier.arrive $0xFFFF  }
0x9e5: {  	_ =	strace $0x90000047  }
0x9e6: {  	s0 =	stileid.u32;
	[bflag:$0x2] =	sbarrier.arrive $0xFFFF  }
0x9e7: {  	p0 =	sne.s32 s0, $0x0;
	s0 =	rddreg [dreg:$0x3]  }
0x9e8: {  	s0 =	sadd.s32 @!p0 $0x100000, s0  }
0x9e9: {  	[sflag:s0] =	ssyncadd.tile.s32 @!p0 $0x1;
	_ =	shalt  }
.Lfunc_end2:
_tile_overlayer_lowered:
.L_overlay_start_2:
0x9ea: {  	(tag) =	ssettag $0x2  }
0x9eb: {  	s0 =	rddreg [dreg:$0x0];
	s2 =	stileid.u32  }
0x9ec: {  	s1 =	rddreg [dreg:$0x1];
	p0 =	sne.s32 s2, $0x0  }
0x9ed: {  	s3 =	rddreg [dreg:$0x2];
	[bflag:$0x3] =	sbarrier.arrive $0xFFFF;
	s2 =	simm.s32 @!p0 $0x1C0D  }
0x9ee: {  	[timem:s3], [sflag:s2] =	dma.local @!p0 [hbm:s0], s1  }
0x9ef: {  	s0 =	simm.s32 @!p0 $0xD  }
0x9f0: {  	_ =	swait.ge @!p0 [sflag:s0], s1  }
0x9f1: {  	s1 =	ssub.s32 @!p0 $0x0, s1;
	[sflag:s0] =	ssyncset.done @!p0 $0x0  }
0x9f2: {  	[sflag:s0] =	ssyncadd.s32 @!p0 s1  }
0x9f3: {  	[bflag:$0x3] =	sbarrier.arrive $0xFFFF  }
0x9f4: {  	_ =	shalt  }

</sc_bundles>
